<compile_context>
chip_gen: v7x
topology: tpu7x:2x2x1
jax: 0.10.2.dev20260603
libtpu: 0.0.44.dev20260713+nightly
codegen_flags: <defaults>
</compile_context>

<pallas_src>
import functools

import jax
import jax.numpy as jnp
from jax import lax
from jax.experimental import pallas as pl
from jax.experimental.pallas import tpu as pltpu
from jax.experimental.pallas import tpu_sc as plsc

_E, _D, _FF, _K = 8, 1024, 2048, 2
_N = 2048
_NK = _N * _K
_TILE = 512
_T = _NK // _TILE
_W = _T + _E - 1
_FFT = 512
_F = _FF // _FFT

_INFO = plsc.get_sparse_core_info()
_NW = _INFO.num_cores * _INFO.num_subcores
_CHUNK = _N // _NW


def _cumsum(v, axis):
    n = v.shape[axis]
    sh = 1
    while sh < n:
        z = jnp.zeros_like(jax.lax.slice_in_dim(v, 0, sh, axis=axis))
        v = v + jnp.concatenate(
            [z, jax.lax.slice_in_dim(v, 0, n - sh, axis=axis)], axis=axis)
        sh *= 2
    return v


def _plan_kernel(x_ref, gw_ref, gb_ref, logits_ref, x3_ref,
                 g0_ref, g1_ref, p0_ref, p1_ref, off_ref, cnt_ref):
    x = x_ref[...]
    x3_ref[...] = x.reshape(_N, 8, 128)
    logits = jax.lax.dot_general(
        x, gw_ref[...], (((1,), (1,)), ((), ())),
        preferred_element_type=jnp.float32) + gb_ref[...]
    logits_ref[...] = logits
    lt = logits.T
    sub = jax.lax.broadcasted_iota(jnp.int32, lt.shape, 0)
    l0 = jnp.max(lt, axis=0, keepdims=True)
    i0 = jnp.min(jnp.where(lt == l0, sub, _E), axis=0, keepdims=True)
    masked = jnp.where(sub == i0, -jnp.inf, lt)
    l1 = jnp.max(masked, axis=0, keepdims=True)
    i1 = jnp.min(jnp.where(masked == l1, sub, _E), axis=0, keepdims=True)
    g0 = jax.nn.sigmoid(l0 - l1)
    lane = jax.lax.broadcasted_iota(jnp.int32, logits.shape, 1)
    l0c = jnp.max(logits, axis=1, keepdims=True)
    i0c = jnp.min(jnp.where(logits == l0c, lane, _E), axis=1, keepdims=True)
    mkc = jnp.where(lane == i0c, -jnp.inf, logits)
    l1c = jnp.max(mkc, axis=1, keepdims=True)
    g0c = jax.nn.sigmoid(l0c - l1c)
    g0_ref[...] = jnp.broadcast_to(g0c, (_N, 128))
    g1_ref[...] = jnp.broadcast_to(1.0 - g0c, (_N, 128))
    m0 = (sub == i0).astype(jnp.int32)
    m1 = (sub == i1).astype(jnp.int32)
    c0i = _cumsum(m0, 1)
    c1i = _cumsum(m1, 1)
    cnt0 = c0i[:, _N - 1:_N]
    cnt1 = c1i[:, _N - 1:_N]
    counts = cnt0 + cnt1
    off = _cumsum(counts, 0) - counts
    off_ref[...] = off
    cnt_ref[...] = counts
    p0 = jnp.sum(m0 * (off + c0i - m0), axis=0, keepdims=True)
    p1 = jnp.sum(m1 * (off + cnt0 + c1i - m1), axis=0, keepdims=True)
    p0_ref[...] = p0.reshape(_N)
    p1_ref[...] = p1.reshape(_N)


def _worklist_kernel(off_ref, cnt_ref, wt_ref, we_ref, wv_ref):
    def wbody(p, idx):
        t = p // _E
        e = p % _E
        s = off_ref[e, 0]
        c = cnt_ref[e, 0]
        active = jnp.logical_and(
            jnp.logical_and(s < (t + 1) * _TILE, s + c > t * _TILE), c > 0)

        @pl.when(active)
        def _():
            wt_ref[idx] = t
            we_ref[idx] = e
            wv_ref[idx] = 1

        return idx + active.astype(jnp.int32)

    nitems = jax.lax.fori_loop(0, _T * _E, wbody, 0)

    def pbody(i, carry):
        @pl.when(i >= nitems)
        def _():
            wt_ref[i] = wt_ref[nitems - 1]
            we_ref[i] = we_ref[nitems - 1]
            wv_ref[i] = 0
        return carry

    jax.lax.fori_loop(0, _W, pbody, 0)


_SC_MESH = plsc.VectorSubcoreMesh(core_axis_name="c", subcore_axis_name="s")


@functools.partial(
    pl.kernel, mesh=_SC_MESH,
    out_type=jax.ShapeDtypeStruct((_NK, 8, 128), jnp.float32),
    scratch_types=[
        pltpu.VMEM((_CHUNK,), jnp.int32),
        pltpu.VMEM((_CHUNK,), jnp.int32),
        pltpu.VMEM((_CHUNK, 8, 128), jnp.float32),
        pltpu.SemaphoreType.DMA,
    ],
)
def _sc_dispatch(x3_hbm, p0_hbm, p1_hbm, xs_hbm, i0_v, i1_v, rows_v, sem):
    wid = lax.axis_index("s") * _INFO.num_cores + lax.axis_index("c")
    base = wid * _CHUNK
    pltpu.sync_copy(p0_hbm.at[pl.ds(base, _CHUNK)], i0_v)
    pltpu.sync_copy(p1_hbm.at[pl.ds(base, _CHUNK)], i1_v)
    pltpu.async_copy(x3_hbm.at[pl.ds(base, _CHUNK)], rows_v, sem).wait()
    pltpu.sync_copy(rows_v, xs_hbm.at[i0_v])
    pltpu.sync_copy(rows_v, xs_hbm.at[i1_v])


_CC = 32


@functools.partial(
    pl.kernel, mesh=_SC_MESH,
    out_type=jax.ShapeDtypeStruct((_N, 8, 128), jnp.float32),
    scratch_types=[
        pltpu.VMEM((_CC,), jnp.int32),
        pltpu.VMEM((_CC,), jnp.int32),
        pltpu.VMEM((_CC, 128), jnp.float32),
        pltpu.VMEM((_CC, 128), jnp.float32),
        pltpu.VMEM((_CC, 8, 128), jnp.float32),
        pltpu.VMEM((_CC, 8, 128), jnp.float32),
        pltpu.VMEM((_CC, 8, 128), jnp.float32),
        pltpu.SemaphoreType.DMA,
        pltpu.SemaphoreType.DMA,
    ],
)
def _sc_combine(os_hbm, p0_hbm, p1_hbm, g0_hbm, g1_hbm, out_hbm,
                i0_v, i1_v, g0_v, g1_v, r0_v, r1_v, o_v, sem0, sem1):
    wid = lax.axis_index("s") * _INFO.num_cores + lax.axis_index("c")
    for cc in range(_CHUNK // _CC):
        base = wid * _CHUNK + cc * _CC
        pltpu.sync_copy(p0_hbm.at[pl.ds(base, _CC)], i0_v)
        pltpu.sync_copy(p1_hbm.at[pl.ds(base, _CC)], i1_v)
        pltpu.sync_copy(g0_hbm.at[pl.ds(base, _CC)], g0_v)
        pltpu.sync_copy(g1_hbm.at[pl.ds(base, _CC)], g1_v)
        c0 = pltpu.async_copy(os_hbm.at[i0_v], r0_v, sem0)
        c1 = pltpu.async_copy(os_hbm.at[i1_v], r1_v, sem1)
        c0.wait()
        c1.wait()

        def tok(tt, carry):
            g0s = g0_v[tt, pl.ds(0, 16)]
            g1s = g1_v[tt, pl.ds(0, 16)]
            for v in range(_D // 16):
                s = v // 8
                l16 = (v % 8) * 16
                o_v[tt, s, pl.ds(l16, 16)] = (
                    g0s * r0_v[tt, s, pl.ds(l16, 16)]
                    + g1s * r1_v[tt, s, pl.ds(l16, 16)])
            return carry

        jax.lax.fori_loop(0, _CC, tok, 0)
        pltpu.sync_copy(o_v, out_hbm.at[pl.ds(base, _CC)])


def _ffn_kernel(wt_ref, we_ref, wv_ref, off_ref, cnt_ref,
                xs_ref, wg_ref, wu_ref, wd_ref, out_ref,
                x2d_ref, acc_ref):
    w = pl.program_id(0)
    f = pl.program_id(1)
    t = wt_ref[w]
    e = we_ref[w]
    first = jnp.logical_or(w == 0, t != wt_ref[jnp.maximum(w - 1, 0)])
    last = jnp.logical_and(
        f == _F - 1,
        jnp.logical_or(w == _W - 1, wt_ref[jnp.minimum(w + 1, _W - 1)] != t))

    @pl.when(jnp.logical_and(first, f == 0))
    def _():
        x2d_ref[...] = xs_ref[...].reshape(_TILE, _D)
        acc_ref[...] = jnp.zeros_like(acc_ref)

    @pl.when(wv_ref[w] == 1)
    def _():
        x = x2d_ref[...]
        a = jax.lax.dot_general(x, wg_ref[0], (((1,), (1,)), ((), ())),
                                preferred_element_type=jnp.float32)
        b = jax.lax.dot_general(x, wu_ref[0], (((1,), (1,)), ((), ())),
                                preferred_element_type=jnp.float32)
        h = (a * jax.nn.sigmoid(a)) * b
        row = t * _TILE + jax.lax.broadcasted_iota(jnp.int32, (_TILE, 1), 0)
        s = off_ref[e, 0]
        mask = jnp.logical_and(row >= s, row < s + cnt_ref[e, 0])
        hm = jnp.where(mask, h, 0.0)
        acc_ref[...] += jax.lax.dot_general(
            hm, wd_ref[0], (((1,), (1,)), ((), ())),
            preferred_element_type=jnp.float32)

    @pl.when(last)
    def _():
        out_ref[...] = acc_ref[...].reshape(_TILE, 8, 128)


def kernel(x, gate_w, gate_b, w_gate, w_up, w_down):
    xf = x.reshape(-1, x.shape[-1])
    logits, x3, g0, g1, p0, p1, off, cnt = pl.pallas_call(
        _plan_kernel,
        out_shape=(
            jax.ShapeDtypeStruct((_N, _E), jnp.float32),
            jax.ShapeDtypeStruct((_N, 8, 128), jnp.float32),
            jax.ShapeDtypeStruct((_N, 128), jnp.float32),
            jax.ShapeDtypeStruct((_N, 128), jnp.float32),
            jax.ShapeDtypeStruct((_N,), jnp.int32),
            jax.ShapeDtypeStruct((_N,), jnp.int32),
            jax.ShapeDtypeStruct((_E, 1), jnp.int32),
            jax.ShapeDtypeStruct((_E, 1), jnp.int32),
        ),
    )(xf, gate_w, gate_b.reshape(1, _E))

    wt, we, wv = pl.pallas_call(
        _worklist_kernel,
        grid_spec=pltpu.PrefetchScalarGridSpec(
            num_scalar_prefetch=2,
            grid=(1,),
            in_specs=[],
            out_specs=[
                pl.BlockSpec(memory_space=pltpu.SMEM),
                pl.BlockSpec(memory_space=pltpu.SMEM),
                pl.BlockSpec(memory_space=pltpu.SMEM),
            ],
        ),
        out_shape=(
            jax.ShapeDtypeStruct((_W,), jnp.int32),
            jax.ShapeDtypeStruct((_W,), jnp.int32),
            jax.ShapeDtypeStruct((_W,), jnp.int32),
        ),
    )(off, cnt)

    xs = _sc_dispatch(x3, p0, p1)

    outs = pl.pallas_call(
        _ffn_kernel,
        grid_spec=pltpu.PrefetchScalarGridSpec(
            num_scalar_prefetch=5,
            grid=(_W, _F),
            in_specs=[
                pl.BlockSpec((_TILE, 8, 128),
                             lambda w, f, wt, we, wv, o, c: (wt[w], 0, 0)),
                pl.BlockSpec((1, _FFT, _D),
                             lambda w, f, wt, we, wv, o, c: (we[w], f, 0)),
                pl.BlockSpec((1, _FFT, _D),
                             lambda w, f, wt, we, wv, o, c: (we[w], f, 0)),
                pl.BlockSpec((1, _D, _FFT),
                             lambda w, f, wt, we, wv, o, c: (we[w], 0, f)),
            ],
            out_specs=pl.BlockSpec(
                (_TILE, 8, 128), lambda w, f, wt, we, wv, o, c: (wt[w], 0, 0)),
            scratch_shapes=[
                pltpu.VMEM((_TILE, _D), jnp.float32),
                pltpu.VMEM((_TILE, _D), jnp.float32),
            ],
        ),
        out_shape=jax.ShapeDtypeStruct((_NK, 8, 128), jnp.float32),
    )(wt, we, wv, off, cnt, xs, w_gate, w_up, w_down)

    final = _sc_combine(outs, p0, p1, g0, g1)
    return final.reshape(x.shape), logits

# --- scband reference (transcript-rebuilt; emitter-appended) ---
"""Pipeline reference for scband-mo-e-72713796321590 (READ-ONLY COPY).

The authoritative reference and input builder live on the scoring server;
editing this copy changes nothing except your own understanding.
"""

import jax, jax.numpy as jnp
import numpy as np

E = 8
D = 1024
FF = 2048
K = 2
B, S = 1, 2048


def setup_inputs(seed: int = 0) -> dict:
    key = jax.random.key(seed)
    ks = jax.random.split(key, 6)
    x = jax.random.normal(ks[0], (B, S, D), dtype=jnp.float32)
    gate_w = jax.random.normal(ks[1], (E, D), dtype=jnp.float32) * 0.02
    gate_b = jnp.zeros((E,), dtype=jnp.float32)
    w_gate = jax.random.normal(ks[2], (E, FF, D), dtype=jnp.float32) * 0.02
    w_up = jax.random.normal(ks[3], (E, FF, D), dtype=jnp.float32) * 0.02
    w_down = jax.random.normal(ks[4], (E, D, FF), dtype=jnp.float32) * 0.02
    return {"x": x, "gate_w": gate_w, "gate_b": gate_b, "w_gate": w_gate, "w_up": w_up, "w_down": w_down}


def reference(x, gate_w, gate_b, w_gate, w_up, w_down):
    xf = x.reshape(-1, x.shape[-1])
    N = xf.shape[0]
    # Gating
    logits = xf @ gate_w.T + gate_b
    logits_topk, indices = jax.lax.top_k(logits, K)
    sparse = jnp.full_like(logits, -jnp.inf)
    rows = jnp.arange(N)[:, None]
    sparse = sparse.at[rows, indices].set(logits_topk)
    gates = jax.nn.softmax(sparse, axis=-1)
    gate_logit = logits.reshape(-1, E)
    # Experts: dense-masked compute (mathematically identical to the torch
    # masked-gather version since gates are exactly 0 for unselected experts)
    final = jnp.zeros_like(xf)
    for i in range(E):
        mask = (indices == i).any(axis=-1).astype(xf.dtype)
        h = jax.nn.silu(xf @ w_gate[i].T) * (xf @ w_up[i].T)
        out = h @ w_down[i].T
        final = final + out * (gates[:, i] * mask)[:, None]
    final = final.reshape(x.shape)
    return final, gate_logit

if __name__ == "__main__":
    import jax
    _d = setup_inputs()
    print(jax.jit(kernel)(*tuple(_d.values())))

</pallas_src>

<mosaic_0001>
#map = affine_map<(d0, d1) -> (0, 0, 0)>
#map1 = affine_map<(d0, d1) -> (0)>
module attributes {stable_mosaic.version = 14 : i64} {
  func.func @_sc_dispatch(%arg0: i32, %arg1: i32, %arg2: memref<2048x8x128xf32, #tpu.memory_space<hbm>>, %arg3: memref<2048xi32, #tpu.memory_space<hbm>>, %arg4: memref<2048xi32, #tpu.memory_space<hbm>>, %arg5: memref<4096x8x128xf32, #tpu.memory_space<hbm>>, %arg6: memref<64xi32, #tpu.memory_space<vmem>>, %arg7: memref<64xi32, #tpu.memory_space<vmem>>, %arg8: memref<64x8x128xf32, #tpu.memory_space<vmem>>, %arg9: memref<!tpu.dma_semaphore, #tpu.memory_space<semaphore_mem>>) attributes {dimension_semantics = [#tpu.dimension_semantics<core_parallel>, #tpu.dimension_semantics<subcore_parallel>], iteration_bounds = array<i64: 2, 16>, scalar_prefetch = 0 : i64, scratch_operands = 4 : i64, tpu.core_type = #tpu.core_type<sc_vector_subcore>, window_params = [{transform_indices = #map}, {transform_indices = #map1}, {transform_indices = #map1}, {transform_indices = #map}]} {
    %mul3A = arith.constant 2 : i32
    %mul3A_0 = arith.muli %arg1, %mul3A : i32
    %add3A = arith.addi %mul3A_0, %arg0 : i32
    %mul3A_1 = arith.constant 64 : i32
    %mul3A_2 = arith.muli %add3A, %mul3A_1 : i32
    "tpu.region"() ({
      %run_scoped3A = tpu.sem_alloc : memref<!tpu.dma_semaphore, #tpu.memory_space<semaphore_mem>>
      %dma_start3A_13 = tpu.memref_slice %arg3[%mul3A_2] : memref<2048xi32, #tpu.memory_space<hbm>> -> memref<64xi32, #tpu.memory_space<hbm>>
      %dma_start3A_14 = tpu.memref_slice %arg3[%mul3A_2] : memref<2048xi32, #tpu.memory_space<hbm>> -> memref<64xi32, #tpu.memory_space<hbm>>
      tpu.enqueue_dma source(%dma_start3A_14 : memref<64xi32, #tpu.memory_space<hbm>>) target(%arg6 : memref<64xi32, #tpu.memory_space<vmem>>) target_semaphore(%run_scoped3A : memref<!tpu.dma_semaphore, #tpu.memory_space<semaphore_mem>>)
      %dma_wait3A_15 = tpu.memref_slice %arg3[%mul3A_2] : memref<2048xi32, #tpu.memory_space<hbm>> -> memref<64xi32, #tpu.memory_space<hbm>>
      %dma_wait3A_16 = tpu.memref_slice %arg3[%mul3A_2] : memref<2048xi32, #tpu.memory_space<hbm>> -> memref<64xi32, #tpu.memory_space<hbm>>
      tpu.wait_dma2 semaphore(%run_scoped3A : memref<!tpu.dma_semaphore, #tpu.memory_space<semaphore_mem>>) src(%dma_wait3A_16 : memref<64xi32, #tpu.memory_space<hbm>>) dst(%arg6 : memref<64xi32, #tpu.memory_space<vmem>>)
      tpu.yield
    }) : () -> ()
    "tpu.region"() ({
      %run_scoped3A = tpu.sem_alloc : memref<!tpu.dma_semaphore, #tpu.memory_space<semaphore_mem>>
      %dma_start3A_13 = tpu.memref_slice %arg4[%mul3A_2] : memref<2048xi32, #tpu.memory_space<hbm>> -> memref<64xi32, #tpu.memory_space<hbm>>
      %dma_start3A_14 = tpu.memref_slice %arg4[%mul3A_2] : memref<2048xi32, #tpu.memory_space<hbm>> -> memref<64xi32, #tpu.memory_space<hbm>>
      tpu.enqueue_dma source(%dma_start3A_14 : memref<64xi32, #tpu.memory_space<hbm>>) target(%arg7 : memref<64xi32, #tpu.memory_space<vmem>>) target_semaphore(%run_scoped3A : memref<!tpu.dma_semaphore, #tpu.memory_space<semaphore_mem>>)
      %dma_wait3A_15 = tpu.memref_slice %arg4[%mul3A_2] : memref<2048xi32, #tpu.memory_space<hbm>> -> memref<64xi32, #tpu.memory_space<hbm>>
      %dma_wait3A_16 = tpu.memref_slice %arg4[%mul3A_2] : memref<2048xi32, #tpu.memory_space<hbm>> -> memref<64xi32, #tpu.memory_space<hbm>>
      tpu.wait_dma2 semaphore(%run_scoped3A : memref<!tpu.dma_semaphore, #tpu.memory_space<semaphore_mem>>) src(%dma_wait3A_16 : memref<64xi32, #tpu.memory_space<hbm>>) dst(%arg7 : memref<64xi32, #tpu.memory_space<vmem>>)
      tpu.yield
    }) : () -> ()
    %dma_start3A = arith.constant 0 : i32
    %dma_start3A_3 = arith.constant 0 : i32
    %dma_start3A_4 = tpu.memref_slice %arg2[%mul3A_2, %dma_start3A, %dma_start3A_3] : memref<2048x8x128xf32, #tpu.memory_space<hbm>> -> memref<64x8x128xf32, #tpu.memory_space<hbm>>
    %dma_start3A_5 = arith.constant 0 : i32
    %dma_start3A_6 = arith.constant 0 : i32
    %dma_start3A_7 = tpu.memref_slice %arg2[%mul3A_2, %dma_start3A_5, %dma_start3A_6] : memref<2048x8x128xf32, #tpu.memory_space<hbm>> -> memref<64x8x128xf32, #tpu.memory_space<hbm>>
    tpu.enqueue_dma source(%dma_start3A_7 : memref<64x8x128xf32, #tpu.memory_space<hbm>>) target(%arg8 : memref<64x8x128xf32, #tpu.memory_space<vmem>>) target_semaphore(%arg9 : memref<!tpu.dma_semaphore, #tpu.memory_space<semaphore_mem>>)
    %dma_wait3A = arith.constant 0 : i32
    %dma_wait3A_8 = arith.constant 0 : i32
    %dma_wait3A_9 = tpu.memref_slice %arg2[%mul3A_2, %dma_wait3A, %dma_wait3A_8] : memref<2048x8x128xf32, #tpu.memory_space<hbm>> -> memref<64x8x128xf32, #tpu.memory_space<hbm>>
    %dma_wait3A_10 = arith.constant 0 : i32
    %dma_wait3A_11 = arith.constant 0 : i32
    %dma_wait3A_12 = tpu.memref_slice %arg2[%mul3A_2, %dma_wait3A_10, %dma_wait3A_11] : memref<2048x8x128xf32, #tpu.memory_space<hbm>> -> memref<64x8x128xf32, #tpu.memory_space<hbm>>
    tpu.wait_dma2 semaphore(%arg9 : memref<!tpu.dma_semaphore, #tpu.memory_space<semaphore_mem>>) src(%dma_wait3A_12 : memref<64x8x128xf32, #tpu.memory_space<hbm>>) dst(%arg8 : memref<64x8x128xf32, #tpu.memory_space<vmem>>)
    "tpu.region"() ({
      %run_scoped3A = tpu.sem_alloc : memref<!tpu.dma_semaphore, #tpu.memory_space<semaphore_mem>>
      %dma_start3A_13 = arith.constant 0 : i32
      %dma_start3A_14 = arith.constant 0 : i32
      %dma_start3A_15 = arith.constant 0 : i32
      %dma_start3A_16 = tpu.memref_slice %arg5[%dma_start3A_13, %dma_start3A_14, %dma_start3A_15] : memref<4096x8x128xf32, #tpu.memory_space<hbm>> -> memref<4096x8x128xf32, #tpu.memory_space<hbm>>
      tpu.enqueue_indirect_dma source(%arg8 : memref<64x8x128xf32, #tpu.memory_space<vmem>>) target(%dma_start3A_16 : memref<4096x8x128xf32, #tpu.memory_space<hbm>>) offsets(%arg6 : memref<64xi32, #tpu.memory_space<vmem>>) semaphore(%run_scoped3A : memref<!tpu.dma_semaphore, #tpu.memory_space<semaphore_mem>>)
      %dma_wait3A_17 = arith.constant 0 : i32
      %dma_wait3A_18 = arith.constant 0 : i32
      %dma_wait3A_19 = arith.constant 0 : i32
      %dma_wait3A_20 = tpu.memref_slice %arg5[%dma_wait3A_17, %dma_wait3A_18, %dma_wait3A_19] : memref<4096x8x128xf32, #tpu.memory_space<hbm>> -> memref<4096x8x128xf32, #tpu.memory_space<hbm>>
      tpu.wait_indirect_dma semaphore(%run_scoped3A : memref<!tpu.dma_semaphore, #tpu.memory_space<semaphore_mem>>) src(%arg8 : memref<64x8x128xf32, #tpu.memory_space<vmem>>) dst(%dma_wait3A_20 : memref<4096x8x128xf32, #tpu.memory_space<hbm>>)
      tpu.yield
    }) : () -> ()
    "tpu.region"() ({
      %run_scoped3A = tpu.sem_alloc : memref<!tpu.dma_semaphore, #tpu.memory_space<semaphore_mem>>
      %dma_start3A_13 = arith.constant 0 : i32
      %dma_start3A_14 = arith.constant 0 : i32
      %dma_start3A_15 = arith.constant 0 : i32
      %dma_start3A_16 = tpu.memref_slice %arg5[%dma_start3A_13, %dma_start3A_14, %dma_start3A_15] : memref<4096x8x128xf32, #tpu.memory_space<hbm>> -> memref<4096x8x128xf32, #tpu.memory_space<hbm>>
      tpu.enqueue_indirect_dma source(%arg8 : memref<64x8x128xf32, #tpu.memory_space<vmem>>) target(%dma_start3A_16 : memref<4096x8x128xf32, #tpu.memory_space<hbm>>) offsets(%arg7 : memref<64xi32, #tpu.memory_space<vmem>>) semaphore(%run_scoped3A : memref<!tpu.dma_semaphore, #tpu.memory_space<semaphore_mem>>)
      %dma_wait3A_17 = arith.constant 0 : i32
      %dma_wait3A_18 = arith.constant 0 : i32
      %dma_wait3A_19 = arith.constant 0 : i32
      %dma_wait3A_20 = tpu.memref_slice %arg5[%dma_wait3A_17, %dma_wait3A_18, %dma_wait3A_19] : memref<4096x8x128xf32, #tpu.memory_space<hbm>> -> memref<4096x8x128xf32, #tpu.memory_space<hbm>>
      tpu.wait_indirect_dma semaphore(%run_scoped3A : memref<!tpu.dma_semaphore, #tpu.memory_space<semaphore_mem>>) src(%arg8 : memref<64x8x128xf32, #tpu.memory_space<vmem>>) dst(%dma_wait3A_20 : memref<4096x8x128xf32, #tpu.memory_space<hbm>>)
      tpu.yield
    }) : () -> ()
    return
  }
}

#map = affine_map<(d0, d1) -> (0, 0, 0)>
#map1 = affine_map<(d0, d1) -> (0)>
#map2 = affine_map<(d0, d1) -> (0, 0)>
module attributes {stable_mosaic.version = 14 : i64} {
  func.func @_sc_combine(%arg0: i32, %arg1: i32, %arg2: memref<4096x8x128xf32, #tpu.memory_space<hbm>>, %arg3: memref<2048xi32, #tpu.memory_space<hbm>>, %arg4: memref<2048xi32, #tpu.memory_space<hbm>>, %arg5: memref<2048x128xf32, #tpu.memory_space<hbm>>, %arg6: memref<2048x128xf32, #tpu.memory_space<hbm>>, %arg7: memref<2048x8x128xf32, #tpu.memory_space<hbm>>, %arg8: memref<32xi32, #tpu.memory_space<vmem>>, %arg9: memref<32xi32, #tpu.memory_space<vmem>>, %arg10: memref<32x128xf32, #tpu.memory_space<vmem>>, %arg11: memref<32x128xf32, #tpu.memory_space<vmem>>, %arg12: memref<32x8x128xf32, #tpu.memory_space<vmem>>, %arg13: memref<32x8x128xf32, #tpu.memory_space<vmem>>, %arg14: memref<32x8x128xf32, #tpu.memory_space<vmem>>, %arg15: memref<!tpu.dma_semaphore, #tpu.memory_space<semaphore_mem>>, %arg16: memref<!tpu.dma_semaphore, #tpu.memory_space<semaphore_mem>>) attributes {dimension_semantics = [#tpu.dimension_semantics<core_parallel>, #tpu.dimension_semantics<subcore_parallel>], iteration_bounds = array<i64: 2, 16>, scalar_prefetch = 0 : i64, scratch_operands = 9 : i64, tpu.core_type = #tpu.core_type<sc_vector_subcore>, window_params = [{transform_indices = #map}, {transform_indices = #map1}, {transform_indices = #map1}, {transform_indices = #map2}, {transform_indices = #map2}, {transform_indices = #map}]} {
    %mul3A = arith.constant 2 : i32
    %mul3A_0 = arith.muli %arg1, %mul3A : i32
    %add3A = arith.addi %mul3A_0, %arg0 : i32
    %mul3A_1 = arith.constant 64 : i32
    %mul3A_2 = arith.muli %add3A, %mul3A_1 : i32
    %add3A_3 = arith.constant 0 : i32
    %add3A_4 = arith.addi %mul3A_2, %add3A_3 : i32
    "tpu.region"() ({
      %run_scoped3A = tpu.sem_alloc : memref<!tpu.dma_semaphore, #tpu.memory_space<semaphore_mem>>
      %dma_start3A_50 = tpu.memref_slice %arg3[%add3A_4] : memref<2048xi32, #tpu.memory_space<hbm>> -> memref<32xi32, #tpu.memory_space<hbm>>
      %dma_start3A_51 = tpu.memref_slice %arg3[%add3A_4] : memref<2048xi32, #tpu.memory_space<hbm>> -> memref<32xi32, #tpu.memory_space<hbm>>
      tpu.enqueue_dma source(%dma_start3A_51 : memref<32xi32, #tpu.memory_space<hbm>>) target(%arg8 : memref<32xi32, #tpu.memory_space<vmem>>) target_semaphore(%run_scoped3A : memref<!tpu.dma_semaphore, #tpu.memory_space<semaphore_mem>>)
      %dma_wait3A_52 = tpu.memref_slice %arg3[%add3A_4] : memref<2048xi32, #tpu.memory_space<hbm>> -> memref<32xi32, #tpu.memory_space<hbm>>
      %dma_wait3A_53 = tpu.memref_slice %arg3[%add3A_4] : memref<2048xi32, #tpu.memory_space<hbm>> -> memref<32xi32, #tpu.memory_space<hbm>>
      tpu.wait_dma2 semaphore(%run_scoped3A : memref<!tpu.dma_semaphore, #tpu.memory_space<semaphore_mem>>) src(%dma_wait3A_53 : memref<32xi32, #tpu.memory_space<hbm>>) dst(%arg8 : memref<32xi32, #tpu.memory_space<vmem>>)
      tpu.yield
    }) : () -> ()
    "tpu.region"() ({
      %run_scoped3A = tpu.sem_alloc : memref<!tpu.dma_semaphore, #tpu.memory_space<semaphore_mem>>
      %dma_start3A_50 = tpu.memref_slice %arg4[%add3A_4] : memref<2048xi32, #tpu.memory_space<hbm>> -> memref<32xi32, #tpu.memory_space<hbm>>
      %dma_start3A_51 = tpu.memref_slice %arg4[%add3A_4] : memref<2048xi32, #tpu.memory_space<hbm>> -> memref<32xi32, #tpu.memory_space<hbm>>
      tpu.enqueue_dma source(%dma_start3A_51 : memref<32xi32, #tpu.memory_space<hbm>>) target(%arg9 : memref<32xi32, #tpu.memory_space<vmem>>) target_semaphore(%run_scoped3A : memref<!tpu.dma_semaphore, #tpu.memory_space<semaphore_mem>>)
      %dma_wait3A_52 = tpu.memref_slice %arg4[%add3A_4] : memref<2048xi32, #tpu.memory_space<hbm>> -> memref<32xi32, #tpu.memory_space<hbm>>
      %dma_wait3A_53 = tpu.memref_slice %arg4[%add3A_4] : memref<2048xi32, #tpu.memory_space<hbm>> -> memref<32xi32, #tpu.memory_space<hbm>>
      tpu.wait_dma2 semaphore(%run_scoped3A : memref<!tpu.dma_semaphore, #tpu.memory_space<semaphore_mem>>) src(%dma_wait3A_53 : memref<32xi32, #tpu.memory_space<hbm>>) dst(%arg9 : memref<32xi32, #tpu.memory_space<vmem>>)
      tpu.yield
    }) : () -> ()
    "tpu.region"() ({
      %run_scoped3A = tpu.sem_alloc : memref<!tpu.dma_semaphore, #tpu.memory_space<semaphore_mem>>
      %dma_start3A_50 = arith.constant 0 : i32
      %dma_start3A_51 = tpu.memref_slice %arg5[%add3A_4, %dma_start3A_50] : memref<2048x128xf32, #tpu.memory_space<hbm>> -> memref<32x128xf32, #tpu.memory_space<hbm>>
      %dma_start3A_52 = arith.constant 0 : i32
      %dma_start3A_53 = tpu.memref_slice %arg5[%add3A_4, %dma_start3A_52] : memref<2048x128xf32, #tpu.memory_space<hbm>> -> memref<32x128xf32, #tpu.memory_space<hbm>>
      tpu.enqueue_dma source(%dma_start3A_53 : memref<32x128xf32, #tpu.memory_space<hbm>>) target(%arg10 : memref<32x128xf32, #tpu.memory_space<vmem>>) target_semaphore(%run_scoped3A : memref<!tpu.dma_semaphore, #tpu.memory_space<semaphore_mem>>)
      %dma_wait3A_54 = arith.constant 0 : i32
      %dma_wait3A_55 = tpu.memref_slice %arg5[%add3A_4, %dma_wait3A_54] : memref<2048x128xf32, #tpu.memory_space<hbm>> -> memref<32x128xf32, #tpu.memory_space<hbm>>
      %dma_wait3A_56 = arith.constant 0 : i32
      %dma_wait3A_57 = tpu.memref_slice %arg5[%add3A_4, %dma_wait3A_56] : memref<2048x128xf32, #tpu.memory_space<hbm>> -> memref<32x128xf32, #tpu.memory_space<hbm>>
      tpu.wait_dma2 semaphore(%run_scoped3A : memref<!tpu.dma_semaphore, #tpu.memory_space<semaphore_mem>>) src(%dma_wait3A_57 : memref<32x128xf32, #tpu.memory_space<hbm>>) dst(%arg10 : memref<32x128xf32, #tpu.memory_space<vmem>>)
      tpu.yield
    }) : () -> ()
    "tpu.region"() ({
      %run_scoped3A = tpu.sem_alloc : memref<!tpu.dma_semaphore, #tpu.memory_space<semaphore_mem>>
      %dma_start3A_50 = arith.constant 0 : i32
      %dma_start3A_51 = tpu.memref_slice %arg6[%add3A_4, %dma_start3A_50] : memref<2048x128xf32, #tpu.memory_space<hbm>> -> memref<32x128xf32, #tpu.memory_space<hbm>>
      %dma_start3A_52 = arith.constant 0 : i32
      %dma_start3A_53 = tpu.memref_slice %arg6[%add3A_4, %dma_start3A_52] : memref<2048x128xf32, #tpu.memory_space<hbm>> -> memref<32x128xf32, #tpu.memory_space<hbm>>
      tpu.enqueue_dma source(%dma_start3A_53 : memref<32x128xf32, #tpu.memory_space<hbm>>) target(%arg11 : memref<32x128xf32, #tpu.memory_space<vmem>>) target_semaphore(%run_scoped3A : memref<!tpu.dma_semaphore, #tpu.memory_space<semaphore_mem>>)
      %dma_wait3A_54 = arith.constant 0 : i32
      %dma_wait3A_55 = tpu.memref_slice %arg6[%add3A_4, %dma_wait3A_54] : memref<2048x128xf32, #tpu.memory_space<hbm>> -> memref<32x128xf32, #tpu.memory_space<hbm>>
      %dma_wait3A_56 = arith.constant 0 : i32
      %dma_wait3A_57 = tpu.memref_slice %arg6[%add3A_4, %dma_wait3A_56] : memref<2048x128xf32, #tpu.memory_space<hbm>> -> memref<32x128xf32, #tpu.memory_space<hbm>>
      tpu.wait_dma2 semaphore(%run_scoped3A : memref<!tpu.dma_semaphore, #tpu.memory_space<semaphore_mem>>) src(%dma_wait3A_57 : memref<32x128xf32, #tpu.memory_space<hbm>>) dst(%arg11 : memref<32x128xf32, #tpu.memory_space<vmem>>)
      tpu.yield
    }) : () -> ()
    %dma_start3A = arith.constant 0 : i32
    %dma_start3A_5 = arith.constant 0 : i32
    %dma_start3A_6 = arith.constant 0 : i32
    %dma_start3A_7 = tpu.memref_slice %arg2[%dma_start3A, %dma_start3A_5, %dma_start3A_6] : memref<4096x8x128xf32, #tpu.memory_space<hbm>> -> memref<4096x8x128xf32, #tpu.memory_space<hbm>>
    tpu.enqueue_indirect_dma source(%dma_start3A_7 : memref<4096x8x128xf32, #tpu.memory_space<hbm>>) target(%arg12 : memref<32x8x128xf32, #tpu.memory_space<vmem>>) offsets(%arg8 : memref<32xi32, #tpu.memory_space<vmem>>) semaphore(%arg15 : memref<!tpu.dma_semaphore, #tpu.memory_space<semaphore_mem>>)
    %dma_start3A_8 = arith.constant 0 : i32
    %dma_start3A_9 = arith.constant 0 : i32
    %dma_start3A_10 = arith.constant 0 : i32
    %dma_start3A_11 = tpu.memref_slice %arg2[%dma_start3A_8, %dma_start3A_9, %dma_start3A_10] : memref<4096x8x128xf32, #tpu.memory_space<hbm>> -> memref<4096x8x128xf32, #tpu.memory_space<hbm>>
    tpu.enqueue_indirect_dma source(%dma_start3A_11 : memref<4096x8x128xf32, #tpu.memory_space<hbm>>) target(%arg13 : memref<32x8x128xf32, #tpu.memory_space<vmem>>) offsets(%arg9 : memref<32xi32, #tpu.memory_space<vmem>>) semaphore(%arg16 : memref<!tpu.dma_semaphore, #tpu.memory_space<semaphore_mem>>)
    %dma_wait3A = arith.constant 0 : i32
    %dma_wait3A_12 = arith.constant 0 : i32
    %dma_wait3A_13 = arith.constant 0 : i32
    %dma_wait3A_14 = tpu.memref_slice %arg2[%dma_wait3A, %dma_wait3A_12, %dma_wait3A_13] : memref<4096x8x128xf32, #tpu.memory_space<hbm>> -> memref<4096x8x128xf32, #tpu.memory_space<hbm>>
    tpu.wait_indirect_dma semaphore(%arg15 : memref<!tpu.dma_semaphore, #tpu.memory_space<semaphore_mem>>) src(%dma_wait3A_14 : memref<4096x8x128xf32, #tpu.memory_space<hbm>>) dst(%arg12 : memref<32x8x128xf32, #tpu.memory_space<vmem>>)
    %dma_wait3A_15 = arith.constant 0 : i32
    %dma_wait3A_16 = arith.constant 0 : i32
    %dma_wait3A_17 = arith.constant 0 : i32
    %dma_wait3A_18 = tpu.memref_slice %arg2[%dma_wait3A_15, %dma_wait3A_16, %dma_wait3A_17] : memref<4096x8x128xf32, #tpu.memory_space<hbm>> -> memref<4096x8x128xf32, #tpu.memory_space<hbm>>
    tpu.wait_indirect_dma semaphore(%arg16 : memref<!tpu.dma_semaphore, #tpu.memory_space<semaphore_mem>>) src(%dma_wait3A_18 : memref<4096x8x128xf32, #tpu.memory_space<hbm>>) dst(%arg13 : memref<32x8x128xf32, #tpu.memory_space<vmem>>)
    %scan3A = arith.constant 0 : i32
    %scan3A_19 = arith.constant 0 : i32
    %scan3A_20 = arith.constant 32 : i32
    %scan3A_21 = arith.addi %scan3A_19, %scan3A_20 : i32
    %scan3A_22 = arith.constant 1 : i32
    scf.for %scan3A_50 = %scan3A_19 to %scan3A_21 step %scan3A_22  : i32 {
      %get3A = arith.index_cast %scan3A_50 : i32 to index
      %get3A_51 = arith.constant 0 : index
      %get3A_52 = tpu.vector_load %arg10[%get3A, %get3A_51] {strides = array<i32>} : memref<32x128xf32, #tpu.memory_space<vmem>>, vector<1x16xf32>,
      %get3A_53 = vector.shape_cast %get3A_52 : vector<1x16xf32> to vector<16xf32>
      %get3A_54 = arith.index_cast %scan3A_50 : i32 to index
      %get3A_55 = arith.constant 0 : index
      %get3A_56 = tpu.vector_load %arg11[%get3A_54, %get3A_55] {strides = array<i32>} : memref<32x128xf32, #tpu.memory_space<vmem>>, vector<1x16xf32>,
      %get3A_57 = vector.shape_cast %get3A_56 : vector<1x16xf32> to vector<16xf32>
      %get3A_58 = arith.constant 0 : i32
      %get3A_59 = arith.index_cast %scan3A_50 : i32 to index
      %get3A_60 = arith.index_cast %get3A_58 : i32 to index
      %get3A_61 = arith.constant 0 : index
      %get3A_62 = tpu.vector_load %arg12[%get3A_59, %get3A_60, %get3A_61] {strides = array<i32>} : memref<32x8x128xf32, #tpu.memory_space<vmem>>, vector<1x1x16xf32>,
      %get3A_63 = vector.shape_cast %get3A_62 : vector<1x1x16xf32> to vector<16xf32>
      %mul3A_64 = arith.mulf %get3A_53, %get3A_63 : vector<16xf32>
      %get3A_65 = arith.constant 0 : i32
      %get3A_66 = arith.index_cast %scan3A_50 : i32 to index
      %get3A_67 = arith.index_cast %get3A_65 : i32 to index
      %get3A_68 = arith.constant 0 : index
      %get3A_69 = tpu.vector_load %arg13[%get3A_66, %get3A_67, %get3A_68] {strides = array<i32>} : memref<32x8x128xf32, #tpu.memory_space<vmem>>, vector<1x1x16xf32>,
      %get3A_70 = vector.shape_cast %get3A_69 : vector<1x1x16xf32> to vector<16xf32>
      %mul3A_71 = arith.mulf %get3A_57, %get3A_70 : vector<16xf32>
      %add3A_72 = arith.addf %mul3A_64, %mul3A_71 : vector<16xf32>
      %swap3A = arith.constant 0 : i32
      %swap3A_73 = arith.index_cast %scan3A_50 : i32 to index
      %swap3A_74 = arith.index_cast %swap3A : i32 to index
      %swap3A_75 = arith.constant 0 : index
      %swap3A_76 = tpu.vector_load %arg14[%swap3A_73, %swap3A_74, %swap3A_75] {strides = array<i32>} : memref<32x8x128xf32, #tpu.memory_space<vmem>>, vector<1x1x16xf32>,
      %swap3A_77 = vector.shape_cast %swap3A_76 : vector<1x1x16xf32> to vector<16xf32>
      %swap3A_78 = vector.shape_cast %add3A_72 : vector<16xf32> to vector<1x1x16xf32>
      tpu.vector_store %arg14[%swap3A_73, %swap3A_74, %swap3A_75], %swap3A_78 {strides = array<i32>} : memref<32x8x128xf32, #tpu.memory_space<vmem>>, vector<1x1x16xf32>,
      %get3A_79 = arith.constant 0 : i32
      %get3A_80 = arith.index_cast %scan3A_50 : i32 to index
      %get3A_81 = arith.index_cast %get3A_79 : i32 to index
      %get3A_82 = arith.constant 16 : index
      %get3A_83 = tpu.vector_load %arg12[%get3A_80, %get3A_81, %get3A_82] {strides = array<i32>} : memref<32x8x128xf32, #tpu.memory_space<vmem>>, vector<1x1x16xf32>,
      %get3A_84 = vector.shape_cast %get3A_83 : vector<1x1x16xf32> to vector<16xf32>
      %mul3A_85 = arith.mulf %get3A_53, %get3A_84 : vector<16xf32>
      %get3A_86 = arith.constant 0 : i32
      %get3A_87 = arith.index_cast %scan3A_50 : i32 to index
      %get3A_88 = arith.index_cast %get3A_86 : i32 to index
      %get3A_89 = arith.constant 16 : index
      %get3A_90 = tpu.vector_load %arg13[%get3A_87, %get3A_88, %get3A_89] {strides = array<i32>} : memref<32x8x128xf32, #tpu.memory_space<vmem>>, vector<1x1x16xf32>,
      %get3A_91 = vector.shape_cast %get3A_90 : vector<1x1x16xf32> to vector<16xf32>
      %mul3A_92 = arith.mulf %get3A_57, %get3A_91 : vector<16xf32>
      %add3A_93 = arith.addf %mul3A_85, %mul3A_92 : vector<16xf32>
      %swap3A_94 = arith.constant 0 : i32
      %swap3A_95 = arith.index_cast %scan3A_50 : i32 to index
      %swap3A_96 = arith.index_cast %swap3A_94 : i32 to index
      %swap3A_97 = arith.constant 16 : index
      %swap3A_98 = tpu.vector_load %arg14[%swap3A_95, %swap3A_96, %swap3A_97] {strides = array<i32>} : memref<32x8x128xf32, #tpu.memory_space<vmem>>, vector<1x1x16xf32>,
      %swap3A_99 = vector.shape_cast %swap3A_98 : vector<1x1x16xf32> to vector<16xf32>
      %swap3A_100 = vector.shape_cast %add3A_93 : vector<16xf32> to vector<1x1x16xf32>
      tpu.vector_store %arg14[%swap3A_95, %swap3A_96, %swap3A_97], %swap3A_100 {strides = array<i32>} : memref<32x8x128xf32, #tpu.memory_space<vmem>>, vector<1x1x16xf32>,
      %get3A_101 = arith.constant 0 : i32
      %get3A_102 = arith.index_cast %scan3A_50 : i32 to index
      %get3A_103 = arith.index_cast %get3A_101 : i32 to index
      %get3A_104 = arith.constant 32 : index
      %get3A_105 = tpu.vector_load %arg12[%get3A_102, %get3A_103, %get3A_104] {strides = array<i32>} : memref<32x8x128xf32, #tpu.memory_space<vmem>>, vector<1x1x16xf32>,
      %get3A_106 = vector.shape_cast %get3A_105 : vector<1x1x16xf32> to vector<16xf32>
      %mul3A_107 = arith.mulf %get3A_53, %get3A_106 : vector<16xf32>
      %get3A_108 = arith.constant 0 : i32
      %get3A_109 = arith.index_cast %scan3A_50 : i32 to index
      %get3A_110 = arith.index_cast %get3A_108 : i32 to index
      %get3A_111 = arith.constant 32 : index
      %get3A_112 = tpu.vector_load %arg13[%get3A_109, %get3A_110, %get3A_111] {strides = array<i32>} : memref<32x8x128xf32, #tpu.memory_space<vmem>>, vector<1x1x16xf32>,
      %get3A_113 = vector.shape_cast %get3A_112 : vector<1x1x16xf32> to vector<16xf32>
      %mul3A_114 = arith.mulf %get3A_57, %get3A_113 : vector<16xf32>
      %add3A_115 = arith.addf %mul3A_107, %mul3A_114 : vector<16xf32>
      %swap3A_116 = arith.constant 0 : i32
      %swap3A_117 = arith.index_cast %scan3A_50 : i32 to index
      %swap3A_118 = arith.index_cast %swap3A_116 : i32 to index
      %swap3A_119 = arith.constant 32 : index
      %swap3A_120 = tpu.vector_load %arg14[%swap3A_117, %swap3A_118, %swap3A_119] {strides = array<i32>} : memref<32x8x128xf32, #tpu.memory_space<vmem>>, vector<1x1x16xf32>,
      %swap3A_121 = vector.shape_cast %swap3A_120 : vector<1x1x16xf32> to vector<16xf32>
      %swap3A_122 = vector.shape_cast %add3A_115 : vector<16xf32> to vector<1x1x16xf32>
      tpu.vector_store %arg14[%swap3A_117, %swap3A_118, %swap3A_119], %swap3A_122 {strides = array<i32>} : memref<32x8x128xf32, #tpu.memory_space<vmem>>, vector<1x1x16xf32>,
      %get3A_123 = arith.constant 0 : i32
      %get3A_124 = arith.index_cast %scan3A_50 : i32 to index
      %get3A_125 = arith.index_cast %get3A_123 : i32 to index
      %get3A_126 = arith.constant 48 : index
      %get3A_127 = tpu.vector_load %arg12[%get3A_124, %get3A_125, %get3A_126] {strides = array<i32>} : memref<32x8x128xf32, #tpu.memory_space<vmem>>, vector<1x1x16xf32>,
      %get3A_128 = vector.shape_cast %get3A_127 : vector<1x1x16xf32> to vector<16xf32>
      %mul3A_129 = arith.mulf %get3A_53, %get3A_128 : vector<16xf32>
      %get3A_130 = arith.constant 0 : i32
      %get3A_131 = arith.index_cast %scan3A_50 : i32 to index
      %get3A_132 = arith.index_cast %get3A_130 : i32 to index
      %get3A_133 = arith.constant 48 : index
      %get3A_134 = tpu.vector_load %arg13[%get3A_131, %get3A_132, %get3A_133] {strides = array<i32>} : memref<32x8x128xf32, #tpu.memory_space<vmem>>, vector<1x1x16xf32>,
      %get3A_135 = vector.shape_cast %get3A_134 : vector<1x1x16xf32> to vector<16xf32>
      %mul3A_136 = arith.mulf %get3A_57, %get3A_135 : vector<16xf32>
      %add3A_137 = arith.addf %mul3A_129, %mul3A_136 : vector<16xf32>
      %swap3A_138 = arith.constant 0 : i32
      %swap3A_139 = arith.index_cast %scan3A_50 : i32 to index
      %swap3A_140 = arith.index_cast %swap3A_138 : i32 to index
      %swap3A_141 = arith.constant 48 : index
      %swap3A_142 = tpu.vector_load %arg14[%swap3A_139, %swap3A_140, %swap3A_141] {strides = array<i32>} : memref<32x8x128xf32, #tpu.memory_space<vmem>>, vector<1x1x16xf32>,
      %swap3A_143 = vector.shape_cast %swap3A_142 : vector<1x1x16xf32> to vector<16xf32>
      %swap3A_144 = vector.shape_cast %add3A_137 : vector<16xf32> to vector<1x1x16xf32>
      tpu.vector_store %arg14[%swap3A_139, %swap3A_140, %swap3A_141], %swap3A_144 {strides = array<i32>} : memref<32x8x128xf32, #tpu.memory_space<vmem>>, vector<1x1x16xf32>,
      %get3A_145 = arith.constant 0 : i32
      %get3A_146 = arith.index_cast %scan3A_50 : i32 to index
      %get3A_147 = arith.index_cast %get3A_145 : i32 to index
      %get3A_148 = arith.constant 64 : index
      %get3A_149 = tpu.vector_load %arg12[%get3A_146, %get3A_147, %get3A_148] {strides = array<i32>} : memref<32x8x128xf32, #tpu.memory_space<vmem>>, vector<1x1x16xf32>,
      %get3A_150 = vector.shape_cast %get3A_149 : vector<1x1x16xf32> to vector<16xf32>
      %mul3A_151 = arith.mulf %get3A_53, %get3A_150 : vector<16xf32>
      %get3A_152 = arith.constant 0 : i32
      %get3A_153 = arith.index_cast %scan3A_50 : i32 to index
      %get3A_154 = arith.index_cast %get3A_152 : i32 to index
      %get3A_155 = arith.constant 64 : index
      %get3A_156 = tpu.vector_load %arg13[%get3A_153, %get3A_154, %get3A_155] {strides = array<i32>} : memref<32x8x128xf32, #tpu.memory_space<vmem>>, vector<1x1x16xf32>,
      %get3A_157 = vector.shape_cast %get3A_156 : vector<1x1x16xf32> to vector<16xf32>
      %mul3A_158 = arith.mulf %get3A_57, %get3A_157 : vector<16xf32>
      %add3A_159 = arith.addf %mul3A_151, %mul3A_158 : vector<16xf32>
      %swap3A_160 = arith.constant 0 : i32
      %swap3A_161 = arith.index_cast %scan3A_50 : i32 to index
      %swap3A_162 = arith.index_cast %swap3A_160 : i32 to index
      %swap3A_163 = arith.constant 64 : index
      %swap3A_164 = tpu.vector_load %arg14[%swap3A_161, %swap3A_162, %swap3A_163] {strides = array<i32>} : memref<32x8x128xf32, #tpu.memory_space<vmem>>, vector<1x1x16xf32>,
      %swap3A_165 = vector.shape_cast %swap3A_164 : vector<1x1x16xf32> to vector<16xf32>
      %swap3A_166 = vector.shape_cast %add3A_159 : vector<16xf32> to vector<1x1x16xf32>
      tpu.vector_store %arg14[%swap3A_161, %swap3A_162, %swap3A_163], %swap3A_166 {strides = array<i32>} : memref<32x8x128xf32, #tpu.memory_space<vmem>>, vector<1x1x16xf32>,
      %get3A_167 = arith.constant 0 : i32
      %get3A_168 = arith.index_cast %scan3A_50 : i32 to index
      %get3A_169 = arith.index_cast %get3A_167 : i32 to index
      %get3A_170 = arith.constant 80 : index
      %get3A_171 = tpu.vector_load %arg12[%get3A_168, %get3A_169, %get3A_170] {strides = array<i32>} : memref<32x8x128xf32, #tpu.memory_space<vmem>>, vector<1x1x16xf32>,
      %get3A_172 = vector.shape_cast %get3A_171 : vector<1x1x16xf32> to vector<16xf32>
      %mul3A_173 = arith.mulf %get3A_53, %get3A_172 : vector<16xf32>
      %get3A_174 = arith.constant 0 : i32
      %get3A_175 = arith.index_cast %scan3A_50 : i32 to index
      %get3A_176 = arith.index_cast %get3A_174 : i32 to index
      %get3A_177 = arith.constant 80 : index
      %get3A_178 = tpu.vector_load %arg13[%get3A_175, %get3A_176, %get3A_177] {strides = array<i32>} : memref<32x8x128xf32, #tpu.memory_space<vmem>>, vector<1x1x16xf32>,
      %get3A_179 = vector.shape_cast %get3A_178 : vector<1x1x16xf32> to vector<16xf32>
      %mul3A_180 = arith.mulf %get3A_57, %get3A_179 : vector<16xf32>
      %add3A_181 = arith.addf %mul3A_173, %mul3A_180 : vector<16xf32>
      %swap3A_182 = arith.constant 0 : i32
      %swap3A_183 = arith.index_cast %scan3A_50 : i32 to index
      %swap3A_184 = arith.index_cast %swap3A_182 : i32 to index
      %swap3A_185 = arith.constant 80 : index
      %swap3A_186 = tpu.vector_load %arg14[%swap3A_183, %swap3A_184, %swap3A_185] {strides = array<i32>} : memref<32x8x128xf32, #tpu.memory_space<vmem>>, vector<1x1x16xf32>,
      %swap3A_187 = vector.shape_cast %swap3A_186 : vector<1x1x16xf32> to vector<16xf32>
      %swap3A_188 = vector.shape_cast %add3A_181 : vector<16xf32> to vector<1x1x16xf32>
      tpu.vector_store %arg14[%swap3A_183, %swap3A_184, %swap3A_185], %swap3A_188 {strides = array<i32>} : memref<32x8x128xf32, #tpu.memory_space<vmem>>, vector<1x1x16xf32>,
      %get3A_189 = arith.constant 0 : i32
      %get3A_190 = arith.index_cast %scan3A_50 : i32 to index
      %get3A_191 = arith.index_cast %get3A_189 : i32 to index
      %get3A_192 = arith.constant 96 : index
      %get3A_193 = tpu.vector_load %arg12[%get3A_190, %get3A_191, %get3A_192] {strides = array<i32>} : memref<32x8x128xf32, #tpu.memory_space<vmem>>, vector<1x1x16xf32>,
      %get3A_194 = vector.shape_cast %get3A_193 : vector<1x1x16xf32> to vector<16xf32>
      %mul3A_195 = arith.mulf %get3A_53, %get3A_194 : vector<16xf32>
      %get3A_196 = arith.constant 0 : i32
      %get3A_197 = arith.index_cast %scan3A_50 : i32 to index
      %get3A_198 = arith.index_cast %get3A_196 : i32 to index
      %get3A_199 = arith.constant 96 : index
      %get3A_200 = tpu.vector_load %arg13[%get3A_197, %get3A_198, %get3A_199] {strides = array<i32>} : memref<32x8x128xf32, #tpu.memory_space<vmem>>, vector<1x1x16xf32>,
      %get3A_201 = vector.shape_cast %get3A_200 : vector<1x1x16xf32> to vector<16xf32>
      %mul3A_202 = arith.mulf %get3A_57, %get3A_201 : vector<16xf32>
      %add3A_203 = arith.addf %mul3A_195, %mul3A_202 : vector<16xf32>
      %swap3A_204 = arith.constant 0 : i32
      %swap3A_205 = arith.index_cast %scan3A_50 : i32 to index
      %swap3A_206 = arith.index_cast %swap3A_204 : i32 to index
      %swap3A_207 = arith.constant 96 : index
      %swap3A_208 = tpu.vector_load %arg14[%swap3A_205, %swap3A_206, %swap3A_207] {strides = array<i32>} : memref<32x8x128xf32, #tpu.memory_space<vmem>>, vector<1x1x16xf32>,
      %swap3A_209 = vector.shape_cast %swap3A_208 : vector<1x1x16xf32> to vector<16xf32>
      %swap3A_210 = vector.shape_cast %add3A_203 : vector<16xf32> to vector<1x1x16xf32>
      tpu.vector_store %arg14[%swap3A_205, %swap3A_206, %swap3A_207], %swap3A_210 {strides = array<i32>} : memref<32x8x128xf32, #tpu.memory_space<vmem>>, vector<1x1x16xf32>,
      %get3A_211 = arith.constant 0 : i32
      %get3A_212 = arith.index_cast %scan3A_50 : i32 to index
      %get3A_213 = arith.index_cast %get3A_211 : i32 to index
      %get3A_214 = arith.constant 112 : index
      %get3A_215 = tpu.vector_load %arg12[%get3A_212, %get3A_213, %get3A_214] {strides = array<i32>} : memref<32x8x128xf32, #tpu.memory_space<vmem>>, vector<1x1x16xf32>,
      %get3A_216 = vector.shape_cast %get3A_215 : vector<1x1x16xf32> to vector<16xf32>
      %mul3A_217 = arith.mulf %get3A_53, %get3A_216 : vector<16xf32>
      %get3A_218 = arith.constant 0 : i32
      %get3A_219 = arith.index_cast %scan3A_50 : i32 to index
      %get3A_220 = arith.index_cast %get3A_218 : i32 to index
      %get3A_221 = arith.constant 112 : index
      %get3A_222 = tpu.vector_load %arg13[%get3A_219, %get3A_220, %get3A_221] {strides = array<i32>} : memref<32x8x128xf32, #tpu.memory_space<vmem>>, vector<1x1x16xf32>,
      %get3A_223 = vector.shape_cast %get3A_222 : vector<1x1x16xf32> to vector<16xf32>
      %mul3A_224 = arith.mulf %get3A_57, %get3A_223 : vector<16xf32>
      %add3A_225 = arith.addf %mul3A_217, %mul3A_224 : vector<16xf32>
      %swap3A_226 = arith.constant 0 : i32
      %swap3A_227 = arith.index_cast %scan3A_50 : i32 to index
      %swap3A_228 = arith.index_cast %swap3A_226 : i32 to index
      %swap3A_229 = arith.constant 112 : index
      %swap3A_230 = tpu.vector_load %arg14[%swap3A_227, %swap3A_228, %swap3A_229] {strides = array<i32>} : memref<32x8x128xf32, #tpu.memory_space<vmem>>, vector<1x1x16xf32>,
      %swap3A_231 = vector.shape_cast %swap3A_230 : vector<1x1x16xf32> to vector<16xf32>
      %swap3A_232 = vector.shape_cast %add3A_225 : vector<16xf32> to vector<1x1x16xf32>
      tpu.vector_store %arg14[%swap3A_227, %swap3A_228, %swap3A_229], %swap3A_232 {strides = array<i32>} : memref<32x8x128xf32, #tpu.memory_space<vmem>>, vector<1x1x16xf32>,
      %get3A_233 = arith.constant 1 : i32
      %get3A_234 = arith.index_cast %scan3A_50 : i32 to index
      %get3A_235 = arith.index_cast %get3A_233 : i32 to index
      %get3A_236 = arith.constant 0 : index
      %get3A_237 = tpu.vector_load %arg12[%get3A_234, %get3A_235, %get3A_236] {strides = array<i32>} : memref<32x8x128xf32, #tpu.memory_space<vmem>>, vector<1x1x16xf32>,
      %get3A_238 = vector.shape_cast %get3A_237 : vector<1x1x16xf32> to vector<16xf32>
      %mul3A_239 = arith.mulf %get3A_53, %get3A_238 : vector<16xf32>
      %get3A_240 = arith.constant 1 : i32
      %get3A_241 = arith.index_cast %scan3A_50 : i32 to index
      %get3A_242 = arith.index_cast %get3A_240 : i32 to index
      %get3A_243 = arith.constant 0 : index
      %get3A_244 = tpu.vector_load %arg13[%get3A_241, %get3A_242, %get3A_243] {strides = array<i32>} : memref<32x8x128xf32, #tpu.memory_space<vmem>>, vector<1x1x16xf32>,
      %get3A_245 = vector.shape_cast %get3A_244 : vector<1x1x16xf32> to vector<16xf32>
      %mul3A_246 = arith.mulf %get3A_57, %get3A_245 : vector<16xf32>
      %add3A_247 = arith.addf %mul3A_239, %mul3A_246 : vector<16xf32>
      %swap3A_248 = arith.constant 1 : i32
      %swap3A_249 = arith.index_cast %scan3A_50 : i32 to index
      %swap3A_250 = arith.index_cast %swap3A_248 : i32 to index
      %swap3A_251 = arith.constant 0 : index
      %swap3A_252 = tpu.vector_load %arg14[%swap3A_249, %swap3A_250, %swap3A_251] {strides = array<i32>} : memref<32x8x128xf32, #tpu.memory_space<vmem>>, vector<1x1x16xf32>,
      %swap3A_253 = vector.shape_cast %swap3A_252 : vector<1x1x16xf32> to vector<16xf32>
      %swap3A_254 = vector.shape_cast %add3A_247 : vector<16xf32> to vector<1x1x16xf32>
      tpu.vector_store %arg14[%swap3A_249, %swap3A_250, %swap3A_251], %swap3A_254 {strides = array<i32>} : memref<32x8x128xf32, #tpu.memory_space<vmem>>, vector<1x1x16xf32>,
      %get3A_255 = arith.constant 1 : i32
      %get3A_256 = arith.index_cast %scan3A_50 : i32 to index
      %get3A_257 = arith.index_cast %get3A_255 : i32 to index
      %get3A_258 = arith.constant 16 : index
      %get3A_259 = tpu.vector_load %arg12[%get3A_256, %get3A_257, %get3A_258] {strides = array<i32>} : memref<32x8x128xf32, #tpu.memory_space<vmem>>, vector<1x1x16xf32>,
      %get3A_260 = vector.shape_cast %get3A_259 : vector<1x1x16xf32> to vector<16xf32>
      %mul3A_261 = arith.mulf %get3A_53, %get3A_260 : vector<16xf32>
      %get3A_262 = arith.constant 1 : i32
      %get3A_263 = arith.index_cast %scan3A_50 : i32 to index
      %get3A_264 = arith.index_cast %get3A_262 : i32 to index
      %get3A_265 = arith.constant 16 : index
      %get3A_266 = tpu.vector_load %arg13[%get3A_263, %get3A_264, %get3A_265] {strides = array<i32>} : memref<32x8x128xf32, #tpu.memory_space<vmem>>, vector<1x1x16xf32>,
      %get3A_267 = vector.shape_cast %get3A_266 : vector<1x1x16xf32> to vector<16xf32>
      %mul3A_268 = arith.mulf %get3A_57, %get3A_267 : vector<16xf32>
      %add3A_269 = arith.addf %mul3A_261, %mul3A_268 : vector<16xf32>
      %swap3A_270 = arith.constant 1 : i32
      %swap3A_271 = arith.index_cast %scan3A_50 : i32 to index
      %swap3A_272 = arith.index_cast %swap3A_270 : i32 to index
      %swap3A_273 = arith.constant 16 : index
      %swap3A_274 = tpu.vector_load %arg14[%swap3A_271, %swap3A_272, %swap3A_273] {strides = array<i32>} : memref<32x8x128xf32, #tpu.memory_space<vmem>>, vector<1x1x16xf32>,
      %swap3A_275 = vector.shape_cast %swap3A_274 : vector<1x1x16xf32> to vector<16xf32>
      %swap3A_276 = vector.shape_cast %add3A_269 : vector<16xf32> to vector<1x1x16xf32>
      tpu.vector_store %arg14[%swap3A_271, %swap3A_272, %swap3A_273], %swap3A_276 {strides = array<i32>} : memref<32x8x128xf32, #tpu.memory_space<vmem>>, vector<1x1x16xf32>,
      %get3A_277 = arith.constant 1 : i32
      %get3A_278 = arith.index_cast %scan3A_50 : i32 to index
      %get3A_279 = arith.index_cast %get3A_277 : i32 to index
      %get3A_280 = arith.constant 32 : index
      %get3A_281 = tpu.vector_load %arg12[%get3A_278, %get3A_279, %get3A_280] {strides = array<i32>} : memref<32x8x128xf32, #tpu.memory_space<vmem>>, vector<1x1x16xf32>,
      %get3A_282 = vector.shape_cast %get3A_281 : vector<1x1x16xf32> to vector<16xf32>
      %mul3A_283 = arith.mulf %get3A_53, %get3A_282 : vector<16xf32>
      %get3A_284 = arith.constant 1 : i32
      %get3A_285 = arith.index_cast %scan3A_50 : i32 to index
      %get3A_286 = arith.index_cast %get3A_284 : i32 to index
      %get3A_287 = arith.constant 32 : index
      %get3A_288 = tpu.vector_load %arg13[%get3A_285, %get3A_286, %get3A_287] {strides = array<i32>} : memref<32x8x128xf32, #tpu.memory_space<vmem>>, vector<1x1x16xf32>,
      %get3A_289 = vector.shape_cast %get3A_288 : vector<1x1x16xf32> to vector<16xf32>
      %mul3A_290 = arith.mulf %get3A_57, %get3A_289 : vector<16xf32>
      %add3A_291 = arith.addf %mul3A_283, %mul3A_290 : vector<16xf32>
      %swap3A_292 = arith.constant 1 : i32
      %swap3A_293 = arith.index_cast %scan3A_50 : i32 to index
      %swap3A_294 = arith.index_cast %swap3A_292 : i32 to index
      %swap3A_295 = arith.constant 32 : index
      %swap3A_296 = tpu.vector_load %arg14[%swap3A_293, %swap3A_294, %swap3A_295] {strides = array<i32>} : memref<32x8x128xf32, #tpu.memory_space<vmem>>, vector<1x1x16xf32>,
      %swap3A_297 = vector.shape_cast %swap3A_296 : vector<1x1x16xf32> to vector<16xf32>
      %swap3A_298 = vector.shape_cast %add3A_291 : vector<16xf32> to vector<1x1x16xf32>
      tpu.vector_store %arg14[%swap3A_293, %swap3A_294, %swap3A_295], %swap3A_298 {strides = array<i32>} : memref<32x8x128xf32, #tpu.memory_space<vmem>>, vector<1x1x16xf32>,
      %get3A_299 = arith.constant 1 : i32
      %get3A_300 = arith.index_cast %scan3A_50 : i32 to index
      %get3A_301 = arith.index_cast %get3A_299 : i32 to index
      %get3A_302 = arith.constant 48 : index
      %get3A_303 = tpu.vector_load %arg12[%get3A_300, %get3A_301, %get3A_302] {strides = array<i32>} : memref<32x8x128xf32, #tpu.memory_space<vmem>>, vector<1x1x16xf32>,
      %get3A_304 = vector.shape_cast %get3A_303 : vector<1x1x16xf32> to vector<16xf32>
      %mul3A_305 = arith.mulf %get3A_53, %get3A_304 : vector<16xf32>
      %get3A_306 = arith.constant 1 : i32
      %get3A_307 = arith.index_cast %scan3A_50 : i32 to index
      %get3A_308 = arith.index_cast %get3A_306 : i32 to index
      %get3A_309 = arith.constant 48 : index
      %get3A_310 = tpu.vector_load %arg13[%get3A_307, %get3A_308, %get3A_309] {strides = array<i32>} : memref<32x8x128xf32, #tpu.memory_space<vmem>>, vector<1x1x16xf32>,
      %get3A_311 = vector.shape_cast %get3A_310 : vector<1x1x16xf32> to vector<16xf32>
      %mul3A_312 = arith.mulf %get3A_57, %get3A_311 : vector<16xf32>
      %add3A_313 = arith.addf %mul3A_305, %mul3A_312 : vector<16xf32>
      %swap3A_314 = arith.constant 1 : i32
      %swap3A_315 = arith.index_cast %scan3A_50 : i32 to index
      %swap3A_316 = arith.index_cast %swap3A_314 : i32 to index
      %swap3A_317 = arith.constant 48 : index
      %swap3A_318 = tpu.vector_load %arg14[%swap3A_315, %swap3A_316, %swap3A_317] {strides = array<i32>} : memref<32x8x128xf32, #tpu.memory_space<vmem>>, vector<1x1x16xf32>,
      %swap3A_319 = vector.shape_cast %swap3A_318 : vector<1x1x16xf32> to vector<16xf32>
      %swap3A_320 = vector.shape_cast %add3A_313 : vector<16xf32> to vector<1x1x16xf32>
      tpu.vector_store %arg14[%swap3A_315, %swap3A_316, %swap3A_317], %swap3A_320 {strides = array<i32>} : memref<32x8x128xf32, #tpu.memory_space<vmem>>, vector<1x1x16xf32>,
      %get3A_321 = arith.constant 1 : i32
      %get3A_322 = arith.index_cast %scan3A_50 : i32 to index
      %get3A_323 = arith.index_cast %get3A_321 : i32 to index
      %get3A_324 = arith.constant 64 : index
      %get3A_325 = tpu.vector_load %arg12[%get3A_322, %get3A_323, %get3A_324] {strides = array<i32>} : memref<32x8x128xf32, #tpu.memory_space<vmem>>, vector<1x1x16xf32>,
      %get3A_326 = vector.shape_cast %get3A_325 : vector<1x1x16xf32> to vector<16xf32>
      %mul3A_327 = arith.mulf %get3A_53, %get3A_326 : vector<16xf32>
      %get3A_328 = arith.constant 1 : i32
      %get3A_329 = arith.index_cast %scan3A_50 : i32 to index
      %get3A_330 = arith.index_cast %get3A_328 : i32 to index
      %get3A_331 = arith.constant 64 : index
      %get3A_332 = tpu.vector_load %arg13[%get3A_329, %get3A_330, %get3A_331] {strides = array<i32>} : memref<32x8x128xf32, #tpu.memory_space<vmem>>, vector<1x1x16xf32>,
      %get3A_333 = vector.shape_cast %get3A_332 : vector<1x1x16xf32> to vector<16xf32>
      %mul3A_334 = arith.mulf %get3A_57, %get3A_333 : vector<16xf32>
      %add3A_335 = arith.addf %mul3A_327, %mul3A_334 : vector<16xf32>
      %swap3A_336 = arith.constant 1 : i32
      %swap3A_337 = arith.index_cast %scan3A_50 : i32 to index
      %swap3A_338 = arith.index_cast %swap3A_336 : i32 to index
      %swap3A_339 = arith.constant 64 : index
      %swap3A_340 = tpu.vector_load %arg14[%swap3A_337, %swap3A_338, %swap3A_339] {strides = array<i32>} : memref<32x8x128xf32, #tpu.memory_space<vmem>>, vector<1x1x16xf32>,
      %swap3A_341 = vector.shape_cast %swap3A_340 : vector<1x1x16xf32> to vector<16xf32>
      %swap3A_342 = vector.shape_cast %add3A_335 : vector<16xf32> to vector<1x1x16xf32>
      tpu.vector_store %arg14[%swap3A_337, %swap3A_338, %swap3A_339], %swap3A_342 {strides = array<i32>} : memref<32x8x128xf32, #tpu.memory_space<vmem>>, vector<1x1x16xf32>,
      %get3A_343 = arith.constant 1 : i32
      %get3A_344 = arith.index_cast %scan3A_50 : i32 to index
      %get3A_345 = arith.index_cast %get3A_343 : i32 to index
      %get3A_346 = arith.constant 80 : index
      %get3A_347 = tpu.vector_load %arg12[%get3A_344, %get3A_345, %get3A_346] {strides = array<i32>} : memref<32x8x128xf32, #tpu.memory_space<vmem>>, vector<1x1x16xf32>,
      %get3A_348 = vector.shape_cast %get3A_347 : vector<1x1x16xf32> to vector<16xf32>
      %mul3A_349 = arith.mulf %get3A_53, %get3A_348 : vector<16xf32>
      %get3A_350 = arith.constant 1 : i32
      %get3A_351 = arith.index_cast %scan3A_50 : i32 to index
      %get3A_352 = arith.index_cast %get3A_350 : i32 to index
      %get3A_353 = arith.constant 80 : index
      %get3A_354 = tpu.vector_load %arg13[%get3A_351, %get3A_352, %get3A_353] {strides = array<i32>} : memref<32x8x128xf32, #tpu.memory_space<vmem>>, vector<1x1x16xf32>,
      %get3A_355 = vector.shape_cast %get3A_354 : vector<1x1x16xf32> to vector<16xf32>
      %mul3A_356 = arith.mulf %get3A_57, %get3A_355 : vector<16xf32>
      %add3A_357 = arith.addf %mul3A_349, %mul3A_356 : vector<16xf32>
      %swap3A_358 = arith.constant 1 : i32
      %swap3A_359 = arith.index_cast %scan3A_50 : i32 to index
      %swap3A_360 = arith.index_cast %swap3A_358 : i32 to index
      %swap3A_361 = arith.constant 80 : index
      %swap3A_362 = tpu.vector_load %arg14[%swap3A_359, %swap3A_360, %swap3A_361] {strides = array<i32>} : memref<32x8x128xf32, #tpu.memory_space<vmem>>, vector<1x1x16xf32>,
      %swap3A_363 = vector.shape_cast %swap3A_362 : vector<1x1x16xf32> to vector<16xf32>
      %swap3A_364 = vector.shape_cast %add3A_357 : vector<16xf32> to vector<1x1x16xf32>
      tpu.vector_store %arg14[%swap3A_359, %swap3A_360, %swap3A_361], %swap3A_364 {strides = array<i32>} : memref<32x8x128xf32, #tpu.memory_space<vmem>>, vector<1x1x16xf32>,
      %get3A_365 = arith.constant 1 : i32
      %get3A_366 = arith.index_cast %scan3A_50 : i32 to index
      %get3A_367 = arith.index_cast %get3A_365 : i32 to index
      %get3A_368 = arith.constant 96 : index
      %get3A_369 = tpu.vector_load %arg12[%get3A_366, %get3A_367, %get3A_368] {strides = array<i32>} : memref<32x8x128xf32, #tpu.memory_space<vmem>>, vector<1x1x16xf32>,
      %get3A_370 = vector.shape_cast %get3A_369 : vector<1x1x16xf32> to vector<16xf32>
      %mul3A_371 = arith.mulf %get3A_53, %get3A_370 : vector<16xf32>
      %get3A_372 = arith.constant 1 : i32
      %get3A_373 = arith.index_cast %scan3A_50 : i32 to index
      %get3A_374 = arith.index_cast %get3A_372 : i32 to index
      %get3A_375 = arith.constant 96 : index
      %get3A_376 = tpu.vector_load %arg13[%get3A_373, %get3A_374, %get3A_375] {strides = array<i32>} : memref<32x8x128xf32, #tpu.memory_space<vmem>>, vector<1x1x16xf32>,
      %get3A_377 = vector.shape_cast %get3A_376 : vector<1x1x16xf32> to vector<16xf32>
      %mul3A_378 = arith.mulf %get3A_57, %get3A_377 : vector<16xf32>
      %add3A_379 = arith.addf %mul3A_371, %mul3A_378 : vector<16xf32>
      %swap3A_380 = arith.constant 1 : i32
      %swap3A_381 = arith.index_cast %scan3A_50 : i32 to index
      %swap3A_382 = arith.index_cast %swap3A_380 : i32 to index
      %swap3A_383 = arith.constant 96 : index
      %swap3A_384 = tpu.vector_load %arg14[%swap3A_381, %swap3A_382, %swap3A_383] {strides = array<i32>} : memref<32x8x128xf32, #tpu.memory_space<vmem>>, vector<1x1x16xf32>,
      %swap3A_385 = vector.shape_cast %swap3A_384 : vector<1x1x16xf32> to vector<16xf32>
      %swap3A_386 = vector.shape_cast %add3A_379 : vector<16xf32> to vector<1x1x16xf32>
      tpu.vector_store %arg14[%swap3A_381, %swap3A_382, %swap3A_383], %swap3A_386 {strides = array<i32>} : memref<32x8x128xf32, #tpu.memory_space<vmem>>, vector<1x1x16xf32>,
      %get3A_387 = arith.constant 1 : i32
      %get3A_388 = arith.index_cast %scan3A_50 : i32 to index
      %get3A_389 = arith.index_cast %get3A_387 : i32 to index
      %get3A_390 = arith.constant 112 : index
      %get3A_391 = tpu.vector_load %arg12[%get3A_388, %get3A_389, %get3A_390] {strides = array<i32>} : memref<32x8x128xf32, #tpu.memory_space<vmem>>, vector<1x1x16xf32>,
      %get3A_392 = vector.shape_cast %get3A_391 : vector<1x1x16xf32> to vector<16xf32>
      %mul3A_393 = arith.mulf %get3A_53, %get3A_392 : vector<16xf32>
      %get3A_394 = arith.constant 1 : i32
      %get3A_395 = arith.index_cast %scan3A_50 : i32 to index
      %get3A_396 = arith.index_cast %get3A_394 : i32 to index
      %get3A_397 = arith.constant 112 : index
      %get3A_398 = tpu.vector_load %arg13[%get3A_395, %get3A_396, %get3A_397] {strides = array<i32>} : memref<32x8x128xf32, #tpu.memory_space<vmem>>, vector<1x1x16xf32>,
      %get3A_399 = vector.shape_cast %get3A_398 : vector<1x1x16xf32> to vector<16xf32>
      %mul3A_400 = arith.mulf %get3A_57, %get3A_399 : vector<16xf32>
      %add3A_401 = arith.addf %mul3A_393, %mul3A_400 : vector<16xf32>
      %swap3A_402 = arith.constant 1 : i32
      %swap3A_403 = arith.index_cast %scan3A_50 : i32 to index
      %swap3A_404 = arith.index_cast %swap3A_402 : i32 to index
      %swap3A_405 = arith.constant 112 : index
      %swap3A_406 = tpu.vector_load %arg14[%swap3A_403, %swap3A_404, %swap3A_405] {strides = array<i32>} : memref<32x8x128xf32, #tpu.memory_space<vmem>>, vector<1x1x16xf32>,
      %swap3A_407 = vector.shape_cast %swap3A_406 : vector<1x1x16xf32> to vector<16xf32>
      %swap3A_408 = vector.shape_cast %add3A_401 : vector<16xf32> to vector<1x1x16xf32>
      tpu.vector_store %arg14[%swap3A_403, %swap3A_404, %swap3A_405], %swap3A_408 {strides = array<i32>} : memref<32x8x128xf32, #tpu.memory_space<vmem>>, vector<1x1x16xf32>,
      %get3A_409 = arith.constant 2 : i32
      %get3A_410 = arith.index_cast %scan3A_50 : i32 to index
      %get3A_411 = arith.index_cast %get3A_409 : i32 to index
      %get3A_412 = arith.constant 0 : index
      %get3A_413 = tpu.vector_load %arg12[%get3A_410, %get3A_411, %get3A_412] {strides = array<i32>} : memref<32x8x128xf32, #tpu.memory_space<vmem>>, vector<1x1x16xf32>,
      %get3A_414 = vector.shape_cast %get3A_413 : vector<1x1x16xf32> to vector<16xf32>
      %mul3A_415 = arith.mulf %get3A_53, %get3A_414 : vector<16xf32>
      %get3A_416 = arith.constant 2 : i32
      %get3A_417 = arith.index_cast %scan3A_50 : i32 to index
      %get3A_418 = arith.index_cast %get3A_416 : i32 to index
      %get3A_419 = arith.constant 0 : index
      %get3A_420 = tpu.vector_load %arg13[%get3A_417, %get3A_418, %get3A_419] {strides = array<i32>} : memref<32x8x128xf32, #tpu.memory_space<vmem>>, vector<1x1x16xf32>,
      %get3A_421 = vector.shape_cast %get3A_420 : vector<1x1x16xf32> to vector<16xf32>
      %mul3A_422 = arith.mulf %get3A_57, %get3A_421 : vector<16xf32>
      %add3A_423 = arith.addf %mul3A_415, %mul3A_422 : vector<16xf32>
      %swap3A_424 = arith.constant 2 : i32
      %swap3A_425 = arith.index_cast %scan3A_50 : i32 to index
      %swap3A_426 = arith.index_cast %swap3A_424 : i32 to index
      %swap3A_427 = arith.constant 0 : index
      %swap3A_428 = tpu.vector_load %arg14[%swap3A_425, %swap3A_426, %swap3A_427] {strides = array<i32>} : memref<32x8x128xf32, #tpu.memory_space<vmem>>, vector<1x1x16xf32>,
      %swap3A_429 = vector.shape_cast %swap3A_428 : vector<1x1x16xf32> to vector<16xf32>
      %swap3A_430 = vector.shape_cast %add3A_423 : vector<16xf32> to vector<1x1x16xf32>
      tpu.vector_store %arg14[%swap3A_425, %swap3A_426, %swap3A_427], %swap3A_430 {strides = array<i32>} : memref<32x8x128xf32, #tpu.memory_space<vmem>>, vector<1x1x16xf32>,
      %get3A_431 = arith.constant 2 : i32
      %get3A_432 = arith.index_cast %scan3A_50 : i32 to index
      %get3A_433 = arith.index_cast %get3A_431 : i32 to index
      %get3A_434 = arith.constant 16 : index
      %get3A_435 = tpu.vector_load %arg12[%get3A_432, %get3A_433, %get3A_434] {strides = array<i32>} : memref<32x8x128xf32, #tpu.memory_space<vmem>>, vector<1x1x16xf32>,
      %get3A_436 = vector.shape_cast %get3A_435 : vector<1x1x16xf32> to vector<16xf32>
      %mul3A_437 = arith.mulf %get3A_53, %get3A_436 : vector<16xf32>
      %get3A_438 = arith.constant 2 : i32
      %get3A_439 = arith.index_cast %scan3A_50 : i32 to index
      %get3A_440 = arith.index_cast %get3A_438 : i32 to index
      %get3A_441 = arith.constant 16 : index
      %get3A_442 = tpu.vector_load %arg13[%get3A_439, %get3A_440, %get3A_441] {strides = array<i32>} : memref<32x8x128xf32, #tpu.memory_space<vmem>>, vector<1x1x16xf32>,
      %get3A_443 = vector.shape_cast %get3A_442 : vector<1x1x16xf32> to vector<16xf32>
      %mul3A_444 = arith.mulf %get3A_57, %get3A_443 : vector<16xf32>
      %add3A_445 = arith.addf %mul3A_437, %mul3A_444 : vector<16xf32>
      %swap3A_446 = arith.constant 2 : i32
      %swap3A_447 = arith.index_cast %scan3A_50 : i32 to index
      %swap3A_448 = arith.index_cast %swap3A_446 : i32 to index
      %swap3A_449 = arith.constant 16 : index
      %swap3A_450 = tpu.vector_load %arg14[%swap3A_447, %swap3A_448, %swap3A_449] {strides = array<i32>} : memref<32x8x128xf32, #tpu.memory_space<vmem>>, vector<1x1x16xf32>,
      %swap3A_451 = vector.shape_cast %swap3A_450 : vector<1x1x16xf32> to vector<16xf32>
      %swap3A_452 = vector.shape_cast %add3A_445 : vector<16xf32> to vector<1x1x16xf32>
      tpu.vector_store %arg14[%swap3A_447, %swap3A_448, %swap3A_449], %swap3A_452 {strides = array<i32>} : memref<32x8x128xf32, #tpu.memory_space<vmem>>, vector<1x1x16xf32>,
      %get3A_453 = arith.constant 2 : i32
      %get3A_454 = arith.index_cast %scan3A_50 : i32 to index
      %get3A_455 = arith.index_cast %get3A_453 : i32 to index
      %get3A_456 = arith.constant 32 : index
      %get3A_457 = tpu.vector_load %arg12[%get3A_454, %get3A_455, %get3A_456] {strides = array<i32>} : memref<32x8x128xf32, #tpu.memory_space<vmem>>, vector<1x1x16xf32>,
      %get3A_458 = vector.shape_cast %get3A_457 : vector<1x1x16xf32> to vector<16xf32>
      %mul3A_459 = arith.mulf %get3A_53, %get3A_458 : vector<16xf32>
      %get3A_460 = arith.constant 2 : i32
      %get3A_461 = arith.index_cast %scan3A_50 : i32 to index
      %get3A_462 = arith.index_cast %get3A_460 : i32 to index
      %get3A_463 = arith.constant 32 : index
      %get3A_464 = tpu.vector_load %arg13[%get3A_461, %get3A_462, %get3A_463] {strides = array<i32>} : memref<32x8x128xf32, #tpu.memory_space<vmem>>, vector<1x1x16xf32>,
      %get3A_465 = vector.shape_cast %get3A_464 : vector<1x1x16xf32> to vector<16xf32>
      %mul3A_466 = arith.mulf %get3A_57, %get3A_465 : vector<16xf32>
      %add3A_467 = arith.addf %mul3A_459, %mul3A_466 : vector<16xf32>
      %swap3A_468 = arith.constant 2 : i32
      %swap3A_469 = arith.index_cast %scan3A_50 : i32 to index
      %swap3A_470 = arith.index_cast %swap3A_468 : i32 to index
      %swap3A_471 = arith.constant 32 : index
      %swap3A_472 = tpu.vector_load %arg14[%swap3A_469, %swap3A_470, %swap3A_471] {strides = array<i32>} : memref<32x8x128xf32, #tpu.memory_space<vmem>>, vector<1x1x16xf32>,
      %swap3A_473 = vector.shape_cast %swap3A_472 : vector<1x1x16xf32> to vector<16xf32>
      %swap3A_474 = vector.shape_cast %add3A_467 : vector<16xf32> to vector<1x1x16xf32>
      tpu.vector_store %arg14[%swap3A_469, %swap3A_470, %swap3A_471], %swap3A_474 {strides = array<i32>} : memref<32x8x128xf32, #tpu.memory_space<vmem>>, vector<1x1x16xf32>,
      %get3A_475 = arith.constant 2 : i32
      %get3A_476 = arith.index_cast %scan3A_50 : i32 to index
      %get3A_477 = arith.index_cast %get3A_475 : i32 to index
      %get3A_478 = arith.constant 48 : index
      %get3A_479 = tpu.vector_load %arg12[%get3A_476, %get3A_477, %get3A_478] {strides = array<i32>} : memref<32x8x128xf32, #tpu.memory_space<vmem>>, vector<1x1x16xf32>,
      %get3A_480 = vector.shape_cast %get3A_479 : vector<1x1x16xf32> to vector<16xf32>
      %mul3A_481 = arith.mulf %get3A_53, %get3A_480 : vector<16xf32>
      %get3A_482 = arith.constant 2 : i32
      %get3A_483 = arith.index_cast %scan3A_50 : i32 to index
      %get3A_484 = arith.index_cast %get3A_482 : i32 to index
      %get3A_485 = arith.constant 48 : index
      %get3A_486 = tpu.vector_load %arg13[%get3A_483, %get3A_484, %get3A_485] {strides = array<i32>} : memref<32x8x128xf32, #tpu.memory_space<vmem>>, vector<1x1x16xf32>,
      %get3A_487 = vector.shape_cast %get3A_486 : vector<1x1x16xf32> to vector<16xf32>
      %mul3A_488 = arith.mulf %get3A_57, %get3A_487 : vector<16xf32>
      %add3A_489 = arith.addf %mul3A_481, %mul3A_488 : vector<16xf32>
      %swap3A_490 = arith.constant 2 : i32
      %swap3A_491 = arith.index_cast %scan3A_50 : i32 to index
      %swap3A_492 = arith.index_cast %swap3A_490 : i32 to index
      %swap3A_493 = arith.constant 48 : index
      %swap3A_494 = tpu.vector_load %arg14[%swap3A_491, %swap3A_492, %swap3A_493] {strides = array<i32>} : memref<32x8x128xf32, #tpu.memory_space<vmem>>, vector<1x1x16xf32>,
      %swap3A_495 = vector.shape_cast %swap3A_494 : vector<1x1x16xf32> to vector<16xf32>
      %swap3A_496 = vector.shape_cast %add3A_489 : vector<16xf32> to vector<1x1x16xf32>
      tpu.vector_store %arg14[%swap3A_491, %swap3A_492, %swap3A_493], %swap3A_496 {strides = array<i32>} : memref<32x8x128xf32, #tpu.memory_space<vmem>>, vector<1x1x16xf32>,
      %get3A_497 = arith.constant 2 : i32
      %get3A_498 = arith.index_cast %scan3A_50 : i32 to index
      %get3A_499 = arith.index_cast %get3A_497 : i32 to index
      %get3A_500 = arith.constant 64 : index
      %get3A_501 = tpu.vector_load %arg12[%get3A_498, %get3A_499, %get3A_500] {strides = array<i32>} : memref<32x8x128xf32, #tpu.memory_space<vmem>>, vector<1x1x16xf32>,
      %get3A_502 = vector.shape_cast %get3A_501 : vector<1x1x16xf32> to vector<16xf32>
      %mul3A_503 = arith.mulf %get3A_53, %get3A_502 : vector<16xf32>
      %get3A_504 = arith.constant 2 : i32
      %get3A_505 = arith.index_cast %scan3A_50 : i32 to index
      %get3A_506 = arith.index_cast %get3A_504 : i32 to index
      %get3A_507 = arith.constant 64 : index
      %get3A_508 = tpu.vector_load %arg13[%get3A_505, %get3A_506, %get3A_507] {strides = array<i32>} : memref<32x8x128xf32, #tpu.memory_space<vmem>>, vector<1x1x16xf32>,
      %get3A_509 = vector.shape_cast %get3A_508 : vector<1x1x16xf32> to vector<16xf32>
      %mul3A_510 = arith.mulf %get3A_57, %get3A_509 : vector<16xf32>
      %add3A_511 = arith.addf %mul3A_503, %mul3A_510 : vector<16xf32>
      %swap3A_512 = arith.constant 2 : i32
      %swap3A_513 = arith.index_cast %scan3A_50 : i32 to index
      %swap3A_514 = arith.index_cast %swap3A_512 : i32 to index
      %swap3A_515 = arith.constant 64 : index
      %swap3A_516 = tpu.vector_load %arg14[%swap3A_513, %swap3A_514, %swap3A_515] {strides = array<i32>} : memref<32x8x128xf32, #tpu.memory_space<vmem>>, vector<1x1x16xf32>,
      %swap3A_517 = vector.shape_cast %swap3A_516 : vector<1x1x16xf32> to vector<16xf32>
      %swap3A_518 = vector.shape_cast %add3A_511 : vector<16xf32> to vector<1x1x16xf32>
      tpu.vector_store %arg14[%swap3A_513, %swap3A_514, %swap3A_515], %swap3A_518 {strides = array<i32>} : memref<32x8x128xf32, #tpu.memory_space<vmem>>, vector<1x1x16xf32>,
      %get3A_519 = arith.constant 2 : i32
      %get3A_520 = arith.index_cast %scan3A_50 : i32 to index
      %get3A_521 = arith.index_cast %get3A_519 : i32 to index
      %get3A_522 = arith.constant 80 : index
      %get3A_523 = tpu.vector_load %arg12[%get3A_520, %get3A_521, %get3A_522] {strides = array<i32>} : memref<32x8x128xf32, #tpu.memory_space<vmem>>, vector<1x1x16xf32>,
      %get3A_524 = vector.shape_cast %get3A_523 : vector<1x1x16xf32> to vector<16xf32>
      %mul3A_525 = arith.mulf %get3A_53, %get3A_524 : vector<16xf32>
      %get3A_526 = arith.constant 2 : i32
      %get3A_527 = arith.index_cast %scan3A_50 : i32 to index
      %get3A_528 = arith.index_cast %get3A_526 : i32 to index
      %get3A_529 = arith.constant 80 : index
      %get3A_530 = tpu.vector_load %arg13[%get3A_527, %get3A_528, %get3A_529] {strides = array<i32>} : memref<32x8x128xf32, #tpu.memory_space<vmem>>, vector<1x1x16xf32>,
      %get3A_531 = vector.shape_cast %get3A_530 : vector<1x1x16xf32> to vector<16xf32>
      %mul3A_532 = arith.mulf %get3A_57, %get3A_531 : vector<16xf32>
      %add3A_533 = arith.addf %mul3A_525, %mul3A_532 : vector<16xf32>
      %swap3A_534 = arith.constant 2 : i32
      %swap3A_535 = arith.index_cast %scan3A_50 : i32 to index
      %swap3A_536 = arith.index_cast %swap3A_534 : i32 to index
      %swap3A_537 = arith.constant 80 : index
      %swap3A_538 = tpu.vector_load %arg14[%swap3A_535, %swap3A_536, %swap3A_537] {strides = array<i32>} : memref<32x8x128xf32, #tpu.memory_space<vmem>>, vector<1x1x16xf32>,
      %swap3A_539 = vector.shape_cast %swap3A_538 : vector<1x1x16xf32> to vector<16xf32>
      %swap3A_540 = vector.shape_cast %add3A_533 : vector<16xf32> to vector<1x1x16xf32>
      tpu.vector_store %arg14[%swap3A_535, %swap3A_536, %swap3A_537], %swap3A_540 {strides = array<i32>} : memref<32x8x128xf32, #tpu.memory_space<vmem>>, vector<1x1x16xf32>,
      %get3A_541 = arith.constant 2 : i32
      %get3A_542 = arith.index_cast %scan3A_50 : i32 to index
      %get3A_543 = arith.index_cast %get3A_541 : i32 to index
      %get3A_544 = arith.constant 96 : index
      %get3A_545 = tpu.vector_load %arg12[%get3A_542, %get3A_543, %get3A_544] {strides = array<i32>} : memref<32x8x128xf32, #tpu.memory_space<vmem>>, vector<1x1x16xf32>,
      %get3A_546 = vector.shape_cast %get3A_545 : vector<1x1x16xf32> to vector<16xf32>
      %mul3A_547 = arith.mulf %get3A_53, %get3A_546 : vector<16xf32>
      %get3A_548 = arith.constant 2 : i32
      %get3A_549 = arith.index_cast %scan3A_50 : i32 to index
      %get3A_550 = arith.index_cast %get3A_548 : i32 to index
      %get3A_551 = arith.constant 96 : index
      %get3A_552 = tpu.vector_load %arg13[%get3A_549, %get3A_550, %get3A_551] {strides = array<i32>} : memref<32x8x128xf32, #tpu.memory_space<vmem>>, vector<1x1x16xf32>,
      %get3A_553 = vector.shape_cast %get3A_552 : vector<1x1x16xf32> to vector<16xf32>
      %mul3A_554 = arith.mulf %get3A_57, %get3A_553 : vector<16xf32>
      %add3A_555 = arith.addf %mul3A_547, %mul3A_554 : vector<16xf32>
      %swap3A_556 = arith.constant 2 : i32
      %swap3A_557 = arith.index_cast %scan3A_50 : i32 to index
      %swap3A_558 = arith.index_cast %swap3A_556 : i32 to index
      %swap3A_559 = arith.constant 96 : index
      %swap3A_560 = tpu.vector_load %arg14[%swap3A_557, %swap3A_558, %swap3A_559] {strides = array<i32>} : memref<32x8x128xf32, #tpu.memory_space<vmem>>, vector<1x1x16xf32>,
      %swap3A_561 = vector.shape_cast %swap3A_560 : vector<1x1x16xf32> to vector<16xf32>
      %swap3A_562 = vector.shape_cast %add3A_555 : vector<16xf32> to vector<1x1x16xf32>
      tpu.vector_store %arg14[%swap3A_557, %swap3A_558, %swap3A_559], %swap3A_562 {strides = array<i32>} : memref<32x8x128xf32, #tpu.memory_space<vmem>>, vector<1x1x16xf32>,
      %get3A_563 = arith.constant 2 : i32
      %get3A_564 = arith.index_cast %scan3A_50 : i32 to index
      %get3A_565 = arith.index_cast %get3A_563 : i32 to index
      %get3A_566 = arith.constant 112 : index
      %get3A_567 = tpu.vector_load %arg12[%get3A_564, %get3A_565, %get3A_566] {strides = array<i32>} : memref<32x8x128xf32, #tpu.memory_space<vmem>>, vector<1x1x16xf32>,
      %get3A_568 = vector.shape_cast %get3A_567 : vector<1x1x16xf32> to vector<16xf32>
      %mul3A_569 = arith.mulf %get3A_53, %get3A_568 : vector<16xf32>
      %get3A_570 = arith.constant 2 : i32
      %get3A_571 = arith.index_cast %scan3A_50 : i32 to index
      %get3A_572 = arith.index_cast %get3A_570 : i32 to index
      %get3A_573 = arith.constant 112 : index
      %get3A_574 = tpu.vector_load %arg13[%get3A_571, %get3A_572, %get3A_573] {strides = array<i32>} : memref<32x8x128xf32, #tpu.memory_space<vmem>>, vector<1x1x16xf32>,
      %get3A_575 = vector.shape_cast %get3A_574 : vector<1x1x16xf32> to vector<16xf32>
      %mul3A_576 = arith.mulf %get3A_57, %get3A_575 : vector<16xf32>
      %add3A_577 = arith.addf %mul3A_569, %mul3A_576 : vector<16xf32>
      %swap3A_578 = arith.constant 2 : i32
      %swap3A_579 = arith.index_cast %scan3A_50 : i32 to index
      %swap3A_580 = arith.index_cast %swap3A_578 : i32 to index
      %swap3A_581 = arith.constant 112 : index
      %swap3A_582 = tpu.vector_load %arg14[%swap3A_579, %swap3A_580, %swap3A_581] {strides = array<i32>} : memref<32x8x128xf32, #tpu.memory_space<vmem>>, vector<1x1x16xf32>,
      %swap3A_583 = vector.shape_cast %swap3A_582 : vector<1x1x16xf32> to vector<16xf32>
      %swap3A_584 = vector.shape_cast %add3A_577 : vector<16xf32> to vector<1x1x16xf32>
      tpu.vector_store %arg14[%swap3A_579, %swap3A_580, %swap3A_581], %swap3A_584 {strides = array<i32>} : memref<32x8x128xf32, #tpu.memory_space<vmem>>, vector<1x1x16xf32>,
      %get3A_585 = arith.constant 3 : i32
      %get3A_586 = arith.index_cast %scan3A_50 : i32 to index
      %get3A_587 = arith.index_cast %get3A_585 : i32 to index
      %get3A_588 = arith.constant 0 : index
      %get3A_589 = tpu.vector_load %arg12[%get3A_586, %get3A_587, %get3A_588] {strides = array<i32>} : memref<32x8x128xf32, #tpu.memory_space<vmem>>, vector<1x1x16xf32>,
      %get3A_590 = vector.shape_cast %get3A_589 : vector<1x1x16xf32> to vector<16xf32>
      %mul3A_591 = arith.mulf %get3A_53, %get3A_590 : vector<16xf32>
      %get3A_592 = arith.constant 3 : i32
      %get3A_593 = arith.index_cast %scan3A_50 : i32 to index
      %get3A_594 = arith.index_cast %get3A_592 : i32 to index
      %get3A_595 = arith.constant 0 : index
      %get3A_596 = tpu.vector_load %arg13[%get3A_593, %get3A_594, %get3A_595] {strides = array<i32>} : memref<32x8x128xf32, #tpu.memory_space<vmem>>, vector<1x1x16xf32>,
      %get3A_597 = vector.shape_cast %get3A_596 : vector<1x1x16xf32> to vector<16xf32>
      %mul3A_598 = arith.mulf %get3A_57, %get3A_597 : vector<16xf32>
      %add3A_599 = arith.addf %mul3A_591, %mul3A_598 : vector<16xf32>
      %swap3A_600 = arith.constant 3 : i32
      %swap3A_601 = arith.index_cast %scan3A_50 : i32 to index
      %swap3A_602 = arith.index_cast %swap3A_600 : i32 to index
      %swap3A_603 = arith.constant 0 : index
      %swap3A_604 = tpu.vector_load %arg14[%swap3A_601, %swap3A_602, %swap3A_603] {strides = array<i32>} : memref<32x8x128xf32, #tpu.memory_space<vmem>>, vector<1x1x16xf32>,
      %swap3A_605 = vector.shape_cast %swap3A_604 : vector<1x1x16xf32> to vector<16xf32>
      %swap3A_606 = vector.shape_cast %add3A_599 : vector<16xf32> to vector<1x1x16xf32>
      tpu.vector_store %arg14[%swap3A_601, %swap3A_602, %swap3A_603], %swap3A_606 {strides = array<i32>} : memref<32x8x128xf32, #tpu.memory_space<vmem>>, vector<1x1x16xf32>,
      %get3A_607 = arith.constant 3 : i32
      %get3A_608 = arith.index_cast %scan3A_50 : i32 to index
      %get3A_609 = arith.index_cast %get3A_607 : i32 to index
      %get3A_610 = arith.constant 16 : index
      %get3A_611 = tpu.vector_load %arg12[%get3A_608, %get3A_609, %get3A_610] {strides = array<i32>} : memref<32x8x128xf32, #tpu.memory_space<vmem>>, vector<1x1x16xf32>,
      %get3A_612 = vector.shape_cast %get3A_611 : vector<1x1x16xf32> to vector<16xf32>
      %mul3A_613 = arith.mulf %get3A_53, %get3A_612 : vector<16xf32>
      %get3A_614 = arith.constant 3 : i32
      %get3A_615 = arith.index_cast %scan3A_50 : i32 to index
      %get3A_616 = arith.index_cast %get3A_614 : i32 to index
      %get3A_617 = arith.constant 16 : index
      %get3A_618 = tpu.vector_load %arg13[%get3A_615, %get3A_616, %get3A_617] {strides = array<i32>} : memref<32x8x128xf32, #tpu.memory_space<vmem>>, vector<1x1x16xf32>,
      %get3A_619 = vector.shape_cast %get3A_618 : vector<1x1x16xf32> to vector<16xf32>
      %mul3A_620 = arith.mulf %get3A_57, %get3A_619 : vector<16xf32>
      %add3A_621 = arith.addf %mul3A_613, %mul3A_620 : vector<16xf32>
      %swap3A_622 = arith.constant 3 : i32
      %swap3A_623 = arith.index_cast %scan3A_50 : i32 to index
      %swap3A_624 = arith.index_cast %swap3A_622 : i32 to index
      %swap3A_625 = arith.constant 16 : index
      %swap3A_626 = tpu.vector_load %arg14[%swap3A_623, %swap3A_624, %swap3A_625] {strides = array<i32>} : memref<32x8x128xf32, #tpu.memory_space<vmem>>, vector<1x1x16xf32>,
      %swap3A_627 = vector.shape_cast %swap3A_626 : vector<1x1x16xf32> to vector<16xf32>
      %swap3A_628 = vector.shape_cast %add3A_621 : vector<16xf32> to vector<1x1x16xf32>
      tpu.vector_store %arg14[%swap3A_623, %swap3A_624, %swap3A_625], %swap3A_628 {strides = array<i32>} : memref<32x8x128xf32, #tpu.memory_space<vmem>>, vector<1x1x16xf32>,
      %get3A_629 = arith.constant 3 : i32
      %get3A_630 = arith.index_cast %scan3A_50 : i32 to index
      %get3A_631 = arith.index_cast %get3A_629 : i32 to index
      %get3A_632 = arith.constant 32 : index
      %get3A_633 = tpu.vector_load %arg12[%get3A_630, %get3A_631, %get3A_632] {strides = array<i32>} : memref<32x8x128xf32, #tpu.memory_space<vmem>>, vector<1x1x16xf32>,
      %get3A_634 = vector.shape_cast %get3A_633 : vector<1x1x16xf32> to vector<16xf32>
      %mul3A_635 = arith.mulf %get3A_53, %get3A_634 : vector<16xf32>
      %get3A_636 = arith.constant 3 : i32
      %get3A_637 = arith.index_cast %scan3A_50 : i32 to index
      %get3A_638 = arith.index_cast %get3A_636 : i32 to index
      %get3A_639 = arith.constant 32 : index
      %get3A_640 = tpu.vector_load %arg13[%get3A_637, %get3A_638, %get3A_639] {strides = array<i32>} : memref<32x8x128xf32, #tpu.memory_space<vmem>>, vector<1x1x16xf32>,
      %get3A_641 = vector.shape_cast %get3A_640 : vector<1x1x16xf32> to vector<16xf32>
      %mul3A_642 = arith.mulf %get3A_57, %get3A_641 : vector<16xf32>
      %add3A_643 = arith.addf %mul3A_635, %mul3A_642 : vector<16xf32>
      %swap3A_644 = arith.constant 3 : i32
      %swap3A_645 = arith.index_cast %scan3A_50 : i32 to index
      %swap3A_646 = arith.index_cast %swap3A_644 : i32 to index
      %swap3A_647 = arith.constant 32 : index
      %swap3A_648 = tpu.vector_load %arg14[%swap3A_645, %swap3A_646, %swap3A_647] {strides = array<i32>} : memref<32x8x128xf32, #tpu.memory_space<vmem>>, vector<1x1x16xf32>,
      %swap3A_649 = vector.shape_cast %swap3A_648 : vector<1x1x16xf32> to vector<16xf32>
      %swap3A_650 = vector.shape_cast %add3A_643 : vector<16xf32> to vector<1x1x16xf32>
      tpu.vector_store %arg14[%swap3A_645, %swap3A_646, %swap3A_647], %swap3A_650 {strides = array<i32>} : memref<32x8x128xf32, #tpu.memory_space<vmem>>, vector<1x1x16xf32>,
      %get3A_651 = arith.constant 3 : i32
      %get3A_652 = arith.index_cast %scan3A_50 : i32 to index
      %get3A_653 = arith.index_cast %get3A_651 : i32 to index
      %get3A_654 = arith.constant 48 : index
      %get3A_655 = tpu.vector_load %arg12[%get3A_652, %get3A_653, %get3A_654] {strides = array<i32>} : memref<32x8x128xf32, #tpu.memory_space<vmem>>, vector<1x1x16xf32>,
      %get3A_656 = vector.shape_cast %get3A_655 : vector<1x1x16xf32> to vector<16xf32>
      %mul3A_657 = arith.mulf %get3A_53, %get3A_656 : vector<16xf32>
      %get3A_658 = arith.constant 3 : i32
      %get3A_659 = arith.index_cast %scan3A_50 : i32 to index
      %get3A_660 = arith.index_cast %get3A_658 : i32 to index
      %get3A_661 = arith.constant 48 : index
      %get3A_662 = tpu.vector_load %arg13[%get3A_659, %get3A_660, %get3A_661] {strides = array<i32>} : memref<32x8x128xf32, #tpu.memory_space<vmem>>, vector<1x1x16xf32>,
      %get3A_663 = vector.shape_cast %get3A_662 : vector<1x1x16xf32> to vector<16xf32>
      %mul3A_664 = arith.mulf %get3A_57, %get3A_663 : vector<16xf32>
      %add3A_665 = arith.addf %mul3A_657, %mul3A_664 : vector<16xf32>
      %swap3A_666 = arith.constant 3 : i32
      %swap3A_667 = arith.index_cast %scan3A_50 : i32 to index
      %swap3A_668 = arith.index_cast %swap3A_666 : i32 to index
      %swap3A_669 = arith.constant 48 : index
      %swap3A_670 = tpu.vector_load %arg14[%swap3A_667, %swap3A_668, %swap3A_669] {strides = array<i32>} : memref<32x8x128xf32, #tpu.memory_space<vmem>>, vector<1x1x16xf32>,
      %swap3A_671 = vector.shape_cast %swap3A_670 : vector<1x1x16xf32> to vector<16xf32>
      %swap3A_672 = vector.shape_cast %add3A_665 : vector<16xf32> to vector<1x1x16xf32>
      tpu.vector_store %arg14[%swap3A_667, %swap3A_668, %swap3A_669], %swap3A_672 {strides = array<i32>} : memref<32x8x128xf32, #tpu.memory_space<vmem>>, vector<1x1x16xf32>,
      %get3A_673 = arith.constant 3 : i32
      %get3A_674 = arith.index_cast %scan3A_50 : i32 to index
      %get3A_675 = arith.index_cast %get3A_673 : i32 to index
      %get3A_676 = arith.constant 64 : index
      %get3A_677 = tpu.vector_load %arg12[%get3A_674, %get3A_675, %get3A_676] {strides = array<i32>} : memref<32x8x128xf32, #tpu.memory_space<vmem>>, vector<1x1x16xf32>,
      %get3A_678 = vector.shape_cast %get3A_677 : vector<1x1x16xf32> to vector<16xf32>
      %mul3A_679 = arith.mulf %get3A_53, %get3A_678 : vector<16xf32>
      %get3A_680 = arith.constant 3 : i32
      %get3A_681 = arith.index_cast %scan3A_50 : i32 to index
      %get3A_682 = arith.index_cast %get3A_680 : i32 to index
      %get3A_683 = arith.constant 64 : index
      %get3A_684 = tpu.vector_load %arg13[%get3A_681, %get3A_682, %get3A_683] {strides = array<i32>} : memref<32x8x128xf32, #tpu.memory_space<vmem>>, vector<1x1x16xf32>,
      %get3A_685 = vector.shape_cast %get3A_684 : vector<1x1x16xf32> to vector<16xf32>
      %mul3A_686 = arith.mulf %get3A_57, %get3A_685 : vector<16xf32>
      %add3A_687 = arith.addf %mul3A_679, %mul3A_686 : vector<16xf32>
      %swap3A_688 = arith.constant 3 : i32
      %swap3A_689 = arith.index_cast %scan3A_50 : i32 to index
      %swap3A_690 = arith.index_cast %swap3A_688 : i32 to index
      %swap3A_691 = arith.constant 64 : index
      %swap3A_692 = tpu.vector_load %arg14[%swap3A_689, %swap3A_690, %swap3A_691] {strides = array<i32>} : memref<32x8x128xf32, #tpu.memory_space<vmem>>, vector<1x1x16xf32>,
      %swap3A_693 = vector.shape_cast %swap3A_692 : vector<1x1x16xf32> to vector<16xf32>
      %swap3A_694 = vector.shape_cast %add3A_687 : vector<16xf32> to vector<1x1x16xf32>
      tpu.vector_store %arg14[%swap3A_689, %swap3A_690, %swap3A_691], %swap3A_694 {strides = array<i32>} : memref<32x8x128xf32, #tpu.memory_space<vmem>>, vector<1x1x16xf32>,
      %get3A_695 = arith.constant 3 : i32
      %get3A_696 = arith.index_cast %scan3A_50 : i32 to index
      %get3A_697 = arith.index_cast %get3A_695 : i32 to index
      %get3A_698 = arith.constant 80 : index
      %get3A_699 = tpu.vector_load %arg12[%get3A_696, %get3A_697, %get3A_698] {strides = array<i32>} : memref<32x8x128xf32, #tpu.memory_space<vmem>>, vector<1x1x16xf32>,
      %get3A_700 = vector.shape_cast %get3A_699 : vector<1x1x16xf32> to vector<16xf32>
      %mul3A_701 = arith.mulf %get3A_53, %get3A_700 : vector<16xf32>
      %get3A_702 = arith.constant 3 : i32
      %get3A_703 = arith.index_cast %scan3A_50 : i32 to index
      %get3A_704 = arith.index_cast %get3A_702 : i32 to index
      %get3A_705 = arith.constant 80 : index
      %get3A_706 = tpu.vector_load %arg13[%get3A_703, %get3A_704, %get3A_705] {strides = array<i32>} : memref<32x8x128xf32, #tpu.memory_space<vmem>>, vector<1x1x16xf32>,
      %get3A_707 = vector.shape_cast %get3A_706 : vector<1x1x16xf32> to vector<16xf32>
      %mul3A_708 = arith.mulf %get3A_57, %get3A_707 : vector<16xf32>
      %add3A_709 = arith.addf %mul3A_701, %mul3A_708 : vector<16xf32>
      %swap3A_710 = arith.constant 3 : i32
      %swap3A_711 = arith.index_cast %scan3A_50 : i32 to index
      %swap3A_712 = arith.index_cast %swap3A_710 : i32 to index
      %swap3A_713 = arith.constant 80 : index
      %swap3A_714 = tpu.vector_load %arg14[%swap3A_711, %swap3A_712, %swap3A_713] {strides = array<i32>} : memref<32x8x128xf32, #tpu.memory_space<vmem>>, vector<1x1x16xf32>,
      %swap3A_715 = vector.shape_cast %swap3A_714 : vector<1x1x16xf32> to vector<16xf32>
      %swap3A_716 = vector.shape_cast %add3A_709 : vector<16xf32> to vector<1x1x16xf32>
      tpu.vector_store %arg14[%swap3A_711, %swap3A_712, %swap3A_713], %swap3A_716 {strides = array<i32>} : memref<32x8x128xf32, #tpu.memory_space<vmem>>, vector<1x1x16xf32>,
      %get3A_717 = arith.constant 3 : i32
      %get3A_718 = arith.index_cast %scan3A_50 : i32 to index
      %get3A_719 = arith.index_cast %get3A_717 : i32 to index
      %get3A_720 = arith.constant 96 : index
      %get3A_721 = tpu.vector_load %arg12[%get3A_718, %get3A_719, %get3A_720] {strides = array<i32>} : memref<32x8x128xf32, #tpu.memory_space<vmem>>, vector<1x1x16xf32>,
      %get3A_722 = vector.shape_cast %get3A_721 : vector<1x1x16xf32> to vector<16xf32>
      %mul3A_723 = arith.mulf %get3A_53, %get3A_722 : vector<16xf32>
      %get3A_724 = arith.constant 3 : i32
      %get3A_725 = arith.index_cast %scan3A_50 : i32 to index
      %get3A_726 = arith.index_cast %get3A_724 : i32 to index
      %get3A_727 = arith.constant 96 : index
      %get3A_728 = tpu.vector_load %arg13[%get3A_725, %get3A_726, %get3A_727] {strides = array<i32>} : memref<32x8x128xf32, #tpu.memory_space<vmem>>, vector<1x1x16xf32>,
      %get3A_729 = vector.shape_cast %get3A_728 : vector<1x1x16xf32> to vector<16xf32>
      %mul3A_730 = arith.mulf %get3A_57, %get3A_729 : vector<16xf32>
      %add3A_731 = arith.addf %mul3A_723, %mul3A_730 : vector<16xf32>
      %swap3A_732 = arith.constant 3 : i32
      %swap3A_733 = arith.index_cast %scan3A_50 : i32 to index
      %swap3A_734 = arith.index_cast %swap3A_732 : i32 to index
      %swap3A_735 = arith.constant 96 : index
      %swap3A_736 = tpu.vector_load %arg14[%swap3A_733, %swap3A_734, %swap3A_735] {strides = array<i32>} : memref<32x8x128xf32, #tpu.memory_space<vmem>>, vector<1x1x16xf32>,
      %swap3A_737 = vector.shape_cast %swap3A_736 : vector<1x1x16xf32> to vector<16xf32>
      %swap3A_738 = vector.shape_cast %add3A_731 : vector<16xf32> to vector<1x1x16xf32>
      tpu.vector_store %arg14[%swap3A_733, %swap3A_734, %swap3A_735], %swap3A_738 {strides = array<i32>} : memref<32x8x128xf32, #tpu.memory_space<vmem>>, vector<1x1x16xf32>,
      %get3A_739 = arith.constant 3 : i32
      %get3A_740 = arith.index_cast %scan3A_50 : i32 to index
      %get3A_741 = arith.index_cast %get3A_739 : i32 to index
      %get3A_742 = arith.constant 112 : index
      %get3A_743 = tpu.vector_load %arg12[%get3A_740, %get3A_741, %get3A_742] {strides = array<i32>} : memref<32x8x128xf32, #tpu.memory_space<vmem>>, vector<1x1x16xf32>,
      %get3A_744 = vector.shape_cast %get3A_743 : vector<1x1x16xf32> to vector<16xf32>
      %mul3A_745 = arith.mulf %get3A_53, %get3A_744 : vector<16xf32>
      %get3A_746 = arith.constant 3 : i32
      %get3A_747 = arith.index_cast %scan3A_50 : i32 to index
      %get3A_748 = arith.index_cast %get3A_746 : i32 to index
      %get3A_749 = arith.constant 112 : index
      %get3A_750 = tpu.vector_load %arg13[%get3A_747, %get3A_748, %get3A_749] {strides = array<i32>} : memref<32x8x128xf32, #tpu.memory_space<vmem>>, vector<1x1x16xf32>,
      %get3A_751 = vector.shape_cast %get3A_750 : vector<1x1x16xf32> to vector<16xf32>
      %mul3A_752 = arith.mulf %get3A_57, %get3A_751 : vector<16xf32>
      %add3A_753 = arith.addf %mul3A_745, %mul3A_752 : vector<16xf32>
      %swap3A_754 = arith.constant 3 : i32
      %swap3A_755 = arith.index_cast %scan3A_50 : i32 to index
      %swap3A_756 = arith.index_cast %swap3A_754 : i32 to index
      %swap3A_757 = arith.constant 112 : index
      %swap3A_758 = tpu.vector_load %arg14[%swap3A_755, %swap3A_756, %swap3A_757] {strides = array<i32>} : memref<32x8x128xf32, #tpu.memory_space<vmem>>, vector<1x1x16xf32>,
      %swap3A_759 = vector.shape_cast %swap3A_758 : vector<1x1x16xf32> to vector<16xf32>
      %swap3A_760 = vector.shape_cast %add3A_753 : vector<16xf32> to vector<1x1x16xf32>
      tpu.vector_store %arg14[%swap3A_755, %swap3A_756, %swap3A_757], %swap3A_760 {strides = array<i32>} : memref<32x8x128xf32, #tpu.memory_space<vmem>>, vector<1x1x16xf32>,
      %get3A_761 = arith.constant 4 : i32
      %get3A_762 = arith.index_cast %scan3A_50 : i32 to index
      %get3A_763 = arith.index_cast %get3A_761 : i32 to index
      %get3A_764 = arith.constant 0 : index
      %get3A_765 = tpu.vector_load %arg12[%get3A_762, %get3A_763, %get3A_764] {strides = array<i32>} : memref<32x8x128xf32, #tpu.memory_space<vmem>>, vector<1x1x16xf32>,
      %get3A_766 = vector.shape_cast %get3A_765 : vector<1x1x16xf32> to vector<16xf32>
      %mul3A_767 = arith.mulf %get3A_53, %get3A_766 : vector<16xf32>
      %get3A_768 = arith.constant 4 : i32
      %get3A_769 = arith.index_cast %scan3A_50 : i32 to index
      %get3A_770 = arith.index_cast %get3A_768 : i32 to index
      %get3A_771 = arith.constant 0 : index
      %get3A_772 = tpu.vector_load %arg13[%get3A_769, %get3A_770, %get3A_771] {strides = array<i32>} : memref<32x8x128xf32, #tpu.memory_space<vmem>>, vector<1x1x16xf32>,
      %get3A_773 = vector.shape_cast %get3A_772 : vector<1x1x16xf32> to vector<16xf32>
      %mul3A_774 = arith.mulf %get3A_57, %get3A_773 : vector<16xf32>
      %add3A_775 = arith.addf %mul3A_767, %mul3A_774 : vector<16xf32>
      %swap3A_776 = arith.constant 4 : i32
      %swap3A_777 = arith.index_cast %scan3A_50 : i32 to index
      %swap3A_778 = arith.index_cast %swap3A_776 : i32 to index
      %swap3A_779 = arith.constant 0 : index
      %swap3A_780 = tpu.vector_load %arg14[%swap3A_777, %swap3A_778, %swap3A_779] {strides = array<i32>} : memref<32x8x128xf32, #tpu.memory_space<vmem>>, vector<1x1x16xf32>,
      %swap3A_781 = vector.shape_cast %swap3A_780 : vector<1x1x16xf32> to vector<16xf32>
      %swap3A_782 = vector.shape_cast %add3A_775 : vector<16xf32> to vector<1x1x16xf32>
      tpu.vector_store %arg14[%swap3A_777, %swap3A_778, %swap3A_779], %swap3A_782 {strides = array<i32>} : memref<32x8x128xf32, #tpu.memory_space<vmem>>, vector<1x1x16xf32>,
      %get3A_783 = arith.constant 4 : i32
      %get3A_784 = arith.index_cast %scan3A_50 : i32 to index
      %get3A_785 = arith.index_cast %get3A_783 : i32 to index
      %get3A_786 = arith.constant 16 : index
      %get3A_787 = tpu.vector_load %arg12[%get3A_784, %get3A_785, %get3A_786] {strides = array<i32>} : memref<32x8x128xf32, #tpu.memory_space<vmem>>, vector<1x1x16xf32>,
      %get3A_788 = vector.shape_cast %get3A_787 : vector<1x1x16xf32> to vector<16xf32>
      %mul3A_789 = arith.mulf %get3A_53, %get3A_788 : vector<16xf32>
      %get3A_790 = arith.constant 4 : i32
      %get3A_791 = arith.index_cast %scan3A_50 : i32 to index
      %get3A_792 = arith.index_cast %get3A_790 : i32 to index
      %get3A_793 = arith.constant 16 : index
      %get3A_794 = tpu.vector_load %arg13[%get3A_791, %get3A_792, %get3A_793] {strides = array<i32>} : memref<32x8x128xf32, #tpu.memory_space<vmem>>, vector<1x1x16xf32>,
      %get3A_795 = vector.shape_cast %get3A_794 : vector<1x1x16xf32> to vector<16xf32>
      %mul3A_796 = arith.mulf %get3A_57, %get3A_795 : vector<16xf32>
      %add3A_797 = arith.addf %mul3A_789, %mul3A_796 : vector<16xf32>
      %swap3A_798 = arith.constant 4 : i32
      %swap3A_799 = arith.index_cast %scan3A_50 : i32 to index
      %swap3A_800 = arith.index_cast %swap3A_798 : i32 to index
      %swap3A_801 = arith.constant 16 : index
      %swap3A_802 = tpu.vector_load %arg14[%swap3A_799, %swap3A_800, %swap3A_801] {strides = array<i32>} : memref<32x8x128xf32, #tpu.memory_space<vmem>>, vector<1x1x16xf32>,
      %swap3A_803 = vector.shape_cast %swap3A_802 : vector<1x1x16xf32> to vector<16xf32>
      %swap3A_804 = vector.shape_cast %add3A_797 : vector<16xf32> to vector<1x1x16xf32>
      tpu.vector_store %arg14[%swap3A_799, %swap3A_800, %swap3A_801], %swap3A_804 {strides = array<i32>} : memref<32x8x128xf32, #tpu.memory_space<vmem>>, vector<1x1x16xf32>,
      %get3A_805 = arith.constant 4 : i32
      %get3A_806 = arith.index_cast %scan3A_50 : i32 to index
      %get3A_807 = arith.index_cast %get3A_805 : i32 to index
      %get3A_808 = arith.constant 32 : index
      %get3A_809 = tpu.vector_load %arg12[%get3A_806, %get3A_807, %get3A_808] {strides = array<i32>} : memref<32x8x128xf32, #tpu.memory_space<vmem>>, vector<1x1x16xf32>,
      %get3A_810 = vector.shape_cast %get3A_809 : vector<1x1x16xf32> to vector<16xf32>
      %mul3A_811 = arith.mulf %get3A_53, %get3A_810 : vector<16xf32>
      %get3A_812 = arith.constant 4 : i32
      %get3A_813 = arith.index_cast %scan3A_50 : i32 to index
      %get3A_814 = arith.index_cast %get3A_812 : i32 to index
      %get3A_815 = arith.constant 32 : index
      %get3A_816 = tpu.vector_load %arg13[%get3A_813, %get3A_814, %get3A_815] {strides = array<i32>} : memref<32x8x128xf32, #tpu.memory_space<vmem>>, vector<1x1x16xf32>,
      %get3A_817 = vector.shape_cast %get3A_816 : vector<1x1x16xf32> to vector<16xf32>
      %mul3A_818 = arith.mulf %get3A_57, %get3A_817 : vector<16xf32>
      %add3A_819 = arith.addf %mul3A_811, %mul3A_818 : vector<16xf32>
      %swap3A_820 = arith.constant 4 : i32
      %swap3A_821 = arith.index_cast %scan3A_50 : i32 to index
      %swap3A_822 = arith.index_cast %swap3A_820 : i32 to index
      %swap3A_823 = arith.constant 32 : index
      %swap3A_824 = tpu.vector_load %arg14[%swap3A_821, %swap3A_822, %swap3A_823] {strides = array<i32>} : memref<32x8x128xf32, #tpu.memory_space<vmem>>, vector<1x1x16xf32>,
      %swap3A_825 = vector.shape_cast %swap3A_824 : vector<1x1x16xf32> to vector<16xf32>
      %swap3A_826 = vector.shape_cast %add3A_819 : vector<16xf32> to vector<1x1x16xf32>
      tpu.vector_store %arg14[%swap3A_821, %swap3A_822, %swap3A_823], %swap3A_826 {strides = array<i32>} : memref<32x8x128xf32, #tpu.memory_space<vmem>>, vector<1x1x16xf32>,
      %get3A_827 = arith.constant 4 : i32
      %get3A_828 = arith.index_cast %scan3A_50 : i32 to index
      %get3A_829 = arith.index_cast %get3A_827 : i32 to index
      %get3A_830 = arith.constant 48 : index
      %get3A_831 = tpu.vector_load %arg12[%get3A_828, %get3A_829, %get3A_830] {strides = array<i32>} : memref<32x8x128xf32, #tpu.memory_space<vmem>>, vector<1x1x16xf32>,
      %get3A_832 = vector.shape_cast %get3A_831 : vector<1x1x16xf32> to vector<16xf32>
      %mul3A_833 = arith.mulf %get3A_53, %get3A_832 : vector<16xf32>
      %get3A_834 = arith.constant 4 : i32
      %get3A_835 = arith.index_cast %scan3A_50 : i32 to index
      %get3A_836 = arith.index_cast %get3A_834 : i32 to index
      %get3A_837 = arith.constant 48 : index
      %get3A_838 = tpu.vector_load %arg13[%get3A_835, %get3A_836, %get3A_837] {strides = array<i32>} : memref<32x8x128xf32, #tpu.memory_space<vmem>>, vector<1x1x16xf32>,
      %get3A_839 = vector.shape_cast %get3A_838 : vector<1x1x16xf32> to vector<16xf32>
      %mul3A_840 = arith.mulf %get3A_57, %get3A_839 : vector<16xf32>
      %add3A_841 = arith.addf %mul3A_833, %mul3A_840 : vector<16xf32>
      %swap3A_842 = arith.constant 4 : i32
      %swap3A_843 = arith.index_cast %scan3A_50 : i32 to index
      %swap3A_844 = arith.index_cast %swap3A_842 : i32 to index
      %swap3A_845 = arith.constant 48 : index
      %swap3A_846 = tpu.vector_load %arg14[%swap3A_843, %swap3A_844, %swap3A_845] {strides = array<i32>} : memref<32x8x128xf32, #tpu.memory_space<vmem>>, vector<1x1x16xf32>,
      %swap3A_847 = vector.shape_cast %swap3A_846 : vector<1x1x16xf32> to vector<16xf32>
      %swap3A_848 = vector.shape_cast %add3A_841 : vector<16xf32> to vector<1x1x16xf32>
      tpu.vector_store %arg14[%swap3A_843, %swap3A_844, %swap3A_845], %swap3A_848 {strides = array<i32>} : memref<32x8x128xf32, #tpu.memory_space<vmem>>, vector<1x1x16xf32>,
      %get3A_849 = arith.constant 4 : i32
      %get3A_850 = arith.index_cast %scan3A_50 : i32 to index
      %get3A_851 = arith.index_cast %get3A_849 : i32 to index
      %get3A_852 = arith.constant 64 : index
      %get3A_853 = tpu.vector_load %arg12[%get3A_850, %get3A_851, %get3A_852] {strides = array<i32>} : memref<32x8x128xf32, #tpu.memory_space<vmem>>, vector<1x1x16xf32>,
      %get3A_854 = vector.shape_cast %get3A_853 : vector<1x1x16xf32> to vector<16xf32>
      %mul3A_855 = arith.mulf %get3A_53, %get3A_854 : vector<16xf32>
      %get3A_856 = arith.constant 4 : i32
      %get3A_857 = arith.index_cast %scan3A_50 : i32 to index
      %get3A_858 = arith.index_cast %get3A_856 : i32 to index
      %get3A_859 = arith.constant 64 : index
      %get3A_860 = tpu.vector_load %arg13[%get3A_857, %get3A_858, %get3A_859] {strides = array<i32>} : memref<32x8x128xf32, #tpu.memory_space<vmem>>, vector<1x1x16xf32>,
      %get3A_861 = vector.shape_cast %get3A_860 : vector<1x1x16xf32> to vector<16xf32>
      %mul3A_862 = arith.mulf %get3A_57, %get3A_861 : vector<16xf32>
      %add3A_863 = arith.addf %mul3A_855, %mul3A_862 : vector<16xf32>
      %swap3A_864 = arith.constant 4 : i32
      %swap3A_865 = arith.index_cast %scan3A_50 : i32 to index
      %swap3A_866 = arith.index_cast %swap3A_864 : i32 to index
      %swap3A_867 = arith.constant 64 : index
      %swap3A_868 = tpu.vector_load %arg14[%swap3A_865, %swap3A_866, %swap3A_867] {strides = array<i32>} : memref<32x8x128xf32, #tpu.memory_space<vmem>>, vector<1x1x16xf32>,
      %swap3A_869 = vector.shape_cast %swap3A_868 : vector<1x1x16xf32> to vector<16xf32>
      %swap3A_870 = vector.shape_cast %add3A_863 : vector<16xf32> to vector<1x1x16xf32>
      tpu.vector_store %arg14[%swap3A_865, %swap3A_866, %swap3A_867], %swap3A_870 {strides = array<i32>} : memref<32x8x128xf32, #tpu.memory_space<vmem>>, vector<1x1x16xf32>,
      %get3A_871 = arith.constant 4 : i32
      %get3A_872 = arith.index_cast %scan3A_50 : i32 to index
      %get3A_873 = arith.index_cast %get3A_871 : i32 to index
      %get3A_874 = arith.constant 80 : index
      %get3A_875 = tpu.vector_load %arg12[%get3A_872, %get3A_873, %get3A_874] {strides = array<i32>} : memref<32x8x128xf32, #tpu.memory_space<vmem>>, vector<1x1x16xf32>,
      %get3A_876 = vector.shape_cast %get3A_875 : vector<1x1x16xf32> to vector<16xf32>
      %mul3A_877 = arith.mulf %get3A_53, %get3A_876 : vector<16xf32>
      %get3A_878 = arith.constant 4 : i32
      %get3A_879 = arith.index_cast %scan3A_50 : i32 to index
      %get3A_880 = arith.index_cast %get3A_878 : i32 to index
      %get3A_881 = arith.constant 80 : index
      %get3A_882 = tpu.vector_load %arg13[%get3A_879, %get3A_880, %get3A_881] {strides = array<i32>} : memref<32x8x128xf32, #tpu.memory_space<vmem>>, vector<1x1x16xf32>,
      %get3A_883 = vector.shape_cast %get3A_882 : vector<1x1x16xf32> to vector<16xf32>
      %mul3A_884 = arith.mulf %get3A_57, %get3A_883 : vector<16xf32>
      %add3A_885 = arith.addf %mul3A_877, %mul3A_884 : vector<16xf32>
      %swap3A_886 = arith.constant 4 : i32
      %swap3A_887 = arith.index_cast %scan3A_50 : i32 to index
      %swap3A_888 = arith.index_cast %swap3A_886 : i32 to index
      %swap3A_889 = arith.constant 80 : index
      %swap3A_890 = tpu.vector_load %arg14[%swap3A_887, %swap3A_888, %swap3A_889] {strides = array<i32>} : memref<32x8x128xf32, #tpu.memory_space<vmem>>, vector<1x1x16xf32>,
      %swap3A_891 = vector.shape_cast %swap3A_890 : vector<1x1x16xf32> to vector<16xf32>
      %swap3A_892 = vector.shape_cast %add3A_885 : vector<16xf32> to vector<1x1x16xf32>
      tpu.vector_store %arg14[%swap3A_887, %swap3A_888, %swap3A_889], %swap3A_892 {strides = array<i32>} : memref<32x8x128xf32, #tpu.memory_space<vmem>>, vector<1x1x16xf32>,
      %get3A_893 = arith.constant 4 : i32
      %get3A_894 = arith.index_cast %scan3A_50 : i32 to index
      %get3A_895 = arith.index_cast %get3A_893 : i32 to index
      %get3A_896 = arith.constant 96 : index
      %get3A_897 = tpu.vector_load %arg12[%get3A_894, %get3A_895, %get3A_896] {strides = array<i32>} : memref<32x8x128xf32, #tpu.memory_space<vmem>>, vector<1x1x16xf32>,
      %get3A_898 = vector.shape_cast %get3A_897 : vector<1x1x16xf32> to vector<16xf32>
      %mul3A_899 = arith.mulf %get3A_53, %get3A_898 : vector<16xf32>
      %get3A_900 = arith.constant 4 : i32
      %get3A_901 = arith.index_cast %scan3A_50 : i32 to index
      %get3A_902 = arith.index_cast %get3A_900 : i32 to index
      %get3A_903 = arith.constant 96 : index
      %get3A_904 = tpu.vector_load %arg13[%get3A_901, %get3A_902, %get3A_903] {strides = array<i32>} : memref<32x8x128xf32, #tpu.memory_space<vmem>>, vector<1x1x16xf32>,
      %get3A_905 = vector.shape_cast %get3A_904 : vector<1x1x16xf32> to vector<16xf32>
      %mul3A_906 = arith.mulf %get3A_57, %get3A_905 : vector<16xf32>
      %add3A_907 = arith.addf %mul3A_899, %mul3A_906 : vector<16xf32>
      %swap3A_908 = arith.constant 4 : i32
      %swap3A_909 = arith.index_cast %scan3A_50 : i32 to index
      %swap3A_910 = arith.index_cast %swap3A_908 : i32 to index
      %swap3A_911 = arith.constant 96 : index
      %swap3A_912 = tpu.vector_load %arg14[%swap3A_909, %swap3A_910, %swap3A_911] {strides = array<i32>} : memref<32x8x128xf32, #tpu.memory_space<vmem>>, vector<1x1x16xf32>,
      %swap3A_913 = vector.shape_cast %swap3A_912 : vector<1x1x16xf32> to vector<16xf32>
      %swap3A_914 = vector.shape_cast %add3A_907 : vector<16xf32> to vector<1x1x16xf32>
      tpu.vector_store %arg14[%swap3A_909, %swap3A_910, %swap3A_911], %swap3A_914 {strides = array<i32>} : memref<32x8x128xf32, #tpu.memory_space<vmem>>, vector<1x1x16xf32>,
      %get3A_915 = arith.constant 4 : i32
      %get3A_916 = arith.index_cast %scan3A_50 : i32 to index
      %get3A_917 = arith.index_cast %get3A_915 : i32 to index
      %get3A_918 = arith.constant 112 : index
      %get3A_919 = tpu.vector_load %arg12[%get3A_916, %get3A_917, %get3A_918] {strides = array<i32>} : memref<32x8x128xf32, #tpu.memory_space<vmem>>, vector<1x1x16xf32>,
      %get3A_920 = vector.shape_cast %get3A_919 : vector<1x1x16xf32> to vector<16xf32>
      %mul3A_921 = arith.mulf %get3A_53, %get3A_920 : vector<16xf32>
      %get3A_922 = arith.constant 4 : i32
      %get3A_923 = arith.index_cast %scan3A_50 : i32 to index
      %get3A_924 = arith.index_cast %get3A_922 : i32 to index
      %get3A_925 = arith.constant 112 : index
      %get3A_926 = tpu.vector_load %arg13[%get3A_923, %get3A_924, %get3A_925] {strides = array<i32>} : memref<32x8x128xf32, #tpu.memory_space<vmem>>, vector<1x1x16xf32>,
      %get3A_927 = vector.shape_cast %get3A_926 : vector<1x1x16xf32> to vector<16xf32>
      %mul3A_928 = arith.mulf %get3A_57, %get3A_927 : vector<16xf32>
      %add3A_929 = arith.addf %mul3A_921, %mul3A_928 : vector<16xf32>
      %swap3A_930 = arith.constant 4 : i32
      %swap3A_931 = arith.index_cast %scan3A_50 : i32 to index
      %swap3A_932 = arith.index_cast %swap3A_930 : i32 to index
      %swap3A_933 = arith.constant 112 : index
      %swap3A_934 = tpu.vector_load %arg14[%swap3A_931, %swap3A_932, %swap3A_933] {strides = array<i32>} : memref<32x8x128xf32, #tpu.memory_space<vmem>>, vector<1x1x16xf32>,
      %swap3A_935 = vector.shape_cast %swap3A_934 : vector<1x1x16xf32> to vector<16xf32>
      %swap3A_936 = vector.shape_cast %add3A_929 : vector<16xf32> to vector<1x1x16xf32>
      tpu.vector_store %arg14[%swap3A_931, %swap3A_932, %swap3A_933], %swap3A_936 {strides = array<i32>} : memref<32x8x128xf32, #tpu.memory_space<vmem>>, vector<1x1x16xf32>,
      %get3A_937 = arith.constant 5 : i32
      %get3A_938 = arith.index_cast %scan3A_50 : i32 to index
      %get3A_939 = arith.index_cast %get3A_937 : i32 to index
      %get3A_940 = arith.constant 0 : index
      %get3A_941 = tpu.vector_load %arg12[%get3A_938, %get3A_939, %get3A_940] {strides = array<i32>} : memref<32x8x128xf32, #tpu.memory_space<vmem>>, vector<1x1x16xf32>,
      %get3A_942 = vector.shape_cast %get3A_941 : vector<1x1x16xf32> to vector<16xf32>
      %mul3A_943 = arith.mulf %get3A_53, %get3A_942 : vector<16xf32>
      %get3A_944 = arith.constant 5 : i32
      %get3A_945 = arith.index_cast %scan3A_50 : i32 to index
      %get3A_946 = arith.index_cast %get3A_944 : i32 to index
      %get3A_947 = arith.constant 0 : index
      %get3A_948 = tpu.vector_load %arg13[%get3A_945, %get3A_946, %get3A_947] {strides = array<i32>} : memref<32x8x128xf32, #tpu.memory_space<vmem>>, vector<1x1x16xf32>,
      %get3A_949 = vector.shape_cast %get3A_948 : vector<1x1x16xf32> to vector<16xf32>
      %mul3A_950 = arith.mulf %get3A_57, %get3A_949 : vector<16xf32>
      %add3A_951 = arith.addf %mul3A_943, %mul3A_950 : vector<16xf32>
      %swap3A_952 = arith.constant 5 : i32
      %swap3A_953 = arith.index_cast %scan3A_50 : i32 to index
      %swap3A_954 = arith.index_cast %swap3A_952 : i32 to index
      %swap3A_955 = arith.constant 0 : index
      %swap3A_956 = tpu.vector_load %arg14[%swap3A_953, %swap3A_954, %swap3A_955] {strides = array<i32>} : memref<32x8x128xf32, #tpu.memory_space<vmem>>, vector<1x1x16xf32>,
      %swap3A_957 = vector.shape_cast %swap3A_956 : vector<1x1x16xf32> to vector<16xf32>
      %swap3A_958 = vector.shape_cast %add3A_951 : vector<16xf32> to vector<1x1x16xf32>
      tpu.vector_store %arg14[%swap3A_953, %swap3A_954, %swap3A_955], %swap3A_958 {strides = array<i32>} : memref<32x8x128xf32, #tpu.memory_space<vmem>>, vector<1x1x16xf32>,
      %get3A_959 = arith.constant 5 : i32
      %get3A_960 = arith.index_cast %scan3A_50 : i32 to index
      %get3A_961 = arith.index_cast %get3A_959 : i32 to index
      %get3A_962 = arith.constant 16 : index
      %get3A_963 = tpu.vector_load %arg12[%get3A_960, %get3A_961, %get3A_962] {strides = array<i32>} : memref<32x8x128xf32, #tpu.memory_space<vmem>>, vector<1x1x16xf32>,
      %get3A_964 = vector.shape_cast %get3A_963 : vector<1x1x16xf32> to vector<16xf32>
      %mul3A_965 = arith.mulf %get3A_53, %get3A_964 : vector<16xf32>
      %get3A_966 = arith.constant 5 : i32
      %get3A_967 = arith.index_cast %scan3A_50 : i32 to index
      %get3A_968 = arith.index_cast %get3A_966 : i32 to index
      %get3A_969 = arith.constant 16 : index
      %get3A_970 = tpu.vector_load %arg13[%get3A_967, %get3A_968, %get3A_969] {strides = array<i32>} : memref<32x8x128xf32, #tpu.memory_space<vmem>>, vector<1x1x16xf32>,
      %get3A_971 = vector.shape_cast %get3A_970 : vector<1x1x16xf32> to vector<16xf32>
      %mul3A_972 = arith.mulf %get3A_57, %get3A_971 : vector<16xf32>
      %add3A_973 = arith.addf %mul3A_965, %mul3A_972 : vector<16xf32>
      %swap3A_974 = arith.constant 5 : i32
      %swap3A_975 = arith.index_cast %scan3A_50 : i32 to index
      %swap3A_976 = arith.index_cast %swap3A_974 : i32 to index
      %swap3A_977 = arith.constant 16 : index
      %swap3A_978 = tpu.vector_load %arg14[%swap3A_975, %swap3A_976, %swap3A_977] {strides = array<i32>} : memref<32x8x128xf32, #tpu.memory_space<vmem>>, vector<1x1x16xf32>,
      %swap3A_979 = vector.shape_cast %swap3A_978 : vector<1x1x16xf32> to vector<16xf32>
      %swap3A_980 = vector.shape_cast %add3A_973 : vector<16xf32> to vector<1x1x16xf32>
      tpu.vector_store %arg14[%swap3A_975, %swap3A_976, %swap3A_977], %swap3A_980 {strides = array<i32>} : memref<32x8x128xf32, #tpu.memory_space<vmem>>, vector<1x1x16xf32>,
      %get3A_981 = arith.constant 5 : i32
      %get3A_982 = arith.index_cast %scan3A_50 : i32 to index
      %get3A_983 = arith.index_cast %get3A_981 : i32 to index
      %get3A_984 = arith.constant 32 : index
      %get3A_985 = tpu.vector_load %arg12[%get3A_982, %get3A_983, %get3A_984] {strides = array<i32>} : memref<32x8x128xf32, #tpu.memory_space<vmem>>, vector<1x1x16xf32>,
      %get3A_986 = vector.shape_cast %get3A_985 : vector<1x1x16xf32> to vector<16xf32>
      %mul3A_987 = arith.mulf %get3A_53, %get3A_986 : vector<16xf32>
      %get3A_988 = arith.constant 5 : i32
      %get3A_989 = arith.index_cast %scan3A_50 : i32 to index
      %get3A_990 = arith.index_cast %get3A_988 : i32 to index
      %get3A_991 = arith.constant 32 : index
      %get3A_992 = tpu.vector_load %arg13[%get3A_989, %get3A_990, %get3A_991] {strides = array<i32>} : memref<32x8x128xf32, #tpu.memory_space<vmem>>, vector<1x1x16xf32>,
      %get3A_993 = vector.shape_cast %get3A_992 : vector<1x1x16xf32> to vector<16xf32>
      %mul3A_994 = arith.mulf %get3A_57, %get3A_993 : vector<16xf32>
      %add3A_995 = arith.addf %mul3A_987, %mul3A_994 : vector<16xf32>
      %swap3A_996 = arith.constant 5 : i32
      %swap3A_997 = arith.index_cast %scan3A_50 : i32 to index
      %swap3A_998 = arith.index_cast %swap3A_996 : i32 to index
      %swap3A_999 = arith.constant 32 : index
      %swap3A_1000 = tpu.vector_load %arg14[%swap3A_997, %swap3A_998, %swap3A_999] {strides = array<i32>} : memref<32x8x128xf32, #tpu.memory_space<vmem>>, vector<1x1x16xf32>,
      %swap3A_1001 = vector.shape_cast %swap3A_1000 : vector<1x1x16xf32> to vector<16xf32>
      %swap3A_1002 = vector.shape_cast %add3A_995 : vector<16xf32> to vector<1x1x16xf32>
      tpu.vector_store %arg14[%swap3A_997, %swap3A_998, %swap3A_999], %swap3A_1002 {strides = array<i32>} : memref<32x8x128xf32, #tpu.memory_space<vmem>>, vector<1x1x16xf32>,
      %get3A_1003 = arith.constant 5 : i32
      %get3A_1004 = arith.index_cast %scan3A_50 : i32 to index
      %get3A_1005 = arith.index_cast %get3A_1003 : i32 to index
      %get3A_1006 = arith.constant 48 : index
      %get3A_1007 = tpu.vector_load %arg12[%get3A_1004, %get3A_1005, %get3A_1006] {strides = array<i32>} : memref<32x8x128xf32, #tpu.memory_space<vmem>>, vector<1x1x16xf32>,
      %get3A_1008 = vector.shape_cast %get3A_1007 : vector<1x1x16xf32> to vector<16xf32>
      %mul3A_1009 = arith.mulf %get3A_53, %get3A_1008 : vector<16xf32>
      %get3A_1010 = arith.constant 5 : i32
      %get3A_1011 = arith.index_cast %scan3A_50 : i32 to index
      %get3A_1012 = arith.index_cast %get3A_1010 : i32 to index
      %get3A_1013 = arith.constant 48 : index
      %get3A_1014 = tpu.vector_load %arg13[%get3A_1011, %get3A_1012, %get3A_1013] {strides = array<i32>} : memref<32x8x128xf32, #tpu.memory_space<vmem>>, vector<1x1x16xf32>,
      %get3A_1015 = vector.shape_cast %get3A_1014 : vector<1x1x16xf32> to vector<16xf32>
      %mul3A_1016 = arith.mulf %get3A_57, %get3A_1015 : vector<16xf32>
      %add3A_1017 = arith.addf %mul3A_1009, %mul3A_1016 : vector<16xf32>
      %swap3A_1018 = arith.constant 5 : i32
      %swap3A_1019 = arith.index_cast %scan3A_50 : i32 to index
      %swap3A_1020 = arith.index_cast %swap3A_1018 : i32 to index
      %swap3A_1021 = arith.constant 48 : index
      %swap3A_1022 = tpu.vector_load %arg14[%swap3A_1019, %swap3A_1020, %swap3A_1021] {strides = array<i32>} : memref<32x8x128xf32, #tpu.memory_space<vmem>>, vector<1x1x16xf32>,
      %swap3A_1023 = vector.shape_cast %swap3A_1022 : vector<1x1x16xf32> to vector<16xf32>
      %swap3A_1024 = vector.shape_cast %add3A_1017 : vector<16xf32> to vector<1x1x16xf32>
      tpu.vector_store %arg14[%swap3A_1019, %swap3A_1020, %swap3A_1021], %swap3A_1024 {strides = array<i32>} : memref<32x8x128xf32, #tpu.memory_space<vmem>>, vector<1x1x16xf32>,
      %get3A_1025 = arith.constant 5 : i32
      %get3A_1026 = arith.index_cast %scan3A_50 : i32 to index
      %get3A_1027 = arith.index_cast %get3A_1025 : i32 to index
      %get3A_1028 = arith.constant 64 : index
      %get3A_1029 = tpu.vector_load %arg12[%get3A_1026, %get3A_1027, %get3A_1028] {strides = array<i32>} : memref<32x8x128xf32, #tpu.memory_space<vmem>>, vector<1x1x16xf32>,
      %get3A_1030 = vector.shape_cast %get3A_1029 : vector<1x1x16xf32> to vector<16xf32>
      %mul3A_1031 = arith.mulf %get3A_53, %get3A_1030 : vector<16xf32>
      %get3A_1032 = arith.constant 5 : i32
      %get3A_1033 = arith.index_cast %scan3A_50 : i32 to index
      %get3A_1034 = arith.index_cast %get3A_1032 : i32 to index
      %get3A_1035 = arith.constant 64 : index
      %get3A_1036 = tpu.vector_load %arg13[%get3A_1033, %get3A_1034, %get3A_1035] {strides = array<i32>} : memref<32x8x128xf32, #tpu.memory_space<vmem>>, vector<1x1x16xf32>,
      %get3A_1037 = vector.shape_cast %get3A_1036 : vector<1x1x16xf32> to vector<16xf32>
      %mul3A_1038 = arith.mulf %get3A_57, %get3A_1037 : vector<16xf32>
      %add3A_1039 = arith.addf %mul3A_1031, %mul3A_1038 : vector<16xf32>
      %swap3A_1040 = arith.constant 5 : i32
      %swap3A_1041 = arith.index_cast %scan3A_50 : i32 to index
      %swap3A_1042 = arith.index_cast %swap3A_1040 : i32 to index
      %swap3A_1043 = arith.constant 64 : index
      %swap3A_1044 = tpu.vector_load %arg14[%swap3A_1041, %swap3A_1042, %swap3A_1043] {strides = array<i32>} : memref<32x8x128xf32, #tpu.memory_space<vmem>>, vector<1x1x16xf32>,
      %swap3A_1045 = vector.shape_cast %swap3A_1044 : vector<1x1x16xf32> to vector<16xf32>
      %swap3A_1046 = vector.shape_cast %add3A_1039 : vector<16xf32> to vector<1x1x16xf32>
      tpu.vector_store %arg14[%swap3A_1041, %swap3A_1042, %swap3A_1043], %swap3A_1046 {strides = array<i32>} : memref<32x8x128xf32, #tpu.memory_space<vmem>>, vector<1x1x16xf32>,
      %get3A_1047 = arith.constant 5 : i32
      %get3A_1048 = arith.index_cast %scan3A_50 : i32 to index
      %get3A_1049 = arith.index_cast %get3A_1047 : i32 to index
      %get3A_1050 = arith.constant 80 : index
      %get3A_1051 = tpu.vector_load %arg12[%get3A_1048, %get3A_1049, %get3A_1050] {strides = array<i32>} : memref<32x8x128xf32, #tpu.memory_space<vmem>>, vector<1x1x16xf32>,
      %get3A_1052 = vector.shape_cast %get3A_1051 : vector<1x1x16xf32> to vector<16xf32>
      %mul3A_1053 = arith.mulf %get3A_53, %get3A_1052 : vector<16xf32>
      %get3A_1054 = arith.constant 5 : i32
      %get3A_1055 = arith.index_cast %scan3A_50 : i32 to index
      %get3A_1056 = arith.index_cast %get3A_1054 : i32 to index
      %get3A_1057 = arith.constant 80 : index
      %get3A_1058 = tpu.vector_load %arg13[%get3A_1055, %get3A_1056, %get3A_1057] {strides = array<i32>} : memref<32x8x128xf32, #tpu.memory_space<vmem>>, vector<1x1x16xf32>,
      %get3A_1059 = vector.shape_cast %get3A_1058 : vector<1x1x16xf32> to vector<16xf32>
      %mul3A_1060 = arith.mulf %get3A_57, %get3A_1059 : vector<16xf32>
      %add3A_1061 = arith.addf %mul3A_1053, %mul3A_1060 : vector<16xf32>
      %swap3A_1062 = arith.constant 5 : i32
      %swap3A_1063 = arith.index_cast %scan3A_50 : i32 to index
      %swap3A_1064 = arith.index_cast %swap3A_1062 : i32 to index
      %swap3A_1065 = arith.constant 80 : index
      %swap3A_1066 = tpu.vector_load %arg14[%swap3A_1063, %swap3A_1064, %swap3A_1065] {strides = array<i32>} : memref<32x8x128xf32, #tpu.memory_space<vmem>>, vector<1x1x16xf32>,
      %swap3A_1067 = vector.shape_cast %swap3A_1066 : vector<1x1x16xf32> to vector<16xf32>
      %swap3A_1068 = vector.shape_cast %add3A_1061 : vector<16xf32> to vector<1x1x16xf32>
      tpu.vector_store %arg14[%swap3A_1063, %swap3A_1064, %swap3A_1065], %swap3A_1068 {strides = array<i32>} : memref<32x8x128xf32, #tpu.memory_space<vmem>>, vector<1x1x16xf32>,
      %get3A_1069 = arith.constant 5 : i32
      %get3A_1070 = arith.index_cast %scan3A_50 : i32 to index
      %get3A_1071 = arith.index_cast %get3A_1069 : i32 to index
      %get3A_1072 = arith.constant 96 : index
      %get3A_1073 = tpu.vector_load %arg12[%get3A_1070, %get3A_1071, %get3A_1072] {strides = array<i32>} : memref<32x8x128xf32, #tpu.memory_space<vmem>>, vector<1x1x16xf32>,
      %get3A_1074 = vector.shape_cast %get3A_1073 : vector<1x1x16xf32> to vector<16xf32>
      %mul3A_1075 = arith.mulf %get3A_53, %get3A_1074 : vector<16xf32>
      %get3A_1076 = arith.constant 5 : i32
      %get3A_1077 = arith.index_cast %scan3A_50 : i32 to index
      %get3A_1078 = arith.index_cast %get3A_1076 : i32 to index
      %get3A_1079 = arith.constant 96 : index
      %get3A_1080 = tpu.vector_load %arg13[%get3A_1077, %get3A_1078, %get3A_1079] {strides = array<i32>} : memref<32x8x128xf32, #tpu.memory_space<vmem>>, vector<1x1x16xf32>,
      %get3A_1081 = vector.shape_cast %get3A_1080 : vector<1x1x16xf32> to vector<16xf32>
      %mul3A_1082 = arith.mulf %get3A_57, %get3A_1081 : vector<16xf32>
      %add3A_1083 = arith.addf %mul3A_1075, %mul3A_1082 : vector<16xf32>
      %swap3A_1084 = arith.constant 5 : i32
      %swap3A_1085 = arith.index_cast %scan3A_50 : i32 to index
      %swap3A_1086 = arith.index_cast %swap3A_1084 : i32 to index
      %swap3A_1087 = arith.constant 96 : index
      %swap3A_1088 = tpu.vector_load %arg14[%swap3A_1085, %swap3A_1086, %swap3A_1087] {strides = array<i32>} : memref<32x8x128xf32, #tpu.memory_space<vmem>>, vector<1x1x16xf32>,
      %swap3A_1089 = vector.shape_cast %swap3A_1088 : vector<1x1x16xf32> to vector<16xf32>
      %swap3A_1090 = vector.shape_cast %add3A_1083 : vector<16xf32> to vector<1x1x16xf32>
      tpu.vector_store %arg14[%swap3A_1085, %swap3A_1086, %swap3A_1087], %swap3A_1090 {strides = array<i32>} : memref<32x8x128xf32, #tpu.memory_space<vmem>>, vector<1x1x16xf32>,
      %get3A_1091 = arith.constant 5 : i32
      %get3A_1092 = arith.index_cast %scan3A_50 : i32 to index
      %get3A_1093 = arith.index_cast %get3A_1091 : i32 to index
      %get3A_1094 = arith.constant 112 : index
      %get3A_1095 = tpu.vector_load %arg12[%get3A_1092, %get3A_1093, %get3A_1094] {strides = array<i32>} : memref<32x8x128xf32, #tpu.memory_space<vmem>>, vector<1x1x16xf32>,
      %get3A_1096 = vector.shape_cast %get3A_1095 : vector<1x1x16xf32> to vector<16xf32>
      %mul3A_1097 = arith.mulf %get3A_53, %get3A_1096 : vector<16xf32>
      %get3A_1098 = arith.constant 5 : i32
      %get3A_1099 = arith.index_cast %scan3A_50 : i32 to index
      %get3A_1100 = arith.index_cast %get3A_1098 : i32 to index
      %get3A_1101 = arith.constant 112 : index
      %get3A_1102 = tpu.vector_load %arg13[%get3A_1099, %get3A_1100, %get3A_1101] {strides = array<i32>} : memref<32x8x128xf32, #tpu.memory_space<vmem>>, vector<1x1x16xf32>,
      %get3A_1103 = vector.shape_cast %get3A_1102 : vector<1x1x16xf32> to vector<16xf32>
      %mul3A_1104 = arith.mulf %get3A_57, %get3A_1103 : vector<16xf32>
      %add3A_1105 = arith.addf %mul3A_1097, %mul3A_1104 : vector<16xf32>
      %swap3A_1106 = arith.constant 5 : i32
      %swap3A_1107 = arith.index_cast %scan3A_50 : i32 to index
      %swap3A_1108 = arith.index_cast %swap3A_1106 : i32 to index
      %swap3A_1109 = arith.constant 112 : index
      %swap3A_1110 = tpu.vector_load %arg14[%swap3A_1107, %swap3A_1108, %swap3A_1109] {strides = array<i32>} : memref<32x8x128xf32, #tpu.memory_space<vmem>>, vector<1x1x16xf32>,
      %swap3A_1111 = vector.shape_cast %swap3A_1110 : vector<1x1x16xf32> to vector<16xf32>
      %swap3A_1112 = vector.shape_cast %add3A_1105 : vector<16xf32> to vector<1x1x16xf32>
      tpu.vector_store %arg14[%swap3A_1107, %swap3A_1108, %swap3A_1109], %swap3A_1112 {strides = array<i32>} : memref<32x8x128xf32, #tpu.memory_space<vmem>>, vector<1x1x16xf32>,
      %get3A_1113 = arith.constant 6 : i32
      %get3A_1114 = arith.index_cast %scan3A_50 : i32 to index
      %get3A_1115 = arith.index_cast %get3A_1113 : i32 to index
      %get3A_1116 = arith.constant 0 : index
      %get3A_1117 = tpu.vector_load %arg12[%get3A_1114, %get3A_1115, %get3A_1116] {strides = array<i32>} : memref<32x8x128xf32, #tpu.memory_space<vmem>>, vector<1x1x16xf32>,
      %get3A_1118 = vector.shape_cast %get3A_1117 : vector<1x1x16xf32> to vector<16xf32>
      %mul3A_1119 = arith.mulf %get3A_53, %get3A_1118 : vector<16xf32>
      %get3A_1120 = arith.constant 6 : i32
      %get3A_1121 = arith.index_cast %scan3A_50 : i32 to index
      %get3A_1122 = arith.index_cast %get3A_1120 : i32 to index
      %get3A_1123 = arith.constant 0 : index
      %get3A_1124 = tpu.vector_load %arg13[%get3A_1121, %get3A_1122, %get3A_1123] {strides = array<i32>} : memref<32x8x128xf32, #tpu.memory_space<vmem>>, vector<1x1x16xf32>,
      %get3A_1125 = vector.shape_cast %get3A_1124 : vector<1x1x16xf32> to vector<16xf32>
      %mul3A_1126 = arith.mulf %get3A_57, %get3A_1125 : vector<16xf32>
      %add3A_1127 = arith.addf %mul3A_1119, %mul3A_1126 : vector<16xf32>
      %swap3A_1128 = arith.constant 6 : i32
      %swap3A_1129 = arith.index_cast %scan3A_50 : i32 to index
      %swap3A_1130 = arith.index_cast %swap3A_1128 : i32 to index
      %swap3A_1131 = arith.constant 0 : index
      %swap3A_1132 = tpu.vector_load %arg14[%swap3A_1129, %swap3A_1130, %swap3A_1131] {strides = array<i32>} : memref<32x8x128xf32, #tpu.memory_space<vmem>>, vector<1x1x16xf32>,
      %swap3A_1133 = vector.shape_cast %swap3A_1132 : vector<1x1x16xf32> to vector<16xf32>
      %swap3A_1134 = vector.shape_cast %add3A_1127 : vector<16xf32> to vector<1x1x16xf32>
      tpu.vector_store %arg14[%swap3A_1129, %swap3A_1130, %swap3A_1131], %swap3A_1134 {strides = array<i32>} : memref<32x8x128xf32, #tpu.memory_space<vmem>>, vector<1x1x16xf32>,
      %get3A_1135 = arith.constant 6 : i32
      %get3A_1136 = arith.index_cast %scan3A_50 : i32 to index
      %get3A_1137 = arith.index_cast %get3A_1135 : i32 to index
      %get3A_1138 = arith.constant 16 : index
      %get3A_1139 = tpu.vector_load %arg12[%get3A_1136, %get3A_1137, %get3A_1138] {strides = array<i32>} : memref<32x8x128xf32, #tpu.memory_space<vmem>>, vector<1x1x16xf32>,
      %get3A_1140 = vector.shape_cast %get3A_1139 : vector<1x1x16xf32> to vector<16xf32>
      %mul3A_1141 = arith.mulf %get3A_53, %get3A_1140 : vector<16xf32>
      %get3A_1142 = arith.constant 6 : i32
      %get3A_1143 = arith.index_cast %scan3A_50 : i32 to index
      %get3A_1144 = arith.index_cast %get3A_1142 : i32 to index
      %get3A_1145 = arith.constant 16 : index
      %get3A_1146 = tpu.vector_load %arg13[%get3A_1143, %get3A_1144, %get3A_1145] {strides = array<i32>} : memref<32x8x128xf32, #tpu.memory_space<vmem>>, vector<1x1x16xf32>,
      %get3A_1147 = vector.shape_cast %get3A_1146 : vector<1x1x16xf32> to vector<16xf32>
      %mul3A_1148 = arith.mulf %get3A_57, %get3A_1147 : vector<16xf32>
      %add3A_1149 = arith.addf %mul3A_1141, %mul3A_1148 : vector<16xf32>
      %swap3A_1150 = arith.constant 6 : i32
      %swap3A_1151 = arith.index_cast %scan3A_50 : i32 to index
      %swap3A_1152 = arith.index_cast %swap3A_1150 : i32 to index
      %swap3A_1153 = arith.constant 16 : index
      %swap3A_1154 = tpu.vector_load %arg14[%swap3A_1151, %swap3A_1152, %swap3A_1153] {strides = array<i32>} : memref<32x8x128xf32, #tpu.memory_space<vmem>>, vector<1x1x16xf32>,
      %swap3A_1155 = vector.shape_cast %swap3A_1154 : vector<1x1x16xf32> to vector<16xf32>
      %swap3A_1156 = vector.shape_cast %add3A_1149 : vector<16xf32> to vector<1x1x16xf32>
      tpu.vector_store %arg14[%swap3A_1151, %swap3A_1152, %swap3A_1153], %swap3A_1156 {strides = array<i32>} : memref<32x8x128xf32, #tpu.memory_space<vmem>>, vector<1x1x16xf32>,
      %get3A_1157 = arith.constant 6 : i32
      %get3A_1158 = arith.index_cast %scan3A_50 : i32 to index
      %get3A_1159 = arith.index_cast %get3A_1157 : i32 to index
      %get3A_1160 = arith.constant 32 : index
      %get3A_1161 = tpu.vector_load %arg12[%get3A_1158, %get3A_1159, %get3A_1160] {strides = array<i32>} : memref<32x8x128xf32, #tpu.memory_space<vmem>>, vector<1x1x16xf32>,
      %get3A_1162 = vector.shape_cast %get3A_1161 : vector<1x1x16xf32> to vector<16xf32>
      %mul3A_1163 = arith.mulf %get3A_53, %get3A_1162 : vector<16xf32>
      %get3A_1164 = arith.constant 6 : i32
      %get3A_1165 = arith.index_cast %scan3A_50 : i32 to index
      %get3A_1166 = arith.index_cast %get3A_1164 : i32 to index
      %get3A_1167 = arith.constant 32 : index
      %get3A_1168 = tpu.vector_load %arg13[%get3A_1165, %get3A_1166, %get3A_1167] {strides = array<i32>} : memref<32x8x128xf32, #tpu.memory_space<vmem>>, vector<1x1x16xf32>,
      %get3A_1169 = vector.shape_cast %get3A_1168 : vector<1x1x16xf32> to vector<16xf32>
      %mul3A_1170 = arith.mulf %get3A_57, %get3A_1169 : vector<16xf32>
      %add3A_1171 = arith.addf %mul3A_1163, %mul3A_1170 : vector<16xf32>
      %swap3A_1172 = arith.constant 6 : i32
      %swap3A_1173 = arith.index_cast %scan3A_50 : i32 to index
      %swap3A_1174 = arith.index_cast %swap3A_1172 : i32 to index
      %swap3A_1175 = arith.constant 32 : index
      %swap3A_1176 = tpu.vector_load %arg14[%swap3A_1173, %swap3A_1174, %swap3A_1175] {strides = array<i32>} : memref<32x8x128xf32, #tpu.memory_space<vmem>>, vector<1x1x16xf32>,
      %swap3A_1177 = vector.shape_cast %swap3A_1176 : vector<1x1x16xf32> to vector<16xf32>
      %swap3A_1178 = vector.shape_cast %add3A_1171 : vector<16xf32> to vector<1x1x16xf32>
      tpu.vector_store %arg14[%swap3A_1173, %swap3A_1174, %swap3A_1175], %swap3A_1178 {strides = array<i32>} : memref<32x8x128xf32, #tpu.memory_space<vmem>>, vector<1x1x16xf32>,
      %get3A_1179 = arith.constant 6 : i32
      %get3A_1180 = arith.index_cast %scan3A_50 : i32 to index
      %get3A_1181 = arith.index_cast %get3A_1179 : i32 to index
      %get3A_1182 = arith.constant 48 : index
      %get3A_1183 = tpu.vector_load %arg12[%get3A_1180, %get3A_1181, %get3A_1182] {strides = array<i32>} : memref<32x8x128xf32, #tpu.memory_space<vmem>>, vector<1x1x16xf32>,
      %get3A_1184 = vector.shape_cast %get3A_1183 : vector<1x1x16xf32> to vector<16xf32>
      %mul3A_1185 = arith.mulf %get3A_53, %get3A_1184 : vector<16xf32>
      %get3A_1186 = arith.constant 6 : i32
      %get3A_1187 = arith.index_cast %scan3A_50 : i32 to index
      %get3A_1188 = arith.index_cast %get3A_1186 : i32 to index
      %get3A_1189 = arith.constant 48 : index
      %get3A_1190 = tpu.vector_load %arg13[%get3A_1187, %get3A_1188, %get3A_1189] {strides = array<i32>} : memref<32x8x128xf32, #tpu.memory_space<vmem>>, vector<1x1x16xf32>,
      %get3A_1191 = vector.shape_cast %get3A_1190 : vector<1x1x16xf32> to vector<16xf32>
      %mul3A_1192 = arith.mulf %get3A_57, %get3A_1191 : vector<16xf32>
      %add3A_1193 = arith.addf %mul3A_1185, %mul3A_1192 : vector<16xf32>
      %swap3A_1194 = arith.constant 6 : i32
      %swap3A_1195 = arith.index_cast %scan3A_50 : i32 to index
      %swap3A_1196 = arith.index_cast %swap3A_1194 : i32 to index
      %swap3A_1197 = arith.constant 48 : index
      %swap3A_1198 = tpu.vector_load %arg14[%swap3A_1195, %swap3A_1196, %swap3A_1197] {strides = array<i32>} : memref<32x8x128xf32, #tpu.memory_space<vmem>>, vector<1x1x16xf32>,
      %swap3A_1199 = vector.shape_cast %swap3A_1198 : vector<1x1x16xf32> to vector<16xf32>
      %swap3A_1200 = vector.shape_cast %add3A_1193 : vector<16xf32> to vector<1x1x16xf32>
      tpu.vector_store %arg14[%swap3A_1195, %swap3A_1196, %swap3A_1197], %swap3A_1200 {strides = array<i32>} : memref<32x8x128xf32, #tpu.memory_space<vmem>>, vector<1x1x16xf32>,
      %get3A_1201 = arith.constant 6 : i32
      %get3A_1202 = arith.index_cast %scan3A_50 : i32 to index
      %get3A_1203 = arith.index_cast %get3A_1201 : i32 to index
      %get3A_1204 = arith.constant 64 : index
      %get3A_1205 = tpu.vector_load %arg12[%get3A_1202, %get3A_1203, %get3A_1204] {strides = array<i32>} : memref<32x8x128xf32, #tpu.memory_space<vmem>>, vector<1x1x16xf32>,
      %get3A_1206 = vector.shape_cast %get3A_1205 : vector<1x1x16xf32> to vector<16xf32>
      %mul3A_1207 = arith.mulf %get3A_53, %get3A_1206 : vector<16xf32>
      %get3A_1208 = arith.constant 6 : i32
      %get3A_1209 = arith.index_cast %scan3A_50 : i32 to index
      %get3A_1210 = arith.index_cast %get3A_1208 : i32 to index
      %get3A_1211 = arith.constant 64 : index
      %get3A_1212 = tpu.vector_load %arg13[%get3A_1209, %get3A_1210, %get3A_1211] {strides = array<i32>} : memref<32x8x128xf32, #tpu.memory_space<vmem>>, vector<1x1x16xf32>,
      %get3A_1213 = vector.shape_cast %get3A_1212 : vector<1x1x16xf32> to vector<16xf32>
      %mul3A_1214 = arith.mulf %get3A_57, %get3A_1213 : vector<16xf32>
      %add3A_1215 = arith.addf %mul3A_1207, %mul3A_1214 : vector<16xf32>
      %swap3A_1216 = arith.constant 6 : i32
      %swap3A_1217 = arith.index_cast %scan3A_50 : i32 to index
      %swap3A_1218 = arith.index_cast %swap3A_1216 : i32 to index
      %swap3A_1219 = arith.constant 64 : index
      %swap3A_1220 = tpu.vector_load %arg14[%swap3A_1217, %swap3A_1218, %swap3A_1219] {strides = array<i32>} : memref<32x8x128xf32, #tpu.memory_space<vmem>>, vector<1x1x16xf32>,
      %swap3A_1221 = vector.shape_cast %swap3A_1220 : vector<1x1x16xf32> to vector<16xf32>
      %swap3A_1222 = vector.shape_cast %add3A_1215 : vector<16xf32> to vector<1x1x16xf32>
      tpu.vector_store %arg14[%swap3A_1217, %swap3A_1218, %swap3A_1219], %swap3A_1222 {strides = array<i32>} : memref<32x8x128xf32, #tpu.memory_space<vmem>>, vector<1x1x16xf32>,
      %get3A_1223 = arith.constant 6 : i32
      %get3A_1224 = arith.index_cast %scan3A_50 : i32 to index
      %get3A_1225 = arith.index_cast %get3A_1223 : i32 to index
      %get3A_1226 = arith.constant 80 : index
      %get3A_1227 = tpu.vector_load %arg12[%get3A_1224, %get3A_1225, %get3A_1226] {strides = array<i32>} : memref<32x8x128xf32, #tpu.memory_space<vmem>>, vector<1x1x16xf32>,
      %get3A_1228 = vector.shape_cast %get3A_1227 : vector<1x1x16xf32> to vector<16xf32>
      %mul3A_1229 = arith.mulf %get3A_53, %get3A_1228 : vector<16xf32>
      %get3A_1230 = arith.constant 6 : i32
      %get3A_1231 = arith.index_cast %scan3A_50 : i32 to index
      %get3A_1232 = arith.index_cast %get3A_1230 : i32 to index
      %get3A_1233 = arith.constant 80 : index
      %get3A_1234 = tpu.vector_load %arg13[%get3A_1231, %get3A_1232, %get3A_1233] {strides = array<i32>} : memref<32x8x128xf32, #tpu.memory_space<vmem>>, vector<1x1x16xf32>,
      %get3A_1235 = vector.shape_cast %get3A_1234 : vector<1x1x16xf32> to vector<16xf32>
      %mul3A_1236 = arith.mulf %get3A_57, %get3A_1235 : vector<16xf32>
      %add3A_1237 = arith.addf %mul3A_1229, %mul3A_1236 : vector<16xf32>
      %swap3A_1238 = arith.constant 6 : i32
      %swap3A_1239 = arith.index_cast %scan3A_50 : i32 to index
      %swap3A_1240 = arith.index_cast %swap3A_1238 : i32 to index
      %swap3A_1241 = arith.constant 80 : index
      %swap3A_1242 = tpu.vector_load %arg14[%swap3A_1239, %swap3A_1240, %swap3A_1241] {strides = array<i32>} : memref<32x8x128xf32, #tpu.memory_space<vmem>>, vector<1x1x16xf32>,
      %swap3A_1243 = vector.shape_cast %swap3A_1242 : vector<1x1x16xf32> to vector<16xf32>
      %swap3A_1244 = vector.shape_cast %add3A_1237 : vector<16xf32> to vector<1x1x16xf32>
      tpu.vector_store %arg14[%swap3A_1239, %swap3A_1240, %swap3A_1241], %swap3A_1244 {strides = array<i32>} : memref<32x8x128xf32, #tpu.memory_space<vmem>>, vector<1x1x16xf32>,
      %get3A_1245 = arith.constant 6 : i32
      %get3A_1246 = arith.index_cast %scan3A_50 : i32 to index
      %get3A_1247 = arith.index_cast %get3A_1245 : i32 to index
      %get3A_1248 = arith.constant 96 : index
      %get3A_1249 = tpu.vector_load %arg12[%get3A_1246, %get3A_1247, %get3A_1248] {strides = array<i32>} : memref<32x8x128xf32, #tpu.memory_space<vmem>>, vector<1x1x16xf32>,
      %get3A_1250 = vector.shape_cast %get3A_1249 : vector<1x1x16xf32> to vector<16xf32>
      %mul3A_1251 = arith.mulf %get3A_53, %get3A_1250 : vector<16xf32>
      %get3A_1252 = arith.constant 6 : i32
      %get3A_1253 = arith.index_cast %scan3A_50 : i32 to index
      %get3A_1254 = arith.index_cast %get3A_1252 : i32 to index
      %get3A_1255 = arith.constant 96 : index
      %get3A_1256 = tpu.vector_load %arg13[%get3A_1253, %get3A_1254, %get3A_1255] {strides = array<i32>} : memref<32x8x128xf32, #tpu.memory_space<vmem>>, vector<1x1x16xf32>,
      %get3A_1257 = vector.shape_cast %get3A_1256 : vector<1x1x16xf32> to vector<16xf32>
      %mul3A_1258 = arith.mulf %get3A_57, %get3A_1257 : vector<16xf32>
      %add3A_1259 = arith.addf %mul3A_1251, %mul3A_1258 : vector<16xf32>
      %swap3A_1260 = arith.constant 6 : i32
      %swap3A_1261 = arith.index_cast %scan3A_50 : i32 to index
      %swap3A_1262 = arith.index_cast %swap3A_1260 : i32 to index
      %swap3A_1263 = arith.constant 96 : index
      %swap3A_1264 = tpu.vector_load %arg14[%swap3A_1261, %swap3A_1262, %swap3A_1263] {strides = array<i32>} : memref<32x8x128xf32, #tpu.memory_space<vmem>>, vector<1x1x16xf32>,
      %swap3A_1265 = vector.shape_cast %swap3A_1264 : vector<1x1x16xf32> to vector<16xf32>
      %swap3A_1266 = vector.shape_cast %add3A_1259 : vector<16xf32> to vector<1x1x16xf32>
      tpu.vector_store %arg14[%swap3A_1261, %swap3A_1262, %swap3A_1263], %swap3A_1266 {strides = array<i32>} : memref<32x8x128xf32, #tpu.memory_space<vmem>>, vector<1x1x16xf32>,
      %get3A_1267 = arith.constant 6 : i32
      %get3A_1268 = arith.index_cast %scan3A_50 : i32 to index
      %get3A_1269 = arith.index_cast %get3A_1267 : i32 to index
      %get3A_1270 = arith.constant 112 : index
      %get3A_1271 = tpu.vector_load %arg12[%get3A_1268, %get3A_1269, %get3A_1270] {strides = array<i32>} : memref<32x8x128xf32, #tpu.memory_space<vmem>>, vector<1x1x16xf32>,
      %get3A_1272 = vector.shape_cast %get3A_1271 : vector<1x1x16xf32> to vector<16xf32>
      %mul3A_1273 = arith.mulf %get3A_53, %get3A_1272 : vector<16xf32>
      %get3A_1274 = arith.constant 6 : i32
      %get3A_1275 = arith.index_cast %scan3A_50 : i32 to index
      %get3A_1276 = arith.index_cast %get3A_1274 : i32 to index
      %get3A_1277 = arith.constant 112 : index
      %get3A_1278 = tpu.vector_load %arg13[%get3A_1275, %get3A_1276, %get3A_1277] {strides = array<i32>} : memref<32x8x128xf32, #tpu.memory_space<vmem>>, vector<1x1x16xf32>,
      %get3A_1279 = vector.shape_cast %get3A_1278 : vector<1x1x16xf32> to vector<16xf32>
      %mul3A_1280 = arith.mulf %get3A_57, %get3A_1279 : vector<16xf32>
      %add3A_1281 = arith.addf %mul3A_1273, %mul3A_1280 : vector<16xf32>
      %swap3A_1282 = arith.constant 6 : i32
      %swap3A_1283 = arith.index_cast %scan3A_50 : i32 to index
      %swap3A_1284 = arith.index_cast %swap3A_1282 : i32 to index
      %swap3A_1285 = arith.constant 112 : index
      %swap3A_1286 = tpu.vector_load %arg14[%swap3A_1283, %swap3A_1284, %swap3A_1285] {strides = array<i32>} : memref<32x8x128xf32, #tpu.memory_space<vmem>>, vector<1x1x16xf32>,
      %swap3A_1287 = vector.shape_cast %swap3A_1286 : vector<1x1x16xf32> to vector<16xf32>
      %swap3A_1288 = vector.shape_cast %add3A_1281 : vector<16xf32> to vector<1x1x16xf32>
      tpu.vector_store %arg14[%swap3A_1283, %swap3A_1284, %swap3A_1285], %swap3A_1288 {strides = array<i32>} : memref<32x8x128xf32, #tpu.memory_space<vmem>>, vector<1x1x16xf32>,
      %get3A_1289 = arith.constant 7 : i32
      %get3A_1290 = arith.index_cast %scan3A_50 : i32 to index
      %get3A_1291 = arith.index_cast %get3A_1289 : i32 to index
      %get3A_1292 = arith.constant 0 : index
      %get3A_1293 = tpu.vector_load %arg12[%get3A_1290, %get3A_1291, %get3A_1292] {strides = array<i32>} : memref<32x8x128xf32, #tpu.memory_space<vmem>>, vector<1x1x16xf32>,
      %get3A_1294 = vector.shape_cast %get3A_1293 : vector<1x1x16xf32> to vector<16xf32>
      %mul3A_1295 = arith.mulf %get3A_53, %get3A_1294 : vector<16xf32>
      %get3A_1296 = arith.constant 7 : i32
      %get3A_1297 = arith.index_cast %scan3A_50 : i32 to index
      %get3A_1298 = arith.index_cast %get3A_1296 : i32 to index
      %get3A_1299 = arith.constant 0 : index
      %get3A_1300 = tpu.vector_load %arg13[%get3A_1297, %get3A_1298, %get3A_1299] {strides = array<i32>} : memref<32x8x128xf32, #tpu.memory_space<vmem>>, vector<1x1x16xf32>,
      %get3A_1301 = vector.shape_cast %get3A_1300 : vector<1x1x16xf32> to vector<16xf32>
      %mul3A_1302 = arith.mulf %get3A_57, %get3A_1301 : vector<16xf32>
      %add3A_1303 = arith.addf %mul3A_1295, %mul3A_1302 : vector<16xf32>
      %swap3A_1304 = arith.constant 7 : i32
      %swap3A_1305 = arith.index_cast %scan3A_50 : i32 to index
      %swap3A_1306 = arith.index_cast %swap3A_1304 : i32 to index
      %swap3A_1307 = arith.constant 0 : index
      %swap3A_1308 = tpu.vector_load %arg14[%swap3A_1305, %swap3A_1306, %swap3A_1307] {strides = array<i32>} : memref<32x8x128xf32, #tpu.memory_space<vmem>>, vector<1x1x16xf32>,
      %swap3A_1309 = vector.shape_cast %swap3A_1308 : vector<1x1x16xf32> to vector<16xf32>
      %swap3A_1310 = vector.shape_cast %add3A_1303 : vector<16xf32> to vector<1x1x16xf32>
      tpu.vector_store %arg14[%swap3A_1305, %swap3A_1306, %swap3A_1307], %swap3A_1310 {strides = array<i32>} : memref<32x8x128xf32, #tpu.memory_space<vmem>>, vector<1x1x16xf32>,
      %get3A_1311 = arith.constant 7 : i32
      %get3A_1312 = arith.index_cast %scan3A_50 : i32 to index
      %get3A_1313 = arith.index_cast %get3A_1311 : i32 to index
      %get3A_1314 = arith.constant 16 : index
      %get3A_1315 = tpu.vector_load %arg12[%get3A_1312, %get3A_1313, %get3A_1314] {strides = array<i32>} : memref<32x8x128xf32, #tpu.memory_space<vmem>>, vector<1x1x16xf32>,
      %get3A_1316 = vector.shape_cast %get3A_1315 : vector<1x1x16xf32> to vector<16xf32>
      %mul3A_1317 = arith.mulf %get3A_53, %get3A_1316 : vector<16xf32>
      %get3A_1318 = arith.constant 7 : i32
      %get3A_1319 = arith.index_cast %scan3A_50 : i32 to index
      %get3A_1320 = arith.index_cast %get3A_1318 : i32 to index
      %get3A_1321 = arith.constant 16 : index
      %get3A_1322 = tpu.vector_load %arg13[%get3A_1319, %get3A_1320, %get3A_1321] {strides = array<i32>} : memref<32x8x128xf32, #tpu.memory_space<vmem>>, vector<1x1x16xf32>,
      %get3A_1323 = vector.shape_cast %get3A_1322 : vector<1x1x16xf32> to vector<16xf32>
      %mul3A_1324 = arith.mulf %get3A_57, %get3A_1323 : vector<16xf32>
      %add3A_1325 = arith.addf %mul3A_1317, %mul3A_1324 : vector<16xf32>
      %swap3A_1326 = arith.constant 7 : i32
      %swap3A_1327 = arith.index_cast %scan3A_50 : i32 to index
      %swap3A_1328 = arith.index_cast %swap3A_1326 : i32 to index
      %swap3A_1329 = arith.constant 16 : index
      %swap3A_1330 = tpu.vector_load %arg14[%swap3A_1327, %swap3A_1328, %swap3A_1329] {strides = array<i32>} : memref<32x8x128xf32, #tpu.memory_space<vmem>>, vector<1x1x16xf32>,
      %swap3A_1331 = vector.shape_cast %swap3A_1330 : vector<1x1x16xf32> to vector<16xf32>
      %swap3A_1332 = vector.shape_cast %add3A_1325 : vector<16xf32> to vector<1x1x16xf32>
      tpu.vector_store %arg14[%swap3A_1327, %swap3A_1328, %swap3A_1329], %swap3A_1332 {strides = array<i32>} : memref<32x8x128xf32, #tpu.memory_space<vmem>>, vector<1x1x16xf32>,
      %get3A_1333 = arith.constant 7 : i32
      %get3A_1334 = arith.index_cast %scan3A_50 : i32 to index
      %get3A_1335 = arith.index_cast %get3A_1333 : i32 to index
      %get3A_1336 = arith.constant 32 : index
      %get3A_1337 = tpu.vector_load %arg12[%get3A_1334, %get3A_1335, %get3A_1336] {strides = array<i32>} : memref<32x8x128xf32, #tpu.memory_space<vmem>>, vector<1x1x16xf32>,
      %get3A_1338 = vector.shape_cast %get3A_1337 : vector<1x1x16xf32> to vector<16xf32>
      %mul3A_1339 = arith.mulf %get3A_53, %get3A_1338 : vector<16xf32>
      %get3A_1340 = arith.constant 7 : i32
      %get3A_1341 = arith.index_cast %scan3A_50 : i32 to index
      %get3A_1342 = arith.index_cast %get3A_1340 : i32 to index
      %get3A_1343 = arith.constant 32 : index
      %get3A_1344 = tpu.vector_load %arg13[%get3A_1341, %get3A_1342, %get3A_1343] {strides = array<i32>} : memref<32x8x128xf32, #tpu.memory_space<vmem>>, vector<1x1x16xf32>,
      %get3A_1345 = vector.shape_cast %get3A_1344 : vector<1x1x16xf32> to vector<16xf32>
      %mul3A_1346 = arith.mulf %get3A_57, %get3A_1345 : vector<16xf32>
      %add3A_1347 = arith.addf %mul3A_1339, %mul3A_1346 : vector<16xf32>
      %swap3A_1348 = arith.constant 7 : i32
      %swap3A_1349 = arith.index_cast %scan3A_50 : i32 to index
      %swap3A_1350 = arith.index_cast %swap3A_1348 : i32 to index
      %swap3A_1351 = arith.constant 32 : index
      %swap3A_1352 = tpu.vector_load %arg14[%swap3A_1349, %swap3A_1350, %swap3A_1351] {strides = array<i32>} : memref<32x8x128xf32, #tpu.memory_space<vmem>>, vector<1x1x16xf32>,
      %swap3A_1353 = vector.shape_cast %swap3A_1352 : vector<1x1x16xf32> to vector<16xf32>
      %swap3A_1354 = vector.shape_cast %add3A_1347 : vector<16xf32> to vector<1x1x16xf32>
      tpu.vector_store %arg14[%swap3A_1349, %swap3A_1350, %swap3A_1351], %swap3A_1354 {strides = array<i32>} : memref<32x8x128xf32, #tpu.memory_space<vmem>>, vector<1x1x16xf32>,
      %get3A_1355 = arith.constant 7 : i32
      %get3A_1356 = arith.index_cast %scan3A_50 : i32 to index
      %get3A_1357 = arith.index_cast %get3A_1355 : i32 to index
      %get3A_1358 = arith.constant 48 : index
      %get3A_1359 = tpu.vector_load %arg12[%get3A_1356, %get3A_1357, %get3A_1358] {strides = array<i32>} : memref<32x8x128xf32, #tpu.memory_space<vmem>>, vector<1x1x16xf32>,
      %get3A_1360 = vector.shape_cast %get3A_1359 : vector<1x1x16xf32> to vector<16xf32>
      %mul3A_1361 = arith.mulf %get3A_53, %get3A_1360 : vector<16xf32>
      %get3A_1362 = arith.constant 7 : i32
      %get3A_1363 = arith.index_cast %scan3A_50 : i32 to index
      %get3A_1364 = arith.index_cast %get3A_1362 : i32 to index
      %get3A_1365 = arith.constant 48 : index
      %get3A_1366 = tpu.vector_load %arg13[%get3A_1363, %get3A_1364, %get3A_1365] {strides = array<i32>} : memref<32x8x128xf32, #tpu.memory_space<vmem>>, vector<1x1x16xf32>,
      %get3A_1367 = vector.shape_cast %get3A_1366 : vector<1x1x16xf32> to vector<16xf32>
      %mul3A_1368 = arith.mulf %get3A_57, %get3A_1367 : vector<16xf32>
      %add3A_1369 = arith.addf %mul3A_1361, %mul3A_1368 : vector<16xf32>
      %swap3A_1370 = arith.constant 7 : i32
      %swap3A_1371 = arith.index_cast %scan3A_50 : i32 to index
      %swap3A_1372 = arith.index_cast %swap3A_1370 : i32 to index
      %swap3A_1373 = arith.constant 48 : index
      %swap3A_1374 = tpu.vector_load %arg14[%swap3A_1371, %swap3A_1372, %swap3A_1373] {strides = array<i32>} : memref<32x8x128xf32, #tpu.memory_space<vmem>>, vector<1x1x16xf32>,
      %swap3A_1375 = vector.shape_cast %swap3A_1374 : vector<1x1x16xf32> to vector<16xf32>
      %swap3A_1376 = vector.shape_cast %add3A_1369 : vector<16xf32> to vector<1x1x16xf32>
      tpu.vector_store %arg14[%swap3A_1371, %swap3A_1372, %swap3A_1373], %swap3A_1376 {strides = array<i32>} : memref<32x8x128xf32, #tpu.memory_space<vmem>>, vector<1x1x16xf32>,
      %get3A_1377 = arith.constant 7 : i32
      %get3A_1378 = arith.index_cast %scan3A_50 : i32 to index
      %get3A_1379 = arith.index_cast %get3A_1377 : i32 to index
      %get3A_1380 = arith.constant 64 : index
      %get3A_1381 = tpu.vector_load %arg12[%get3A_1378, %get3A_1379, %get3A_1380] {strides = array<i32>} : memref<32x8x128xf32, #tpu.memory_space<vmem>>, vector<1x1x16xf32>,
      %get3A_1382 = vector.shape_cast %get3A_1381 : vector<1x1x16xf32> to vector<16xf32>
      %mul3A_1383 = arith.mulf %get3A_53, %get3A_1382 : vector<16xf32>
      %get3A_1384 = arith.constant 7 : i32
      %get3A_1385 = arith.index_cast %scan3A_50 : i32 to index
      %get3A_1386 = arith.index_cast %get3A_1384 : i32 to index
      %get3A_1387 = arith.constant 64 : index
      %get3A_1388 = tpu.vector_load %arg13[%get3A_1385, %get3A_1386, %get3A_1387] {strides = array<i32>} : memref<32x8x128xf32, #tpu.memory_space<vmem>>, vector<1x1x16xf32>,
      %get3A_1389 = vector.shape_cast %get3A_1388 : vector<1x1x16xf32> to vector<16xf32>
      %mul3A_1390 = arith.mulf %get3A_57, %get3A_1389 : vector<16xf32>
      %add3A_1391 = arith.addf %mul3A_1383, %mul3A_1390 : vector<16xf32>
      %swap3A_1392 = arith.constant 7 : i32
      %swap3A_1393 = arith.index_cast %scan3A_50 : i32 to index
      %swap3A_1394 = arith.index_cast %swap3A_1392 : i32 to index
      %swap3A_1395 = arith.constant 64 : index
      %swap3A_1396 = tpu.vector_load %arg14[%swap3A_1393, %swap3A_1394, %swap3A_1395] {strides = array<i32>} : memref<32x8x128xf32, #tpu.memory_space<vmem>>, vector<1x1x16xf32>,
      %swap3A_1397 = vector.shape_cast %swap3A_1396 : vector<1x1x16xf32> to vector<16xf32>
      %swap3A_1398 = vector.shape_cast %add3A_1391 : vector<16xf32> to vector<1x1x16xf32>
      tpu.vector_store %arg14[%swap3A_1393, %swap3A_1394, %swap3A_1395], %swap3A_1398 {strides = array<i32>} : memref<32x8x128xf32, #tpu.memory_space<vmem>>, vector<1x1x16xf32>,
      %get3A_1399 = arith.constant 7 : i32
      %get3A_1400 = arith.index_cast %scan3A_50 : i32 to index
      %get3A_1401 = arith.index_cast %get3A_1399 : i32 to index
      %get3A_1402 = arith.constant 80 : index
      %get3A_1403 = tpu.vector_load %arg12[%get3A_1400, %get3A_1401, %get3A_1402] {strides = array<i32>} : memref<32x8x128xf32, #tpu.memory_space<vmem>>, vector<1x1x16xf32>,
      %get3A_1404 = vector.shape_cast %get3A_1403 : vector<1x1x16xf32> to vector<16xf32>
      %mul3A_1405 = arith.mulf %get3A_53, %get3A_1404 : vector<16xf32>
      %get3A_1406 = arith.constant 7 : i32
      %get3A_1407 = arith.index_cast %scan3A_50 : i32 to index
      %get3A_1408 = arith.index_cast %get3A_1406 : i32 to index
      %get3A_1409 = arith.constant 80 : index
      %get3A_1410 = tpu.vector_load %arg13[%get3A_1407, %get3A_1408, %get3A_1409] {strides = array<i32>} : memref<32x8x128xf32, #tpu.memory_space<vmem>>, vector<1x1x16xf32>,
      %get3A_1411 = vector.shape_cast %get3A_1410 : vector<1x1x16xf32> to vector<16xf32>
      %mul3A_1412 = arith.mulf %get3A_57, %get3A_1411 : vector<16xf32>
      %add3A_1413 = arith.addf %mul3A_1405, %mul3A_1412 : vector<16xf32>
      %swap3A_1414 = arith.constant 7 : i32
      %swap3A_1415 = arith.index_cast %scan3A_50 : i32 to index
      %swap3A_1416 = arith.index_cast %swap3A_1414 : i32 to index
      %swap3A_1417 = arith.constant 80 : index
      %swap3A_1418 = tpu.vector_load %arg14[%swap3A_1415, %swap3A_1416, %swap3A_1417] {strides = array<i32>} : memref<32x8x128xf32, #tpu.memory_space<vmem>>, vector<1x1x16xf32>,
      %swap3A_1419 = vector.shape_cast %swap3A_1418 : vector<1x1x16xf32> to vector<16xf32>
      %swap3A_1420 = vector.shape_cast %add3A_1413 : vector<16xf32> to vector<1x1x16xf32>
      tpu.vector_store %arg14[%swap3A_1415, %swap3A_1416, %swap3A_1417], %swap3A_1420 {strides = array<i32>} : memref<32x8x128xf32, #tpu.memory_space<vmem>>, vector<1x1x16xf32>,
      %get3A_1421 = arith.constant 7 : i32
      %get3A_1422 = arith.index_cast %scan3A_50 : i32 to index
      %get3A_1423 = arith.index_cast %get3A_1421 : i32 to index
      %get3A_1424 = arith.constant 96 : index
      %get3A_1425 = tpu.vector_load %arg12[%get3A_1422, %get3A_1423, %get3A_1424] {strides = array<i32>} : memref<32x8x128xf32, #tpu.memory_space<vmem>>, vector<1x1x16xf32>,
      %get3A_1426 = vector.shape_cast %get3A_1425 : vector<1x1x16xf32> to vector<16xf32>
      %mul3A_1427 = arith.mulf %get3A_53, %get3A_1426 : vector<16xf32>
      %get3A_1428 = arith.constant 7 : i32
      %get3A_1429 = arith.index_cast %scan3A_50 : i32 to index
      %get3A_1430 = arith.index_cast %get3A_1428 : i32 to index
      %get3A_1431 = arith.constant 96 : index
      %get3A_1432 = tpu.vector_load %arg13[%get3A_1429, %get3A_1430, %get3A_1431] {strides = array<i32>} : memref<32x8x128xf32, #tpu.memory_space<vmem>>, vector<1x1x16xf32>,
      %get3A_1433 = vector.shape_cast %get3A_1432 : vector<1x1x16xf32> to vector<16xf32>
      %mul3A_1434 = arith.mulf %get3A_57, %get3A_1433 : vector<16xf32>
      %add3A_1435 = arith.addf %mul3A_1427, %mul3A_1434 : vector<16xf32>
      %swap3A_1436 = arith.constant 7 : i32
      %swap3A_1437 = arith.index_cast %scan3A_50 : i32 to index
      %swap3A_1438 = arith.index_cast %swap3A_1436 : i32 to index
      %swap3A_1439 = arith.constant 96 : index
      %swap3A_1440 = tpu.vector_load %arg14[%swap3A_1437, %swap3A_1438, %swap3A_1439] {strides = array<i32>} : memref<32x8x128xf32, #tpu.memory_space<vmem>>, vector<1x1x16xf32>,
      %swap3A_1441 = vector.shape_cast %swap3A_1440 : vector<1x1x16xf32> to vector<16xf32>
      %swap3A_1442 = vector.shape_cast %add3A_1435 : vector<16xf32> to vector<1x1x16xf32>
      tpu.vector_store %arg14[%swap3A_1437, %swap3A_1438, %swap3A_1439], %swap3A_1442 {strides = array<i32>} : memref<32x8x128xf32, #tpu.memory_space<vmem>>, vector<1x1x16xf32>,
      %get3A_1443 = arith.constant 7 : i32
      %get3A_1444 = arith.index_cast %scan3A_50 : i32 to index
      %get3A_1445 = arith.index_cast %get3A_1443 : i32 to index
      %get3A_1446 = arith.constant 112 : index
      %get3A_1447 = tpu.vector_load %arg12[%get3A_1444, %get3A_1445, %get3A_1446] {strides = array<i32>} : memref<32x8x128xf32, #tpu.memory_space<vmem>>, vector<1x1x16xf32>,
      %get3A_1448 = vector.shape_cast %get3A_1447 : vector<1x1x16xf32> to vector<16xf32>
      %mul3A_1449 = arith.mulf %get3A_53, %get3A_1448 : vector<16xf32>
      %get3A_1450 = arith.constant 7 : i32
      %get3A_1451 = arith.index_cast %scan3A_50 : i32 to index
      %get3A_1452 = arith.index_cast %get3A_1450 : i32 to index
      %get3A_1453 = arith.constant 112 : index
      %get3A_1454 = tpu.vector_load %arg13[%get3A_1451, %get3A_1452, %get3A_1453] {strides = array<i32>} : memref<32x8x128xf32, #tpu.memory_space<vmem>>, vector<1x1x16xf32>,
      %get3A_1455 = vector.shape_cast %get3A_1454 : vector<1x1x16xf32> to vector<16xf32>
      %mul3A_1456 = arith.mulf %get3A_57, %get3A_1455 : vector<16xf32>
      %add3A_1457 = arith.addf %mul3A_1449, %mul3A_1456 : vector<16xf32>
      %swap3A_1458 = arith.constant 7 : i32
      %swap3A_1459 = arith.index_cast %scan3A_50 : i32 to index
      %swap3A_1460 = arith.index_cast %swap3A_1458 : i32 to index
      %swap3A_1461 = arith.constant 112 : index
      %swap3A_1462 = tpu.vector_load %arg14[%swap3A_1459, %swap3A_1460, %swap3A_1461] {strides = array<i32>} : memref<32x8x128xf32, #tpu.memory_space<vmem>>, vector<1x1x16xf32>,
      %swap3A_1463 = vector.shape_cast %swap3A_1462 : vector<1x1x16xf32> to vector<16xf32>
      %swap3A_1464 = vector.shape_cast %add3A_1457 : vector<16xf32> to vector<1x1x16xf32>
      tpu.vector_store %arg14[%swap3A_1459, %swap3A_1460, %swap3A_1461], %swap3A_1464 {strides = array<i32>} : memref<32x8x128xf32, #tpu.memory_space<vmem>>, vector<1x1x16xf32>,
    }
    %scan3A_23 = arith.constant 32 : i32
    "tpu.region"() ({
      %run_scoped3A = tpu.sem_alloc : memref<!tpu.dma_semaphore, #tpu.memory_space<semaphore_mem>>
      %dma_start3A_50 = arith.constant 0 : i32
      %dma_start3A_51 = arith.constant 0 : i32
      %dma_start3A_52 = tpu.memref_slice %arg7[%add3A_4, %dma_start3A_50, %dma_start3A_51] : memref<2048x8x128xf32, #tpu.memory_space<hbm>> -> memref<32x8x128xf32, #tpu.memory_space<hbm>>
      %dma_start3A_53 = arith.constant 0 : i32
      %dma_start3A_54 = arith.constant 0 : i32
      %dma_start3A_55 = tpu.memref_slice %arg7[%add3A_4, %dma_start3A_53, %dma_start3A_54] : memref<2048x8x128xf32, #tpu.memory_space<hbm>> -> memref<32x8x128xf32, #tpu.memory_space<hbm>>
      tpu.enqueue_dma source(%arg14 : memref<32x8x128xf32, #tpu.memory_space<vmem>>) target(%dma_start3A_55 : memref<32x8x128xf32, #tpu.memory_space<hbm>>) target_semaphore(%run_scoped3A : memref<!tpu.dma_semaphore, #tpu.memory_space<semaphore_mem>>)
      %dma_wait3A_56 = arith.constant 0 : i32
      %dma_wait3A_57 = arith.constant 0 : i32
      %dma_wait3A_58 = tpu.memref_slice %arg7[%add3A_4, %dma_wait3A_56, %dma_wait3A_57] : memref<2048x8x128xf32, #tpu.memory_space<hbm>> -> memref<32x8x128xf32, #tpu.memory_space<hbm>>
      %dma_wait3A_59 = arith.constant 0 : i32
      %dma_wait3A_60 = arith.constant 0 : i32
      %dma_wait3A_61 = tpu.memref_slice %arg7[%add3A_4, %dma_wait3A_59, %dma_wait3A_60] : memref<2048x8x128xf32, #tpu.memory_space<hbm>> -> memref<32x8x128xf32, #tpu.memory_space<hbm>>
      tpu.wait_dma2 semaphore(%run_scoped3A : memref<!tpu.dma_semaphore, #tpu.memory_space<semaphore_mem>>) src(%arg14 : memref<32x8x128xf32, #tpu.memory_space<vmem>>) dst(%dma_wait3A_61 : memref<32x8x128xf32, #tpu.memory_space<hbm>>)
      tpu.yield
    }) : () -> ()
    %mul3A_24 = arith.constant 64 : i32
    %mul3A_25 = arith.muli %add3A, %mul3A_24 : i32
    %add3A_26 = arith.constant 32 : i32
    %add3A_27 = arith.addi %mul3A_25, %add3A_26 : i32
    "tpu.region"() ({
      %run_scoped3A = tpu.sem_alloc : memref<!tpu.dma_semaphore, #tpu.memory_space<semaphore_mem>>
      %dma_start3A_50 = tpu.memref_slice %arg3[%add3A_27] : memref<2048xi32, #tpu.memory_space<hbm>> -> memref<32xi32, #tpu.memory_space<hbm>>
      %dma_start3A_51 = tpu.memref_slice %arg3[%add3A_27] : memref<2048xi32, #tpu.memory_space<hbm>> -> memref<32xi32, #tpu.memory_space<hbm>>
      tpu.enqueue_dma source(%dma_start3A_51 : memref<32xi32, #tpu.memory_space<hbm>>) target(%arg8 : memref<32xi32, #tpu.memory_space<vmem>>) target_semaphore(%run_scoped3A : memref<!tpu.dma_semaphore, #tpu.memory_space<semaphore_mem>>)
      %dma_wait3A_52 = tpu.memref_slice %arg3[%add3A_27] : memref<2048xi32, #tpu.memory_space<hbm>> -> memref<32xi32, #tpu.memory_space<hbm>>
      %dma_wait3A_53 = tpu.memref_slice %arg3[%add3A_27] : memref<2048xi32, #tpu.memory_space<hbm>> -> memref<32xi32, #tpu.memory_space<hbm>>
      tpu.wait_dma2 semaphore(%run_scoped3A : memref<!tpu.dma_semaphore, #tpu.memory_space<semaphore_mem>>) src(%dma_wait3A_53 : memref<32xi32, #tpu.memory_space<hbm>>) dst(%arg8 : memref<32xi32, #tpu.memory_space<vmem>>)
      tpu.yield
    }) : () -> ()
    "tpu.region"() ({
      %run_scoped3A = tpu.sem_alloc : memref<!tpu.dma_semaphore, #tpu.memory_space<semaphore_mem>>
      %dma_start3A_50 = tpu.memref_slice %arg4[%add3A_27] : memref<2048xi32, #tpu.memory_space<hbm>> -> memref<32xi32, #tpu.memory_space<hbm>>
      %dma_start3A_51 = tpu.memref_slice %arg4[%add3A_27] : memref<2048xi32, #tpu.memory_space<hbm>> -> memref<32xi32, #tpu.memory_space<hbm>>
      tpu.enqueue_dma source(%dma_start3A_51 : memref<32xi32, #tpu.memory_space<hbm>>) target(%arg9 : memref<32xi32, #tpu.memory_space<vmem>>) target_semaphore(%run_scoped3A : memref<!tpu.dma_semaphore, #tpu.memory_space<semaphore_mem>>)
      %dma_wait3A_52 = tpu.memref_slice %arg4[%add3A_27] : memref<2048xi32, #tpu.memory_space<hbm>> -> memref<32xi32, #tpu.memory_space<hbm>>
      %dma_wait3A_53 = tpu.memref_slice %arg4[%add3A_27] : memref<2048xi32, #tpu.memory_space<hbm>> -> memref<32xi32, #tpu.memory_space<hbm>>
      tpu.wait_dma2 semaphore(%run_scoped3A : memref<!tpu.dma_semaphore, #tpu.memory_space<semaphore_mem>>) src(%dma_wait3A_53 : memref<32xi32, #tpu.memory_space<hbm>>) dst(%arg9 : memref<32xi32, #tpu.memory_space<vmem>>)
      tpu.yield
    }) : () -> ()
    "tpu.region"() ({
      %run_scoped3A = tpu.sem_alloc : memref<!tpu.dma_semaphore, #tpu.memory_space<semaphore_mem>>
      %dma_start3A_50 = arith.constant 0 : i32
      %dma_start3A_51 = tpu.memref_slice %arg5[%add3A_27, %dma_start3A_50] : memref<2048x128xf32, #tpu.memory_space<hbm>> -> memref<32x128xf32, #tpu.memory_space<hbm>>
      %dma_start3A_52 = arith.constant 0 : i32
      %dma_start3A_53 = tpu.memref_slice %arg5[%add3A_27, %dma_start3A_52] : memref<2048x128xf32, #tpu.memory_space<hbm>> -> memref<32x128xf32, #tpu.memory_space<hbm>>
      tpu.enqueue_dma source(%dma_start3A_53 : memref<32x128xf32, #tpu.memory_space<hbm>>) target(%arg10 : memref<32x128xf32, #tpu.memory_space<vmem>>) target_semaphore(%run_scoped3A : memref<!tpu.dma_semaphore, #tpu.memory_space<semaphore_mem>>)
      %dma_wait3A_54 = arith.constant 0 : i32
      %dma_wait3A_55 = tpu.memref_slice %arg5[%add3A_27, %dma_wait3A_54] : memref<2048x128xf32, #tpu.memory_space<hbm>> -> memref<32x128xf32, #tpu.memory_space<hbm>>
      %dma_wait3A_56 = arith.constant 0 : i32
      %dma_wait3A_57 = tpu.memref_slice %arg5[%add3A_27, %dma_wait3A_56] : memref<2048x128xf32, #tpu.memory_space<hbm>> -> memref<32x128xf32, #tpu.memory_space<hbm>>
      tpu.wait_dma2 semaphore(%run_scoped3A : memref<!tpu.dma_semaphore, #tpu.memory_space<semaphore_mem>>) src(%dma_wait3A_57 : memref<32x128xf32, #tpu.memory_space<hbm>>) dst(%arg10 : memref<32x128xf32, #tpu.memory_space<vmem>>)
      tpu.yield
    }) : () -> ()
    "tpu.region"() ({
      %run_scoped3A = tpu.sem_alloc : memref<!tpu.dma_semaphore, #tpu.memory_space<semaphore_mem>>
      %dma_start3A_50 = arith.constant 0 : i32
      %dma_start3A_51 = tpu.memref_slice %arg6[%add3A_27, %dma_start3A_50] : memref<2048x128xf32, #tpu.memory_space<hbm>> -> memref<32x128xf32, #tpu.memory_space<hbm>>
      %dma_start3A_52 = arith.constant 0 : i32
      %dma_start3A_53 = tpu.memref_slice %arg6[%add3A_27, %dma_start3A_52] : memref<2048x128xf32, #tpu.memory_space<hbm>> -> memref<32x128xf32, #tpu.memory_space<hbm>>
      tpu.enqueue_dma source(%dma_start3A_53 : memref<32x128xf32, #tpu.memory_space<hbm>>) target(%arg11 : memref<32x128xf32, #tpu.memory_space<vmem>>) target_semaphore(%run_scoped3A : memref<!tpu.dma_semaphore, #tpu.memory_space<semaphore_mem>>)
      %dma_wait3A_54 = arith.constant 0 : i32
      %dma_wait3A_55 = tpu.memref_slice %arg6[%add3A_27, %dma_wait3A_54] : memref<2048x128xf32, #tpu.memory_space<hbm>> -> memref<32x128xf32, #tpu.memory_space<hbm>>
      %dma_wait3A_56 = arith.constant 0 : i32
      %dma_wait3A_57 = tpu.memref_slice %arg6[%add3A_27, %dma_wait3A_56] : memref<2048x128xf32, #tpu.memory_space<hbm>> -> memref<32x128xf32, #tpu.memory_space<hbm>>
      tpu.wait_dma2 semaphore(%run_scoped3A : memref<!tpu.dma_semaphore, #tpu.memory_space<semaphore_mem>>) src(%dma_wait3A_57 : memref<32x128xf32, #tpu.memory_space<hbm>>) dst(%arg11 : memref<32x128xf32, #tpu.memory_space<vmem>>)
      tpu.yield
    }) : () -> ()
    %dma_start3A_28 = arith.constant 0 : i32
    %dma_start3A_29 = arith.constant 0 : i32
    %dma_start3A_30 = arith.constant 0 : i32
    %dma_start3A_31 = tpu.memref_slice %arg2[%dma_start3A_28, %dma_start3A_29, %dma_start3A_30] : memref<4096x8x128xf32, #tpu.memory_space<hbm>> -> memref<4096x8x128xf32, #tpu.memory_space<hbm>>
    tpu.enqueue_indirect_dma source(%dma_start3A_31 : memref<4096x8x128xf32, #tpu.memory_space<hbm>>) target(%arg12 : memref<32x8x128xf32, #tpu.memory_space<vmem>>) offsets(%arg8 : memref<32xi32, #tpu.memory_space<vmem>>) semaphore(%arg15 : memref<!tpu.dma_semaphore, #tpu.memory_space<semaphore_mem>>)
    %dma_start3A_32 = arith.constant 0 : i32
    %dma_start3A_33 = arith.constant 0 : i32
    %dma_start3A_34 = arith.constant 0 : i32
    %dma_start3A_35 = tpu.memref_slice %arg2[%dma_start3A_32, %dma_start3A_33, %dma_start3A_34] : memref<4096x8x128xf32, #tpu.memory_space<hbm>> -> memref<4096x8x128xf32, #tpu.memory_space<hbm>>
    tpu.enqueue_indirect_dma source(%dma_start3A_35 : memref<4096x8x128xf32, #tpu.memory_space<hbm>>) target(%arg13 : memref<32x8x128xf32, #tpu.memory_space<vmem>>) offsets(%arg9 : memref<32xi32, #tpu.memory_space<vmem>>) semaphore(%arg16 : memref<!tpu.dma_semaphore, #tpu.memory_space<semaphore_mem>>)
    %dma_wait3A_36 = arith.constant 0 : i32
    %dma_wait3A_37 = arith.constant 0 : i32
    %dma_wait3A_38 = arith.constant 0 : i32
    %dma_wait3A_39 = tpu.memref_slice %arg2[%dma_wait3A_36, %dma_wait3A_37, %dma_wait3A_38] : memref<4096x8x128xf32, #tpu.memory_space<hbm>> -> memref<4096x8x128xf32, #tpu.memory_space<hbm>>
    tpu.wait_indirect_dma semaphore(%arg15 : memref<!tpu.dma_semaphore, #tpu.memory_space<semaphore_mem>>) src(%dma_wait3A_39 : memref<4096x8x128xf32, #tpu.memory_space<hbm>>) dst(%arg12 : memref<32x8x128xf32, #tpu.memory_space<vmem>>)
    %dma_wait3A_40 = arith.constant 0 : i32
    %dma_wait3A_41 = arith.constant 0 : i32
    %dma_wait3A_42 = arith.constant 0 : i32
    %dma_wait3A_43 = tpu.memref_slice %arg2[%dma_wait3A_40, %dma_wait3A_41, %dma_wait3A_42] : memref<4096x8x128xf32, #tpu.memory_space<hbm>> -> memref<4096x8x128xf32, #tpu.memory_space<hbm>>
    tpu.wait_indirect_dma semaphore(%arg16 : memref<!tpu.dma_semaphore, #tpu.memory_space<semaphore_mem>>) src(%dma_wait3A_43 : memref<4096x8x128xf32, #tpu.memory_space<hbm>>) dst(%arg13 : memref<32x8x128xf32, #tpu.memory_space<vmem>>)
    %scan3A_44 = arith.constant 0 : i32
    %scan3A_45 = arith.constant 0 : i32
    %scan3A_46 = arith.constant 32 : i32
    %scan3A_47 = arith.addi %scan3A_45, %scan3A_46 : i32
    %scan3A_48 = arith.constant 1 : i32
    scf.for %scan3A_50 = %scan3A_45 to %scan3A_47 step %scan3A_48  : i32 {
      %get3A = arith.index_cast %scan3A_50 : i32 to index
      %get3A_51 = arith.constant 0 : index
      %get3A_52 = tpu.vector_load %arg10[%get3A, %get3A_51] {strides = array<i32>} : memref<32x128xf32, #tpu.memory_space<vmem>>, vector<1x16xf32>,
      %get3A_53 = vector.shape_cast %get3A_52 : vector<1x16xf32> to vector<16xf32>
      %get3A_54 = arith.index_cast %scan3A_50 : i32 to index
      %get3A_55 = arith.constant 0 : index
      %get3A_56 = tpu.vector_load %arg11[%get3A_54, %get3A_55] {strides = array<i32>} : memref<32x128xf32, #tpu.memory_space<vmem>>, vector<1x16xf32>,
      %get3A_57 = vector.shape_cast %get3A_56 : vector<1x16xf32> to vector<16xf32>
      %get3A_58 = arith.constant 0 : i32
      %get3A_59 = arith.index_cast %scan3A_50 : i32 to index
      %get3A_60 = arith.index_cast %get3A_58 : i32 to index
      %get3A_61 = arith.constant 0 : index
      %get3A_62 = tpu.vector_load %arg12[%get3A_59, %get3A_60, %get3A_61] {strides = array<i32>} : memref<32x8x128xf32, #tpu.memory_space<vmem>>, vector<1x1x16xf32>,
      %get3A_63 = vector.shape_cast %get3A_62 : vector<1x1x16xf32> to vector<16xf32>
      %mul3A_64 = arith.mulf %get3A_53, %get3A_63 : vector<16xf32>
      %get3A_65 = arith.constant 0 : i32
      %get3A_66 = arith.index_cast %scan3A_50 : i32 to index
      %get3A_67 = arith.index_cast %get3A_65 : i32 to index
      %get3A_68 = arith.constant 0 : index
      %get3A_69 = tpu.vector_load %arg13[%get3A_66, %get3A_67, %get3A_68] {strides = array<i32>} : memref<32x8x128xf32, #tpu.memory_space<vmem>>, vector<1x1x16xf32>,
      %get3A_70 = vector.shape_cast %get3A_69 : vector<1x1x16xf32> to vector<16xf32>
      %mul3A_71 = arith.mulf %get3A_57, %get3A_70 : vector<16xf32>
      %add3A_72 = arith.addf %mul3A_64, %mul3A_71 : vector<16xf32>
      %swap3A = arith.constant 0 : i32
      %swap3A_73 = arith.index_cast %scan3A_50 : i32 to index
      %swap3A_74 = arith.index_cast %swap3A : i32 to index
      %swap3A_75 = arith.constant 0 : index
      %swap3A_76 = tpu.vector_load %arg14[%swap3A_73, %swap3A_74, %swap3A_75] {strides = array<i32>} : memref<32x8x128xf32, #tpu.memory_space<vmem>>, vector<1x1x16xf32>,
      %swap3A_77 = vector.shape_cast %swap3A_76 : vector<1x1x16xf32> to vector<16xf32>
      %swap3A_78 = vector.shape_cast %add3A_72 : vector<16xf32> to vector<1x1x16xf32>
      tpu.vector_store %arg14[%swap3A_73, %swap3A_74, %swap3A_75], %swap3A_78 {strides = array<i32>} : memref<32x8x128xf32, #tpu.memory_space<vmem>>, vector<1x1x16xf32>,
      %get3A_79 = arith.constant 0 : i32
      %get3A_80 = arith.index_cast %scan3A_50 : i32 to index
      %get3A_81 = arith.index_cast %get3A_79 : i32 to index
      %get3A_82 = arith.constant 16 : index
      %get3A_83 = tpu.vector_load %arg12[%get3A_80, %get3A_81, %get3A_82] {strides = array<i32>} : memref<32x8x128xf32, #tpu.memory_space<vmem>>, vector<1x1x16xf32>,
      %get3A_84 = vector.shape_cast %get3A_83 : vector<1x1x16xf32> to vector<16xf32>
      %mul3A_85 = arith.mulf %get3A_53, %get3A_84 : vector<16xf32>
      %get3A_86 = arith.constant 0 : i32
      %get3A_87 = arith.index_cast %scan3A_50 : i32 to index
      %get3A_88 = arith.index_cast %get3A_86 : i32 to index
      %get3A_89 = arith.constant 16 : index
      %get3A_90 = tpu.vector_load %arg13[%get3A_87, %get3A_88, %get3A_89] {strides = array<i32>} : memref<32x8x128xf32, #tpu.memory_space<vmem>>, vector<1x1x16xf32>,
      %get3A_91 = vector.shape_cast %get3A_90 : vector<1x1x16xf32> to vector<16xf32>
      %mul3A_92 = arith.mulf %get3A_57, %get3A_91 : vector<16xf32>
      %add3A_93 = arith.addf %mul3A_85, %mul3A_92 : vector<16xf32>
      %swap3A_94 = arith.constant 0 : i32
      %swap3A_95 = arith.index_cast %scan3A_50 : i32 to index
      %swap3A_96 = arith.index_cast %swap3A_94 : i32 to index
      %swap3A_97 = arith.constant 16 : index
      %swap3A_98 = tpu.vector_load %arg14[%swap3A_95, %swap3A_96, %swap3A_97] {strides = array<i32>} : memref<32x8x128xf32, #tpu.memory_space<vmem>>, vector<1x1x16xf32>,
      %swap3A_99 = vector.shape_cast %swap3A_98 : vector<1x1x16xf32> to vector<16xf32>
      %swap3A_100 = vector.shape_cast %add3A_93 : vector<16xf32> to vector<1x1x16xf32>
      tpu.vector_store %arg14[%swap3A_95, %swap3A_96, %swap3A_97], %swap3A_100 {strides = array<i32>} : memref<32x8x128xf32, #tpu.memory_space<vmem>>, vector<1x1x16xf32>,
      %get3A_101 = arith.constant 0 : i32
      %get3A_102 = arith.index_cast %scan3A_50 : i32 to index
      %get3A_103 = arith.index_cast %get3A_101 : i32 to index
      %get3A_104 = arith.constant 32 : index
      %get3A_105 = tpu.vector_load %arg12[%get3A_102, %get3A_103, %get3A_104] {strides = array<i32>} : memref<32x8x128xf32, #tpu.memory_space<vmem>>, vector<1x1x16xf32>,
      %get3A_106 = vector.shape_cast %get3A_105 : vector<1x1x16xf32> to vector<16xf32>
      %mul3A_107 = arith.mulf %get3A_53, %get3A_106 : vector<16xf32>
      %get3A_108 = arith.constant 0 : i32
      %get3A_109 = arith.index_cast %scan3A_50 : i32 to index
      %get3A_110 = arith.index_cast %get3A_108 : i32 to index
      %get3A_111 = arith.constant 32 : index
      %get3A_112 = tpu.vector_load %arg13[%get3A_109, %get3A_110, %get3A_111] {strides = array<i32>} : memref<32x8x128xf32, #tpu.memory_space<vmem>>, vector<1x1x16xf32>,
      %get3A_113 = vector.shape_cast %get3A_112 : vector<1x1x16xf32> to vector<16xf32>
      %mul3A_114 = arith.mulf %get3A_57, %get3A_113 : vector<16xf32>
      %add3A_115 = arith.addf %mul3A_107, %mul3A_114 : vector<16xf32>
      %swap3A_116 = arith.constant 0 : i32
      %swap3A_117 = arith.index_cast %scan3A_50 : i32 to index
      %swap3A_118 = arith.index_cast %swap3A_116 : i32 to index
      %swap3A_119 = arith.constant 32 : index
      %swap3A_120 = tpu.vector_load %arg14[%swap3A_117, %swap3A_118, %swap3A_119] {strides = array<i32>} : memref<32x8x128xf32, #tpu.memory_space<vmem>>, vector<1x1x16xf32>,
      %swap3A_121 = vector.shape_cast %swap3A_120 : vector<1x1x16xf32> to vector<16xf32>
      %swap3A_122 = vector.shape_cast %add3A_115 : vector<16xf32> to vector<1x1x16xf32>
      tpu.vector_store %arg14[%swap3A_117, %swap3A_118, %swap3A_119], %swap3A_122 {strides = array<i32>} : memref<32x8x128xf32, #tpu.memory_space<vmem>>, vector<1x1x16xf32>,
      %get3A_123 = arith.constant 0 : i32
      %get3A_124 = arith.index_cast %scan3A_50 : i32 to index
      %get3A_125 = arith.index_cast %get3A_123 : i32 to index
      %get3A_126 = arith.constant 48 : index
      %get3A_127 = tpu.vector_load %arg12[%get3A_124, %get3A_125, %get3A_126] {strides = array<i32>} : memref<32x8x128xf32, #tpu.memory_space<vmem>>, vector<1x1x16xf32>,
      %get3A_128 = vector.shape_cast %get3A_127 : vector<1x1x16xf32> to vector<16xf32>
      %mul3A_129 = arith.mulf %get3A_53, %get3A_128 : vector<16xf32>
      %get3A_130 = arith.constant 0 : i32
      %get3A_131 = arith.index_cast %scan3A_50 : i32 to index
      %get3A_132 = arith.index_cast %get3A_130 : i32 to index
      %get3A_133 = arith.constant 48 : index
      %get3A_134 = tpu.vector_load %arg13[%get3A_131, %get3A_132, %get3A_133] {strides = array<i32>} : memref<32x8x128xf32, #tpu.memory_space<vmem>>, vector<1x1x16xf32>,
      %get3A_135 = vector.shape_cast %get3A_134 : vector<1x1x16xf32> to vector<16xf32>
      %mul3A_136 = arith.mulf %get3A_57, %get3A_135 : vector<16xf32>
      %add3A_137 = arith.addf %mul3A_129, %mul3A_136 : vector<16xf32>
      %swap3A_138 = arith.constant 0 : i32
      %swap3A_139 = arith.index_cast %scan3A_50 : i32 to index
      %swap3A_140 = arith.index_cast %swap3A_138 : i32 to index
      %swap3A_141 = arith.constant 48 : index
      %swap3A_142 = tpu.vector_load %arg14[%swap3A_139, %swap3A_140, %swap3A_141] {strides = array<i32>} : memref<32x8x128xf32, #tpu.memory_space<vmem>>, vector<1x1x16xf32>,
      %swap3A_143 = vector.shape_cast %swap3A_142 : vector<1x1x16xf32> to vector<16xf32>
      %swap3A_144 = vector.shape_cast %add3A_137 : vector<16xf32> to vector<1x1x16xf32>
      tpu.vector_store %arg14[%swap3A_139, %swap3A_140, %swap3A_141], %swap3A_144 {strides = array<i32>} : memref<32x8x128xf32, #tpu.memory_space<vmem>>, vector<1x1x16xf32>,
      %get3A_145 = arith.constant 0 : i32
      %get3A_146 = arith.index_cast %scan3A_50 : i32 to index
      %get3A_147 = arith.index_cast %get3A_145 : i32 to index
      %get3A_148 = arith.constant 64 : index
      %get3A_149 = tpu.vector_load %arg12[%get3A_146, %get3A_147, %get3A_148] {strides = array<i32>} : memref<32x8x128xf32, #tpu.memory_space<vmem>>, vector<1x1x16xf32>,
      %get3A_150 = vector.shape_cast %get3A_149 : vector<1x1x16xf32> to vector<16xf32>
      %mul3A_151 = arith.mulf %get3A_53, %get3A_150 : vector<16xf32>
      %get3A_152 = arith.constant 0 : i32
      %get3A_153 = arith.index_cast %scan3A_50 : i32 to index
      %get3A_154 = arith.index_cast %get3A_152 : i32 to index
      %get3A_155 = arith.constant 64 : index
      %get3A_156 = tpu.vector_load %arg13[%get3A_153, %get3A_154, %get3A_155] {strides = array<i32>} : memref<32x8x128xf32, #tpu.memory_space<vmem>>, vector<1x1x16xf32>,
      %get3A_157 = vector.shape_cast %get3A_156 : vector<1x1x16xf32> to vector<16xf32>
      %mul3A_158 = arith.mulf %get3A_57, %get3A_157 : vector<16xf32>
      %add3A_159 = arith.addf %mul3A_151, %mul3A_158 : vector<16xf32>
      %swap3A_160 = arith.constant 0 : i32
      %swap3A_161 = arith.index_cast %scan3A_50 : i32 to index
      %swap3A_162 = arith.index_cast %swap3A_160 : i32 to index
      %swap3A_163 = arith.constant 64 : index
      %swap3A_164 = tpu.vector_load %arg14[%swap3A_161, %swap3A_162, %swap3A_163] {strides = array<i32>} : memref<32x8x128xf32, #tpu.memory_space<vmem>>, vector<1x1x16xf32>,
      %swap3A_165 = vector.shape_cast %swap3A_164 : vector<1x1x16xf32> to vector<16xf32>
      %swap3A_166 = vector.shape_cast %add3A_159 : vector<16xf32> to vector<1x1x16xf32>
      tpu.vector_store %arg14[%swap3A_161, %swap3A_162, %swap3A_163], %swap3A_166 {strides = array<i32>} : memref<32x8x128xf32, #tpu.memory_space<vmem>>, vector<1x1x16xf32>,
      %get3A_167 = arith.constant 0 : i32
      %get3A_168 = arith.index_cast %scan3A_50 : i32 to index
      %get3A_169 = arith.index_cast %get3A_167 : i32 to index
      %get3A_170 = arith.constant 80 : index
      %get3A_171 = tpu.vector_load %arg12[%get3A_168, %get3A_169, %get3A_170] {strides = array<i32>} : memref<32x8x128xf32, #tpu.memory_space<vmem>>, vector<1x1x16xf32>,
      %get3A_172 = vector.shape_cast %get3A_171 : vector<1x1x16xf32> to vector<16xf32>
      %mul3A_173 = arith.mulf %get3A_53, %get3A_172 : vector<16xf32>
      %get3A_174 = arith.constant 0 : i32
      %get3A_175 = arith.index_cast %scan3A_50 : i32 to index
      %get3A_176 = arith.index_cast %get3A_174 : i32 to index
      %get3A_177 = arith.constant 80 : index
      %get3A_178 = tpu.vector_load %arg13[%get3A_175, %get3A_176, %get3A_177] {strides = array<i32>} : memref<32x8x128xf32, #tpu.memory_space<vmem>>, vector<1x1x16xf32>,
      %get3A_179 = vector.shape_cast %get3A_178 : vector<1x1x16xf32> to vector<16xf32>
      %mul3A_180 = arith.mulf %get3A_57, %get3A_179 : vector<16xf32>
      %add3A_181 = arith.addf %mul3A_173, %mul3A_180 : vector<16xf32>
      %swap3A_182 = arith.constant 0 : i32
      %swap3A_183 = arith.index_cast %scan3A_50 : i32 to index
      %swap3A_184 = arith.index_cast %swap3A_182 : i32 to index
      %swap3A_185 = arith.constant 80 : index
      %swap3A_186 = tpu.vector_load %arg14[%swap3A_183, %swap3A_184, %swap3A_185] {strides = array<i32>} : memref<32x8x128xf32, #tpu.memory_space<vmem>>, vector<1x1x16xf32>,
      %swap3A_187 = vector.shape_cast %swap3A_186 : vector<1x1x16xf32> to vector<16xf32>
      %swap3A_188 = vector.shape_cast %add3A_181 : vector<16xf32> to vector<1x1x16xf32>
      tpu.vector_store %arg14[%swap3A_183, %swap3A_184, %swap3A_185], %swap3A_188 {strides = array<i32>} : memref<32x8x128xf32, #tpu.memory_space<vmem>>, vector<1x1x16xf32>,
      %get3A_189 = arith.constant 0 : i32
      %get3A_190 = arith.index_cast %scan3A_50 : i32 to index
      %get3A_191 = arith.index_cast %get3A_189 : i32 to index
      %get3A_192 = arith.constant 96 : index
      %get3A_193 = tpu.vector_load %arg12[%get3A_190, %get3A_191, %get3A_192] {strides = array<i32>} : memref<32x8x128xf32, #tpu.memory_space<vmem>>, vector<1x1x16xf32>,
      %get3A_194 = vector.shape_cast %get3A_193 : vector<1x1x16xf32> to vector<16xf32>
      %mul3A_195 = arith.mulf %get3A_53, %get3A_194 : vector<16xf32>
      %get3A_196 = arith.constant 0 : i32
      %get3A_197 = arith.index_cast %scan3A_50 : i32 to index
      %get3A_198 = arith.index_cast %get3A_196 : i32 to index
      %get3A_199 = arith.constant 96 : index
      %get3A_200 = tpu.vector_load %arg13[%get3A_197, %get3A_198, %get3A_199] {strides = array<i32>} : memref<32x8x128xf32, #tpu.memory_space<vmem>>, vector<1x1x16xf32>,
      %get3A_201 = vector.shape_cast %get3A_200 : vector<1x1x16xf32> to vector<16xf32>
      %mul3A_202 = arith.mulf %get3A_57, %get3A_201 : vector<16xf32>
      %add3A_203 = arith.addf %mul3A_195, %mul3A_202 : vector<16xf32>
      %swap3A_204 = arith.constant 0 : i32
      %swap3A_205 = arith.index_cast %scan3A_50 : i32 to index
      %swap3A_206 = arith.index_cast %swap3A_204 : i32 to index
      %swap3A_207 = arith.constant 96 : index
      %swap3A_208 = tpu.vector_load %arg14[%swap3A_205, %swap3A_206, %swap3A_207] {strides = array<i32>} : memref<32x8x128xf32, #tpu.memory_space<vmem>>, vector<1x1x16xf32>,
      %swap3A_209 = vector.shape_cast %swap3A_208 : vector<1x1x16xf32> to vector<16xf32>
      %swap3A_210 = vector.shape_cast %add3A_203 : vector<16xf32> to vector<1x1x16xf32>
      tpu.vector_store %arg14[%swap3A_205, %swap3A_206, %swap3A_207], %swap3A_210 {strides = array<i32>} : memref<32x8x128xf32, #tpu.memory_space<vmem>>, vector<1x1x16xf32>,
      %get3A_211 = arith.constant 0 : i32
      %get3A_212 = arith.index_cast %scan3A_50 : i32 to index
      %get3A_213 = arith.index_cast %get3A_211 : i32 to index
      %get3A_214 = arith.constant 112 : index
      %get3A_215 = tpu.vector_load %arg12[%get3A_212, %get3A_213, %get3A_214] {strides = array<i32>} : memref<32x8x128xf32, #tpu.memory_space<vmem>>, vector<1x1x16xf32>,
      %get3A_216 = vector.shape_cast %get3A_215 : vector<1x1x16xf32> to vector<16xf32>
      %mul3A_217 = arith.mulf %get3A_53, %get3A_216 : vector<16xf32>
      %get3A_218 = arith.constant 0 : i32
      %get3A_219 = arith.index_cast %scan3A_50 : i32 to index
      %get3A_220 = arith.index_cast %get3A_218 : i32 to index
      %get3A_221 = arith.constant 112 : index
      %get3A_222 = tpu.vector_load %arg13[%get3A_219, %get3A_220, %get3A_221] {strides = array<i32>} : memref<32x8x128xf32, #tpu.memory_space<vmem>>, vector<1x1x16xf32>,
      %get3A_223 = vector.shape_cast %get3A_222 : vector<1x1x16xf32> to vector<16xf32>
      %mul3A_224 = arith.mulf %get3A_57, %get3A_223 : vector<16xf32>
      %add3A_225 = arith.addf %mul3A_217, %mul3A_224 : vector<16xf32>
      %swap3A_226 = arith.constant 0 : i32
      %swap3A_227 = arith.index_cast %scan3A_50 : i32 to index
      %swap3A_228 = arith.index_cast %swap3A_226 : i32 to index
      %swap3A_229 = arith.constant 112 : index
      %swap3A_230 = tpu.vector_load %arg14[%swap3A_227, %swap3A_228, %swap3A_229] {strides = array<i32>} : memref<32x8x128xf32, #tpu.memory_space<vmem>>, vector<1x1x16xf32>,
      %swap3A_231 = vector.shape_cast %swap3A_230 : vector<1x1x16xf32> to vector<16xf32>
      %swap3A_232 = vector.shape_cast %add3A_225 : vector<16xf32> to vector<1x1x16xf32>
      tpu.vector_store %arg14[%swap3A_227, %swap3A_228, %swap3A_229], %swap3A_232 {strides = array<i32>} : memref<32x8x128xf32, #tpu.memory_space<vmem>>, vector<1x1x16xf32>,
      %get3A_233 = arith.constant 1 : i32
      %get3A_234 = arith.index_cast %scan3A_50 : i32 to index
      %get3A_235 = arith.index_cast %get3A_233 : i32 to index
      %get3A_236 = arith.constant 0 : index
      %get3A_237 = tpu.vector_load %arg12[%get3A_234, %get3A_235, %get3A_236] {strides = array<i32>} : memref<32x8x128xf32, #tpu.memory_space<vmem>>, vector<1x1x16xf32>,
      %get3A_238 = vector.shape_cast %get3A_237 : vector<1x1x16xf32> to vector<16xf32>
      %mul3A_239 = arith.mulf %get3A_53, %get3A_238 : vector<16xf32>
      %get3A_240 = arith.constant 1 : i32
      %get3A_241 = arith.index_cast %scan3A_50 : i32 to index
      %get3A_242 = arith.index_cast %get3A_240 : i32 to index
      %get3A_243 = arith.constant 0 : index
      %get3A_244 = tpu.vector_load %arg13[%get3A_241, %get3A_242, %get3A_243] {strides = array<i32>} : memref<32x8x128xf32, #tpu.memory_space<vmem>>, vector<1x1x16xf32>,
      %get3A_245 = vector.shape_cast %get3A_244 : vector<1x1x16xf32> to vector<16xf32>
      %mul3A_246 = arith.mulf %get3A_57, %get3A_245 : vector<16xf32>
      %add3A_247 = arith.addf %mul3A_239, %mul3A_246 : vector<16xf32>
      %swap3A_248 = arith.constant 1 : i32
      %swap3A_249 = arith.index_cast %scan3A_50 : i32 to index
      %swap3A_250 = arith.index_cast %swap3A_248 : i32 to index
      %swap3A_251 = arith.constant 0 : index
      %swap3A_252 = tpu.vector_load %arg14[%swap3A_249, %swap3A_250, %swap3A_251] {strides = array<i32>} : memref<32x8x128xf32, #tpu.memory_space<vmem>>, vector<1x1x16xf32>,
      %swap3A_253 = vector.shape_cast %swap3A_252 : vector<1x1x16xf32> to vector<16xf32>
      %swap3A_254 = vector.shape_cast %add3A_247 : vector<16xf32> to vector<1x1x16xf32>
      tpu.vector_store %arg14[%swap3A_249, %swap3A_250, %swap3A_251], %swap3A_254 {strides = array<i32>} : memref<32x8x128xf32, #tpu.memory_space<vmem>>, vector<1x1x16xf32>,
      %get3A_255 = arith.constant 1 : i32
      %get3A_256 = arith.index_cast %scan3A_50 : i32 to index
      %get3A_257 = arith.index_cast %get3A_255 : i32 to index
      %get3A_258 = arith.constant 16 : index
      %get3A_259 = tpu.vector_load %arg12[%get3A_256, %get3A_257, %get3A_258] {strides = array<i32>} : memref<32x8x128xf32, #tpu.memory_space<vmem>>, vector<1x1x16xf32>,
      %get3A_260 = vector.shape_cast %get3A_259 : vector<1x1x16xf32> to vector<16xf32>
      %mul3A_261 = arith.mulf %get3A_53, %get3A_260 : vector<16xf32>
      %get3A_262 = arith.constant 1 : i32
      %get3A_263 = arith.index_cast %scan3A_50 : i32 to index
      %get3A_264 = arith.index_cast %get3A_262 : i32 to index
      %get3A_265 = arith.constant 16 : index
      %get3A_266 = tpu.vector_load %arg13[%get3A_263, %get3A_264, %get3A_265] {strides = array<i32>} : memref<32x8x128xf32, #tpu.memory_space<vmem>>, vector<1x1x16xf32>,
      %get3A_267 = vector.shape_cast %get3A_266 : vector<1x1x16xf32> to vector<16xf32>
      %mul3A_268 = arith.mulf %get3A_57, %get3A_267 : vector<16xf32>
      %add3A_269 = arith.addf %mul3A_261, %mul3A_268 : vector<16xf32>
      %swap3A_270 = arith.constant 1 : i32
      %swap3A_271 = arith.index_cast %scan3A_50 : i32 to index
      %swap3A_272 = arith.index_cast %swap3A_270 : i32 to index
      %swap3A_273 = arith.constant 16 : index
      %swap3A_274 = tpu.vector_load %arg14[%swap3A_271, %swap3A_272, %swap3A_273] {strides = array<i32>} : memref<32x8x128xf32, #tpu.memory_space<vmem>>, vector<1x1x16xf32>,
      %swap3A_275 = vector.shape_cast %swap3A_274 : vector<1x1x16xf32> to vector<16xf32>
      %swap3A_276 = vector.shape_cast %add3A_269 : vector<16xf32> to vector<1x1x16xf32>
      tpu.vector_store %arg14[%swap3A_271, %swap3A_272, %swap3A_273], %swap3A_276 {strides = array<i32>} : memref<32x8x128xf32, #tpu.memory_space<vmem>>, vector<1x1x16xf32>,
      %get3A_277 = arith.constant 1 : i32
      %get3A_278 = arith.index_cast %scan3A_50 : i32 to index
      %get3A_279 = arith.index_cast %get3A_277 : i32 to index
      %get3A_280 = arith.constant 32 : index
      %get3A_281 = tpu.vector_load %arg12[%get3A_278, %get3A_279, %get3A_280] {strides = array<i32>} : memref<32x8x128xf32, #tpu.memory_space<vmem>>, vector<1x1x16xf32>,
      %get3A_282 = vector.shape_cast %get3A_281 : vector<1x1x16xf32> to vector<16xf32>
      %mul3A_283 = arith.mulf %get3A_53, %get3A_282 : vector<16xf32>
      %get3A_284 = arith.constant 1 : i32
      %get3A_285 = arith.index_cast %scan3A_50 : i32 to index
      %get3A_286 = arith.index_cast %get3A_284 : i32 to index
      %get3A_287 = arith.constant 32 : index
      %get3A_288 = tpu.vector_load %arg13[%get3A_285, %get3A_286, %get3A_287] {strides = array<i32>} : memref<32x8x128xf32, #tpu.memory_space<vmem>>, vector<1x1x16xf32>,
      %get3A_289 = vector.shape_cast %get3A_288 : vector<1x1x16xf32> to vector<16xf32>
      %mul3A_290 = arith.mulf %get3A_57, %get3A_289 : vector<16xf32>
      %add3A_291 = arith.addf %mul3A_283, %mul3A_290 : vector<16xf32>
      %swap3A_292 = arith.constant 1 : i32
      %swap3A_293 = arith.index_cast %scan3A_50 : i32 to index
      %swap3A_294 = arith.index_cast %swap3A_292 : i32 to index
      %swap3A_295 = arith.constant 32 : index
      %swap3A_296 = tpu.vector_load %arg14[%swap3A_293, %swap3A_294, %swap3A_295] {strides = array<i32>} : memref<32x8x128xf32, #tpu.memory_space<vmem>>, vector<1x1x16xf32>,
      %swap3A_297 = vector.shape_cast %swap3A_296 : vector<1x1x16xf32> to vector<16xf32>
      %swap3A_298 = vector.shape_cast %add3A_291 : vector<16xf32> to vector<1x1x16xf32>
      tpu.vector_store %arg14[%swap3A_293, %swap3A_294, %swap3A_295], %swap3A_298 {strides = array<i32>} : memref<32x8x128xf32, #tpu.memory_space<vmem>>, vector<1x1x16xf32>,
      %get3A_299 = arith.constant 1 : i32
      %get3A_300 = arith.index_cast %scan3A_50 : i32 to index
      %get3A_301 = arith.index_cast %get3A_299 : i32 to index
      %get3A_302 = arith.constant 48 : index
      %get3A_303 = tpu.vector_load %arg12[%get3A_300, %get3A_301, %get3A_302] {strides = array<i32>} : memref<32x8x128xf32, #tpu.memory_space<vmem>>, vector<1x1x16xf32>,
      %get3A_304 = vector.shape_cast %get3A_303 : vector<1x1x16xf32> to vector<16xf32>
      %mul3A_305 = arith.mulf %get3A_53, %get3A_304 : vector<16xf32>
      %get3A_306 = arith.constant 1 : i32
      %get3A_307 = arith.index_cast %scan3A_50 : i32 to index
      %get3A_308 = arith.index_cast %get3A_306 : i32 to index
      %get3A_309 = arith.constant 48 : index
      %get3A_310 = tpu.vector_load %arg13[%get3A_307, %get3A_308, %get3A_309] {strides = array<i32>} : memref<32x8x128xf32, #tpu.memory_space<vmem>>, vector<1x1x16xf32>,
      %get3A_311 = vector.shape_cast %get3A_310 : vector<1x1x16xf32> to vector<16xf32>
      %mul3A_312 = arith.mulf %get3A_57, %get3A_311 : vector<16xf32>
      %add3A_313 = arith.addf %mul3A_305, %mul3A_312 : vector<16xf32>
      %swap3A_314 = arith.constant 1 : i32
      %swap3A_315 = arith.index_cast %scan3A_50 : i32 to index
      %swap3A_316 = arith.index_cast %swap3A_314 : i32 to index
      %swap3A_317 = arith.constant 48 : index
      %swap3A_318 = tpu.vector_load %arg14[%swap3A_315, %swap3A_316, %swap3A_317] {strides = array<i32>} : memref<32x8x128xf32, #tpu.memory_space<vmem>>, vector<1x1x16xf32>,
      %swap3A_319 = vector.shape_cast %swap3A_318 : vector<1x1x16xf32> to vector<16xf32>
      %swap3A_320 = vector.shape_cast %add3A_313 : vector<16xf32> to vector<1x1x16xf32>
      tpu.vector_store %arg14[%swap3A_315, %swap3A_316, %swap3A_317], %swap3A_320 {strides = array<i32>} : memref<32x8x128xf32, #tpu.memory_space<vmem>>, vector<1x1x16xf32>,
      %get3A_321 = arith.constant 1 : i32
      %get3A_322 = arith.index_cast %scan3A_50 : i32 to index
      %get3A_323 = arith.index_cast %get3A_321 : i32 to index
      %get3A_324 = arith.constant 64 : index
      %get3A_325 = tpu.vector_load %arg12[%get3A_322, %get3A_323, %get3A_324] {strides = array<i32>} : memref<32x8x128xf32, #tpu.memory_space<vmem>>, vector<1x1x16xf32>,
      %get3A_326 = vector.shape_cast %get3A_325 : vector<1x1x16xf32> to vector<16xf32>
      %mul3A_327 = arith.mulf %get3A_53, %get3A_326 : vector<16xf32>
      %get3A_328 = arith.constant 1 : i32
      %get3A_329 = arith.index_cast %scan3A_50 : i32 to index
      %get3A_330 = arith.index_cast %get3A_328 : i32 to index
      %get3A_331 = arith.constant 64 : index
      %get3A_332 = tpu.vector_load %arg13[%get3A_329, %get3A_330, %get3A_331] {strides = array<i32>} : memref<32x8x128xf32, #tpu.memory_space<vmem>>, vector<1x1x16xf32>,
      %get3A_333 = vector.shape_cast %get3A_332 : vector<1x1x16xf32> to vector<16xf32>
      %mul3A_334 = arith.mulf %get3A_57, %get3A_333 : vector<16xf32>
      %add3A_335 = arith.addf %mul3A_327, %mul3A_334 : vector<16xf32>
      %swap3A_336 = arith.constant 1 : i32
      %swap3A_337 = arith.index_cast %scan3A_50 : i32 to index
      %swap3A_338 = arith.index_cast %swap3A_336 : i32 to index
      %swap3A_339 = arith.constant 64 : index
      %swap3A_340 = tpu.vector_load %arg14[%swap3A_337, %swap3A_338, %swap3A_339] {strides = array<i32>} : memref<32x8x128xf32, #tpu.memory_space<vmem>>, vector<1x1x16xf32>,
      %swap3A_341 = vector.shape_cast %swap3A_340 : vector<1x1x16xf32> to vector<16xf32>
      %swap3A_342 = vector.shape_cast %add3A_335 : vector<16xf32> to vector<1x1x16xf32>
      tpu.vector_store %arg14[%swap3A_337, %swap3A_338, %swap3A_339], %swap3A_342 {strides = array<i32>} : memref<32x8x128xf32, #tpu.memory_space<vmem>>, vector<1x1x16xf32>,
      %get3A_343 = arith.constant 1 : i32
      %get3A_344 = arith.index_cast %scan3A_50 : i32 to index
      %get3A_345 = arith.index_cast %get3A_343 : i32 to index
      %get3A_346 = arith.constant 80 : index
      %get3A_347 = tpu.vector_load %arg12[%get3A_344, %get3A_345, %get3A_346] {strides = array<i32>} : memref<32x8x128xf32, #tpu.memory_space<vmem>>, vector<1x1x16xf32>,
      %get3A_348 = vector.shape_cast %get3A_347 : vector<1x1x16xf32> to vector<16xf32>
      %mul3A_349 = arith.mulf %get3A_53, %get3A_348 : vector<16xf32>
      %get3A_350 = arith.constant 1 : i32
      %get3A_351 = arith.index_cast %scan3A_50 : i32 to index
      %get3A_352 = arith.index_cast %get3A_350 : i32 to index
      %get3A_353 = arith.constant 80 : index
      %get3A_354 = tpu.vector_load %arg13[%get3A_351, %get3A_352, %get3A_353] {strides = array<i32>} : memref<32x8x128xf32, #tpu.memory_space<vmem>>, vector<1x1x16xf32>,
      %get3A_355 = vector.shape_cast %get3A_354 : vector<1x1x16xf32> to vector<16xf32>
      %mul3A_356 = arith.mulf %get3A_57, %get3A_355 : vector<16xf32>
      %add3A_357 = arith.addf %mul3A_349, %mul3A_356 : vector<16xf32>
      %swap3A_358 = arith.constant 1 : i32
      %swap3A_359 = arith.index_cast %scan3A_50 : i32 to index
      %swap3A_360 = arith.index_cast %swap3A_358 : i32 to index
      %swap3A_361 = arith.constant 80 : index
      %swap3A_362 = tpu.vector_load %arg14[%swap3A_359, %swap3A_360, %swap3A_361] {strides = array<i32>} : memref<32x8x128xf32, #tpu.memory_space<vmem>>, vector<1x1x16xf32>,
      %swap3A_363 = vector.shape_cast %swap3A_362 : vector<1x1x16xf32> to vector<16xf32>
      %swap3A_364 = vector.shape_cast %add3A_357 : vector<16xf32> to vector<1x1x16xf32>
      tpu.vector_store %arg14[%swap3A_359, %swap3A_360, %swap3A_361], %swap3A_364 {strides = array<i32>} : memref<32x8x128xf32, #tpu.memory_space<vmem>>, vector<1x1x16xf32>,
      %get3A_365 = arith.constant 1 : i32
      %get3A_366 = arith.index_cast %scan3A_50 : i32 to index
      %get3A_367 = arith.index_cast %get3A_365 : i32 to index
      %get3A_368 = arith.constant 96 : index
      %get3A_369 = tpu.vector_load %arg12[%get3A_366, %get3A_367, %get3A_368] {strides = array<i32>} : memref<32x8x128xf32, #tpu.memory_space<vmem>>, vector<1x1x16xf32>,
      %get3A_370 = vector.shape_cast %get3A_369 : vector<1x1x16xf32> to vector<16xf32>
      %mul3A_371 = arith.mulf %get3A_53, %get3A_370 : vector<16xf32>
      %get3A_372 = arith.constant 1 : i32
      %get3A_373 = arith.index_cast %scan3A_50 : i32 to index
      %get3A_374 = arith.index_cast %get3A_372 : i32 to index
      %get3A_375 = arith.constant 96 : index
      %get3A_376 = tpu.vector_load %arg13[%get3A_373, %get3A_374, %get3A_375] {strides = array<i32>} : memref<32x8x128xf32, #tpu.memory_space<vmem>>, vector<1x1x16xf32>,
      %get3A_377 = vector.shape_cast %get3A_376 : vector<1x1x16xf32> to vector<16xf32>
      %mul3A_378 = arith.mulf %get3A_57, %get3A_377 : vector<16xf32>
      %add3A_379 = arith.addf %mul3A_371, %mul3A_378 : vector<16xf32>
      %swap3A_380 = arith.constant 1 : i32
      %swap3A_381 = arith.index_cast %scan3A_50 : i32 to index
      %swap3A_382 = arith.index_cast %swap3A_380 : i32 to index
      %swap3A_383 = arith.constant 96 : index
      %swap3A_384 = tpu.vector_load %arg14[%swap3A_381, %swap3A_382, %swap3A_383] {strides = array<i32>} : memref<32x8x128xf32, #tpu.memory_space<vmem>>, vector<1x1x16xf32>,
      %swap3A_385 = vector.shape_cast %swap3A_384 : vector<1x1x16xf32> to vector<16xf32>
      %swap3A_386 = vector.shape_cast %add3A_379 : vector<16xf32> to vector<1x1x16xf32>
      tpu.vector_store %arg14[%swap3A_381, %swap3A_382, %swap3A_383], %swap3A_386 {strides = array<i32>} : memref<32x8x128xf32, #tpu.memory_space<vmem>>, vector<1x1x16xf32>,
      %get3A_387 = arith.constant 1 : i32
      %get3A_388 = arith.index_cast %scan3A_50 : i32 to index
      %get3A_389 = arith.index_cast %get3A_387 : i32 to index
      %get3A_390 = arith.constant 112 : index
      %get3A_391 = tpu.vector_load %arg12[%get3A_388, %get3A_389, %get3A_390] {strides = array<i32>} : memref<32x8x128xf32, #tpu.memory_space<vmem>>, vector<1x1x16xf32>,
      %get3A_392 = vector.shape_cast %get3A_391 : vector<1x1x16xf32> to vector<16xf32>
      %mul3A_393 = arith.mulf %get3A_53, %get3A_392 : vector<16xf32>
      %get3A_394 = arith.constant 1 : i32
      %get3A_395 = arith.index_cast %scan3A_50 : i32 to index
      %get3A_396 = arith.index_cast %get3A_394 : i32 to index
      %get3A_397 = arith.constant 112 : index
      %get3A_398 = tpu.vector_load %arg13[%get3A_395, %get3A_396, %get3A_397] {strides = array<i32>} : memref<32x8x128xf32, #tpu.memory_space<vmem>>, vector<1x1x16xf32>,
      %get3A_399 = vector.shape_cast %get3A_398 : vector<1x1x16xf32> to vector<16xf32>
      %mul3A_400 = arith.mulf %get3A_57, %get3A_399 : vector<16xf32>
      %add3A_401 = arith.addf %mul3A_393, %mul3A_400 : vector<16xf32>
      %swap3A_402 = arith.constant 1 : i32
      %swap3A_403 = arith.index_cast %scan3A_50 : i32 to index
      %swap3A_404 = arith.index_cast %swap3A_402 : i32 to index
      %swap3A_405 = arith.constant 112 : index
      %swap3A_406 = tpu.vector_load %arg14[%swap3A_403, %swap3A_404, %swap3A_405] {strides = array<i32>} : memref<32x8x128xf32, #tpu.memory_space<vmem>>, vector<1x1x16xf32>,
      %swap3A_407 = vector.shape_cast %swap3A_406 : vector<1x1x16xf32> to vector<16xf32>
      %swap3A_408 = vector.shape_cast %add3A_401 : vector<16xf32> to vector<1x1x16xf32>
      tpu.vector_store %arg14[%swap3A_403, %swap3A_404, %swap3A_405], %swap3A_408 {strides = array<i32>} : memref<32x8x128xf32, #tpu.memory_space<vmem>>, vector<1x1x16xf32>,
      %get3A_409 = arith.constant 2 : i32
      %get3A_410 = arith.index_cast %scan3A_50 : i32 to index
      %get3A_411 = arith.index_cast %get3A_409 : i32 to index
      %get3A_412 = arith.constant 0 : index
      %get3A_413 = tpu.vector_load %arg12[%get3A_410, %get3A_411, %get3A_412] {strides = array<i32>} : memref<32x8x128xf32, #tpu.memory_space<vmem>>, vector<1x1x16xf32>,
      %get3A_414 = vector.shape_cast %get3A_413 : vector<1x1x16xf32> to vector<16xf32>
      %mul3A_415 = arith.mulf %get3A_53, %get3A_414 : vector<16xf32>
      %get3A_416 = arith.constant 2 : i32
      %get3A_417 = arith.index_cast %scan3A_50 : i32 to index
      %get3A_418 = arith.index_cast %get3A_416 : i32 to index
      %get3A_419 = arith.constant 0 : index
      %get3A_420 = tpu.vector_load %arg13[%get3A_417, %get3A_418, %get3A_419] {strides = array<i32>} : memref<32x8x128xf32, #tpu.memory_space<vmem>>, vector<1x1x16xf32>,
      %get3A_421 = vector.shape_cast %get3A_420 : vector<1x1x16xf32> to vector<16xf32>
      %mul3A_422 = arith.mulf %get3A_57, %get3A_421 : vector<16xf32>
      %add3A_423 = arith.addf %mul3A_415, %mul3A_422 : vector<16xf32>
      %swap3A_424 = arith.constant 2 : i32
      %swap3A_425 = arith.index_cast %scan3A_50 : i32 to index
      %swap3A_426 = arith.index_cast %swap3A_424 : i32 to index
      %swap3A_427 = arith.constant 0 : index
      %swap3A_428 = tpu.vector_load %arg14[%swap3A_425, %swap3A_426, %swap3A_427] {strides = array<i32>} : memref<32x8x128xf32, #tpu.memory_space<vmem>>, vector<1x1x16xf32>,
      %swap3A_429 = vector.shape_cast %swap3A_428 : vector<1x1x16xf32> to vector<16xf32>
      %swap3A_430 = vector.shape_cast %add3A_423 : vector<16xf32> to vector<1x1x16xf32>
      tpu.vector_store %arg14[%swap3A_425, %swap3A_426, %swap3A_427], %swap3A_430 {strides = array<i32>} : memref<32x8x128xf32, #tpu.memory_space<vmem>>, vector<1x1x16xf32>,
      %get3A_431 = arith.constant 2 : i32
      %get3A_432 = arith.index_cast %scan3A_50 : i32 to index
      %get3A_433 = arith.index_cast %get3A_431 : i32 to index
      %get3A_434 = arith.constant 16 : index
      %get3A_435 = tpu.vector_load %arg12[%get3A_432, %get3A_433, %get3A_434] {strides = array<i32>} : memref<32x8x128xf32, #tpu.memory_space<vmem>>, vector<1x1x16xf32>,
      %get3A_436 = vector.shape_cast %get3A_435 : vector<1x1x16xf32> to vector<16xf32>
      %mul3A_437 = arith.mulf %get3A_53, %get3A_436 : vector<16xf32>
      %get3A_438 = arith.constant 2 : i32
      %get3A_439 = arith.index_cast %scan3A_50 : i32 to index
      %get3A_440 = arith.index_cast %get3A_438 : i32 to index
      %get3A_441 = arith.constant 16 : index
      %get3A_442 = tpu.vector_load %arg13[%get3A_439, %get3A_440, %get3A_441] {strides = array<i32>} : memref<32x8x128xf32, #tpu.memory_space<vmem>>, vector<1x1x16xf32>,
      %get3A_443 = vector.shape_cast %get3A_442 : vector<1x1x16xf32> to vector<16xf32>
      %mul3A_444 = arith.mulf %get3A_57, %get3A_443 : vector<16xf32>
      %add3A_445 = arith.addf %mul3A_437, %mul3A_444 : vector<16xf32>
      %swap3A_446 = arith.constant 2 : i32
      %swap3A_447 = arith.index_cast %scan3A_50 : i32 to index
      %swap3A_448 = arith.index_cast %swap3A_446 : i32 to index
      %swap3A_449 = arith.constant 16 : index
      %swap3A_450 = tpu.vector_load %arg14[%swap3A_447, %swap3A_448, %swap3A_449] {strides = array<i32>} : memref<32x8x128xf32, #tpu.memory_space<vmem>>, vector<1x1x16xf32>,
      %swap3A_451 = vector.shape_cast %swap3A_450 : vector<1x1x16xf32> to vector<16xf32>
      %swap3A_452 = vector.shape_cast %add3A_445 : vector<16xf32> to vector<1x1x16xf32>
      tpu.vector_store %arg14[%swap3A_447, %swap3A_448, %swap3A_449], %swap3A_452 {strides = array<i32>} : memref<32x8x128xf32, #tpu.memory_space<vmem>>, vector<1x1x16xf32>,
      %get3A_453 = arith.constant 2 : i32
      %get3A_454 = arith.index_cast %scan3A_50 : i32 to index
      %get3A_455 = arith.index_cast %get3A_453 : i32 to index
      %get3A_456 = arith.constant 32 : index
      %get3A_457 = tpu.vector_load %arg12[%get3A_454, %get3A_455, %get3A_456] {strides = array<i32>} : memref<32x8x128xf32, #tpu.memory_space<vmem>>, vector<1x1x16xf32>,
      %get3A_458 = vector.shape_cast %get3A_457 : vector<1x1x16xf32> to vector<16xf32>
      %mul3A_459 = arith.mulf %get3A_53, %get3A_458 : vector<16xf32>
      %get3A_460 = arith.constant 2 : i32
      %get3A_461 = arith.index_cast %scan3A_50 : i32 to index
      %get3A_462 = arith.index_cast %get3A_460 : i32 to index
      %get3A_463 = arith.constant 32 : index
      %get3A_464 = tpu.vector_load %arg13[%get3A_461, %get3A_462, %get3A_463] {strides = array<i32>} : memref<32x8x128xf32, #tpu.memory_space<vmem>>, vector<1x1x16xf32>,
      %get3A_465 = vector.shape_cast %get3A_464 : vector<1x1x16xf32> to vector<16xf32>
      %mul3A_466 = arith.mulf %get3A_57, %get3A_465 : vector<16xf32>
      %add3A_467 = arith.addf %mul3A_459, %mul3A_466 : vector<16xf32>
      %swap3A_468 = arith.constant 2 : i32
      %swap3A_469 = arith.index_cast %scan3A_50 : i32 to index
      %swap3A_470 = arith.index_cast %swap3A_468 : i32 to index
      %swap3A_471 = arith.constant 32 : index
      %swap3A_472 = tpu.vector_load %arg14[%swap3A_469, %swap3A_470, %swap3A_471] {strides = array<i32>} : memref<32x8x128xf32, #tpu.memory_space<vmem>>, vector<1x1x16xf32>,
      %swap3A_473 = vector.shape_cast %swap3A_472 : vector<1x1x16xf32> to vector<16xf32>
      %swap3A_474 = vector.shape_cast %add3A_467 : vector<16xf32> to vector<1x1x16xf32>
      tpu.vector_store %arg14[%swap3A_469, %swap3A_470, %swap3A_471], %swap3A_474 {strides = array<i32>} : memref<32x8x128xf32, #tpu.memory_space<vmem>>, vector<1x1x16xf32>,
      %get3A_475 = arith.constant 2 : i32
      %get3A_476 = arith.index_cast %scan3A_50 : i32 to index
      %get3A_477 = arith.index_cast %get3A_475 : i32 to index
      %get3A_478 = arith.constant 48 : index
      %get3A_479 = tpu.vector_load %arg12[%get3A_476, %get3A_477, %get3A_478] {strides = array<i32>} : memref<32x8x128xf32, #tpu.memory_space<vmem>>, vector<1x1x16xf32>,
      %get3A_480 = vector.shape_cast %get3A_479 : vector<1x1x16xf32> to vector<16xf32>
      %mul3A_481 = arith.mulf %get3A_53, %get3A_480 : vector<16xf32>
      %get3A_482 = arith.constant 2 : i32
      %get3A_483 = arith.index_cast %scan3A_50 : i32 to index
      %get3A_484 = arith.index_cast %get3A_482 : i32 to index
      %get3A_485 = arith.constant 48 : index
      %get3A_486 = tpu.vector_load %arg13[%get3A_483, %get3A_484, %get3A_485] {strides = array<i32>} : memref<32x8x128xf32, #tpu.memory_space<vmem>>, vector<1x1x16xf32>,
      %get3A_487 = vector.shape_cast %get3A_486 : vector<1x1x16xf32> to vector<16xf32>
      %mul3A_488 = arith.mulf %get3A_57, %get3A_487 : vector<16xf32>
      %add3A_489 = arith.addf %mul3A_481, %mul3A_488 : vector<16xf32>
      %swap3A_490 = arith.constant 2 : i32
      %swap3A_491 = arith.index_cast %scan3A_50 : i32 to index
      %swap3A_492 = arith.index_cast %swap3A_490 : i32 to index
      %swap3A_493 = arith.constant 48 : index
      %swap3A_494 = tpu.vector_load %arg14[%swap3A_491, %swap3A_492, %swap3A_493] {strides = array<i32>} : memref<32x8x128xf32, #tpu.memory_space<vmem>>, vector<1x1x16xf32>,
      %swap3A_495 = vector.shape_cast %swap3A_494 : vector<1x1x16xf32> to vector<16xf32>
      %swap3A_496 = vector.shape_cast %add3A_489 : vector<16xf32> to vector<1x1x16xf32>
      tpu.vector_store %arg14[%swap3A_491, %swap3A_492, %swap3A_493], %swap3A_496 {strides = array<i32>} : memref<32x8x128xf32, #tpu.memory_space<vmem>>, vector<1x1x16xf32>,
      %get3A_497 = arith.constant 2 : i32
      %get3A_498 = arith.index_cast %scan3A_50 : i32 to index
      %get3A_499 = arith.index_cast %get3A_497 : i32 to index
      %get3A_500 = arith.constant 64 : index
      %get3A_501 = tpu.vector_load %arg12[%get3A_498, %get3A_499, %get3A_500] {strides = array<i32>} : memref<32x8x128xf32, #tpu.memory_space<vmem>>, vector<1x1x16xf32>,
      %get3A_502 = vector.shape_cast %get3A_501 : vector<1x1x16xf32> to vector<16xf32>
      %mul3A_503 = arith.mulf %get3A_53, %get3A_502 : vector<16xf32>
      %get3A_504 = arith.constant 2 : i32
      %get3A_505 = arith.index_cast %scan3A_50 : i32 to index
      %get3A_506 = arith.index_cast %get3A_504 : i32 to index
      %get3A_507 = arith.constant 64 : index
      %get3A_508 = tpu.vector_load %arg13[%get3A_505, %get3A_506, %get3A_507] {strides = array<i32>} : memref<32x8x128xf32, #tpu.memory_space<vmem>>, vector<1x1x16xf32>,
      %get3A_509 = vector.shape_cast %get3A_508 : vector<1x1x16xf32> to vector<16xf32>
      %mul3A_510 = arith.mulf %get3A_57, %get3A_509 : vector<16xf32>
      %add3A_511 = arith.addf %mul3A_503, %mul3A_510 : vector<16xf32>
      %swap3A_512 = arith.constant 2 : i32
      %swap3A_513 = arith.index_cast %scan3A_50 : i32 to index
      %swap3A_514 = arith.index_cast %swap3A_512 : i32 to index
      %swap3A_515 = arith.constant 64 : index
      %swap3A_516 = tpu.vector_load %arg14[%swap3A_513, %swap3A_514, %swap3A_515] {strides = array<i32>} : memref<32x8x128xf32, #tpu.memory_space<vmem>>, vector<1x1x16xf32>,
      %swap3A_517 = vector.shape_cast %swap3A_516 : vector<1x1x16xf32> to vector<16xf32>
      %swap3A_518 = vector.shape_cast %add3A_511 : vector<16xf32> to vector<1x1x16xf32>
      tpu.vector_store %arg14[%swap3A_513, %swap3A_514, %swap3A_515], %swap3A_518 {strides = array<i32>} : memref<32x8x128xf32, #tpu.memory_space<vmem>>, vector<1x1x16xf32>,
      %get3A_519 = arith.constant 2 : i32
      %get3A_520 = arith.index_cast %scan3A_50 : i32 to index
      %get3A_521 = arith.index_cast %get3A_519 : i32 to index
      %get3A_522 = arith.constant 80 : index
      %get3A_523 = tpu.vector_load %arg12[%get3A_520, %get3A_521, %get3A_522] {strides = array<i32>} : memref<32x8x128xf32, #tpu.memory_space<vmem>>, vector<1x1x16xf32>,
      %get3A_524 = vector.shape_cast %get3A_523 : vector<1x1x16xf32> to vector<16xf32>
      %mul3A_525 = arith.mulf %get3A_53, %get3A_524 : vector<16xf32>
      %get3A_526 = arith.constant 2 : i32
      %get3A_527 = arith.index_cast %scan3A_50 : i32 to index
      %get3A_528 = arith.index_cast %get3A_526 : i32 to index
      %get3A_529 = arith.constant 80 : index
      %get3A_530 = tpu.vector_load %arg13[%get3A_527, %get3A_528, %get3A_529] {strides = array<i32>} : memref<32x8x128xf32, #tpu.memory_space<vmem>>, vector<1x1x16xf32>,
      %get3A_531 = vector.shape_cast %get3A_530 : vector<1x1x16xf32> to vector<16xf32>
      %mul3A_532 = arith.mulf %get3A_57, %get3A_531 : vector<16xf32>
      %add3A_533 = arith.addf %mul3A_525, %mul3A_532 : vector<16xf32>
      %swap3A_534 = arith.constant 2 : i32
      %swap3A_535 = arith.index_cast %scan3A_50 : i32 to index
      %swap3A_536 = arith.index_cast %swap3A_534 : i32 to index
      %swap3A_537 = arith.constant 80 : index
      %swap3A_538 = tpu.vector_load %arg14[%swap3A_535, %swap3A_536, %swap3A_537] {strides = array<i32>} : memref<32x8x128xf32, #tpu.memory_space<vmem>>, vector<1x1x16xf32>,
      %swap3A_539 = vector.shape_cast %swap3A_538 : vector<1x1x16xf32> to vector<16xf32>
      %swap3A_540 = vector.shape_cast %add3A_533 : vector<16xf32> to vector<1x1x16xf32>
      tpu.vector_store %arg14[%swap3A_535, %swap3A_536, %swap3A_537], %swap3A_540 {strides = array<i32>} : memref<32x8x128xf32, #tpu.memory_space<vmem>>, vector<1x1x16xf32>,
      %get3A_541 = arith.constant 2 : i32
      %get3A_542 = arith.index_cast %scan3A_50 : i32 to index
      %get3A_543 = arith.index_cast %get3A_541 : i32 to index
      %get3A_544 = arith.constant 96 : index
      %get3A_545 = tpu.vector_load %arg12[%get3A_542, %get3A_543, %get3A_544] {strides = array<i32>} : memref<32x8x128xf32, #tpu.memory_space<vmem>>, vector<1x1x16xf32>,
      %get3A_546 = vector.shape_cast %get3A_545 : vector<1x1x16xf32> to vector<16xf32>
      %mul3A_547 = arith.mulf %get3A_53, %get3A_546 : vector<16xf32>
      %get3A_548 = arith.constant 2 : i32
      %get3A_549 = arith.index_cast %scan3A_50 : i32 to index
      %get3A_550 = arith.index_cast %get3A_548 : i32 to index
      %get3A_551 = arith.constant 96 : index
      %get3A_552 = tpu.vector_load %arg13[%get3A_549, %get3A_550, %get3A_551] {strides = array<i32>} : memref<32x8x128xf32, #tpu.memory_space<vmem>>, vector<1x1x16xf32>,
      %get3A_553 = vector.shape_cast %get3A_552 : vector<1x1x16xf32> to vector<16xf32>
      %mul3A_554 = arith.mulf %get3A_57, %get3A_553 : vector<16xf32>
      %add3A_555 = arith.addf %mul3A_547, %mul3A_554 : vector<16xf32>
      %swap3A_556 = arith.constant 2 : i32
      %swap3A_557 = arith.index_cast %scan3A_50 : i32 to index
      %swap3A_558 = arith.index_cast %swap3A_556 : i32 to index
      %swap3A_559 = arith.constant 96 : index
      %swap3A_560 = tpu.vector_load %arg14[%swap3A_557, %swap3A_558, %swap3A_559] {strides = array<i32>} : memref<32x8x128xf32, #tpu.memory_space<vmem>>, vector<1x1x16xf32>,
      %swap3A_561 = vector.shape_cast %swap3A_560 : vector<1x1x16xf32> to vector<16xf32>
      %swap3A_562 = vector.shape_cast %add3A_555 : vector<16xf32> to vector<1x1x16xf32>
      tpu.vector_store %arg14[%swap3A_557, %swap3A_558, %swap3A_559], %swap3A_562 {strides = array<i32>} : memref<32x8x128xf32, #tpu.memory_space<vmem>>, vector<1x1x16xf32>,
      %get3A_563 = arith.constant 2 : i32
      %get3A_564 = arith.index_cast %scan3A_50 : i32 to index
      %get3A_565 = arith.index_cast %get3A_563 : i32 to index
      %get3A_566 = arith.constant 112 : index
      %get3A_567 = tpu.vector_load %arg12[%get3A_564, %get3A_565, %get3A_566] {strides = array<i32>} : memref<32x8x128xf32, #tpu.memory_space<vmem>>, vector<1x1x16xf32>,
      %get3A_568 = vector.shape_cast %get3A_567 : vector<1x1x16xf32> to vector<16xf32>
      %mul3A_569 = arith.mulf %get3A_53, %get3A_568 : vector<16xf32>
      %get3A_570 = arith.constant 2 : i32
      %get3A_571 = arith.index_cast %scan3A_50 : i32 to index
      %get3A_572 = arith.index_cast %get3A_570 : i32 to index
      %get3A_573 = arith.constant 112 : index
      %get3A_574 = tpu.vector_load %arg13[%get3A_571, %get3A_572, %get3A_573] {strides = array<i32>} : memref<32x8x128xf32, #tpu.memory_space<vmem>>, vector<1x1x16xf32>,
      %get3A_575 = vector.shape_cast %get3A_574 : vector<1x1x16xf32> to vector<16xf32>
      %mul3A_576 = arith.mulf %get3A_57, %get3A_575 : vector<16xf32>
      %add3A_577 = arith.addf %mul3A_569, %mul3A_576 : vector<16xf32>
      %swap3A_578 = arith.constant 2 : i32
      %swap3A_579 = arith.index_cast %scan3A_50 : i32 to index
      %swap3A_580 = arith.index_cast %swap3A_578 : i32 to index
      %swap3A_581 = arith.constant 112 : index
      %swap3A_582 = tpu.vector_load %arg14[%swap3A_579, %swap3A_580, %swap3A_581] {strides = array<i32>} : memref<32x8x128xf32, #tpu.memory_space<vmem>>, vector<1x1x16xf32>,
      %swap3A_583 = vector.shape_cast %swap3A_582 : vector<1x1x16xf32> to vector<16xf32>
      %swap3A_584 = vector.shape_cast %add3A_577 : vector<16xf32> to vector<1x1x16xf32>
      tpu.vector_store %arg14[%swap3A_579, %swap3A_580, %swap3A_581], %swap3A_584 {strides = array<i32>} : memref<32x8x128xf32, #tpu.memory_space<vmem>>, vector<1x1x16xf32>,
      %get3A_585 = arith.constant 3 : i32
      %get3A_586 = arith.index_cast %scan3A_50 : i32 to index
      %get3A_587 = arith.index_cast %get3A_585 : i32 to index
      %get3A_588 = arith.constant 0 : index
      %get3A_589 = tpu.vector_load %arg12[%get3A_586, %get3A_587, %get3A_588] {strides = array<i32>} : memref<32x8x128xf32, #tpu.memory_space<vmem>>, vector<1x1x16xf32>,
      %get3A_590 = vector.shape_cast %get3A_589 : vector<1x1x16xf32> to vector<16xf32>
      %mul3A_591 = arith.mulf %get3A_53, %get3A_590 : vector<16xf32>
      %get3A_592 = arith.constant 3 : i32
      %get3A_593 = arith.index_cast %scan3A_50 : i32 to index
      %get3A_594 = arith.index_cast %get3A_592 : i32 to index
      %get3A_595 = arith.constant 0 : index
      %get3A_596 = tpu.vector_load %arg13[%get3A_593, %get3A_594, %get3A_595] {strides = array<i32>} : memref<32x8x128xf32, #tpu.memory_space<vmem>>, vector<1x1x16xf32>,
      %get3A_597 = vector.shape_cast %get3A_596 : vector<1x1x16xf32> to vector<16xf32>
      %mul3A_598 = arith.mulf %get3A_57, %get3A_597 : vector<16xf32>
      %add3A_599 = arith.addf %mul3A_591, %mul3A_598 : vector<16xf32>
      %swap3A_600 = arith.constant 3 : i32
      %swap3A_601 = arith.index_cast %scan3A_50 : i32 to index
      %swap3A_602 = arith.index_cast %swap3A_600 : i32 to index
      %swap3A_603 = arith.constant 0 : index
      %swap3A_604 = tpu.vector_load %arg14[%swap3A_601, %swap3A_602, %swap3A_603] {strides = array<i32>} : memref<32x8x128xf32, #tpu.memory_space<vmem>>, vector<1x1x16xf32>,
      %swap3A_605 = vector.shape_cast %swap3A_604 : vector<1x1x16xf32> to vector<16xf32>
      %swap3A_606 = vector.shape_cast %add3A_599 : vector<16xf32> to vector<1x1x16xf32>
      tpu.vector_store %arg14[%swap3A_601, %swap3A_602, %swap3A_603], %swap3A_606 {strides = array<i32>} : memref<32x8x128xf32, #tpu.memory_space<vmem>>, vector<1x1x16xf32>,
      %get3A_607 = arith.constant 3 : i32
      %get3A_608 = arith.index_cast %scan3A_50 : i32 to index
      %get3A_609 = arith.index_cast %get3A_607 : i32 to index
      %get3A_610 = arith.constant 16 : index
      %get3A_611 = tpu.vector_load %arg12[%get3A_608, %get3A_609, %get3A_610] {strides = array<i32>} : memref<32x8x128xf32, #tpu.memory_space<vmem>>, vector<1x1x16xf32>,
      %get3A_612 = vector.shape_cast %get3A_611 : vector<1x1x16xf32> to vector<16xf32>
      %mul3A_613 = arith.mulf %get3A_53, %get3A_612 : vector<16xf32>
      %get3A_614 = arith.constant 3 : i32
      %get3A_615 = arith.index_cast %scan3A_50 : i32 to index
      %get3A_616 = arith.index_cast %get3A_614 : i32 to index
      %get3A_617 = arith.constant 16 : index
      %get3A_618 = tpu.vector_load %arg13[%get3A_615, %get3A_616, %get3A_617] {strides = array<i32>} : memref<32x8x128xf32, #tpu.memory_space<vmem>>, vector<1x1x16xf32>,
      %get3A_619 = vector.shape_cast %get3A_618 : vector<1x1x16xf32> to vector<16xf32>
      %mul3A_620 = arith.mulf %get3A_57, %get3A_619 : vector<16xf32>
      %add3A_621 = arith.addf %mul3A_613, %mul3A_620 : vector<16xf32>
      %swap3A_622 = arith.constant 3 : i32
      %swap3A_623 = arith.index_cast %scan3A_50 : i32 to index
      %swap3A_624 = arith.index_cast %swap3A_622 : i32 to index
      %swap3A_625 = arith.constant 16 : index
      %swap3A_626 = tpu.vector_load %arg14[%swap3A_623, %swap3A_624, %swap3A_625] {strides = array<i32>} : memref<32x8x128xf32, #tpu.memory_space<vmem>>, vector<1x1x16xf32>,
      %swap3A_627 = vector.shape_cast %swap3A_626 : vector<1x1x16xf32> to vector<16xf32>
      %swap3A_628 = vector.shape_cast %add3A_621 : vector<16xf32> to vector<1x1x16xf32>
      tpu.vector_store %arg14[%swap3A_623, %swap3A_624, %swap3A_625], %swap3A_628 {strides = array<i32>} : memref<32x8x128xf32, #tpu.memory_space<vmem>>, vector<1x1x16xf32>,
      %get3A_629 = arith.constant 3 : i32
      %get3A_630 = arith.index_cast %scan3A_50 : i32 to index
      %get3A_631 = arith.index_cast %get3A_629 : i32 to index
      %get3A_632 = arith.constant 32 : index
      %get3A_633 = tpu.vector_load %arg12[%get3A_630, %get3A_631, %get3A_632] {strides = array<i32>} : memref<32x8x128xf32, #tpu.memory_space<vmem>>, vector<1x1x16xf32>,
      %get3A_634 = vector.shape_cast %get3A_633 : vector<1x1x16xf32> to vector<16xf32>
      %mul3A_635 = arith.mulf %get3A_53, %get3A_634 : vector<16xf32>
      %get3A_636 = arith.constant 3 : i32
      %get3A_637 = arith.index_cast %scan3A_50 : i32 to index
      %get3A_638 = arith.index_cast %get3A_636 : i32 to index
      %get3A_639 = arith.constant 32 : index
      %get3A_640 = tpu.vector_load %arg13[%get3A_637, %get3A_638, %get3A_639] {strides = array<i32>} : memref<32x8x128xf32, #tpu.memory_space<vmem>>, vector<1x1x16xf32>,
      %get3A_641 = vector.shape_cast %get3A_640 : vector<1x1x16xf32> to vector<16xf32>
      %mul3A_642 = arith.mulf %get3A_57, %get3A_641 : vector<16xf32>
      %add3A_643 = arith.addf %mul3A_635, %mul3A_642 : vector<16xf32>
      %swap3A_644 = arith.constant 3 : i32
      %swap3A_645 = arith.index_cast %scan3A_50 : i32 to index
      %swap3A_646 = arith.index_cast %swap3A_644 : i32 to index
      %swap3A_647 = arith.constant 32 : index
      %swap3A_648 = tpu.vector_load %arg14[%swap3A_645, %swap3A_646, %swap3A_647] {strides = array<i32>} : memref<32x8x128xf32, #tpu.memory_space<vmem>>, vector<1x1x16xf32>,
      %swap3A_649 = vector.shape_cast %swap3A_648 : vector<1x1x16xf32> to vector<16xf32>
      %swap3A_650 = vector.shape_cast %add3A_643 : vector<16xf32> to vector<1x1x16xf32>
      tpu.vector_store %arg14[%swap3A_645, %swap3A_646, %swap3A_647], %swap3A_650 {strides = array<i32>} : memref<32x8x128xf32, #tpu.memory_space<vmem>>, vector<1x1x16xf32>,
      %get3A_651 = arith.constant 3 : i32
      %get3A_652 = arith.index_cast %scan3A_50 : i32 to index
      %get3A_653 = arith.index_cast %get3A_651 : i32 to index
      %get3A_654 = arith.constant 48 : index
      %get3A_655 = tpu.vector_load %arg12[%get3A_652, %get3A_653, %get3A_654] {strides = array<i32>} : memref<32x8x128xf32, #tpu.memory_space<vmem>>, vector<1x1x16xf32>,
      %get3A_656 = vector.shape_cast %get3A_655 : vector<1x1x16xf32> to vector<16xf32>
      %mul3A_657 = arith.mulf %get3A_53, %get3A_656 : vector<16xf32>
      %get3A_658 = arith.constant 3 : i32
      %get3A_659 = arith.index_cast %scan3A_50 : i32 to index
      %get3A_660 = arith.index_cast %get3A_658 : i32 to index
      %get3A_661 = arith.constant 48 : index
      %get3A_662 = tpu.vector_load %arg13[%get3A_659, %get3A_660, %get3A_661] {strides = array<i32>} : memref<32x8x128xf32, #tpu.memory_space<vmem>>, vector<1x1x16xf32>,
      %get3A_663 = vector.shape_cast %get3A_662 : vector<1x1x16xf32> to vector<16xf32>
      %mul3A_664 = arith.mulf %get3A_57, %get3A_663 : vector<16xf32>
      %add3A_665 = arith.addf %mul3A_657, %mul3A_664 : vector<16xf32>
      %swap3A_666 = arith.constant 3 : i32
      %swap3A_667 = arith.index_cast %scan3A_50 : i32 to index
      %swap3A_668 = arith.index_cast %swap3A_666 : i32 to index
      %swap3A_669 = arith.constant 48 : index
      %swap3A_670 = tpu.vector_load %arg14[%swap3A_667, %swap3A_668, %swap3A_669] {strides = array<i32>} : memref<32x8x128xf32, #tpu.memory_space<vmem>>, vector<1x1x16xf32>,
      %swap3A_671 = vector.shape_cast %swap3A_670 : vector<1x1x16xf32> to vector<16xf32>
      %swap3A_672 = vector.shape_cast %add3A_665 : vector<16xf32> to vector<1x1x16xf32>
      tpu.vector_store %arg14[%swap3A_667, %swap3A_668, %swap3A_669], %swap3A_672 {strides = array<i32>} : memref<32x8x128xf32, #tpu.memory_space<vmem>>, vector<1x1x16xf32>,
      %get3A_673 = arith.constant 3 : i32
      %get3A_674 = arith.index_cast %scan3A_50 : i32 to index
      %get3A_675 = arith.index_cast %get3A_673 : i32 to index
      %get3A_676 = arith.constant 64 : index
      %get3A_677 = tpu.vector_load %arg12[%get3A_674, %get3A_675, %get3A_676] {strides = array<i32>} : memref<32x8x128xf32, #tpu.memory_space<vmem>>, vector<1x1x16xf32>,
      %get3A_678 = vector.shape_cast %get3A_677 : vector<1x1x16xf32> to vector<16xf32>
      %mul3A_679 = arith.mulf %get3A_53, %get3A_678 : vector<16xf32>
      %get3A_680 = arith.constant 3 : i32
      %get3A_681 = arith.index_cast %scan3A_50 : i32 to index
      %get3A_682 = arith.index_cast %get3A_680 : i32 to index
      %get3A_683 = arith.constant 64 : index
      %get3A_684 = tpu.vector_load %arg13[%get3A_681, %get3A_682, %get3A_683] {strides = array<i32>} : memref<32x8x128xf32, #tpu.memory_space<vmem>>, vector<1x1x16xf32>,
      %get3A_685 = vector.shape_cast %get3A_684 : vector<1x1x16xf32> to vector<16xf32>
      %mul3A_686 = arith.mulf %get3A_57, %get3A_685 : vector<16xf32>
      %add3A_687 = arith.addf %mul3A_679, %mul3A_686 : vector<16xf32>
      %swap3A_688 = arith.constant 3 : i32
      %swap3A_689 = arith.index_cast %scan3A_50 : i32 to index
      %swap3A_690 = arith.index_cast %swap3A_688 : i32 to index
      %swap3A_691 = arith.constant 64 : index
      %swap3A_692 = tpu.vector_load %arg14[%swap3A_689, %swap3A_690, %swap3A_691] {strides = array<i32>} : memref<32x8x128xf32, #tpu.memory_space<vmem>>, vector<1x1x16xf32>,
      %swap3A_693 = vector.shape_cast %swap3A_692 : vector<1x1x16xf32> to vector<16xf32>
      %swap3A_694 = vector.shape_cast %add3A_687 : vector<16xf32> to vector<1x1x16xf32>
      tpu.vector_store %arg14[%swap3A_689, %swap3A_690, %swap3A_691], %swap3A_694 {strides = array<i32>} : memref<32x8x128xf32, #tpu.memory_space<vmem>>, vector<1x1x16xf32>,
      %get3A_695 = arith.constant 3 : i32
      %get3A_696 = arith.index_cast %scan3A_50 : i32 to index
      %get3A_697 = arith.index_cast %get3A_695 : i32 to index
      %get3A_698 = arith.constant 80 : index
      %get3A_699 = tpu.vector_load %arg12[%get3A_696, %get3A_697, %get3A_698] {strides = array<i32>} : memref<32x8x128xf32, #tpu.memory_space<vmem>>, vector<1x1x16xf32>,
      %get3A_700 = vector.shape_cast %get3A_699 : vector<1x1x16xf32> to vector<16xf32>
      %mul3A_701 = arith.mulf %get3A_53, %get3A_700 : vector<16xf32>
      %get3A_702 = arith.constant 3 : i32
      %get3A_703 = arith.index_cast %scan3A_50 : i32 to index
      %get3A_704 = arith.index_cast %get3A_702 : i32 to index
      %get3A_705 = arith.constant 80 : index
      %get3A_706 = tpu.vector_load %arg13[%get3A_703, %get3A_704, %get3A_705] {strides = array<i32>} : memref<32x8x128xf32, #tpu.memory_space<vmem>>, vector<1x1x16xf32>,
      %get3A_707 = vector.shape_cast %get3A_706 : vector<1x1x16xf32> to vector<16xf32>
      %mul3A_708 = arith.mulf %get3A_57, %get3A_707 : vector<16xf32>
      %add3A_709 = arith.addf %mul3A_701, %mul3A_708 : vector<16xf32>
      %swap3A_710 = arith.constant 3 : i32
      %swap3A_711 = arith.index_cast %scan3A_50 : i32 to index
      %swap3A_712 = arith.index_cast %swap3A_710 : i32 to index
      %swap3A_713 = arith.constant 80 : index
      %swap3A_714 = tpu.vector_load %arg14[%swap3A_711, %swap3A_712, %swap3A_713] {strides = array<i32>} : memref<32x8x128xf32, #tpu.memory_space<vmem>>, vector<1x1x16xf32>,
      %swap3A_715 = vector.shape_cast %swap3A_714 : vector<1x1x16xf32> to vector<16xf32>
      %swap3A_716 = vector.shape_cast %add3A_709 : vector<16xf32> to vector<1x1x16xf32>
      tpu.vector_store %arg14[%swap3A_711, %swap3A_712, %swap3A_713], %swap3A_716 {strides = array<i32>} : memref<32x8x128xf32, #tpu.memory_space<vmem>>, vector<1x1x16xf32>,
      %get3A_717 = arith.constant 3 : i32
      %get3A_718 = arith.index_cast %scan3A_50 : i32 to index
      %get3A_719 = arith.index_cast %get3A_717 : i32 to index
      %get3A_720 = arith.constant 96 : index
      %get3A_721 = tpu.vector_load %arg12[%get3A_718, %get3A_719, %get3A_720] {strides = array<i32>} : memref<32x8x128xf32, #tpu.memory_space<vmem>>, vector<1x1x16xf32>,
      %get3A_722 = vector.shape_cast %get3A_721 : vector<1x1x16xf32> to vector<16xf32>
      %mul3A_723 = arith.mulf %get3A_53, %get3A_722 : vector<16xf32>
      %get3A_724 = arith.constant 3 : i32
      %get3A_725 = arith.index_cast %scan3A_50 : i32 to index
      %get3A_726 = arith.index_cast %get3A_724 : i32 to index
      %get3A_727 = arith.constant 96 : index
      %get3A_728 = tpu.vector_load %arg13[%get3A_725, %get3A_726, %get3A_727] {strides = array<i32>} : memref<32x8x128xf32, #tpu.memory_space<vmem>>, vector<1x1x16xf32>,
      %get3A_729 = vector.shape_cast %get3A_728 : vector<1x1x16xf32> to vector<16xf32>
      %mul3A_730 = arith.mulf %get3A_57, %get3A_729 : vector<16xf32>
      %add3A_731 = arith.addf %mul3A_723, %mul3A_730 : vector<16xf32>
      %swap3A_732 = arith.constant 3 : i32
      %swap3A_733 = arith.index_cast %scan3A_50 : i32 to index
      %swap3A_734 = arith.index_cast %swap3A_732 : i32 to index
      %swap3A_735 = arith.constant 96 : index
      %swap3A_736 = tpu.vector_load %arg14[%swap3A_733, %swap3A_734, %swap3A_735] {strides = array<i32>} : memref<32x8x128xf32, #tpu.memory_space<vmem>>, vector<1x1x16xf32>,
      %swap3A_737 = vector.shape_cast %swap3A_736 : vector<1x1x16xf32> to vector<16xf32>
      %swap3A_738 = vector.shape_cast %add3A_731 : vector<16xf32> to vector<1x1x16xf32>
      tpu.vector_store %arg14[%swap3A_733, %swap3A_734, %swap3A_735], %swap3A_738 {strides = array<i32>} : memref<32x8x128xf32, #tpu.memory_space<vmem>>, vector<1x1x16xf32>,
      %get3A_739 = arith.constant 3 : i32
      %get3A_740 = arith.index_cast %scan3A_50 : i32 to index
      %get3A_741 = arith.index_cast %get3A_739 : i32 to index
      %get3A_742 = arith.constant 112 : index
      %get3A_743 = tpu.vector_load %arg12[%get3A_740, %get3A_741, %get3A_742] {strides = array<i32>} : memref<32x8x128xf32, #tpu.memory_space<vmem>>, vector<1x1x16xf32>,
      %get3A_744 = vector.shape_cast %get3A_743 : vector<1x1x16xf32> to vector<16xf32>
      %mul3A_745 = arith.mulf %get3A_53, %get3A_744 : vector<16xf32>
      %get3A_746 = arith.constant 3 : i32
      %get3A_747 = arith.index_cast %scan3A_50 : i32 to index
      %get3A_748 = arith.index_cast %get3A_746 : i32 to index
      %get3A_749 = arith.constant 112 : index
      %get3A_750 = tpu.vector_load %arg13[%get3A_747, %get3A_748, %get3A_749] {strides = array<i32>} : memref<32x8x128xf32, #tpu.memory_space<vmem>>, vector<1x1x16xf32>,
      %get3A_751 = vector.shape_cast %get3A_750 : vector<1x1x16xf32> to vector<16xf32>
      %mul3A_752 = arith.mulf %get3A_57, %get3A_751 : vector<16xf32>
      %add3A_753 = arith.addf %mul3A_745, %mul3A_752 : vector<16xf32>
      %swap3A_754 = arith.constant 3 : i32
      %swap3A_755 = arith.index_cast %scan3A_50 : i32 to index
      %swap3A_756 = arith.index_cast %swap3A_754 : i32 to index
      %swap3A_757 = arith.constant 112 : index
      %swap3A_758 = tpu.vector_load %arg14[%swap3A_755, %swap3A_756, %swap3A_757] {strides = array<i32>} : memref<32x8x128xf32, #tpu.memory_space<vmem>>, vector<1x1x16xf32>,
      %swap3A_759 = vector.shape_cast %swap3A_758 : vector<1x1x16xf32> to vector<16xf32>
      %swap3A_760 = vector.shape_cast %add3A_753 : vector<16xf32> to vector<1x1x16xf32>
      tpu.vector_store %arg14[%swap3A_755, %swap3A_756, %swap3A_757], %swap3A_760 {strides = array<i32>} : memref<32x8x128xf32, #tpu.memory_space<vmem>>, vector<1x1x16xf32>,
      %get3A_761 = arith.constant 4 : i32
      %get3A_762 = arith.index_cast %scan3A_50 : i32 to index
      %get3A_763 = arith.index_cast %get3A_761 : i32 to index
      %get3A_764 = arith.constant 0 : index
      %get3A_765 = tpu.vector_load %arg12[%get3A_762, %get3A_763, %get3A_764] {strides = array<i32>} : memref<32x8x128xf32, #tpu.memory_space<vmem>>, vector<1x1x16xf32>,
      %get3A_766 = vector.shape_cast %get3A_765 : vector<1x1x16xf32> to vector<16xf32>
      %mul3A_767 = arith.mulf %get3A_53, %get3A_766 : vector<16xf32>
      %get3A_768 = arith.constant 4 : i32
      %get3A_769 = arith.index_cast %scan3A_50 : i32 to index
      %get3A_770 = arith.index_cast %get3A_768 : i32 to index
      %get3A_771 = arith.constant 0 : index
      %get3A_772 = tpu.vector_load %arg13[%get3A_769, %get3A_770, %get3A_771] {strides = array<i32>} : memref<32x8x128xf32, #tpu.memory_space<vmem>>, vector<1x1x16xf32>,
      %get3A_773 = vector.shape_cast %get3A_772 : vector<1x1x16xf32> to vector<16xf32>
      %mul3A_774 = arith.mulf %get3A_57, %get3A_773 : vector<16xf32>
      %add3A_775 = arith.addf %mul3A_767, %mul3A_774 : vector<16xf32>
      %swap3A_776 = arith.constant 4 : i32
      %swap3A_777 = arith.index_cast %scan3A_50 : i32 to index
      %swap3A_778 = arith.index_cast %swap3A_776 : i32 to index
      %swap3A_779 = arith.constant 0 : index
      %swap3A_780 = tpu.vector_load %arg14[%swap3A_777, %swap3A_778, %swap3A_779] {strides = array<i32>} : memref<32x8x128xf32, #tpu.memory_space<vmem>>, vector<1x1x16xf32>,
      %swap3A_781 = vector.shape_cast %swap3A_780 : vector<1x1x16xf32> to vector<16xf32>
      %swap3A_782 = vector.shape_cast %add3A_775 : vector<16xf32> to vector<1x1x16xf32>
      tpu.vector_store %arg14[%swap3A_777, %swap3A_778, %swap3A_779], %swap3A_782 {strides = array<i32>} : memref<32x8x128xf32, #tpu.memory_space<vmem>>, vector<1x1x16xf32>,
      %get3A_783 = arith.constant 4 : i32
      %get3A_784 = arith.index_cast %scan3A_50 : i32 to index
      %get3A_785 = arith.index_cast %get3A_783 : i32 to index
      %get3A_786 = arith.constant 16 : index
      %get3A_787 = tpu.vector_load %arg12[%get3A_784, %get3A_785, %get3A_786] {strides = array<i32>} : memref<32x8x128xf32, #tpu.memory_space<vmem>>, vector<1x1x16xf32>,
      %get3A_788 = vector.shape_cast %get3A_787 : vector<1x1x16xf32> to vector<16xf32>
      %mul3A_789 = arith.mulf %get3A_53, %get3A_788 : vector<16xf32>
      %get3A_790 = arith.constant 4 : i32
      %get3A_791 = arith.index_cast %scan3A_50 : i32 to index
      %get3A_792 = arith.index_cast %get3A_790 : i32 to index
      %get3A_793 = arith.constant 16 : index
      %get3A_794 = tpu.vector_load %arg13[%get3A_791, %get3A_792, %get3A_793] {strides = array<i32>} : memref<32x8x128xf32, #tpu.memory_space<vmem>>, vector<1x1x16xf32>,
      %get3A_795 = vector.shape_cast %get3A_794 : vector<1x1x16xf32> to vector<16xf32>
      %mul3A_796 = arith.mulf %get3A_57, %get3A_795 : vector<16xf32>
      %add3A_797 = arith.addf %mul3A_789, %mul3A_796 : vector<16xf32>
      %swap3A_798 = arith.constant 4 : i32
      %swap3A_799 = arith.index_cast %scan3A_50 : i32 to index
      %swap3A_800 = arith.index_cast %swap3A_798 : i32 to index
      %swap3A_801 = arith.constant 16 : index
      %swap3A_802 = tpu.vector_load %arg14[%swap3A_799, %swap3A_800, %swap3A_801] {strides = array<i32>} : memref<32x8x128xf32, #tpu.memory_space<vmem>>, vector<1x1x16xf32>,
      %swap3A_803 = vector.shape_cast %swap3A_802 : vector<1x1x16xf32> to vector<16xf32>
      %swap3A_804 = vector.shape_cast %add3A_797 : vector<16xf32> to vector<1x1x16xf32>
      tpu.vector_store %arg14[%swap3A_799, %swap3A_800, %swap3A_801], %swap3A_804 {strides = array<i32>} : memref<32x8x128xf32, #tpu.memory_space<vmem>>, vector<1x1x16xf32>,
      %get3A_805 = arith.constant 4 : i32
      %get3A_806 = arith.index_cast %scan3A_50 : i32 to index
      %get3A_807 = arith.index_cast %get3A_805 : i32 to index
      %get3A_808 = arith.constant 32 : index
      %get3A_809 = tpu.vector_load %arg12[%get3A_806, %get3A_807, %get3A_808] {strides = array<i32>} : memref<32x8x128xf32, #tpu.memory_space<vmem>>, vector<1x1x16xf32>,
      %get3A_810 = vector.shape_cast %get3A_809 : vector<1x1x16xf32> to vector<16xf32>
      %mul3A_811 = arith.mulf %get3A_53, %get3A_810 : vector<16xf32>
      %get3A_812 = arith.constant 4 : i32
      %get3A_813 = arith.index_cast %scan3A_50 : i32 to index
      %get3A_814 = arith.index_cast %get3A_812 : i32 to index
      %get3A_815 = arith.constant 32 : index
      %get3A_816 = tpu.vector_load %arg13[%get3A_813, %get3A_814, %get3A_815] {strides = array<i32>} : memref<32x8x128xf32, #tpu.memory_space<vmem>>, vector<1x1x16xf32>,
      %get3A_817 = vector.shape_cast %get3A_816 : vector<1x1x16xf32> to vector<16xf32>
      %mul3A_818 = arith.mulf %get3A_57, %get3A_817 : vector<16xf32>
      %add3A_819 = arith.addf %mul3A_811, %mul3A_818 : vector<16xf32>
      %swap3A_820 = arith.constant 4 : i32
      %swap3A_821 = arith.index_cast %scan3A_50 : i32 to index
      %swap3A_822 = arith.index_cast %swap3A_820 : i32 to index
      %swap3A_823 = arith.constant 32 : index
      %swap3A_824 = tpu.vector_load %arg14[%swap3A_821, %swap3A_822, %swap3A_823] {strides = array<i32>} : memref<32x8x128xf32, #tpu.memory_space<vmem>>, vector<1x1x16xf32>,
      %swap3A_825 = vector.shape_cast %swap3A_824 : vector<1x1x16xf32> to vector<16xf32>
      %swap3A_826 = vector.shape_cast %add3A_819 : vector<16xf32> to vector<1x1x16xf32>
      tpu.vector_store %arg14[%swap3A_821, %swap3A_822, %swap3A_823], %swap3A_826 {strides = array<i32>} : memref<32x8x128xf32, #tpu.memory_space<vmem>>, vector<1x1x16xf32>,
      %get3A_827 = arith.constant 4 : i32
      %get3A_828 = arith.index_cast %scan3A_50 : i32 to index
      %get3A_829 = arith.index_cast %get3A_827 : i32 to index
      %get3A_830 = arith.constant 48 : index
      %get3A_831 = tpu.vector_load %arg12[%get3A_828, %get3A_829, %get3A_830] {strides = array<i32>} : memref<32x8x128xf32, #tpu.memory_space<vmem>>, vector<1x1x16xf32>,
      %get3A_832 = vector.shape_cast %get3A_831 : vector<1x1x16xf32> to vector<16xf32>
      %mul3A_833 = arith.mulf %get3A_53, %get3A_832 : vector<16xf32>
      %get3A_834 = arith.constant 4 : i32
      %get3A_835 = arith.index_cast %scan3A_50 : i32 to index
      %get3A_836 = arith.index_cast %get3A_834 : i32 to index
      %get3A_837 = arith.constant 48 : index
      %get3A_838 = tpu.vector_load %arg13[%get3A_835, %get3A_836, %get3A_837] {strides = array<i32>} : memref<32x8x128xf32, #tpu.memory_space<vmem>>, vector<1x1x16xf32>,
      %get3A_839 = vector.shape_cast %get3A_838 : vector<1x1x16xf32> to vector<16xf32>
      %mul3A_840 = arith.mulf %get3A_57, %get3A_839 : vector<16xf32>
      %add3A_841 = arith.addf %mul3A_833, %mul3A_840 : vector<16xf32>
      %swap3A_842 = arith.constant 4 : i32
      %swap3A_843 = arith.index_cast %scan3A_50 : i32 to index
      %swap3A_844 = arith.index_cast %swap3A_842 : i32 to index
      %swap3A_845 = arith.constant 48 : index
      %swap3A_846 = tpu.vector_load %arg14[%swap3A_843, %swap3A_844, %swap3A_845] {strides = array<i32>} : memref<32x8x128xf32, #tpu.memory_space<vmem>>, vector<1x1x16xf32>,
      %swap3A_847 = vector.shape_cast %swap3A_846 : vector<1x1x16xf32> to vector<16xf32>
      %swap3A_848 = vector.shape_cast %add3A_841 : vector<16xf32> to vector<1x1x16xf32>
      tpu.vector_store %arg14[%swap3A_843, %swap3A_844, %swap3A_845], %swap3A_848 {strides = array<i32>} : memref<32x8x128xf32, #tpu.memory_space<vmem>>, vector<1x1x16xf32>,
      %get3A_849 = arith.constant 4 : i32
      %get3A_850 = arith.index_cast %scan3A_50 : i32 to index
      %get3A_851 = arith.index_cast %get3A_849 : i32 to index
      %get3A_852 = arith.constant 64 : index
      %get3A_853 = tpu.vector_load %arg12[%get3A_850, %get3A_851, %get3A_852] {strides = array<i32>} : memref<32x8x128xf32, #tpu.memory_space<vmem>>, vector<1x1x16xf32>,
      %get3A_854 = vector.shape_cast %get3A_853 : vector<1x1x16xf32> to vector<16xf32>
      %mul3A_855 = arith.mulf %get3A_53, %get3A_854 : vector<16xf32>
      %get3A_856 = arith.constant 4 : i32
      %get3A_857 = arith.index_cast %scan3A_50 : i32 to index
      %get3A_858 = arith.index_cast %get3A_856 : i32 to index
      %get3A_859 = arith.constant 64 : index
      %get3A_860 = tpu.vector_load %arg13[%get3A_857, %get3A_858, %get3A_859] {strides = array<i32>} : memref<32x8x128xf32, #tpu.memory_space<vmem>>, vector<1x1x16xf32>,
      %get3A_861 = vector.shape_cast %get3A_860 : vector<1x1x16xf32> to vector<16xf32>
      %mul3A_862 = arith.mulf %get3A_57, %get3A_861 : vector<16xf32>
      %add3A_863 = arith.addf %mul3A_855, %mul3A_862 : vector<16xf32>
      %swap3A_864 = arith.constant 4 : i32
      %swap3A_865 = arith.index_cast %scan3A_50 : i32 to index
      %swap3A_866 = arith.index_cast %swap3A_864 : i32 to index
      %swap3A_867 = arith.constant 64 : index
      %swap3A_868 = tpu.vector_load %arg14[%swap3A_865, %swap3A_866, %swap3A_867] {strides = array<i32>} : memref<32x8x128xf32, #tpu.memory_space<vmem>>, vector<1x1x16xf32>,
      %swap3A_869 = vector.shape_cast %swap3A_868 : vector<1x1x16xf32> to vector<16xf32>
      %swap3A_870 = vector.shape_cast %add3A_863 : vector<16xf32> to vector<1x1x16xf32>
      tpu.vector_store %arg14[%swap3A_865, %swap3A_866, %swap3A_867], %swap3A_870 {strides = array<i32>} : memref<32x8x128xf32, #tpu.memory_space<vmem>>, vector<1x1x16xf32>,
      %get3A_871 = arith.constant 4 : i32
      %get3A_872 = arith.index_cast %scan3A_50 : i32 to index
      %get3A_873 = arith.index_cast %get3A_871 : i32 to index
      %get3A_874 = arith.constant 80 : index
      %get3A_875 = tpu.vector_load %arg12[%get3A_872, %get3A_873, %get3A_874] {strides = array<i32>} : memref<32x8x128xf32, #tpu.memory_space<vmem>>, vector<1x1x16xf32>,
      %get3A_876 = vector.shape_cast %get3A_875 : vector<1x1x16xf32> to vector<16xf32>
      %mul3A_877 = arith.mulf %get3A_53, %get3A_876 : vector<16xf32>
      %get3A_878 = arith.constant 4 : i32
      %get3A_879 = arith.index_cast %scan3A_50 : i32 to index
      %get3A_880 = arith.index_cast %get3A_878 : i32 to index
      %get3A_881 = arith.constant 80 : index
      %get3A_882 = tpu.vector_load %arg13[%get3A_879, %get3A_880, %get3A_881] {strides = array<i32>} : memref<32x8x128xf32, #tpu.memory_space<vmem>>, vector<1x1x16xf32>,
      %get3A_883 = vector.shape_cast %get3A_882 : vector<1x1x16xf32> to vector<16xf32>
      %mul3A_884 = arith.mulf %get3A_57, %get3A_883 : vector<16xf32>
      %add3A_885 = arith.addf %mul3A_877, %mul3A_884 : vector<16xf32>
      %swap3A_886 = arith.constant 4 : i32
      %swap3A_887 = arith.index_cast %scan3A_50 : i32 to index
      %swap3A_888 = arith.index_cast %swap3A_886 : i32 to index
      %swap3A_889 = arith.constant 80 : index
      %swap3A_890 = tpu.vector_load %arg14[%swap3A_887, %swap3A_888, %swap3A_889] {strides = array<i32>} : memref<32x8x128xf32, #tpu.memory_space<vmem>>, vector<1x1x16xf32>,
      %swap3A_891 = vector.shape_cast %swap3A_890 : vector<1x1x16xf32> to vector<16xf32>
      %swap3A_892 = vector.shape_cast %add3A_885 : vector<16xf32> to vector<1x1x16xf32>
      tpu.vector_store %arg14[%swap3A_887, %swap3A_888, %swap3A_889], %swap3A_892 {strides = array<i32>} : memref<32x8x128xf32, #tpu.memory_space<vmem>>, vector<1x1x16xf32>,
      %get3A_893 = arith.constant 4 : i32
      %get3A_894 = arith.index_cast %scan3A_50 : i32 to index
      %get3A_895 = arith.index_cast %get3A_893 : i32 to index
      %get3A_896 = arith.constant 96 : index
      %get3A_897 = tpu.vector_load %arg12[%get3A_894, %get3A_895, %get3A_896] {strides = array<i32>} : memref<32x8x128xf32, #tpu.memory_space<vmem>>, vector<1x1x16xf32>,
      %get3A_898 = vector.shape_cast %get3A_897 : vector<1x1x16xf32> to vector<16xf32>
      %mul3A_899 = arith.mulf %get3A_53, %get3A_898 : vector<16xf32>
      %get3A_900 = arith.constant 4 : i32
      %get3A_901 = arith.index_cast %scan3A_50 : i32 to index
      %get3A_902 = arith.index_cast %get3A_900 : i32 to index
      %get3A_903 = arith.constant 96 : index
      %get3A_904 = tpu.vector_load %arg13[%get3A_901, %get3A_902, %get3A_903] {strides = array<i32>} : memref<32x8x128xf32, #tpu.memory_space<vmem>>, vector<1x1x16xf32>,
      %get3A_905 = vector.shape_cast %get3A_904 : vector<1x1x16xf32> to vector<16xf32>
      %mul3A_906 = arith.mulf %get3A_57, %get3A_905 : vector<16xf32>
      %add3A_907 = arith.addf %mul3A_899, %mul3A_906 : vector<16xf32>
      %swap3A_908 = arith.constant 4 : i32
      %swap3A_909 = arith.index_cast %scan3A_50 : i32 to index
      %swap3A_910 = arith.index_cast %swap3A_908 : i32 to index
      %swap3A_911 = arith.constant 96 : index
      %swap3A_912 = tpu.vector_load %arg14[%swap3A_909, %swap3A_910, %swap3A_911] {strides = array<i32>} : memref<32x8x128xf32, #tpu.memory_space<vmem>>, vector<1x1x16xf32>,
      %swap3A_913 = vector.shape_cast %swap3A_912 : vector<1x1x16xf32> to vector<16xf32>
      %swap3A_914 = vector.shape_cast %add3A_907 : vector<16xf32> to vector<1x1x16xf32>
      tpu.vector_store %arg14[%swap3A_909, %swap3A_910, %swap3A_911], %swap3A_914 {strides = array<i32>} : memref<32x8x128xf32, #tpu.memory_space<vmem>>, vector<1x1x16xf32>,
      %get3A_915 = arith.constant 4 : i32
      %get3A_916 = arith.index_cast %scan3A_50 : i32 to index
      %get3A_917 = arith.index_cast %get3A_915 : i32 to index
      %get3A_918 = arith.constant 112 : index
      %get3A_919 = tpu.vector_load %arg12[%get3A_916, %get3A_917, %get3A_918] {strides = array<i32>} : memref<32x8x128xf32, #tpu.memory_space<vmem>>, vector<1x1x16xf32>,
      %get3A_920 = vector.shape_cast %get3A_919 : vector<1x1x16xf32> to vector<16xf32>
      %mul3A_921 = arith.mulf %get3A_53, %get3A_920 : vector<16xf32>
      %get3A_922 = arith.constant 4 : i32
      %get3A_923 = arith.index_cast %scan3A_50 : i32 to index
      %get3A_924 = arith.index_cast %get3A_922 : i32 to index
      %get3A_925 = arith.constant 112 : index
      %get3A_926 = tpu.vector_load %arg13[%get3A_923, %get3A_924, %get3A_925] {strides = array<i32>} : memref<32x8x128xf32, #tpu.memory_space<vmem>>, vector<1x1x16xf32>,
      %get3A_927 = vector.shape_cast %get3A_926 : vector<1x1x16xf32> to vector<16xf32>
      %mul3A_928 = arith.mulf %get3A_57, %get3A_927 : vector<16xf32>
      %add3A_929 = arith.addf %mul3A_921, %mul3A_928 : vector<16xf32>
      %swap3A_930 = arith.constant 4 : i32
      %swap3A_931 = arith.index_cast %scan3A_50 : i32 to index
      %swap3A_932 = arith.index_cast %swap3A_930 : i32 to index
      %swap3A_933 = arith.constant 112 : index
      %swap3A_934 = tpu.vector_load %arg14[%swap3A_931, %swap3A_932, %swap3A_933] {strides = array<i32>} : memref<32x8x128xf32, #tpu.memory_space<vmem>>, vector<1x1x16xf32>,
      %swap3A_935 = vector.shape_cast %swap3A_934 : vector<1x1x16xf32> to vector<16xf32>
      %swap3A_936 = vector.shape_cast %add3A_929 : vector<16xf32> to vector<1x1x16xf32>
      tpu.vector_store %arg14[%swap3A_931, %swap3A_932, %swap3A_933], %swap3A_936 {strides = array<i32>} : memref<32x8x128xf32, #tpu.memory_space<vmem>>, vector<1x1x16xf32>,
      %get3A_937 = arith.constant 5 : i32
      %get3A_938 = arith.index_cast %scan3A_50 : i32 to index
      %get3A_939 = arith.index_cast %get3A_937 : i32 to index
      %get3A_940 = arith.constant 0 : index
      %get3A_941 = tpu.vector_load %arg12[%get3A_938, %get3A_939, %get3A_940] {strides = array<i32>} : memref<32x8x128xf32, #tpu.memory_space<vmem>>, vector<1x1x16xf32>,
      %get3A_942 = vector.shape_cast %get3A_941 : vector<1x1x16xf32> to vector<16xf32>
      %mul3A_943 = arith.mulf %get3A_53, %get3A_942 : vector<16xf32>
      %get3A_944 = arith.constant 5 : i32
      %get3A_945 = arith.index_cast %scan3A_50 : i32 to index
      %get3A_946 = arith.index_cast %get3A_944 : i32 to index
      %get3A_947 = arith.constant 0 : index
      %get3A_948 = tpu.vector_load %arg13[%get3A_945, %get3A_946, %get3A_947] {strides = array<i32>} : memref<32x8x128xf32, #tpu.memory_space<vmem>>, vector<1x1x16xf32>,
      %get3A_949 = vector.shape_cast %get3A_948 : vector<1x1x16xf32> to vector<16xf32>
      %mul3A_950 = arith.mulf %get3A_57, %get3A_949 : vector<16xf32>
      %add3A_951 = arith.addf %mul3A_943, %mul3A_950 : vector<16xf32>
      %swap3A_952 = arith.constant 5 : i32
      %swap3A_953 = arith.index_cast %scan3A_50 : i32 to index
      %swap3A_954 = arith.index_cast %swap3A_952 : i32 to index
      %swap3A_955 = arith.constant 0 : index
      %swap3A_956 = tpu.vector_load %arg14[%swap3A_953, %swap3A_954, %swap3A_955] {strides = array<i32>} : memref<32x8x128xf32, #tpu.memory_space<vmem>>, vector<1x1x16xf32>,
      %swap3A_957 = vector.shape_cast %swap3A_956 : vector<1x1x16xf32> to vector<16xf32>
      %swap3A_958 = vector.shape_cast %add3A_951 : vector<16xf32> to vector<1x1x16xf32>
      tpu.vector_store %arg14[%swap3A_953, %swap3A_954, %swap3A_955], %swap3A_958 {strides = array<i32>} : memref<32x8x128xf32, #tpu.memory_space<vmem>>, vector<1x1x16xf32>,
      %get3A_959 = arith.constant 5 : i32
      %get3A_960 = arith.index_cast %scan3A_50 : i32 to index
      %get3A_961 = arith.index_cast %get3A_959 : i32 to index
      %get3A_962 = arith.constant 16 : index
      %get3A_963 = tpu.vector_load %arg12[%get3A_960, %get3A_961, %get3A_962] {strides = array<i32>} : memref<32x8x128xf32, #tpu.memory_space<vmem>>, vector<1x1x16xf32>,
      %get3A_964 = vector.shape_cast %get3A_963 : vector<1x1x16xf32> to vector<16xf32>
      %mul3A_965 = arith.mulf %get3A_53, %get3A_964 : vector<16xf32>
      %get3A_966 = arith.constant 5 : i32
      %get3A_967 = arith.index_cast %scan3A_50 : i32 to index
      %get3A_968 = arith.index_cast %get3A_966 : i32 to index
      %get3A_969 = arith.constant 16 : index
      %get3A_970 = tpu.vector_load %arg13[%get3A_967, %get3A_968, %get3A_969] {strides = array<i32>} : memref<32x8x128xf32, #tpu.memory_space<vmem>>, vector<1x1x16xf32>,
      %get3A_971 = vector.shape_cast %get3A_970 : vector<1x1x16xf32> to vector<16xf32>
      %mul3A_972 = arith.mulf %get3A_57, %get3A_971 : vector<16xf32>
      %add3A_973 = arith.addf %mul3A_965, %mul3A_972 : vector<16xf32>
      %swap3A_974 = arith.constant 5 : i32
      %swap3A_975 = arith.index_cast %scan3A_50 : i32 to index
      %swap3A_976 = arith.index_cast %swap3A_974 : i32 to index
      %swap3A_977 = arith.constant 16 : index
      %swap3A_978 = tpu.vector_load %arg14[%swap3A_975, %swap3A_976, %swap3A_977] {strides = array<i32>} : memref<32x8x128xf32, #tpu.memory_space<vmem>>, vector<1x1x16xf32>,
      %swap3A_979 = vector.shape_cast %swap3A_978 : vector<1x1x16xf32> to vector<16xf32>
      %swap3A_980 = vector.shape_cast %add3A_973 : vector<16xf32> to vector<1x1x16xf32>
      tpu.vector_store %arg14[%swap3A_975, %swap3A_976, %swap3A_977], %swap3A_980 {strides = array<i32>} : memref<32x8x128xf32, #tpu.memory_space<vmem>>, vector<1x1x16xf32>,
      %get3A_981 = arith.constant 5 : i32
      %get3A_982 = arith.index_cast %scan3A_50 : i32 to index
      %get3A_983 = arith.index_cast %get3A_981 : i32 to index
      %get3A_984 = arith.constant 32 : index
      %get3A_985 = tpu.vector_load %arg12[%get3A_982, %get3A_983, %get3A_984] {strides = array<i32>} : memref<32x8x128xf32, #tpu.memory_space<vmem>>, vector<1x1x16xf32>,
      %get3A_986 = vector.shape_cast %get3A_985 : vector<1x1x16xf32> to vector<16xf32>
      %mul3A_987 = arith.mulf %get3A_53, %get3A_986 : vector<16xf32>
      %get3A_988 = arith.constant 5 : i32
      %get3A_989 = arith.index_cast %scan3A_50 : i32 to index
      %get3A_990 = arith.index_cast %get3A_988 : i32 to index
      %get3A_991 = arith.constant 32 : index
      %get3A_992 = tpu.vector_load %arg13[%get3A_989, %get3A_990, %get3A_991] {strides = array<i32>} : memref<32x8x128xf32, #tpu.memory_space<vmem>>, vector<1x1x16xf32>,
      %get3A_993 = vector.shape_cast %get3A_992 : vector<1x1x16xf32> to vector<16xf32>
      %mul3A_994 = arith.mulf %get3A_57, %get3A_993 : vector<16xf32>
      %add3A_995 = arith.addf %mul3A_987, %mul3A_994 : vector<16xf32>
      %swap3A_996 = arith.constant 5 : i32
      %swap3A_997 = arith.index_cast %scan3A_50 : i32 to index
      %swap3A_998 = arith.index_cast %swap3A_996 : i32 to index
      %swap3A_999 = arith.constant 32 : index
      %swap3A_1000 = tpu.vector_load %arg14[%swap3A_997, %swap3A_998, %swap3A_999] {strides = array<i32>} : memref<32x8x128xf32, #tpu.memory_space<vmem>>, vector<1x1x16xf32>,
      %swap3A_1001 = vector.shape_cast %swap3A_1000 : vector<1x1x16xf32> to vector<16xf32>
      %swap3A_1002 = vector.shape_cast %add3A_995 : vector<16xf32> to vector<1x1x16xf32>
      tpu.vector_store %arg14[%swap3A_997, %swap3A_998, %swap3A_999], %swap3A_1002 {strides = array<i32>} : memref<32x8x128xf32, #tpu.memory_space<vmem>>, vector<1x1x16xf32>,
      %get3A_1003 = arith.constant 5 : i32
      %get3A_1004 = arith.index_cast %scan3A_50 : i32 to index
      %get3A_1005 = arith.index_cast %get3A_1003 : i32 to index
      %get3A_1006 = arith.constant 48 : index
      %get3A_1007 = tpu.vector_load %arg12[%get3A_1004, %get3A_1005, %get3A_1006] {strides = array<i32>} : memref<32x8x128xf32, #tpu.memory_space<vmem>>, vector<1x1x16xf32>,
      %get3A_1008 = vector.shape_cast %get3A_1007 : vector<1x1x16xf32> to vector<16xf32>
      %mul3A_1009 = arith.mulf %get3A_53, %get3A_1008 : vector<16xf32>
      %get3A_1010 = arith.constant 5 : i32
      %get3A_1011 = arith.index_cast %scan3A_50 : i32 to index
      %get3A_1012 = arith.index_cast %get3A_1010 : i32 to index
      %get3A_1013 = arith.constant 48 : index
      %get3A_1014 = tpu.vector_load %arg13[%get3A_1011, %get3A_1012, %get3A_1013] {strides = array<i32>} : memref<32x8x128xf32, #tpu.memory_space<vmem>>, vector<1x1x16xf32>,
      %get3A_1015 = vector.shape_cast %get3A_1014 : vector<1x1x16xf32> to vector<16xf32>
      %mul3A_1016 = arith.mulf %get3A_57, %get3A_1015 : vector<16xf32>
      %add3A_1017 = arith.addf %mul3A_1009, %mul3A_1016 : vector<16xf32>
      %swap3A_1018 = arith.constant 5 : i32
      %swap3A_1019 = arith.index_cast %scan3A_50 : i32 to index
      %swap3A_1020 = arith.index_cast %swap3A_1018 : i32 to index
      %swap3A_1021 = arith.constant 48 : index
      %swap3A_1022 = tpu.vector_load %arg14[%swap3A_1019, %swap3A_1020, %swap3A_1021] {strides = array<i32>} : memref<32x8x128xf32, #tpu.memory_space<vmem>>, vector<1x1x16xf32>,
      %swap3A_1023 = vector.shape_cast %swap3A_1022 : vector<1x1x16xf32> to vector<16xf32>
      %swap3A_1024 = vector.shape_cast %add3A_1017 : vector<16xf32> to vector<1x1x16xf32>
      tpu.vector_store %arg14[%swap3A_1019, %swap3A_1020, %swap3A_1021], %swap3A_1024 {strides = array<i32>} : memref<32x8x128xf32, #tpu.memory_space<vmem>>, vector<1x1x16xf32>,
      %get3A_1025 = arith.constant 5 : i32
      %get3A_1026 = arith.index_cast %scan3A_50 : i32 to index
      %get3A_1027 = arith.index_cast %get3A_1025 : i32 to index
      %get3A_1028 = arith.constant 64 : index
      %get3A_1029 = tpu.vector_load %arg12[%get3A_1026, %get3A_1027, %get3A_1028] {strides = array<i32>} : memref<32x8x128xf32, #tpu.memory_space<vmem>>, vector<1x1x16xf32>,
      %get3A_1030 = vector.shape_cast %get3A_1029 : vector<1x1x16xf32> to vector<16xf32>
      %mul3A_1031 = arith.mulf %get3A_53, %get3A_1030 : vector<16xf32>
      %get3A_1032 = arith.constant 5 : i32
      %get3A_1033 = arith.index_cast %scan3A_50 : i32 to index
      %get3A_1034 = arith.index_cast %get3A_1032 : i32 to index
      %get3A_1035 = arith.constant 64 : index
      %get3A_1036 = tpu.vector_load %arg13[%get3A_1033, %get3A_1034, %get3A_1035] {strides = array<i32>} : memref<32x8x128xf32, #tpu.memory_space<vmem>>, vector<1x1x16xf32>,
      %get3A_1037 = vector.shape_cast %get3A_1036 : vector<1x1x16xf32> to vector<16xf32>
      %mul3A_1038 = arith.mulf %get3A_57, %get3A_1037 : vector<16xf32>
      %add3A_1039 = arith.addf %mul3A_1031, %mul3A_1038 : vector<16xf32>
      %swap3A_1040 = arith.constant 5 : i32
      %swap3A_1041 = arith.index_cast %scan3A_50 : i32 to index
      %swap3A_1042 = arith.index_cast %swap3A_1040 : i32 to index
      %swap3A_1043 = arith.constant 64 : index
      %swap3A_1044 = tpu.vector_load %arg14[%swap3A_1041, %swap3A_1042, %swap3A_1043] {strides = array<i32>} : memref<32x8x128xf32, #tpu.memory_space<vmem>>, vector<1x1x16xf32>,
      %swap3A_1045 = vector.shape_cast %swap3A_1044 : vector<1x1x16xf32> to vector<16xf32>
      %swap3A_1046 = vector.shape_cast %add3A_1039 : vector<16xf32> to vector<1x1x16xf32>
      tpu.vector_store %arg14[%swap3A_1041, %swap3A_1042, %swap3A_1043], %swap3A_1046 {strides = array<i32>} : memref<32x8x128xf32, #tpu.memory_space<vmem>>, vector<1x1x16xf32>,
      %get3A_1047 = arith.constant 5 : i32
      %get3A_1048 = arith.index_cast %scan3A_50 : i32 to index
      %get3A_1049 = arith.index_cast %get3A_1047 : i32 to index
      %get3A_1050 = arith.constant 80 : index
      %get3A_1051 = tpu.vector_load %arg12[%get3A_1048, %get3A_1049, %get3A_1050] {strides = array<i32>} : memref<32x8x128xf32, #tpu.memory_space<vmem>>, vector<1x1x16xf32>,
      %get3A_1052 = vector.shape_cast %get3A_1051 : vector<1x1x16xf32> to vector<16xf32>
      %mul3A_1053 = arith.mulf %get3A_53, %get3A_1052 : vector<16xf32>
      %get3A_1054 = arith.constant 5 : i32
      %get3A_1055 = arith.index_cast %scan3A_50 : i32 to index
      %get3A_1056 = arith.index_cast %get3A_1054 : i32 to index
      %get3A_1057 = arith.constant 80 : index
      %get3A_1058 = tpu.vector_load %arg13[%get3A_1055, %get3A_1056, %get3A_1057] {strides = array<i32>} : memref<32x8x128xf32, #tpu.memory_space<vmem>>, vector<1x1x16xf32>,
      %get3A_1059 = vector.shape_cast %get3A_1058 : vector<1x1x16xf32> to vector<16xf32>
      %mul3A_1060 = arith.mulf %get3A_57, %get3A_1059 : vector<16xf32>
      %add3A_1061 = arith.addf %mul3A_1053, %mul3A_1060 : vector<16xf32>
      %swap3A_1062 = arith.constant 5 : i32
      %swap3A_1063 = arith.index_cast %scan3A_50 : i32 to index
      %swap3A_1064 = arith.index_cast %swap3A_1062 : i32 to index
      %swap3A_1065 = arith.constant 80 : index
      %swap3A_1066 = tpu.vector_load %arg14[%swap3A_1063, %swap3A_1064, %swap3A_1065] {strides = array<i32>} : memref<32x8x128xf32, #tpu.memory_space<vmem>>, vector<1x1x16xf32>,
      %swap3A_1067 = vector.shape_cast %swap3A_1066 : vector<1x1x16xf32> to vector<16xf32>
      %swap3A_1068 = vector.shape_cast %add3A_1061 : vector<16xf32> to vector<1x1x16xf32>
      tpu.vector_store %arg14[%swap3A_1063, %swap3A_1064, %swap3A_1065], %swap3A_1068 {strides = array<i32>} : memref<32x8x128xf32, #tpu.memory_space<vmem>>, vector<1x1x16xf32>,
      %get3A_1069 = arith.constant 5 : i32
      %get3A_1070 = arith.index_cast %scan3A_50 : i32 to index
      %get3A_1071 = arith.index_cast %get3A_1069 : i32 to index
      %get3A_1072 = arith.constant 96 : index
      %get3A_1073 = tpu.vector_load %arg12[%get3A_1070, %get3A_1071, %get3A_1072] {strides = array<i32>} : memref<32x8x128xf32, #tpu.memory_space<vmem>>, vector<1x1x16xf32>,
      %get3A_1074 = vector.shape_cast %get3A_1073 : vector<1x1x16xf32> to vector<16xf32>
      %mul3A_1075 = arith.mulf %get3A_53, %get3A_1074 : vector<16xf32>
      %get3A_1076 = arith.constant 5 : i32
      %get3A_1077 = arith.index_cast %scan3A_50 : i32 to index
      %get3A_1078 = arith.index_cast %get3A_1076 : i32 to index
      %get3A_1079 = arith.constant 96 : index
      %get3A_1080 = tpu.vector_load %arg13[%get3A_1077, %get3A_1078, %get3A_1079] {strides = array<i32>} : memref<32x8x128xf32, #tpu.memory_space<vmem>>, vector<1x1x16xf32>,
      %get3A_1081 = vector.shape_cast %get3A_1080 : vector<1x1x16xf32> to vector<16xf32>
      %mul3A_1082 = arith.mulf %get3A_57, %get3A_1081 : vector<16xf32>
      %add3A_1083 = arith.addf %mul3A_1075, %mul3A_1082 : vector<16xf32>
      %swap3A_1084 = arith.constant 5 : i32
      %swap3A_1085 = arith.index_cast %scan3A_50 : i32 to index
      %swap3A_1086 = arith.index_cast %swap3A_1084 : i32 to index
      %swap3A_1087 = arith.constant 96 : index
      %swap3A_1088 = tpu.vector_load %arg14[%swap3A_1085, %swap3A_1086, %swap3A_1087] {strides = array<i32>} : memref<32x8x128xf32, #tpu.memory_space<vmem>>, vector<1x1x16xf32>,
      %swap3A_1089 = vector.shape_cast %swap3A_1088 : vector<1x1x16xf32> to vector<16xf32>
      %swap3A_1090 = vector.shape_cast %add3A_1083 : vector<16xf32> to vector<1x1x16xf32>
      tpu.vector_store %arg14[%swap3A_1085, %swap3A_1086, %swap3A_1087], %swap3A_1090 {strides = array<i32>} : memref<32x8x128xf32, #tpu.memory_space<vmem>>, vector<1x1x16xf32>,
      %get3A_1091 = arith.constant 5 : i32
      %get3A_1092 = arith.index_cast %scan3A_50 : i32 to index
      %get3A_1093 = arith.index_cast %get3A_1091 : i32 to index
      %get3A_1094 = arith.constant 112 : index
      %get3A_1095 = tpu.vector_load %arg12[%get3A_1092, %get3A_1093, %get3A_1094] {strides = array<i32>} : memref<32x8x128xf32, #tpu.memory_space<vmem>>, vector<1x1x16xf32>,
      %get3A_1096 = vector.shape_cast %get3A_1095 : vector<1x1x16xf32> to vector<16xf32>
      %mul3A_1097 = arith.mulf %get3A_53, %get3A_1096 : vector<16xf32>
      %get3A_1098 = arith.constant 5 : i32
      %get3A_1099 = arith.index_cast %scan3A_50 : i32 to index
      %get3A_1100 = arith.index_cast %get3A_1098 : i32 to index
      %get3A_1101 = arith.constant 112 : index
      %get3A_1102 = tpu.vector_load %arg13[%get3A_1099, %get3A_1100, %get3A_1101] {strides = array<i32>} : memref<32x8x128xf32, #tpu.memory_space<vmem>>, vector<1x1x16xf32>,
      %get3A_1103 = vector.shape_cast %get3A_1102 : vector<1x1x16xf32> to vector<16xf32>
      %mul3A_1104 = arith.mulf %get3A_57, %get3A_1103 : vector<16xf32>
      %add3A_1105 = arith.addf %mul3A_1097, %mul3A_1104 : vector<16xf32>
      %swap3A_1106 = arith.constant 5 : i32
      %swap3A_1107 = arith.index_cast %scan3A_50 : i32 to index
      %swap3A_1108 = arith.index_cast %swap3A_1106 : i32 to index
      %swap3A_1109 = arith.constant 112 : index
      %swap3A_1110 = tpu.vector_load %arg14[%swap3A_1107, %swap3A_1108, %swap3A_1109] {strides = array<i32>} : memref<32x8x128xf32, #tpu.memory_space<vmem>>, vector<1x1x16xf32>,
      %swap3A_1111 = vector.shape_cast %swap3A_1110 : vector<1x1x16xf32> to vector<16xf32>
      %swap3A_1112 = vector.shape_cast %add3A_1105 : vector<16xf32> to vector<1x1x16xf32>
      tpu.vector_store %arg14[%swap3A_1107, %swap3A_1108, %swap3A_1109], %swap3A_1112 {strides = array<i32>} : memref<32x8x128xf32, #tpu.memory_space<vmem>>, vector<1x1x16xf32>,
      %get3A_1113 = arith.constant 6 : i32
      %get3A_1114 = arith.index_cast %scan3A_50 : i32 to index
      %get3A_1115 = arith.index_cast %get3A_1113 : i32 to index
      %get3A_1116 = arith.constant 0 : index
      %get3A_1117 = tpu.vector_load %arg12[%get3A_1114, %get3A_1115, %get3A_1116] {strides = array<i32>} : memref<32x8x128xf32, #tpu.memory_space<vmem>>, vector<1x1x16xf32>,
      %get3A_1118 = vector.shape_cast %get3A_1117 : vector<1x1x16xf32> to vector<16xf32>
      %mul3A_1119 = arith.mulf %get3A_53, %get3A_1118 : vector<16xf32>
      %get3A_1120 = arith.constant 6 : i32
      %get3A_1121 = arith.index_cast %scan3A_50 : i32 to index
      %get3A_1122 = arith.index_cast %get3A_1120 : i32 to index
      %get3A_1123 = arith.constant 0 : index
      %get3A_1124 = tpu.vector_load %arg13[%get3A_1121, %get3A_1122, %get3A_1123] {strides = array<i32>} : memref<32x8x128xf32, #tpu.memory_space<vmem>>, vector<1x1x16xf32>,
      %get3A_1125 = vector.shape_cast %get3A_1124 : vector<1x1x16xf32> to vector<16xf32>
      %mul3A_1126 = arith.mulf %get3A_57, %get3A_1125 : vector<16xf32>
      %add3A_1127 = arith.addf %mul3A_1119, %mul3A_1126 : vector<16xf32>
      %swap3A_1128 = arith.constant 6 : i32
      %swap3A_1129 = arith.index_cast %scan3A_50 : i32 to index
      %swap3A_1130 = arith.index_cast %swap3A_1128 : i32 to index
      %swap3A_1131 = arith.constant 0 : index
      %swap3A_1132 = tpu.vector_load %arg14[%swap3A_1129, %swap3A_1130, %swap3A_1131] {strides = array<i32>} : memref<32x8x128xf32, #tpu.memory_space<vmem>>, vector<1x1x16xf32>,
      %swap3A_1133 = vector.shape_cast %swap3A_1132 : vector<1x1x16xf32> to vector<16xf32>
      %swap3A_1134 = vector.shape_cast %add3A_1127 : vector<16xf32> to vector<1x1x16xf32>
      tpu.vector_store %arg14[%swap3A_1129, %swap3A_1130, %swap3A_1131], %swap3A_1134 {strides = array<i32>} : memref<32x8x128xf32, #tpu.memory_space<vmem>>, vector<1x1x16xf32>,
      %get3A_1135 = arith.constant 6 : i32
      %get3A_1136 = arith.index_cast %scan3A_50 : i32 to index
      %get3A_1137 = arith.index_cast %get3A_1135 : i32 to index
      %get3A_1138 = arith.constant 16 : index
      %get3A_1139 = tpu.vector_load %arg12[%get3A_1136, %get3A_1137, %get3A_1138] {strides = array<i32>} : memref<32x8x128xf32, #tpu.memory_space<vmem>>, vector<1x1x16xf32>,
      %get3A_1140 = vector.shape_cast %get3A_1139 : vector<1x1x16xf32> to vector<16xf32>
      %mul3A_1141 = arith.mulf %get3A_53, %get3A_1140 : vector<16xf32>
      %get3A_1142 = arith.constant 6 : i32
      %get3A_1143 = arith.index_cast %scan3A_50 : i32 to index
      %get3A_1144 = arith.index_cast %get3A_1142 : i32 to index
      %get3A_1145 = arith.constant 16 : index
      %get3A_1146 = tpu.vector_load %arg13[%get3A_1143, %get3A_1144, %get3A_1145] {strides = array<i32>} : memref<32x8x128xf32, #tpu.memory_space<vmem>>, vector<1x1x16xf32>,
      %get3A_1147 = vector.shape_cast %get3A_1146 : vector<1x1x16xf32> to vector<16xf32>
      %mul3A_1148 = arith.mulf %get3A_57, %get3A_1147 : vector<16xf32>
      %add3A_1149 = arith.addf %mul3A_1141, %mul3A_1148 : vector<16xf32>
      %swap3A_1150 = arith.constant 6 : i32
      %swap3A_1151 = arith.index_cast %scan3A_50 : i32 to index
      %swap3A_1152 = arith.index_cast %swap3A_1150 : i32 to index
      %swap3A_1153 = arith.constant 16 : index
      %swap3A_1154 = tpu.vector_load %arg14[%swap3A_1151, %swap3A_1152, %swap3A_1153] {strides = array<i32>} : memref<32x8x128xf32, #tpu.memory_space<vmem>>, vector<1x1x16xf32>,
      %swap3A_1155 = vector.shape_cast %swap3A_1154 : vector<1x1x16xf32> to vector<16xf32>
      %swap3A_1156 = vector.shape_cast %add3A_1149 : vector<16xf32> to vector<1x1x16xf32>
      tpu.vector_store %arg14[%swap3A_1151, %swap3A_1152, %swap3A_1153], %swap3A_1156 {strides = array<i32>} : memref<32x8x128xf32, #tpu.memory_space<vmem>>, vector<1x1x16xf32>,
      %get3A_1157 = arith.constant 6 : i32
      %get3A_1158 = arith.index_cast %scan3A_50 : i32 to index
      %get3A_1159 = arith.index_cast %get3A_1157 : i32 to index
      %get3A_1160 = arith.constant 32 : index
      %get3A_1161 = tpu.vector_load %arg12[%get3A_1158, %get3A_1159, %get3A_1160] {strides = array<i32>} : memref<32x8x128xf32, #tpu.memory_space<vmem>>, vector<1x1x16xf32>,
      %get3A_1162 = vector.shape_cast %get3A_1161 : vector<1x1x16xf32> to vector<16xf32>
      %mul3A_1163 = arith.mulf %get3A_53, %get3A_1162 : vector<16xf32>
      %get3A_1164 = arith.constant 6 : i32
      %get3A_1165 = arith.index_cast %scan3A_50 : i32 to index
      %get3A_1166 = arith.index_cast %get3A_1164 : i32 to index
      %get3A_1167 = arith.constant 32 : index
      %get3A_1168 = tpu.vector_load %arg13[%get3A_1165, %get3A_1166, %get3A_1167] {strides = array<i32>} : memref<32x8x128xf32, #tpu.memory_space<vmem>>, vector<1x1x16xf32>,
      %get3A_1169 = vector.shape_cast %get3A_1168 : vector<1x1x16xf32> to vector<16xf32>
      %mul3A_1170 = arith.mulf %get3A_57, %get3A_1169 : vector<16xf32>
      %add3A_1171 = arith.addf %mul3A_1163, %mul3A_1170 : vector<16xf32>
      %swap3A_1172 = arith.constant 6 : i32
      %swap3A_1173 = arith.index_cast %scan3A_50 : i32 to index
      %swap3A_1174 = arith.index_cast %swap3A_1172 : i32 to index
      %swap3A_1175 = arith.constant 32 : index
      %swap3A_1176 = tpu.vector_load %arg14[%swap3A_1173, %swap3A_1174, %swap3A_1175] {strides = array<i32>} : memref<32x8x128xf32, #tpu.memory_space<vmem>>, vector<1x1x16xf32>,
      %swap3A_1177 = vector.shape_cast %swap3A_1176 : vector<1x1x16xf32> to vector<16xf32>
      %swap3A_1178 = vector.shape_cast %add3A_1171 : vector<16xf32> to vector<1x1x16xf32>
      tpu.vector_store %arg14[%swap3A_1173, %swap3A_1174, %swap3A_1175], %swap3A_1178 {strides = array<i32>} : memref<32x8x128xf32, #tpu.memory_space<vmem>>, vector<1x1x16xf32>,
      %get3A_1179 = arith.constant 6 : i32
      %get3A_1180 = arith.index_cast %scan3A_50 : i32 to index
      %get3A_1181 = arith.index_cast %get3A_1179 : i32 to index
      %get3A_1182 = arith.constant 48 : index
      %get3A_1183 = tpu.vector_load %arg12[%get3A_1180, %get3A_1181, %get3A_1182] {strides = array<i32>} : memref<32x8x128xf32, #tpu.memory_space<vmem>>, vector<1x1x16xf32>,
      %get3A_1184 = vector.shape_cast %get3A_1183 : vector<1x1x16xf32> to vector<16xf32>
      %mul3A_1185 = arith.mulf %get3A_53, %get3A_1184 : vector<16xf32>
      %get3A_1186 = arith.constant 6 : i32
      %get3A_1187 = arith.index_cast %scan3A_50 : i32 to index
      %get3A_1188 = arith.index_cast %get3A_1186 : i32 to index
      %get3A_1189 = arith.constant 48 : index
      %get3A_1190 = tpu.vector_load %arg13[%get3A_1187, %get3A_1188, %get3A_1189] {strides = array<i32>} : memref<32x8x128xf32, #tpu.memory_space<vmem>>, vector<1x1x16xf32>,
      %get3A_1191 = vector.shape_cast %get3A_1190 : vector<1x1x16xf32> to vector<16xf32>
      %mul3A_1192 = arith.mulf %get3A_57, %get3A_1191 : vector<16xf32>
      %add3A_1193 = arith.addf %mul3A_1185, %mul3A_1192 : vector<16xf32>
      %swap3A_1194 = arith.constant 6 : i32
      %swap3A_1195 = arith.index_cast %scan3A_50 : i32 to index
      %swap3A_1196 = arith.index_cast %swap3A_1194 : i32 to index
      %swap3A_1197 = arith.constant 48 : index
      %swap3A_1198 = tpu.vector_load %arg14[%swap3A_1195, %swap3A_1196, %swap3A_1197] {strides = array<i32>} : memref<32x8x128xf32, #tpu.memory_space<vmem>>, vector<1x1x16xf32>,
      %swap3A_1199 = vector.shape_cast %swap3A_1198 : vector<1x1x16xf32> to vector<16xf32>
      %swap3A_1200 = vector.shape_cast %add3A_1193 : vector<16xf32> to vector<1x1x16xf32>
      tpu.vector_store %arg14[%swap3A_1195, %swap3A_1196, %swap3A_1197], %swap3A_1200 {strides = array<i32>} : memref<32x8x128xf32, #tpu.memory_space<vmem>>, vector<1x1x16xf32>,
      %get3A_1201 = arith.constant 6 : i32
      %get3A_1202 = arith.index_cast %scan3A_50 : i32 to index
      %get3A_1203 = arith.index_cast %get3A_1201 : i32 to index
      %get3A_1204 = arith.constant 64 : index
      %get3A_1205 = tpu.vector_load %arg12[%get3A_1202, %get3A_1203, %get3A_1204] {strides = array<i32>} : memref<32x8x128xf32, #tpu.memory_space<vmem>>, vector<1x1x16xf32>,
      %get3A_1206 = vector.shape_cast %get3A_1205 : vector<1x1x16xf32> to vector<16xf32>
      %mul3A_1207 = arith.mulf %get3A_53, %get3A_1206 : vector<16xf32>
      %get3A_1208 = arith.constant 6 : i32
      %get3A_1209 = arith.index_cast %scan3A_50 : i32 to index
      %get3A_1210 = arith.index_cast %get3A_1208 : i32 to index
      %get3A_1211 = arith.constant 64 : index
      %get3A_1212 = tpu.vector_load %arg13[%get3A_1209, %get3A_1210, %get3A_1211] {strides = array<i32>} : memref<32x8x128xf32, #tpu.memory_space<vmem>>, vector<1x1x16xf32>,
      %get3A_1213 = vector.shape_cast %get3A_1212 : vector<1x1x16xf32> to vector<16xf32>
      %mul3A_1214 = arith.mulf %get3A_57, %get3A_1213 : vector<16xf32>
      %add3A_1215 = arith.addf %mul3A_1207, %mul3A_1214 : vector<16xf32>
      %swap3A_1216 = arith.constant 6 : i32
      %swap3A_1217 = arith.index_cast %scan3A_50 : i32 to index
      %swap3A_1218 = arith.index_cast %swap3A_1216 : i32 to index
      %swap3A_1219 = arith.constant 64 : index
      %swap3A_1220 = tpu.vector_load %arg14[%swap3A_1217, %swap3A_1218, %swap3A_1219] {strides = array<i32>} : memref<32x8x128xf32, #tpu.memory_space<vmem>>, vector<1x1x16xf32>,
      %swap3A_1221 = vector.shape_cast %swap3A_1220 : vector<1x1x16xf32> to vector<16xf32>
      %swap3A_1222 = vector.shape_cast %add3A_1215 : vector<16xf32> to vector<1x1x16xf32>
      tpu.vector_store %arg14[%swap3A_1217, %swap3A_1218, %swap3A_1219], %swap3A_1222 {strides = array<i32>} : memref<32x8x128xf32, #tpu.memory_space<vmem>>, vector<1x1x16xf32>,
      %get3A_1223 = arith.constant 6 : i32
      %get3A_1224 = arith.index_cast %scan3A_50 : i32 to index
      %get3A_1225 = arith.index_cast %get3A_1223 : i32 to index
      %get3A_1226 = arith.constant 80 : index
      %get3A_1227 = tpu.vector_load %arg12[%get3A_1224, %get3A_1225, %get3A_1226] {strides = array<i32>} : memref<32x8x128xf32, #tpu.memory_space<vmem>>, vector<1x1x16xf32>,
      %get3A_1228 = vector.shape_cast %get3A_1227 : vector<1x1x16xf32> to vector<16xf32>
      %mul3A_1229 = arith.mulf %get3A_53, %get3A_1228 : vector<16xf32>
      %get3A_1230 = arith.constant 6 : i32
      %get3A_1231 = arith.index_cast %scan3A_50 : i32 to index
      %get3A_1232 = arith.index_cast %get3A_1230 : i32 to index
      %get3A_1233 = arith.constant 80 : index
      %get3A_1234 = tpu.vector_load %arg13[%get3A_1231, %get3A_1232, %get3A_1233] {strides = array<i32>} : memref<32x8x128xf32, #tpu.memory_space<vmem>>, vector<1x1x16xf32>,
      %get3A_1235 = vector.shape_cast %get3A_1234 : vector<1x1x16xf32> to vector<16xf32>
      %mul3A_1236 = arith.mulf %get3A_57, %get3A_1235 : vector<16xf32>
      %add3A_1237 = arith.addf %mul3A_1229, %mul3A_1236 : vector<16xf32>
      %swap3A_1238 = arith.constant 6 : i32
      %swap3A_1239 = arith.index_cast %scan3A_50 : i32 to index
      %swap3A_1240 = arith.index_cast %swap3A_1238 : i32 to index
      %swap3A_1241 = arith.constant 80 : index
      %swap3A_1242 = tpu.vector_load %arg14[%swap3A_1239, %swap3A_1240, %swap3A_1241] {strides = array<i32>} : memref<32x8x128xf32, #tpu.memory_space<vmem>>, vector<1x1x16xf32>,
      %swap3A_1243 = vector.shape_cast %swap3A_1242 : vector<1x1x16xf32> to vector<16xf32>
      %swap3A_1244 = vector.shape_cast %add3A_1237 : vector<16xf32> to vector<1x1x16xf32>
      tpu.vector_store %arg14[%swap3A_1239, %swap3A_1240, %swap3A_1241], %swap3A_1244 {strides = array<i32>} : memref<32x8x128xf32, #tpu.memory_space<vmem>>, vector<1x1x16xf32>,
      %get3A_1245 = arith.constant 6 : i32
      %get3A_1246 = arith.index_cast %scan3A_50 : i32 to index
      %get3A_1247 = arith.index_cast %get3A_1245 : i32 to index
      %get3A_1248 = arith.constant 96 : index
      %get3A_1249 = tpu.vector_load %arg12[%get3A_1246, %get3A_1247, %get3A_1248] {strides = array<i32>} : memref<32x8x128xf32, #tpu.memory_space<vmem>>, vector<1x1x16xf32>,
      %get3A_1250 = vector.shape_cast %get3A_1249 : vector<1x1x16xf32> to vector<16xf32>
      %mul3A_1251 = arith.mulf %get3A_53, %get3A_1250 : vector<16xf32>
      %get3A_1252 = arith.constant 6 : i32
      %get3A_1253 = arith.index_cast %scan3A_50 : i32 to index
      %get3A_1254 = arith.index_cast %get3A_1252 : i32 to index
      %get3A_1255 = arith.constant 96 : index
      %get3A_1256 = tpu.vector_load %arg13[%get3A_1253, %get3A_1254, %get3A_1255] {strides = array<i32>} : memref<32x8x128xf32, #tpu.memory_space<vmem>>, vector<1x1x16xf32>,
      %get3A_1257 = vector.shape_cast %get3A_1256 : vector<1x1x16xf32> to vector<16xf32>
      %mul3A_1258 = arith.mulf %get3A_57, %get3A_1257 : vector<16xf32>
      %add3A_1259 = arith.addf %mul3A_1251, %mul3A_1258 : vector<16xf32>
      %swap3A_1260 = arith.constant 6 : i32
      %swap3A_1261 = arith.index_cast %scan3A_50 : i32 to index
      %swap3A_1262 = arith.index_cast %swap3A_1260 : i32 to index
      %swap3A_1263 = arith.constant 96 : index
      %swap3A_1264 = tpu.vector_load %arg14[%swap3A_1261, %swap3A_1262, %swap3A_1263] {strides = array<i32>} : memref<32x8x128xf32, #tpu.memory_space<vmem>>, vector<1x1x16xf32>,
      %swap3A_1265 = vector.shape_cast %swap3A_1264 : vector<1x1x16xf32> to vector<16xf32>
      %swap3A_1266 = vector.shape_cast %add3A_1259 : vector<16xf32> to vector<1x1x16xf32>
      tpu.vector_store %arg14[%swap3A_1261, %swap3A_1262, %swap3A_1263], %swap3A_1266 {strides = array<i32>} : memref<32x8x128xf32, #tpu.memory_space<vmem>>, vector<1x1x16xf32>,
      %get3A_1267 = arith.constant 6 : i32
      %get3A_1268 = arith.index_cast %scan3A_50 : i32 to index
      %get3A_1269 = arith.index_cast %get3A_1267 : i32 to index
      %get3A_1270 = arith.constant 112 : index
      %get3A_1271 = tpu.vector_load %arg12[%get3A_1268, %get3A_1269, %get3A_1270] {strides = array<i32>} : memref<32x8x128xf32, #tpu.memory_space<vmem>>, vector<1x1x16xf32>,
      %get3A_1272 = vector.shape_cast %get3A_1271 : vector<1x1x16xf32> to vector<16xf32>
      %mul3A_1273 = arith.mulf %get3A_53, %get3A_1272 : vector<16xf32>
      %get3A_1274 = arith.constant 6 : i32
      %get3A_1275 = arith.index_cast %scan3A_50 : i32 to index
      %get3A_1276 = arith.index_cast %get3A_1274 : i32 to index
      %get3A_1277 = arith.constant 112 : index
      %get3A_1278 = tpu.vector_load %arg13[%get3A_1275, %get3A_1276, %get3A_1277] {strides = array<i32>} : memref<32x8x128xf32, #tpu.memory_space<vmem>>, vector<1x1x16xf32>,
      %get3A_1279 = vector.shape_cast %get3A_1278 : vector<1x1x16xf32> to vector<16xf32>
      %mul3A_1280 = arith.mulf %get3A_57, %get3A_1279 : vector<16xf32>
      %add3A_1281 = arith.addf %mul3A_1273, %mul3A_1280 : vector<16xf32>
      %swap3A_1282 = arith.constant 6 : i32
      %swap3A_1283 = arith.index_cast %scan3A_50 : i32 to index
      %swap3A_1284 = arith.index_cast %swap3A_1282 : i32 to index
      %swap3A_1285 = arith.constant 112 : index
      %swap3A_1286 = tpu.vector_load %arg14[%swap3A_1283, %swap3A_1284, %swap3A_1285] {strides = array<i32>} : memref<32x8x128xf32, #tpu.memory_space<vmem>>, vector<1x1x16xf32>,
      %swap3A_1287 = vector.shape_cast %swap3A_1286 : vector<1x1x16xf32> to vector<16xf32>
      %swap3A_1288 = vector.shape_cast %add3A_1281 : vector<16xf32> to vector<1x1x16xf32>
      tpu.vector_store %arg14[%swap3A_1283, %swap3A_1284, %swap3A_1285], %swap3A_1288 {strides = array<i32>} : memref<32x8x128xf32, #tpu.memory_space<vmem>>, vector<1x1x16xf32>,
      %get3A_1289 = arith.constant 7 : i32
      %get3A_1290 = arith.index_cast %scan3A_50 : i32 to index
      %get3A_1291 = arith.index_cast %get3A_1289 : i32 to index
      %get3A_1292 = arith.constant 0 : index
      %get3A_1293 = tpu.vector_load %arg12[%get3A_1290, %get3A_1291, %get3A_1292] {strides = array<i32>} : memref<32x8x128xf32, #tpu.memory_space<vmem>>, vector<1x1x16xf32>,
      %get3A_1294 = vector.shape_cast %get3A_1293 : vector<1x1x16xf32> to vector<16xf32>
      %mul3A_1295 = arith.mulf %get3A_53, %get3A_1294 : vector<16xf32>
      %get3A_1296 = arith.constant 7 : i32
      %get3A_1297 = arith.index_cast %scan3A_50 : i32 to index
      %get3A_1298 = arith.index_cast %get3A_1296 : i32 to index
      %get3A_1299 = arith.constant 0 : index
      %get3A_1300 = tpu.vector_load %arg13[%get3A_1297, %get3A_1298, %get3A_1299] {strides = array<i32>} : memref<32x8x128xf32, #tpu.memory_space<vmem>>, vector<1x1x16xf32>,
      %get3A_1301 = vector.shape_cast %get3A_1300 : vector<1x1x16xf32> to vector<16xf32>
      %mul3A_1302 = arith.mulf %get3A_57, %get3A_1301 : vector<16xf32>
      %add3A_1303 = arith.addf %mul3A_1295, %mul3A_1302 : vector<16xf32>
      %swap3A_1304 = arith.constant 7 : i32
      %swap3A_1305 = arith.index_cast %scan3A_50 : i32 to index
      %swap3A_1306 = arith.index_cast %swap3A_1304 : i32 to index
      %swap3A_1307 = arith.constant 0 : index
      %swap3A_1308 = tpu.vector_load %arg14[%swap3A_1305, %swap3A_1306, %swap3A_1307] {strides = array<i32>} : memref<32x8x128xf32, #tpu.memory_space<vmem>>, vector<1x1x16xf32>,
      %swap3A_1309 = vector.shape_cast %swap3A_1308 : vector<1x1x16xf32> to vector<16xf32>
      %swap3A_1310 = vector.shape_cast %add3A_1303 : vector<16xf32> to vector<1x1x16xf32>
      tpu.vector_store %arg14[%swap3A_1305, %swap3A_1306, %swap3A_1307], %swap3A_1310 {strides = array<i32>} : memref<32x8x128xf32, #tpu.memory_space<vmem>>, vector<1x1x16xf32>,
      %get3A_1311 = arith.constant 7 : i32
      %get3A_1312 = arith.index_cast %scan3A_50 : i32 to index
      %get3A_1313 = arith.index_cast %get3A_1311 : i32 to index
      %get3A_1314 = arith.constant 16 : index
      %get3A_1315 = tpu.vector_load %arg12[%get3A_1312, %get3A_1313, %get3A_1314] {strides = array<i32>} : memref<32x8x128xf32, #tpu.memory_space<vmem>>, vector<1x1x16xf32>,
      %get3A_1316 = vector.shape_cast %get3A_1315 : vector<1x1x16xf32> to vector<16xf32>
      %mul3A_1317 = arith.mulf %get3A_53, %get3A_1316 : vector<16xf32>
      %get3A_1318 = arith.constant 7 : i32
      %get3A_1319 = arith.index_cast %scan3A_50 : i32 to index
      %get3A_1320 = arith.index_cast %get3A_1318 : i32 to index
      %get3A_1321 = arith.constant 16 : index
      %get3A_1322 = tpu.vector_load %arg13[%get3A_1319, %get3A_1320, %get3A_1321] {strides = array<i32>} : memref<32x8x128xf32, #tpu.memory_space<vmem>>, vector<1x1x16xf32>,
      %get3A_1323 = vector.shape_cast %get3A_1322 : vector<1x1x16xf32> to vector<16xf32>
      %mul3A_1324 = arith.mulf %get3A_57, %get3A_1323 : vector<16xf32>
      %add3A_1325 = arith.addf %mul3A_1317, %mul3A_1324 : vector<16xf32>
      %swap3A_1326 = arith.constant 7 : i32
      %swap3A_1327 = arith.index_cast %scan3A_50 : i32 to index
      %swap3A_1328 = arith.index_cast %swap3A_1326 : i32 to index
      %swap3A_1329 = arith.constant 16 : index
      %swap3A_1330 = tpu.vector_load %arg14[%swap3A_1327, %swap3A_1328, %swap3A_1329] {strides = array<i32>} : memref<32x8x128xf32, #tpu.memory_space<vmem>>, vector<1x1x16xf32>,
      %swap3A_1331 = vector.shape_cast %swap3A_1330 : vector<1x1x16xf32> to vector<16xf32>
      %swap3A_1332 = vector.shape_cast %add3A_1325 : vector<16xf32> to vector<1x1x16xf32>
      tpu.vector_store %arg14[%swap3A_1327, %swap3A_1328, %swap3A_1329], %swap3A_1332 {strides = array<i32>} : memref<32x8x128xf32, #tpu.memory_space<vmem>>, vector<1x1x16xf32>,
      %get3A_1333 = arith.constant 7 : i32
      %get3A_1334 = arith.index_cast %scan3A_50 : i32 to index
      %get3A_1335 = arith.index_cast %get3A_1333 : i32 to index
      %get3A_1336 = arith.constant 32 : index
      %get3A_1337 = tpu.vector_load %arg12[%get3A_1334, %get3A_1335, %get3A_1336] {strides = array<i32>} : memref<32x8x128xf32, #tpu.memory_space<vmem>>, vector<1x1x16xf32>,
      %get3A_1338 = vector.shape_cast %get3A_1337 : vector<1x1x16xf32> to vector<16xf32>
      %mul3A_1339 = arith.mulf %get3A_53, %get3A_1338 : vector<16xf32>
      %get3A_1340 = arith.constant 7 : i32
      %get3A_1341 = arith.index_cast %scan3A_50 : i32 to index
      %get3A_1342 = arith.index_cast %get3A_1340 : i32 to index
      %get3A_1343 = arith.constant 32 : index
      %get3A_1344 = tpu.vector_load %arg13[%get3A_1341, %get3A_1342, %get3A_1343] {strides = array<i32>} : memref<32x8x128xf32, #tpu.memory_space<vmem>>, vector<1x1x16xf32>,
      %get3A_1345 = vector.shape_cast %get3A_1344 : vector<1x1x16xf32> to vector<16xf32>
      %mul3A_1346 = arith.mulf %get3A_57, %get3A_1345 : vector<16xf32>
      %add3A_1347 = arith.addf %mul3A_1339, %mul3A_1346 : vector<16xf32>
      %swap3A_1348 = arith.constant 7 : i32
      %swap3A_1349 = arith.index_cast %scan3A_50 : i32 to index
      %swap3A_1350 = arith.index_cast %swap3A_1348 : i32 to index
      %swap3A_1351 = arith.constant 32 : index
      %swap3A_1352 = tpu.vector_load %arg14[%swap3A_1349, %swap3A_1350, %swap3A_1351] {strides = array<i32>} : memref<32x8x128xf32, #tpu.memory_space<vmem>>, vector<1x1x16xf32>,
      %swap3A_1353 = vector.shape_cast %swap3A_1352 : vector<1x1x16xf32> to vector<16xf32>
      %swap3A_1354 = vector.shape_cast %add3A_1347 : vector<16xf32> to vector<1x1x16xf32>
      tpu.vector_store %arg14[%swap3A_1349, %swap3A_1350, %swap3A_1351], %swap3A_1354 {strides = array<i32>} : memref<32x8x128xf32, #tpu.memory_space<vmem>>, vector<1x1x16xf32>,
      %get3A_1355 = arith.constant 7 : i32
      %get3A_1356 = arith.index_cast %scan3A_50 : i32 to index
      %get3A_1357 = arith.index_cast %get3A_1355 : i32 to index
      %get3A_1358 = arith.constant 48 : index
      %get3A_1359 = tpu.vector_load %arg12[%get3A_1356, %get3A_1357, %get3A_1358] {strides = array<i32>} : memref<32x8x128xf32, #tpu.memory_space<vmem>>, vector<1x1x16xf32>,
      %get3A_1360 = vector.shape_cast %get3A_1359 : vector<1x1x16xf32> to vector<16xf32>
      %mul3A_1361 = arith.mulf %get3A_53, %get3A_1360 : vector<16xf32>
      %get3A_1362 = arith.constant 7 : i32
      %get3A_1363 = arith.index_cast %scan3A_50 : i32 to index
      %get3A_1364 = arith.index_cast %get3A_1362 : i32 to index
      %get3A_1365 = arith.constant 48 : index
      %get3A_1366 = tpu.vector_load %arg13[%get3A_1363, %get3A_1364, %get3A_1365] {strides = array<i32>} : memref<32x8x128xf32, #tpu.memory_space<vmem>>, vector<1x1x16xf32>,
      %get3A_1367 = vector.shape_cast %get3A_1366 : vector<1x1x16xf32> to vector<16xf32>
      %mul3A_1368 = arith.mulf %get3A_57, %get3A_1367 : vector<16xf32>
      %add3A_1369 = arith.addf %mul3A_1361, %mul3A_1368 : vector<16xf32>
      %swap3A_1370 = arith.constant 7 : i32
      %swap3A_1371 = arith.index_cast %scan3A_50 : i32 to index
      %swap3A_1372 = arith.index_cast %swap3A_1370 : i32 to index
      %swap3A_1373 = arith.constant 48 : index
      %swap3A_1374 = tpu.vector_load %arg14[%swap3A_1371, %swap3A_1372, %swap3A_1373] {strides = array<i32>} : memref<32x8x128xf32, #tpu.memory_space<vmem>>, vector<1x1x16xf32>,
      %swap3A_1375 = vector.shape_cast %swap3A_1374 : vector<1x1x16xf32> to vector<16xf32>
      %swap3A_1376 = vector.shape_cast %add3A_1369 : vector<16xf32> to vector<1x1x16xf32>
      tpu.vector_store %arg14[%swap3A_1371, %swap3A_1372, %swap3A_1373], %swap3A_1376 {strides = array<i32>} : memref<32x8x128xf32, #tpu.memory_space<vmem>>, vector<1x1x16xf32>,
      %get3A_1377 = arith.constant 7 : i32
      %get3A_1378 = arith.index_cast %scan3A_50 : i32 to index
      %get3A_1379 = arith.index_cast %get3A_1377 : i32 to index
      %get3A_1380 = arith.constant 64 : index
      %get3A_1381 = tpu.vector_load %arg12[%get3A_1378, %get3A_1379, %get3A_1380] {strides = array<i32>} : memref<32x8x128xf32, #tpu.memory_space<vmem>>, vector<1x1x16xf32>,
      %get3A_1382 = vector.shape_cast %get3A_1381 : vector<1x1x16xf32> to vector<16xf32>
      %mul3A_1383 = arith.mulf %get3A_53, %get3A_1382 : vector<16xf32>
      %get3A_1384 = arith.constant 7 : i32
      %get3A_1385 = arith.index_cast %scan3A_50 : i32 to index
      %get3A_1386 = arith.index_cast %get3A_1384 : i32 to index
      %get3A_1387 = arith.constant 64 : index
      %get3A_1388 = tpu.vector_load %arg13[%get3A_1385, %get3A_1386, %get3A_1387] {strides = array<i32>} : memref<32x8x128xf32, #tpu.memory_space<vmem>>, vector<1x1x16xf32>,
      %get3A_1389 = vector.shape_cast %get3A_1388 : vector<1x1x16xf32> to vector<16xf32>
      %mul3A_1390 = arith.mulf %get3A_57, %get3A_1389 : vector<16xf32>
      %add3A_1391 = arith.addf %mul3A_1383, %mul3A_1390 : vector<16xf32>
      %swap3A_1392 = arith.constant 7 : i32
      %swap3A_1393 = arith.index_cast %scan3A_50 : i32 to index
      %swap3A_1394 = arith.index_cast %swap3A_1392 : i32 to index
      %swap3A_1395 = arith.constant 64 : index
      %swap3A_1396 = tpu.vector_load %arg14[%swap3A_1393, %swap3A_1394, %swap3A_1395] {strides = array<i32>} : memref<32x8x128xf32, #tpu.memory_space<vmem>>, vector<1x1x16xf32>,
      %swap3A_1397 = vector.shape_cast %swap3A_1396 : vector<1x1x16xf32> to vector<16xf32>
      %swap3A_1398 = vector.shape_cast %add3A_1391 : vector<16xf32> to vector<1x1x16xf32>
      tpu.vector_store %arg14[%swap3A_1393, %swap3A_1394, %swap3A_1395], %swap3A_1398 {strides = array<i32>} : memref<32x8x128xf32, #tpu.memory_space<vmem>>, vector<1x1x16xf32>,
      %get3A_1399 = arith.constant 7 : i32
      %get3A_1400 = arith.index_cast %scan3A_50 : i32 to index
      %get3A_1401 = arith.index_cast %get3A_1399 : i32 to index
      %get3A_1402 = arith.constant 80 : index
      %get3A_1403 = tpu.vector_load %arg12[%get3A_1400, %get3A_1401, %get3A_1402] {strides = array<i32>} : memref<32x8x128xf32, #tpu.memory_space<vmem>>, vector<1x1x16xf32>,
      %get3A_1404 = vector.shape_cast %get3A_1403 : vector<1x1x16xf32> to vector<16xf32>
      %mul3A_1405 = arith.mulf %get3A_53, %get3A_1404 : vector<16xf32>
      %get3A_1406 = arith.constant 7 : i32
      %get3A_1407 = arith.index_cast %scan3A_50 : i32 to index
      %get3A_1408 = arith.index_cast %get3A_1406 : i32 to index
      %get3A_1409 = arith.constant 80 : index
      %get3A_1410 = tpu.vector_load %arg13[%get3A_1407, %get3A_1408, %get3A_1409] {strides = array<i32>} : memref<32x8x128xf32, #tpu.memory_space<vmem>>, vector<1x1x16xf32>,
      %get3A_1411 = vector.shape_cast %get3A_1410 : vector<1x1x16xf32> to vector<16xf32>
      %mul3A_1412 = arith.mulf %get3A_57, %get3A_1411 : vector<16xf32>
      %add3A_1413 = arith.addf %mul3A_1405, %mul3A_1412 : vector<16xf32>
      %swap3A_1414 = arith.constant 7 : i32
      %swap3A_1415 = arith.index_cast %scan3A_50 : i32 to index
      %swap3A_1416 = arith.index_cast %swap3A_1414 : i32 to index
      %swap3A_1417 = arith.constant 80 : index
      %swap3A_1418 = tpu.vector_load %arg14[%swap3A_1415, %swap3A_1416, %swap3A_1417] {strides = array<i32>} : memref<32x8x128xf32, #tpu.memory_space<vmem>>, vector<1x1x16xf32>,
      %swap3A_1419 = vector.shape_cast %swap3A_1418 : vector<1x1x16xf32> to vector<16xf32>
      %swap3A_1420 = vector.shape_cast %add3A_1413 : vector<16xf32> to vector<1x1x16xf32>
      tpu.vector_store %arg14[%swap3A_1415, %swap3A_1416, %swap3A_1417], %swap3A_1420 {strides = array<i32>} : memref<32x8x128xf32, #tpu.memory_space<vmem>>, vector<1x1x16xf32>,
      %get3A_1421 = arith.constant 7 : i32
      %get3A_1422 = arith.index_cast %scan3A_50 : i32 to index
      %get3A_1423 = arith.index_cast %get3A_1421 : i32 to index
      %get3A_1424 = arith.constant 96 : index
      %get3A_1425 = tpu.vector_load %arg12[%get3A_1422, %get3A_1423, %get3A_1424] {strides = array<i32>} : memref<32x8x128xf32, #tpu.memory_space<vmem>>, vector<1x1x16xf32>,
      %get3A_1426 = vector.shape_cast %get3A_1425 : vector<1x1x16xf32> to vector<16xf32>
      %mul3A_1427 = arith.mulf %get3A_53, %get3A_1426 : vector<16xf32>
      %get3A_1428 = arith.constant 7 : i32
      %get3A_1429 = arith.index_cast %scan3A_50 : i32 to index
      %get3A_1430 = arith.index_cast %get3A_1428 : i32 to index
      %get3A_1431 = arith.constant 96 : index
      %get3A_1432 = tpu.vector_load %arg13[%get3A_1429, %get3A_1430, %get3A_1431] {strides = array<i32>} : memref<32x8x128xf32, #tpu.memory_space<vmem>>, vector<1x1x16xf32>,
      %get3A_1433 = vector.shape_cast %get3A_1432 : vector<1x1x16xf32> to vector<16xf32>
      %mul3A_1434 = arith.mulf %get3A_57, %get3A_1433 : vector<16xf32>
      %add3A_1435 = arith.addf %mul3A_1427, %mul3A_1434 : vector<16xf32>
      %swap3A_1436 = arith.constant 7 : i32
      %swap3A_1437 = arith.index_cast %scan3A_50 : i32 to index
      %swap3A_1438 = arith.index_cast %swap3A_1436 : i32 to index
      %swap3A_1439 = arith.constant 96 : index
      %swap3A_1440 = tpu.vector_load %arg14[%swap3A_1437, %swap3A_1438, %swap3A_1439] {strides = array<i32>} : memref<32x8x128xf32, #tpu.memory_space<vmem>>, vector<1x1x16xf32>,
      %swap3A_1441 = vector.shape_cast %swap3A_1440 : vector<1x1x16xf32> to vector<16xf32>
      %swap3A_1442 = vector.shape_cast %add3A_1435 : vector<16xf32> to vector<1x1x16xf32>
      tpu.vector_store %arg14[%swap3A_1437, %swap3A_1438, %swap3A_1439], %swap3A_1442 {strides = array<i32>} : memref<32x8x128xf32, #tpu.memory_space<vmem>>, vector<1x1x16xf32>,
      %get3A_1443 = arith.constant 7 : i32
      %get3A_1444 = arith.index_cast %scan3A_50 : i32 to index
      %get3A_1445 = arith.index_cast %get3A_1443 : i32 to index
      %get3A_1446 = arith.constant 112 : index
      %get3A_1447 = tpu.vector_load %arg12[%get3A_1444, %get3A_1445, %get3A_1446] {strides = array<i32>} : memref<32x8x128xf32, #tpu.memory_space<vmem>>, vector<1x1x16xf32>,
      %get3A_1448 = vector.shape_cast %get3A_1447 : vector<1x1x16xf32> to vector<16xf32>
      %mul3A_1449 = arith.mulf %get3A_53, %get3A_1448 : vector<16xf32>
      %get3A_1450 = arith.constant 7 : i32
      %get3A_1451 = arith.index_cast %scan3A_50 : i32 to index
      %get3A_1452 = arith.index_cast %get3A_1450 : i32 to index
      %get3A_1453 = arith.constant 112 : index
      %get3A_1454 = tpu.vector_load %arg13[%get3A_1451, %get3A_1452, %get3A_1453] {strides = array<i32>} : memref<32x8x128xf32, #tpu.memory_space<vmem>>, vector<1x1x16xf32>,
      %get3A_1455 = vector.shape_cast %get3A_1454 : vector<1x1x16xf32> to vector<16xf32>
      %mul3A_1456 = arith.mulf %get3A_57, %get3A_1455 : vector<16xf32>
      %add3A_1457 = arith.addf %mul3A_1449, %mul3A_1456 : vector<16xf32>
      %swap3A_1458 = arith.constant 7 : i32
      %swap3A_1459 = arith.index_cast %scan3A_50 : i32 to index
      %swap3A_1460 = arith.index_cast %swap3A_1458 : i32 to index
      %swap3A_1461 = arith.constant 112 : index
      %swap3A_1462 = tpu.vector_load %arg14[%swap3A_1459, %swap3A_1460, %swap3A_1461] {strides = array<i32>} : memref<32x8x128xf32, #tpu.memory_space<vmem>>, vector<1x1x16xf32>,
      %swap3A_1463 = vector.shape_cast %swap3A_1462 : vector<1x1x16xf32> to vector<16xf32>
      %swap3A_1464 = vector.shape_cast %add3A_1457 : vector<16xf32> to vector<1x1x16xf32>
      tpu.vector_store %arg14[%swap3A_1459, %swap3A_1460, %swap3A_1461], %swap3A_1464 {strides = array<i32>} : memref<32x8x128xf32, #tpu.memory_space<vmem>>, vector<1x1x16xf32>,
    }
    %scan3A_49 = arith.constant 32 : i32
    "tpu.region"() ({
      %run_scoped3A = tpu.sem_alloc : memref<!tpu.dma_semaphore, #tpu.memory_space<semaphore_mem>>
      %dma_start3A_50 = arith.constant 0 : i32
      %dma_start3A_51 = arith.constant 0 : i32
      %dma_start3A_52 = tpu.memref_slice %arg7[%add3A_27, %dma_start3A_50, %dma_start3A_51] : memref<2048x8x128xf32, #tpu.memory_space<hbm>> -> memref<32x8x128xf32, #tpu.memory_space<hbm>>
      %dma_start3A_53 = arith.constant 0 : i32
      %dma_start3A_54 = arith.constant 0 : i32
      %dma_start3A_55 = tpu.memref_slice %arg7[%add3A_27, %dma_start3A_53, %dma_start3A_54] : memref<2048x8x128xf32, #tpu.memory_space<hbm>> -> memref<32x8x128xf32, #tpu.memory_space<hbm>>
      tpu.enqueue_dma source(%arg14 : memref<32x8x128xf32, #tpu.memory_space<vmem>>) target(%dma_start3A_55 : memref<32x8x128xf32, #tpu.memory_space<hbm>>) target_semaphore(%run_scoped3A : memref<!tpu.dma_semaphore, #tpu.memory_space<semaphore_mem>>)
      %dma_wait3A_56 = arith.constant 0 : i32
      %dma_wait3A_57 = arith.constant 0 : i32
      %dma_wait3A_58 = tpu.memref_slice %arg7[%add3A_27, %dma_wait3A_56, %dma_wait3A_57] : memref<2048x8x128xf32, #tpu.memory_space<hbm>> -> memref<32x8x128xf32, #tpu.memory_space<hbm>>
      %dma_wait3A_59 = arith.constant 0 : i32
      %dma_wait3A_60 = arith.constant 0 : i32
      %dma_wait3A_61 = tpu.memref_slice %arg7[%add3A_27, %dma_wait3A_59, %dma_wait3A_60] : memref<2048x8x128xf32, #tpu.memory_space<hbm>> -> memref<32x8x128xf32, #tpu.memory_space<hbm>>
      tpu.wait_dma2 semaphore(%run_scoped3A : memref<!tpu.dma_semaphore, #tpu.memory_space<semaphore_mem>>) src(%arg14 : memref<32x8x128xf32, #tpu.memory_space<vmem>>) dst(%dma_wait3A_61 : memref<32x8x128xf32, #tpu.memory_space<hbm>>)
      tpu.yield
    }) : () -> ()
    return
  }
}

module attributes {stable_mosaic.version = 14 : i64} {
  func.func @_plan_kernel(%arg0: memref<2048x1024xf32, #tpu.memory_space<vmem>>, %arg1: memref<8x1024xf32, #tpu.memory_space<vmem>>, %arg2: memref<1x8xf32, #tpu.memory_space<vmem>>, %arg3: memref<2048x8xf32, #tpu.memory_space<vmem>>, %arg4: memref<2048x8x128xf32, #tpu.memory_space<vmem>>, %arg5: memref<2048x128xf32, #tpu.memory_space<vmem>>, %arg6: memref<2048x128xf32, #tpu.memory_space<vmem>>, %arg7: memref<2048xi32, #tpu.memory_space<vmem>>, %arg8: memref<2048xi32, #tpu.memory_space<vmem>>, %arg9: memref<8x1xi32, #tpu.memory_space<vmem>>, %arg10: memref<8x1xi32, #tpu.memory_space<vmem>>) attributes {dimension_semantics = [], scalar_prefetch = 0 : i64, scratch_operands = 0 : i64, tpu.core_type = #tpu.core_type<tc>} {
    %get3A = arith.constant 0 : index
    %get3A_0 = arith.constant 0 : index
    %get3A_1 = vector.load %arg0[%get3A, %get3A_0] : memref<2048x1024xf32, #tpu.memory_space<vmem>>, vector<2048x1024xf32>
    %reshape3A = vector.shape_cast %get3A_1 : vector<2048x1024xf32> to vector<2048x8x128xf32>
    %swap3A = arith.constant 0 : index
    %swap3A_2 = arith.constant 0 : index
    %swap3A_3 = arith.constant 0 : index
    %swap3A_4 = vector.load %arg4[%swap3A, %swap3A_2, %swap3A_3] : memref<2048x8x128xf32, #tpu.memory_space<vmem>>, vector<2048x8x128xf32>
    tpu.vector_store %arg4[%swap3A, %swap3A_2, %swap3A_3], %reshape3A {strides = array<i32>} : memref<2048x8x128xf32, #tpu.memory_space<vmem>>, vector<2048x8x128xf32>,
    %get3A_5 = arith.constant 0 : index
    %get3A_6 = arith.constant 0 : index
    %get3A_7 = vector.load %arg1[%get3A_5, %get3A_6] : memref<8x1024xf32, #tpu.memory_space<vmem>>, vector<8x1024xf32>
    %dot_general3A = arith.constant dense<0.000000e+00> : vector<2048x8xf32>
    %dot_general3A_8 = tpu.matmul %get3A_1, %get3A_7, %dot_general3A {dimension_numbers = #tpu.dot_dimension_numbers<[1], [1], [0], [0], [0, 0, 1, 0], [], []>, transpose_lhs_hint = false} : vector<2048x1024xf32>, vector<8x1024xf32>, vector<2048x8xf32> -> vector<2048x8xf32>
    %get3A_9 = arith.constant 0 : index
    %get3A_10 = arith.constant 0 : index
    %get3A_11 = vector.load %arg2[%get3A_9, %get3A_10] : memref<1x8xf32, #tpu.memory_space<vmem>>, vector<1x8xf32>
    %add3A = vector.broadcast %get3A_11 : vector<1x8xf32> to vector<2048x8xf32>
    %add3A_12 = arith.addf %dot_general3A_8, %add3A : vector<2048x8xf32>
    %swap3A_13 = arith.constant 0 : index
    %swap3A_14 = arith.constant 0 : index
    %swap3A_15 = vector.load %arg3[%swap3A_13, %swap3A_14] : memref<2048x8xf32, #tpu.memory_space<vmem>>, vector<2048x8xf32>
    tpu.vector_store %arg3[%swap3A_13, %swap3A_14], %add3A_12 {strides = array<i32>} : memref<2048x8xf32, #tpu.memory_space<vmem>>, vector<2048x8xf32>,
    %transpose3A = tpu.transpose %add3A_12, [1, 0] : vector<2048x8xf32> -> vector<8x2048xf32>
    %iota3A = tpu.iota {dimensions = array<i32: 0>} : vector<8x2048xi32>
    %reduce_max3A = arith.constant dense<0xFF800000> : vector<2048xf32>
    %reduce_max3A_16 = vector.multi_reduction <maximumf>, %transpose3A, %reduce_max3A [0] : vector<8x2048xf32> to vector<2048xf32>
    %broadcast_in_dim3A = vector.shape_cast %reduce_max3A_16 : vector<2048xf32> to vector<1x2048xf32>
    %eq3A = vector.broadcast %broadcast_in_dim3A : vector<1x2048xf32> to vector<8x2048xf32>
    %eq3A_17 = arith.cmpf oeq, %transpose3A, %eq3A : vector<8x2048xf32>
    %jit3A = arith.constant 8 : i32
    %broadcast_in_dim3A_18 = vector.broadcast %jit3A : i32 to vector<8x2048xi32>
    %select_n3A = arith.select %eq3A_17, %iota3A, %broadcast_in_dim3A_18 : vector<8x2048xi1>, vector<8x2048xi32>
    %reduce_min3A = arith.constant dense<2147483647> : vector<2048xi32>
    %reduce_min3A_19 = vector.multi_reduction <minsi>, %select_n3A, %reduce_min3A [0] : vector<8x2048xi32> to vector<2048xi32>
    %broadcast_in_dim3A_20 = vector.shape_cast %reduce_min3A_19 : vector<2048xi32> to vector<1x2048xi32>
    %eq3A_21 = vector.broadcast %broadcast_in_dim3A_20 : vector<1x2048xi32> to vector<8x2048xi32>
    %eq3A_22 = arith.cmpi eq, %iota3A, %eq3A_21 : vector<8x2048xi32>
    %jit3A_23 = arith.constant 0xFF800000 : f32
    %broadcast_in_dim3A_24 = vector.broadcast %jit3A_23 : f32 to vector<8x2048xf32>
    %select_n3A_25 = arith.select %eq3A_22, %broadcast_in_dim3A_24, %transpose3A : vector<8x2048xi1>, vector<8x2048xf32>
    %reduce_max3A_26 = arith.constant dense<0xFF800000> : vector<2048xf32>
    %reduce_max3A_27 = vector.multi_reduction <maximumf>, %select_n3A_25, %reduce_max3A_26 [0] : vector<8x2048xf32> to vector<2048xf32>
    %broadcast_in_dim3A_28 = vector.shape_cast %reduce_max3A_27 : vector<2048xf32> to vector<1x2048xf32>
    %eq3A_29 = vector.broadcast %broadcast_in_dim3A_28 : vector<1x2048xf32> to vector<8x2048xf32>
    %eq3A_30 = arith.cmpf oeq, %select_n3A_25, %eq3A_29 : vector<8x2048xf32>
    %jit3A_31 = arith.constant 8 : i32
    %broadcast_in_dim3A_32 = vector.broadcast %jit3A_31 : i32 to vector<8x2048xi32>
    %select_n3A_33 = arith.select %eq3A_30, %iota3A, %broadcast_in_dim3A_32 : vector<8x2048xi1>, vector<8x2048xi32>
    %reduce_min3A_34 = arith.constant dense<2147483647> : vector<2048xi32>
    %reduce_min3A_35 = vector.multi_reduction <minsi>, %select_n3A_33, %reduce_min3A_34 [0] : vector<8x2048xi32> to vector<2048xi32>
    %broadcast_in_dim3A_36 = vector.shape_cast %reduce_min3A_35 : vector<2048xi32> to vector<1x2048xi32>
    %iota3A_37 = tpu.iota {dimensions = array<i32: 1>} : vector<2048x8xi32>
    %reduce_max3A_38 = arith.constant dense<0xFF800000> : vector<2048xf32>
    %reduce_max3A_39 = vector.multi_reduction <maximumf>, %add3A_12, %reduce_max3A_38 [1] : vector<2048x8xf32> to vector<2048xf32>
    %broadcast_in_dim3A_40 = vector.shape_cast %reduce_max3A_39 : vector<2048xf32> to vector<2048x1xf32>
    %eq3A_41 = vector.broadcast %broadcast_in_dim3A_40 : vector<2048x1xf32> to vector<2048x8xf32>
    %eq3A_42 = arith.cmpf oeq, %add3A_12, %eq3A_41 : vector<2048x8xf32>
    %jit3A_43 = arith.constant 8 : i32
    %broadcast_in_dim3A_44 = vector.broadcast %jit3A_43 : i32 to vector<2048x8xi32>
    %select_n3A_45 = arith.select %eq3A_42, %iota3A_37, %broadcast_in_dim3A_44 : vector<2048x8xi1>, vector<2048x8xi32>
    %reduce_min3A_46 = arith.constant dense<2147483647> : vector<2048xi32>
    %reduce_min3A_47 = vector.multi_reduction <minsi>, %select_n3A_45, %reduce_min3A_46 [1] : vector<2048x8xi32> to vector<2048xi32>
    %broadcast_in_dim3A_48 = vector.shape_cast %reduce_min3A_47 : vector<2048xi32> to vector<2048x1xi32>
    %eq3A_49 = vector.broadcast %broadcast_in_dim3A_48 : vector<2048x1xi32> to vector<2048x8xi32>
    %eq3A_50 = arith.cmpi eq, %iota3A_37, %eq3A_49 : vector<2048x8xi32>
    %jit3A_51 = arith.constant 0xFF800000 : f32
    %broadcast_in_dim3A_52 = vector.broadcast %jit3A_51 : f32 to vector<2048x8xf32>
    %select_n3A_53 = arith.select %eq3A_50, %broadcast_in_dim3A_52, %add3A_12 : vector<2048x8xi1>, vector<2048x8xf32>
    %reduce_max3A_54 = arith.constant dense<0xFF800000> : vector<2048xf32>
    %reduce_max3A_55 = vector.multi_reduction <maximumf>, %select_n3A_53, %reduce_max3A_54 [1] : vector<2048x8xf32> to vector<2048xf32>
    %broadcast_in_dim3A_56 = vector.shape_cast %reduce_max3A_55 : vector<2048xf32> to vector<2048x1xf32>
    %sub3A = arith.subf %broadcast_in_dim3A_40, %broadcast_in_dim3A_56 : vector<2048x1xf32>
    %logistic3A = arith.negf %sub3A : vector<2048x1xf32>
    %logistic3A_57 = math.exp %logistic3A : vector<2048x1xf32>
    %logistic3A_58 = arith.constant 1.000000e+00 : f32
    %logistic3A_59 = vector.broadcast %logistic3A_58 : f32 to vector<2048x1xf32>
    %logistic3A_60 = arith.addf %logistic3A_59, %logistic3A_57 : vector<2048x1xf32>
    %logistic3A_61 = arith.divf %logistic3A_59, %logistic3A_60 : vector<2048x1xf32>
    %broadcast_in_dim3A_62 = vector.shape_cast %logistic3A_61 : vector<2048x1xf32> to vector<2048x1xf32>
    %broadcast_in_dim3A_63 = vector.broadcast %broadcast_in_dim3A_62 : vector<2048x1xf32> to vector<2048x128xf32>
    %swap3A_64 = arith.constant 0 : index
    %swap3A_65 = arith.constant 0 : index
    %swap3A_66 = vector.load %arg5[%swap3A_64, %swap3A_65] : memref<2048x128xf32, #tpu.memory_space<vmem>>, vector<2048x128xf32>
    tpu.vector_store %arg5[%swap3A_64, %swap3A_65], %broadcast_in_dim3A_63 {strides = array<i32>} : memref<2048x128xf32, #tpu.memory_space<vmem>>, vector<2048x128xf32>,
    %sub3A_67 = arith.constant 1.000000e+00 : f32
    %sub3A_68 = vector.broadcast %sub3A_67 : f32 to vector<2048x1xf32>
    %sub3A_69 = arith.subf %sub3A_68, %logistic3A_61 : vector<2048x1xf32>
    %broadcast_in_dim3A_70 = vector.shape_cast %sub3A_69 : vector<2048x1xf32> to vector<2048x1xf32>
    %broadcast_in_dim3A_71 = vector.broadcast %broadcast_in_dim3A_70 : vector<2048x1xf32> to vector<2048x128xf32>
    %swap3A_72 = arith.constant 0 : index
    %swap3A_73 = arith.constant 0 : index
    %swap3A_74 = vector.load %arg6[%swap3A_72, %swap3A_73] : memref<2048x128xf32, #tpu.memory_space<vmem>>, vector<2048x128xf32>
    tpu.vector_store %arg6[%swap3A_72, %swap3A_73], %broadcast_in_dim3A_71 {strides = array<i32>} : memref<2048x128xf32, #tpu.memory_space<vmem>>, vector<2048x128xf32>,
    %eq3A_75 = vector.broadcast %broadcast_in_dim3A_20 : vector<1x2048xi32> to vector<8x2048xi32>
    %eq3A_76 = arith.cmpi eq, %iota3A, %eq3A_75 : vector<8x2048xi32>
    %convert_element_type3A = arith.extui %eq3A_76 : vector<8x2048xi1> to vector<8x2048xi32>
    %eq3A_77 = vector.broadcast %broadcast_in_dim3A_36 : vector<1x2048xi32> to vector<8x2048xi32>
    %eq3A_78 = arith.cmpi eq, %iota3A, %eq3A_77 : vector<8x2048xi32>
    %convert_element_type3A_79 = arith.extui %eq3A_78 : vector<8x2048xi1> to vector<8x2048xi32>
    %broadcast_in_dim3A_80 = arith.constant 0 : i32
    %broadcast_in_dim3A_81 = vector.broadcast %broadcast_in_dim3A_80 : i32 to vector<8x1xi32>
    %slice3A = vector.extract_strided_slice %convert_element_type3A {offsets = [0, 0], sizes = [8, 2047], strides = [1, 1]} : vector<8x2048xi32> to vector<8x2047xi32>
    %concatenate3A = tpu.concatenate %broadcast_in_dim3A_81, %slice3A in 1 : vector<8x1xi32>, vector<8x2047xi32> -> vector<8x2048xi32>
    %add3A_82 = arith.addi %convert_element_type3A, %concatenate3A : vector<8x2048xi32>
    %broadcast_in_dim3A_83 = arith.constant 0 : i32
    %broadcast_in_dim3A_84 = vector.broadcast %broadcast_in_dim3A_83 : i32 to vector<8x2xi32>
    %slice3A_85 = vector.extract_strided_slice %add3A_82 {offsets = [0, 0], sizes = [8, 2046], strides = [1, 1]} : vector<8x2048xi32> to vector<8x2046xi32>
    %concatenate3A_86 = tpu.concatenate %broadcast_in_dim3A_84, %slice3A_85 in 1 : vector<8x2xi32>, vector<8x2046xi32> -> vector<8x2048xi32>
    %add3A_87 = arith.addi %add3A_82, %concatenate3A_86 : vector<8x2048xi32>
    %broadcast_in_dim3A_88 = arith.constant 0 : i32
    %broadcast_in_dim3A_89 = vector.broadcast %broadcast_in_dim3A_88 : i32 to vector<8x4xi32>
    %slice3A_90 = vector.extract_strided_slice %add3A_87 {offsets = [0, 0], sizes = [8, 2044], strides = [1, 1]} : vector<8x2048xi32> to vector<8x2044xi32>
    %concatenate3A_91 = tpu.concatenate %broadcast_in_dim3A_89, %slice3A_90 in 1 : vector<8x4xi32>, vector<8x2044xi32> -> vector<8x2048xi32>
    %add3A_92 = arith.addi %add3A_87, %concatenate3A_91 : vector<8x2048xi32>
    %broadcast_in_dim3A_93 = arith.constant 0 : i32
    %broadcast_in_dim3A_94 = vector.broadcast %broadcast_in_dim3A_93 : i32 to vector<8x8xi32>
    %slice3A_95 = vector.extract_strided_slice %add3A_92 {offsets = [0, 0], sizes = [8, 2040], strides = [1, 1]} : vector<8x2048xi32> to vector<8x2040xi32>
    %concatenate3A_96 = tpu.concatenate %broadcast_in_dim3A_94, %slice3A_95 in 1 : vector<8x8xi32>, vector<8x2040xi32> -> vector<8x2048xi32>
    %add3A_97 = arith.addi %add3A_92, %concatenate3A_96 : vector<8x2048xi32>
    %broadcast_in_dim3A_98 = arith.constant 0 : i32
    %broadcast_in_dim3A_99 = vector.broadcast %broadcast_in_dim3A_98 : i32 to vector<8x16xi32>
    %slice3A_100 = vector.extract_strided_slice %add3A_97 {offsets = [0, 0], sizes = [8, 2032], strides = [1, 1]} : vector<8x2048xi32> to vector<8x2032xi32>
    %concatenate3A_101 = tpu.concatenate %broadcast_in_dim3A_99, %slice3A_100 in 1 : vector<8x16xi32>, vector<8x2032xi32> -> vector<8x2048xi32>
    %add3A_102 = arith.addi %add3A_97, %concatenate3A_101 : vector<8x2048xi32>
    %broadcast_in_dim3A_103 = arith.constant 0 : i32
    %broadcast_in_dim3A_104 = vector.broadcast %broadcast_in_dim3A_103 : i32 to vector<8x32xi32>
    %slice3A_105 = vector.extract_strided_slice %add3A_102 {offsets = [0, 0], sizes = [8, 2016], strides = [1, 1]} : vector<8x2048xi32> to vector<8x2016xi32>
    %concatenate3A_106 = tpu.concatenate %broadcast_in_dim3A_104, %slice3A_105 in 1 : vector<8x32xi32>, vector<8x2016xi32> -> vector<8x2048xi32>
    %add3A_107 = arith.addi %add3A_102, %concatenate3A_106 : vector<8x2048xi32>
    %broadcast_in_dim3A_108 = arith.constant 0 : i32
    %broadcast_in_dim3A_109 = vector.broadcast %broadcast_in_dim3A_108 : i32 to vector<8x64xi32>
    %slice3A_110 = vector.extract_strided_slice %add3A_107 {offsets = [0, 0], sizes = [8, 1984], strides = [1, 1]} : vector<8x2048xi32> to vector<8x1984xi32>
    %concatenate3A_111 = tpu.concatenate %broadcast_in_dim3A_109, %slice3A_110 in 1 : vector<8x64xi32>, vector<8x1984xi32> -> vector<8x2048xi32>
    %add3A_112 = arith.addi %add3A_107, %concatenate3A_111 : vector<8x2048xi32>
    %broadcast_in_dim3A_113 = arith.constant 0 : i32
    %broadcast_in_dim3A_114 = vector.broadcast %broadcast_in_dim3A_113 : i32 to vector<8x128xi32>
    %slice3A_115 = vector.extract_strided_slice %add3A_112 {offsets = [0, 0], sizes = [8, 1920], strides = [1, 1]} : vector<8x2048xi32> to vector<8x1920xi32>
    %concatenate3A_116 = tpu.concatenate %broadcast_in_dim3A_114, %slice3A_115 in 1 : vector<8x128xi32>, vector<8x1920xi32> -> vector<8x2048xi32>
    %add3A_117 = arith.addi %add3A_112, %concatenate3A_116 : vector<8x2048xi32>
    %broadcast_in_dim3A_118 = arith.constant 0 : i32
    %broadcast_in_dim3A_119 = vector.broadcast %broadcast_in_dim3A_118 : i32 to vector<8x256xi32>
    %slice3A_120 = vector.extract_strided_slice %add3A_117 {offsets = [0, 0], sizes = [8, 1792], strides = [1, 1]} : vector<8x2048xi32> to vector<8x1792xi32>
    %concatenate3A_121 = tpu.concatenate %broadcast_in_dim3A_119, %slice3A_120 in 1 : vector<8x256xi32>, vector<8x1792xi32> -> vector<8x2048xi32>
    %add3A_122 = arith.addi %add3A_117, %concatenate3A_121 : vector<8x2048xi32>
    %broadcast_in_dim3A_123 = arith.constant 0 : i32
    %broadcast_in_dim3A_124 = vector.broadcast %broadcast_in_dim3A_123 : i32 to vector<8x512xi32>
    %slice3A_125 = vector.extract_strided_slice %add3A_122 {offsets = [0, 0], sizes = [8, 1536], strides = [1, 1]} : vector<8x2048xi32> to vector<8x1536xi32>
    %concatenate3A_126 = tpu.concatenate %broadcast_in_dim3A_124, %slice3A_125 in 1 : vector<8x512xi32>, vector<8x1536xi32> -> vector<8x2048xi32>
    %add3A_127 = arith.addi %add3A_122, %concatenate3A_126 : vector<8x2048xi32>
    %broadcast_in_dim3A_128 = arith.constant 0 : i32
    %broadcast_in_dim3A_129 = vector.broadcast %broadcast_in_dim3A_128 : i32 to vector<8x1024xi32>
    %slice3A_130 = vector.extract_strided_slice %add3A_127 {offsets = [0, 0], sizes = [8, 1024], strides = [1, 1]} : vector<8x2048xi32> to vector<8x1024xi32>
    %concatenate3A_131 = tpu.concatenate %broadcast_in_dim3A_129, %slice3A_130 in 1 : vector<8x1024xi32>, vector<8x1024xi32> -> vector<8x2048xi32>
    %add3A_132 = arith.addi %add3A_127, %concatenate3A_131 : vector<8x2048xi32>
    %broadcast_in_dim3A_133 = arith.constant 0 : i32
    %broadcast_in_dim3A_134 = vector.broadcast %broadcast_in_dim3A_133 : i32 to vector<8x1xi32>
    %slice3A_135 = vector.extract_strided_slice %convert_element_type3A_79 {offsets = [0, 0], sizes = [8, 2047], strides = [1, 1]} : vector<8x2048xi32> to vector<8x2047xi32>
    %concatenate3A_136 = tpu.concatenate %broadcast_in_dim3A_134, %slice3A_135 in 1 : vector<8x1xi32>, vector<8x2047xi32> -> vector<8x2048xi32>
    %add3A_137 = arith.addi %convert_element_type3A_79, %concatenate3A_136 : vector<8x2048xi32>
    %broadcast_in_dim3A_138 = arith.constant 0 : i32
    %broadcast_in_dim3A_139 = vector.broadcast %broadcast_in_dim3A_138 : i32 to vector<8x2xi32>
    %slice3A_140 = vector.extract_strided_slice %add3A_137 {offsets = [0, 0], sizes = [8, 2046], strides = [1, 1]} : vector<8x2048xi32> to vector<8x2046xi32>
    %concatenate3A_141 = tpu.concatenate %broadcast_in_dim3A_139, %slice3A_140 in 1 : vector<8x2xi32>, vector<8x2046xi32> -> vector<8x2048xi32>
    %add3A_142 = arith.addi %add3A_137, %concatenate3A_141 : vector<8x2048xi32>
    %broadcast_in_dim3A_143 = arith.constant 0 : i32
    %broadcast_in_dim3A_144 = vector.broadcast %broadcast_in_dim3A_143 : i32 to vector<8x4xi32>
    %slice3A_145 = vector.extract_strided_slice %add3A_142 {offsets = [0, 0], sizes = [8, 2044], strides = [1, 1]} : vector<8x2048xi32> to vector<8x2044xi32>
    %concatenate3A_146 = tpu.concatenate %broadcast_in_dim3A_144, %slice3A_145 in 1 : vector<8x4xi32>, vector<8x2044xi32> -> vector<8x2048xi32>
    %add3A_147 = arith.addi %add3A_142, %concatenate3A_146 : vector<8x2048xi32>
    %broadcast_in_dim3A_148 = arith.constant 0 : i32
    %broadcast_in_dim3A_149 = vector.broadcast %broadcast_in_dim3A_148 : i32 to vector<8x8xi32>
    %slice3A_150 = vector.extract_strided_slice %add3A_147 {offsets = [0, 0], sizes = [8, 2040], strides = [1, 1]} : vector<8x2048xi32> to vector<8x2040xi32>
    %concatenate3A_151 = tpu.concatenate %broadcast_in_dim3A_149, %slice3A_150 in 1 : vector<8x8xi32>, vector<8x2040xi32> -> vector<8x2048xi32>
    %add3A_152 = arith.addi %add3A_147, %concatenate3A_151 : vector<8x2048xi32>
    %broadcast_in_dim3A_153 = arith.constant 0 : i32
    %broadcast_in_dim3A_154 = vector.broadcast %broadcast_in_dim3A_153 : i32 to vector<8x16xi32>
    %slice3A_155 = vector.extract_strided_slice %add3A_152 {offsets = [0, 0], sizes = [8, 2032], strides = [1, 1]} : vector<8x2048xi32> to vector<8x2032xi32>
    %concatenate3A_156 = tpu.concatenate %broadcast_in_dim3A_154, %slice3A_155 in 1 : vector<8x16xi32>, vector<8x2032xi32> -> vector<8x2048xi32>
    %add3A_157 = arith.addi %add3A_152, %concatenate3A_156 : vector<8x2048xi32>
    %broadcast_in_dim3A_158 = arith.constant 0 : i32
    %broadcast_in_dim3A_159 = vector.broadcast %broadcast_in_dim3A_158 : i32 to vector<8x32xi32>
    %slice3A_160 = vector.extract_strided_slice %add3A_157 {offsets = [0, 0], sizes = [8, 2016], strides = [1, 1]} : vector<8x2048xi32> to vector<8x2016xi32>
    %concatenate3A_161 = tpu.concatenate %broadcast_in_dim3A_159, %slice3A_160 in 1 : vector<8x32xi32>, vector<8x2016xi32> -> vector<8x2048xi32>
    %add3A_162 = arith.addi %add3A_157, %concatenate3A_161 : vector<8x2048xi32>
    %broadcast_in_dim3A_163 = arith.constant 0 : i32
    %broadcast_in_dim3A_164 = vector.broadcast %broadcast_in_dim3A_163 : i32 to vector<8x64xi32>
    %slice3A_165 = vector.extract_strided_slice %add3A_162 {offsets = [0, 0], sizes = [8, 1984], strides = [1, 1]} : vector<8x2048xi32> to vector<8x1984xi32>
    %concatenate3A_166 = tpu.concatenate %broadcast_in_dim3A_164, %slice3A_165 in 1 : vector<8x64xi32>, vector<8x1984xi32> -> vector<8x2048xi32>
    %add3A_167 = arith.addi %add3A_162, %concatenate3A_166 : vector<8x2048xi32>
    %broadcast_in_dim3A_168 = arith.constant 0 : i32
    %broadcast_in_dim3A_169 = vector.broadcast %broadcast_in_dim3A_168 : i32 to vector<8x128xi32>
    %slice3A_170 = vector.extract_strided_slice %add3A_167 {offsets = [0, 0], sizes = [8, 1920], strides = [1, 1]} : vector<8x2048xi32> to vector<8x1920xi32>
    %concatenate3A_171 = tpu.concatenate %broadcast_in_dim3A_169, %slice3A_170 in 1 : vector<8x128xi32>, vector<8x1920xi32> -> vector<8x2048xi32>
    %add3A_172 = arith.addi %add3A_167, %concatenate3A_171 : vector<8x2048xi32>
    %broadcast_in_dim3A_173 = arith.constant 0 : i32
    %broadcast_in_dim3A_174 = vector.broadcast %broadcast_in_dim3A_173 : i32 to vector<8x256xi32>
    %slice3A_175 = vector.extract_strided_slice %add3A_172 {offsets = [0, 0], sizes = [8, 1792], strides = [1, 1]} : vector<8x2048xi32> to vector<8x1792xi32>
    %concatenate3A_176 = tpu.concatenate %broadcast_in_dim3A_174, %slice3A_175 in 1 : vector<8x256xi32>, vector<8x1792xi32> -> vector<8x2048xi32>
    %add3A_177 = arith.addi %add3A_172, %concatenate3A_176 : vector<8x2048xi32>
    %broadcast_in_dim3A_178 = arith.constant 0 : i32
    %broadcast_in_dim3A_179 = vector.broadcast %broadcast_in_dim3A_178 : i32 to vector<8x512xi32>
    %slice3A_180 = vector.extract_strided_slice %add3A_177 {offsets = [0, 0], sizes = [8, 1536], strides = [1, 1]} : vector<8x2048xi32> to vector<8x1536xi32>
    %concatenate3A_181 = tpu.concatenate %broadcast_in_dim3A_179, %slice3A_180 in 1 : vector<8x512xi32>, vector<8x1536xi32> -> vector<8x2048xi32>
    %add3A_182 = arith.addi %add3A_177, %concatenate3A_181 : vector<8x2048xi32>
    %broadcast_in_dim3A_183 = arith.constant 0 : i32
    %broadcast_in_dim3A_184 = vector.broadcast %broadcast_in_dim3A_183 : i32 to vector<8x1024xi32>
    %slice3A_185 = vector.extract_strided_slice %add3A_182 {offsets = [0, 0], sizes = [8, 1024], strides = [1, 1]} : vector<8x2048xi32> to vector<8x1024xi32>
    %concatenate3A_186 = tpu.concatenate %broadcast_in_dim3A_184, %slice3A_185 in 1 : vector<8x1024xi32>, vector<8x1024xi32> -> vector<8x2048xi32>
    %add3A_187 = arith.addi %add3A_182, %concatenate3A_186 : vector<8x2048xi32>
    %slice3A_188 = vector.extract_strided_slice %add3A_132 {offsets = [0, 2047], sizes = [8, 1], strides = [1, 1]} : vector<8x2048xi32> to vector<8x1xi32>
    %slice3A_189 = vector.extract_strided_slice %add3A_187 {offsets = [0, 2047], sizes = [8, 1], strides = [1, 1]} : vector<8x2048xi32> to vector<8x1xi32>
    %add3A_190 = arith.addi %slice3A_188, %slice3A_189 : vector<8x1xi32>
    %broadcast_in_dim3A_191 = arith.constant 0 : i32
    %broadcast_in_dim3A_192 = vector.broadcast %broadcast_in_dim3A_191 : i32 to vector<1x1xi32>
    %slice3A_193 = vector.extract_strided_slice %add3A_190 {offsets = [0, 0], sizes = [7, 1], strides = [1, 1]} : vector<8x1xi32> to vector<7x1xi32>
    %concatenate3A_194 = tpu.concatenate %broadcast_in_dim3A_192, %slice3A_193 in 0 : vector<1x1xi32>, vector<7x1xi32> -> vector<8x1xi32>
    %add3A_195 = arith.addi %add3A_190, %concatenate3A_194 : vector<8x1xi32>
    %broadcast_in_dim3A_196 = arith.constant 0 : i32
    %broadcast_in_dim3A_197 = vector.broadcast %broadcast_in_dim3A_196 : i32 to vector<2x1xi32>
    %slice3A_198 = vector.extract_strided_slice %add3A_195 {offsets = [0, 0], sizes = [6, 1], strides = [1, 1]} : vector<8x1xi32> to vector<6x1xi32>
    %concatenate3A_199 = tpu.concatenate %broadcast_in_dim3A_197, %slice3A_198 in 0 : vector<2x1xi32>, vector<6x1xi32> -> vector<8x1xi32>
    %add3A_200 = arith.addi %add3A_195, %concatenate3A_199 : vector<8x1xi32>
    %broadcast_in_dim3A_201 = arith.constant 0 : i32
    %broadcast_in_dim3A_202 = vector.broadcast %broadcast_in_dim3A_201 : i32 to vector<4x1xi32>
    %slice3A_203 = vector.extract_strided_slice %add3A_200 {offsets = [0, 0], sizes = [4, 1], strides = [1, 1]} : vector<8x1xi32> to vector<4x1xi32>
    %concatenate3A_204 = tpu.concatenate %broadcast_in_dim3A_202, %slice3A_203 in 0 : vector<4x1xi32>, vector<4x1xi32> -> vector<8x1xi32>
    %add3A_205 = arith.addi %add3A_200, %concatenate3A_204 : vector<8x1xi32>
    %sub3A_206 = arith.subi %add3A_205, %add3A_190 : vector<8x1xi32>
    %swap3A_207 = arith.constant 0 : index
    %swap3A_208 = arith.constant 0 : index
    %swap3A_209 = vector.load %arg9[%swap3A_207, %swap3A_208] : memref<8x1xi32, #tpu.memory_space<vmem>>, vector<8x1xi32>
    tpu.vector_store %arg9[%swap3A_207, %swap3A_208], %sub3A_206 {strides = array<i32>} : memref<8x1xi32, #tpu.memory_space<vmem>>, vector<8x1xi32>,
    %swap3A_210 = arith.constant 0 : index
    %swap3A_211 = arith.constant 0 : index
    %swap3A_212 = vector.load %arg10[%swap3A_210, %swap3A_211] : memref<8x1xi32, #tpu.memory_space<vmem>>, vector<8x1xi32>
    tpu.vector_store %arg10[%swap3A_210, %swap3A_211], %add3A_190 {strides = array<i32>} : memref<8x1xi32, #tpu.memory_space<vmem>>, vector<8x1xi32>,
    %add3A_213 = vector.broadcast %sub3A_206 : vector<8x1xi32> to vector<8x2048xi32>
    %add3A_214 = arith.addi %add3A_213, %add3A_132 : vector<8x2048xi32>
    %sub3A_215 = arith.subi %add3A_214, %convert_element_type3A : vector<8x2048xi32>
    %mul3A = arith.muli %convert_element_type3A, %sub3A_215 : vector<8x2048xi32>
    %reduce_sum3A = arith.constant dense<0> : vector<2048xi32>
    %reduce_sum3A_216 = vector.multi_reduction <add>, %mul3A, %reduce_sum3A [0] : vector<8x2048xi32> to vector<2048xi32>
    %broadcast_in_dim3A_217 = vector.shape_cast %reduce_sum3A_216 : vector<2048xi32> to vector<1x2048xi32>
    %add3A_218 = arith.addi %sub3A_206, %slice3A_188 : vector<8x1xi32>
    %add3A_219 = vector.broadcast %add3A_218 : vector<8x1xi32> to vector<8x2048xi32>
    %add3A_220 = arith.addi %add3A_219, %add3A_187 : vector<8x2048xi32>
    %sub3A_221 = arith.subi %add3A_220, %convert_element_type3A_79 : vector<8x2048xi32>
    %mul3A_222 = arith.muli %convert_element_type3A_79, %sub3A_221 : vector<8x2048xi32>
    %reduce_sum3A_223 = arith.constant dense<0> : vector<2048xi32>
    %reduce_sum3A_224 = vector.multi_reduction <add>, %mul3A_222, %reduce_sum3A_223 [0] : vector<8x2048xi32> to vector<2048xi32>
    %broadcast_in_dim3A_225 = vector.shape_cast %reduce_sum3A_224 : vector<2048xi32> to vector<1x2048xi32>
    %reshape3A_226 = vector.shape_cast %broadcast_in_dim3A_217 : vector<1x2048xi32> to vector<2048xi32>
    %swap3A_227 = arith.constant 0 : index
    %swap3A_228 = vector.load %arg7[%swap3A_227] : memref<2048xi32, #tpu.memory_space<vmem>>, vector<2048xi32>
    tpu.vector_store %arg7[%swap3A_227], %reshape3A_226 {strides = array<i32>} : memref<2048xi32, #tpu.memory_space<vmem>>, vector<2048xi32>,
    %reshape3A_229 = vector.shape_cast %broadcast_in_dim3A_225 : vector<1x2048xi32> to vector<2048xi32>
    %swap3A_230 = arith.constant 0 : index
    %swap3A_231 = vector.load %arg8[%swap3A_230] : memref<2048xi32, #tpu.memory_space<vmem>>, vector<2048xi32>
    tpu.vector_store %arg8[%swap3A_230], %reshape3A_229 {strides = array<i32>} : memref<2048xi32, #tpu.memory_space<vmem>>, vector<2048xi32>,
    return
  }
}

module attributes {stable_mosaic.version = 14 : i64} {
  func.func @_worklist_kernel(%arg0: i32, %arg1: memref<8x1xi32, #tpu.memory_space<smem>>, %arg2: memref<8x1xi32, #tpu.memory_space<smem>>, %arg3: memref<15xi32, #tpu.memory_space<smem>>, %arg4: memref<15xi32, #tpu.memory_space<smem>>, %arg5: memref<15xi32, #tpu.memory_space<smem>>) attributes {dimension_semantics = [#tpu.dimension_semantics<arbitrary>], iteration_bounds = array<i64: 1>, scalar_prefetch = 2 : i64, scratch_operands = 0 : i64, tpu.core_type = #tpu.core_type<tc>, window_params = [{transform_indices = @transform_0, window_bounds = array<i64: 15>}, {transform_indices = @transform_1, window_bounds = array<i64: 15>}, {transform_indices = @transform_2, window_bounds = array<i64: 15>}]} {
    %scan3A = arith.constant 0 : i32
    %scan3A_0 = arith.constant 0 : i32
    %scan3A_1 = arith.constant 64 : i32
    %scan3A_2 = arith.addi %scan3A_0, %scan3A_1 : i32
    %scan3A_3 = arith.constant 1 : i32
    %scan3A_4 = scf.for %scan3A_11 = %scan3A_0 to %scan3A_2 step %scan3A_3 iter_args(%scan3A_12 = %scan3A) -> (i32)  : i32 {
      %jit3A = arith.constant 8 : i32
      %div3A = arith.divsi %scan3A_11, %jit3A : i32
      %sign3A = arith.constant 0 : i32
      %sign3A_13 = arith.cmpi sgt, %scan3A_11, %sign3A : i32
      %sign3A_14 = arith.extui %sign3A_13 : i1 to i32
      %sign3A_15 = arith.constant 0 : i32
      %sign3A_16 = arith.cmpi slt, %scan3A_11, %sign3A_15 : i32
      %sign3A_17 = arith.extui %sign3A_16 : i1 to i32
      %sign3A_18 = arith.subi %sign3A_14, %sign3A_17 : i32
      %sign3A_19 = arith.constant 0 : i32
      %sign3A_20 = arith.cmpi sgt, %jit3A, %sign3A_19 : i32
      %sign3A_21 = arith.extui %sign3A_20 : i1 to i32
      %sign3A_22 = arith.constant 0 : i32
      %sign3A_23 = arith.cmpi slt, %jit3A, %sign3A_22 : i32
      %sign3A_24 = arith.extui %sign3A_23 : i1 to i32
      %sign3A_25 = arith.subi %sign3A_21, %sign3A_24 : i32
      %ne3A = arith.cmpi ne, %sign3A_18, %sign3A_25 : i32
      %rem3A = arith.remsi %scan3A_11, %jit3A : i32
      %ne3A_26 = arith.constant 0 : i32
      %ne3A_27 = arith.cmpi ne, %rem3A, %ne3A_26 : i32
      %and3A = arith.andi %ne3A, %ne3A_27 : i1
      %sub3A = arith.constant 1 : i32
      %sub3A_28 = arith.subi %div3A, %sub3A : i32
      %select_n3A = arith.select %and3A, %sub3A_28, %div3A : i32
      %jit3A_29 = arith.constant 8 : i32
      %eq3A = arith.constant 0 : i32
      %eq3A_30 = arith.cmpi eq, %jit3A_29, %eq3A : i32
      %jit3A_31 = arith.constant 1 : i32
      %select_n3A_32 = arith.select %eq3A_30, %jit3A_31, %jit3A_29 : i32
      %rem3A_33 = arith.remsi %scan3A_11, %select_n3A_32 : i32
      %ne3A_34 = arith.constant 0 : i32
      %ne3A_35 = arith.cmpi ne, %rem3A_33, %ne3A_34 : i32
      %lt3A = arith.constant 0 : i32
      %lt3A_36 = arith.cmpi slt, %rem3A_33, %lt3A : i32
      %lt3A_37 = arith.constant 0 : i32
      %lt3A_38 = arith.cmpi slt, %select_n3A_32, %lt3A_37 : i32
      %ne3A_39 = arith.xori %lt3A_36, %lt3A_38 : i1
      %and3A_40 = arith.andi %ne3A_39, %ne3A_35 : i1
      %add3A = arith.addi %rem3A_33, %select_n3A_32 : i32
      %select_n3A_41 = arith.select %and3A_40, %add3A, %rem3A_33 : i32
      %get3A = arith.index_cast %select_n3A_41 : i32 to index
      %get3A_42 = arith.constant 0 : index
      %get3A_43 = memref.load %arg1[%get3A, %get3A_42] : memref<8x1xi32, #tpu.memory_space<smem>>
      %get3A_44 = arith.index_cast %select_n3A_41 : i32 to index
      %get3A_45 = arith.constant 0 : index
      %get3A_46 = memref.load %arg2[%get3A_44, %get3A_45] : memref<8x1xi32, #tpu.memory_space<smem>>
      %add3A_47 = arith.constant 1 : i32
      %add3A_48 = arith.addi %select_n3A, %add3A_47 : i32
      %mul3A = arith.constant 512 : i32
      %mul3A_49 = arith.muli %add3A_48, %mul3A : i32
      %lt3A_50 = arith.cmpi slt, %get3A_43, %mul3A_49 : i32
      %add3A_51 = arith.addi %get3A_43, %get3A_46 : i32
      %mul3A_52 = arith.constant 512 : i32
      %mul3A_53 = arith.muli %select_n3A, %mul3A_52 : i32
      %gt3A = arith.cmpi sgt, %add3A_51, %mul3A_53 : i32
      %and3A_54 = arith.andi %lt3A_50, %gt3A : i1
      %gt3A_55 = arith.constant 0 : i32
      %gt3A_56 = arith.cmpi sgt, %get3A_46, %gt3A_55 : i32
      %and3A_57 = arith.andi %and3A_54, %gt3A_56 : i1
      %convert_element_type3A = arith.extui %and3A_57 : i1 to i32
      %cond3A = arith.constant 0 : i32
      %cond3A_58 = arith.cmpi ne, %convert_element_type3A, %cond3A : i32
      scf.if %cond3A_58 {
        %swap3A = arith.index_cast %scan3A_12 : i32 to index
        %swap3A_61 = memref.load %arg3[%swap3A] : memref<15xi32, #tpu.memory_space<smem>>
        memref.store %select_n3A, %arg3[%swap3A] : memref<15xi32, #tpu.memory_space<smem>>
        %swap3A_62 = arith.index_cast %scan3A_12 : i32 to index
        %swap3A_63 = memref.load %arg4[%swap3A_62] : memref<15xi32, #tpu.memory_space<smem>>
        memref.store %select_n3A_41, %arg4[%swap3A_62] : memref<15xi32, #tpu.memory_space<smem>>
        %swap3A_64 = arith.constant 1 : i32
        %swap3A_65 = arith.index_cast %scan3A_12 : i32 to index
        %swap3A_66 = memref.load %arg5[%swap3A_65] : memref<15xi32, #tpu.memory_space<smem>>
        memref.store %swap3A_64, %arg5[%swap3A_65] : memref<15xi32, #tpu.memory_space<smem>>
      } else {
      }
      %convert_element_type3A_59 = arith.extui %and3A_57 : i1 to i32
      %add3A_60 = arith.addi %scan3A_12, %convert_element_type3A_59 : i32
      scf.yield %add3A_60 : i32
    }
    %scan3A_5 = arith.constant 64 : i32
    %scan3A_6 = arith.constant 0 : i32
    %scan3A_7 = arith.constant 15 : i32
    %scan3A_8 = arith.addi %scan3A_6, %scan3A_7 : i32
    %scan3A_9 = arith.constant 1 : i32
    scf.for %scan3A_11 = %scan3A_6 to %scan3A_8 step %scan3A_9  : i32 {
      %ge3A = arith.cmpi sge, %scan3A_11, %scan3A_4 : i32
      %convert_element_type3A = arith.extui %ge3A : i1 to i32
      %cond3A = arith.constant 0 : i32
      %cond3A_12 = arith.cmpi ne, %convert_element_type3A, %cond3A : i32
      scf.if %cond3A_12 {
        %sub3A = arith.constant 1 : i32
        %sub3A_13 = arith.subi %scan3A_4, %sub3A : i32
        %get3A = arith.index_cast %sub3A_13 : i32 to index
        %get3A_14 = memref.load %arg3[%get3A] : memref<15xi32, #tpu.memory_space<smem>>
        %swap3A = arith.index_cast %scan3A_11 : i32 to index
        %swap3A_15 = memref.load %arg3[%swap3A] : memref<15xi32, #tpu.memory_space<smem>>
        memref.store %get3A_14, %arg3[%swap3A] : memref<15xi32, #tpu.memory_space<smem>>
        %sub3A_16 = arith.constant 1 : i32
        %sub3A_17 = arith.subi %scan3A_4, %sub3A_16 : i32
        %get3A_18 = arith.index_cast %sub3A_17 : i32 to index
        %get3A_19 = memref.load %arg4[%get3A_18] : memref<15xi32, #tpu.memory_space<smem>>
        %swap3A_20 = arith.index_cast %scan3A_11 : i32 to index
        %swap3A_21 = memref.load %arg4[%swap3A_20] : memref<15xi32, #tpu.memory_space<smem>>
        memref.store %get3A_19, %arg4[%swap3A_20] : memref<15xi32, #tpu.memory_space<smem>>
        %swap3A_22 = arith.constant 0 : i32
        %swap3A_23 = arith.index_cast %scan3A_11 : i32 to index
        %swap3A_24 = memref.load %arg5[%swap3A_23] : memref<15xi32, #tpu.memory_space<smem>>
        memref.store %swap3A_22, %arg5[%swap3A_23] : memref<15xi32, #tpu.memory_space<smem>>
      } else {
      }
    }
    %scan3A_10 = arith.constant 15 : i32
    return
  }
  func.func @transform_0(%arg0: i32, %arg1: memref<8x1xi32, #tpu.memory_space<smem>>, %arg2: memref<8x1xi32, #tpu.memory_space<smem>>) -> i32 {
    %c0_i32 = arith.constant 0 : i32
    %c0_i32_0 = arith.constant 0 : i32
    return %c0_i32 : i32
  }
  func.func @transform_1(%arg0: i32, %arg1: memref<8x1xi32, #tpu.memory_space<smem>>, %arg2: memref<8x1xi32, #tpu.memory_space<smem>>) -> i32 {
    %c0_i32 = arith.constant 0 : i32
    %c0_i32_0 = arith.constant 0 : i32
    return %c0_i32 : i32
  }
  func.func @transform_2(%arg0: i32, %arg1: memref<8x1xi32, #tpu.memory_space<smem>>, %arg2: memref<8x1xi32, #tpu.memory_space<smem>>) -> i32 {
    %c0_i32 = arith.constant 0 : i32
    %c0_i32_0 = arith.constant 0 : i32
    return %c0_i32 : i32
  }
}

module attributes {stable_mosaic.version = 14 : i64} {
  func.func @_ffn_kernel(%arg0: i32, %arg1: i32, %arg2: memref<15xi32, #tpu.memory_space<smem>>, %arg3: memref<15xi32, #tpu.memory_space<smem>>, %arg4: memref<15xi32, #tpu.memory_space<smem>>, %arg5: memref<8x1xi32, #tpu.memory_space<smem>>, %arg6: memref<8x1xi32, #tpu.memory_space<smem>>, %arg7: memref<512x8x128xf32, #tpu.memory_space<vmem>>, %arg8: memref<1x512x1024xf32, #tpu.memory_space<vmem>>, %arg9: memref<1x512x1024xf32, #tpu.memory_space<vmem>>, %arg10: memref<1x1024x512xf32, #tpu.memory_space<vmem>>, %arg11: memref<512x8x128xf32, #tpu.memory_space<vmem>>, %arg12: memref<512x1024xf32, #tpu.memory_space<vmem>>, %arg13: memref<512x1024xf32, #tpu.memory_space<vmem>>) attributes {dimension_semantics = [#tpu.dimension_semantics<arbitrary>, #tpu.dimension_semantics<arbitrary>], iteration_bounds = array<i64: 15, 4>, scalar_prefetch = 5 : i64, scratch_operands = 2 : i64, tpu.core_type = #tpu.core_type<tc>, window_params = [{transform_indices = @transform_0, window_bounds = array<i64: 512, 8, 128>}, {transform_indices = @transform_1, window_bounds = array<i64: 1, 512, 1024>}, {transform_indices = @transform_2, window_bounds = array<i64: 1, 512, 1024>}, {transform_indices = @transform_3, window_bounds = array<i64: 1, 1024, 512>}, {transform_indices = @transform_4, window_bounds = array<i64: 512, 8, 128>}]} {
    %get3A = arith.index_cast %arg0 : i32 to index
    %get3A_0 = memref.load %arg2[%get3A] : memref<15xi32, #tpu.memory_space<smem>>
    %get3A_1 = arith.index_cast %arg0 : i32 to index
    %get3A_2 = memref.load %arg3[%get3A_1] : memref<15xi32, #tpu.memory_space<smem>>
    %eq3A = arith.constant 0 : i32
    %eq3A_3 = arith.cmpi eq, %arg0, %eq3A : i32
    %sub3A = arith.constant 1 : i32
    %sub3A_4 = arith.subi %arg0, %sub3A : i32
    %max3A = arith.constant 0 : i32
    %max3A_5 = arith.maxsi %sub3A_4, %max3A : i32
    %get3A_6 = arith.index_cast %max3A_5 : i32 to index
    %get3A_7 = memref.load %arg2[%get3A_6] : memref<15xi32, #tpu.memory_space<smem>>
    %ne3A = arith.cmpi ne, %get3A_0, %get3A_7 : i32
    %or3A = arith.ori %eq3A_3, %ne3A : i1
    %eq3A_8 = arith.constant 3 : i32
    %eq3A_9 = arith.cmpi eq, %arg1, %eq3A_8 : i32
    %eq3A_10 = arith.constant 14 : i32
    %eq3A_11 = arith.cmpi eq, %arg0, %eq3A_10 : i32
    %add3A = arith.constant 1 : i32
    %add3A_12 = arith.addi %arg0, %add3A : i32
    %min3A = arith.constant 14 : i32
    %min3A_13 = arith.minsi %add3A_12, %min3A : i32
    %get3A_14 = arith.index_cast %min3A_13 : i32 to index
    %get3A_15 = memref.load %arg2[%get3A_14] : memref<15xi32, #tpu.memory_space<smem>>
    %ne3A_16 = arith.cmpi ne, %get3A_15, %get3A_0 : i32
    %or3A_17 = arith.ori %eq3A_11, %ne3A_16 : i1
    %and3A = arith.andi %eq3A_9, %or3A_17 : i1
    %eq3A_18 = arith.constant 0 : i32
    %eq3A_19 = arith.cmpi eq, %arg1, %eq3A_18 : i32
    %and3A_20 = arith.andi %or3A, %eq3A_19 : i1
    %convert_element_type3A = arith.extui %and3A_20 : i1 to i32
    %cond3A = arith.constant 0 : i32
    %cond3A_21 = arith.cmpi ne, %convert_element_type3A, %cond3A : i32
    scf.if %cond3A_21 {
      %get3A_32 = arith.constant 0 : index
      %get3A_33 = arith.constant 0 : index
      %get3A_34 = arith.constant 0 : index
      %get3A_35 = vector.load %arg7[%get3A_32, %get3A_33, %get3A_34] : memref<512x8x128xf32, #tpu.memory_space<vmem>>, vector<512x8x128xf32>
      %reshape3A = vector.shape_cast %get3A_35 : vector<512x8x128xf32> to vector<512x1024xf32>
      %swap3A = arith.constant 0 : index
      %swap3A_36 = arith.constant 0 : index
      %swap3A_37 = vector.load %arg12[%swap3A, %swap3A_36] : memref<512x1024xf32, #tpu.memory_space<vmem>>, vector<512x1024xf32>
      tpu.vector_store %arg12[%swap3A, %swap3A_36], %reshape3A {strides = array<i32>} : memref<512x1024xf32, #tpu.memory_space<vmem>>, vector<512x1024xf32>,
      %broadcast_in_dim3A = arith.constant 0.000000e+00 : f32
      %broadcast_in_dim3A_38 = vector.broadcast %broadcast_in_dim3A : f32 to vector<512x1024xf32>
      %swap3A_39 = arith.constant 0 : index
      %swap3A_40 = arith.constant 0 : index
      %swap3A_41 = vector.load %arg13[%swap3A_39, %swap3A_40] : memref<512x1024xf32, #tpu.memory_space<vmem>>, vector<512x1024xf32>
      tpu.vector_store %arg13[%swap3A_39, %swap3A_40], %broadcast_in_dim3A_38 {strides = array<i32>} : memref<512x1024xf32, #tpu.memory_space<vmem>>, vector<512x1024xf32>,
    } else {
    }
    %get3A_22 = arith.index_cast %arg0 : i32 to index
    %get3A_23 = memref.load %arg4[%get3A_22] : memref<15xi32, #tpu.memory_space<smem>>
    %eq3A_24 = arith.constant 1 : i32
    %eq3A_25 = arith.cmpi eq, %get3A_23, %eq3A_24 : i32
    %convert_element_type3A_26 = arith.extui %eq3A_25 : i1 to i32
    %cond3A_27 = arith.constant 0 : i32
    %cond3A_28 = arith.cmpi ne, %convert_element_type3A_26, %cond3A_27 : i32
    scf.if %cond3A_28 {
      %get3A_32 = arith.constant 0 : index
      %get3A_33 = arith.constant 0 : index
      %get3A_34 = vector.load %arg12[%get3A_32, %get3A_33] : memref<512x1024xf32, #tpu.memory_space<vmem>>, vector<512x1024xf32>
      %get3A_35 = arith.constant 0 : index
      %get3A_36 = arith.constant 0 : index
      %get3A_37 = arith.constant 0 : index
      %get3A_38 = vector.load %arg8[%get3A_35, %get3A_36, %get3A_37] : memref<1x512x1024xf32, #tpu.memory_space<vmem>>, vector<1x512x1024xf32>
      %get3A_39 = vector.shape_cast %get3A_38 : vector<1x512x1024xf32> to vector<512x1024xf32>
      %dot_general3A = arith.constant dense<0.000000e+00> : vector<512x512xf32>
      %dot_general3A_40 = tpu.matmul %get3A_34, %get3A_39, %dot_general3A {dimension_numbers = #tpu.dot_dimension_numbers<[1], [1], [0], [0], [0, 0, 1, 0], [], []>, transpose_lhs_hint = false} : vector<512x1024xf32>, vector<512x1024xf32>, vector<512x512xf32> -> vector<512x512xf32>
      %get3A_41 = arith.constant 0 : index
      %get3A_42 = arith.constant 0 : index
      %get3A_43 = arith.constant 0 : index
      %get3A_44 = vector.load %arg9[%get3A_41, %get3A_42, %get3A_43] : memref<1x512x1024xf32, #tpu.memory_space<vmem>>, vector<1x512x1024xf32>
      %get3A_45 = vector.shape_cast %get3A_44 : vector<1x512x1024xf32> to vector<512x1024xf32>
      %dot_general3A_46 = arith.constant dense<0.000000e+00> : vector<512x512xf32>
      %dot_general3A_47 = tpu.matmul %get3A_34, %get3A_45, %dot_general3A_46 {dimension_numbers = #tpu.dot_dimension_numbers<[1], [1], [0], [0], [0, 0, 1, 0], [], []>, transpose_lhs_hint = false} : vector<512x1024xf32>, vector<512x1024xf32>, vector<512x512xf32> -> vector<512x512xf32>
      %logistic3A = arith.negf %dot_general3A_40 : vector<512x512xf32>
      %logistic3A_48 = math.exp %logistic3A : vector<512x512xf32>
      %logistic3A_49 = arith.constant 1.000000e+00 : f32
      %logistic3A_50 = vector.broadcast %logistic3A_49 : f32 to vector<512x512xf32>
      %logistic3A_51 = arith.addf %logistic3A_50, %logistic3A_48 : vector<512x512xf32>
      %logistic3A_52 = arith.divf %logistic3A_50, %logistic3A_51 : vector<512x512xf32>
      %mul3A = arith.mulf %dot_general3A_40, %logistic3A_52 : vector<512x512xf32>
      %mul3A_53 = arith.mulf %mul3A, %dot_general3A_47 : vector<512x512xf32>
      %mul3A_54 = arith.constant 512 : i32
      %mul3A_55 = arith.muli %get3A_0, %mul3A_54 : i32
      %iota3A = tpu.iota {dimensions = array<i32: 0>} : vector<512x1xi32>
      %add3A_56 = vector.broadcast %mul3A_55 : i32 to vector<512x1xi32>
      %add3A_57 = arith.addi %add3A_56, %iota3A : vector<512x1xi32>
      %get3A_58 = arith.index_cast %get3A_2 : i32 to index
      %get3A_59 = arith.constant 0 : index
      %get3A_60 = memref.load %arg5[%get3A_58, %get3A_59] : memref<8x1xi32, #tpu.memory_space<smem>>
      %ge3A = vector.broadcast %get3A_60 : i32 to vector<512x1xi32>
      %ge3A_61 = arith.cmpi sge, %add3A_57, %ge3A : vector<512x1xi32>
      %get3A_62 = arith.index_cast %get3A_2 : i32 to index
      %get3A_63 = arith.constant 0 : index
      %get3A_64 = memref.load %arg6[%get3A_62, %get3A_63] : memref<8x1xi32, #tpu.memory_space<smem>>
      %add3A_65 = arith.addi %get3A_60, %get3A_64 : i32
      %lt3A = vector.broadcast %add3A_65 : i32 to vector<512x1xi32>
      %lt3A_66 = arith.cmpi slt, %add3A_57, %lt3A : vector<512x1xi32>
      %and3A_67 = arith.andi %ge3A_61, %lt3A_66 : vector<512x1xi1>
      %jit3A = arith.constant 0.000000e+00 : f32
      %broadcast_in_dim3A = vector.shape_cast %and3A_67 : vector<512x1xi1> to vector<512x1xi1>
      %broadcast_in_dim3A_68 = vector.broadcast %broadcast_in_dim3A : vector<512x1xi1> to vector<512x512xi1>
      %broadcast_in_dim3A_69 = vector.broadcast %jit3A : f32 to vector<512x512xf32>
      %select_n3A = arith.select %broadcast_in_dim3A_68, %mul3A_53, %broadcast_in_dim3A_69 : vector<512x512xi1>, vector<512x512xf32>
      %get3A_70 = arith.constant 0 : index
      %get3A_71 = arith.constant 0 : index
      %get3A_72 = vector.load %arg13[%get3A_70, %get3A_71] : memref<512x1024xf32, #tpu.memory_space<vmem>>, vector<512x1024xf32>
      %get3A_73 = arith.constant 0 : index
      %get3A_74 = arith.constant 0 : index
      %get3A_75 = arith.constant 0 : index
      %get3A_76 = vector.load %arg10[%get3A_73, %get3A_74, %get3A_75] : memref<1x1024x512xf32, #tpu.memory_space<vmem>>, vector<1x1024x512xf32>
      %get3A_77 = vector.shape_cast %get3A_76 : vector<1x1024x512xf32> to vector<1024x512xf32>
      %dot_general3A_78 = arith.constant dense<0.000000e+00> : vector<512x1024xf32>
      %dot_general3A_79 = tpu.matmul %select_n3A, %get3A_77, %dot_general3A_78 {dimension_numbers = #tpu.dot_dimension_numbers<[1], [1], [0], [0], [0, 0, 1, 0], [], []>, transpose_lhs_hint = false} : vector<512x512xf32>, vector<1024x512xf32>, vector<512x1024xf32> -> vector<512x1024xf32>
      %add3A_80 = arith.addf %get3A_72, %dot_general3A_79 : vector<512x1024xf32>
      %swap3A = arith.constant 0 : index
      %swap3A_81 = arith.constant 0 : index
      %swap3A_82 = vector.load %arg13[%swap3A, %swap3A_81] : memref<512x1024xf32, #tpu.memory_space<vmem>>, vector<512x1024xf32>
      tpu.vector_store %arg13[%swap3A, %swap3A_81], %add3A_80 {strides = array<i32>} : memref<512x1024xf32, #tpu.memory_space<vmem>>, vector<512x1024xf32>,
    } else {
    }
    %convert_element_type3A_29 = arith.extui %and3A : i1 to i32
    %cond3A_30 = arith.constant 0 : i32
    %cond3A_31 = arith.cmpi ne, %convert_element_type3A_29, %cond3A_30 : i32
    scf.if %cond3A_31 {
      %get3A_32 = arith.constant 0 : index
      %get3A_33 = arith.constant 0 : index
      %get3A_34 = vector.load %arg13[%get3A_32, %get3A_33] : memref<512x1024xf32, #tpu.memory_space<vmem>>, vector<512x1024xf32>
      %reshape3A = vector.shape_cast %get3A_34 : vector<512x1024xf32> to vector<512x8x128xf32>
      %swap3A = arith.constant 0 : index
      %swap3A_35 = arith.constant 0 : index
      %swap3A_36 = arith.constant 0 : index
      %swap3A_37 = vector.load %arg11[%swap3A, %swap3A_35, %swap3A_36] : memref<512x8x128xf32, #tpu.memory_space<vmem>>, vector<512x8x128xf32>
      tpu.vector_store %arg11[%swap3A, %swap3A_35, %swap3A_36], %reshape3A {strides = array<i32>} : memref<512x8x128xf32, #tpu.memory_space<vmem>>, vector<512x8x128xf32>,
    } else {
    }
    return
  }
  func.func @transform_0(%arg0: i32, %arg1: i32, %arg2: memref<15xi32, #tpu.memory_space<smem>>, %arg3: memref<15xi32, #tpu.memory_space<smem>>, %arg4: memref<15xi32, #tpu.memory_space<smem>>, %arg5: memref<8x1xi32, #tpu.memory_space<smem>>, %arg6: memref<8x1xi32, #tpu.memory_space<smem>>) -> (i32, i32, i32) {
    %get3A = arith.index_cast %arg0 : i32 to index
    %get3A_0 = memref.load %arg2[%get3A] : memref<15xi32, #tpu.memory_space<smem>>
    %c0_i32 = arith.constant 0 : i32
    %c0_i32_1 = arith.constant 0 : i32
    %c0_i32_2 = arith.constant 0 : i32
    return %get3A_0, %c0_i32, %c0_i32_1 : i32, i32, i32
  }
  func.func @transform_1(%arg0: i32, %arg1: i32, %arg2: memref<15xi32, #tpu.memory_space<smem>>, %arg3: memref<15xi32, #tpu.memory_space<smem>>, %arg4: memref<15xi32, #tpu.memory_space<smem>>, %arg5: memref<8x1xi32, #tpu.memory_space<smem>>, %arg6: memref<8x1xi32, #tpu.memory_space<smem>>) -> (i32, i32, i32) {
    %get3A = arith.index_cast %arg0 : i32 to index
    %get3A_0 = memref.load %arg3[%get3A] : memref<15xi32, #tpu.memory_space<smem>>
    %c0_i32 = arith.constant 0 : i32
    %c0_i32_1 = arith.constant 0 : i32
    return %get3A_0, %arg1, %c0_i32 : i32, i32, i32
  }
  func.func @transform_2(%arg0: i32, %arg1: i32, %arg2: memref<15xi32, #tpu.memory_space<smem>>, %arg3: memref<15xi32, #tpu.memory_space<smem>>, %arg4: memref<15xi32, #tpu.memory_space<smem>>, %arg5: memref<8x1xi32, #tpu.memory_space<smem>>, %arg6: memref<8x1xi32, #tpu.memory_space<smem>>) -> (i32, i32, i32) {
    %get3A = arith.index_cast %arg0 : i32 to index
    %get3A_0 = memref.load %arg3[%get3A] : memref<15xi32, #tpu.memory_space<smem>>
    %c0_i32 = arith.constant 0 : i32
    %c0_i32_1 = arith.constant 0 : i32
    return %get3A_0, %arg1, %c0_i32 : i32, i32, i32
  }
  func.func @transform_3(%arg0: i32, %arg1: i32, %arg2: memref<15xi32, #tpu.memory_space<smem>>, %arg3: memref<15xi32, #tpu.memory_space<smem>>, %arg4: memref<15xi32, #tpu.memory_space<smem>>, %arg5: memref<8x1xi32, #tpu.memory_space<smem>>, %arg6: memref<8x1xi32, #tpu.memory_space<smem>>) -> (i32, i32, i32) {
    %get3A = arith.index_cast %arg0 : i32 to index
    %get3A_0 = memref.load %arg3[%get3A] : memref<15xi32, #tpu.memory_space<smem>>
    %c0_i32 = arith.constant 0 : i32
    %c0_i32_1 = arith.constant 0 : i32
    return %get3A_0, %c0_i32, %arg1 : i32, i32, i32
  }
  func.func @transform_4(%arg0: i32, %arg1: i32, %arg2: memref<15xi32, #tpu.memory_space<smem>>, %arg3: memref<15xi32, #tpu.memory_space<smem>>, %arg4: memref<15xi32, #tpu.memory_space<smem>>, %arg5: memref<8x1xi32, #tpu.memory_space<smem>>, %arg6: memref<8x1xi32, #tpu.memory_space<smem>>) -> (i32, i32, i32) {
    %get3A = arith.index_cast %arg0 : i32 to index
    %get3A_0 = memref.load %arg2[%get3A] : memref<15xi32, #tpu.memory_space<smem>>
    %c0_i32 = arith.constant 0 : i32
    %c0_i32_1 = arith.constant 0 : i32
    %c0_i32_2 = arith.constant 0 : i32
    return %get3A_0, %c0_i32, %c0_i32_1 : i32, i32, i32
  }
}

</mosaic_0001>

<sc_bundles>
// kernel: kernel.10.cloned.1.call-start
scs
__scs_entry_jumppad:
0x0: {  	(pc) =	sbr.rel $0x88, $3  }
0x1: {  	(tag) =	ssettag $0x0;
	lr =	simm.s32 $0x1  }
0x2: {  	[smem:$0x3F9B] =	sst lr;
	_ =	strace $0xD0000000  }
0x3: {  	_ = 	snop  }
0x4: {  	_ = 	snop  }
0x5: {  	_ = 	snop  }
0x6: {  	_ = 	snop  }
0x7: {  	_ = 	snop  }
__scs_overlays_trampoline_lowered:
0x8: {  	[smem:$0x3FAA] =	sst s0  }
0x9: {  	[smem:$0x3FAB] =	sst s1  }
0xa: {  	[smem:$0x3FAC] =	sst s2  }
0xb: {  	[smem:$0x3FAD] =	sst s3  }
0xc: {  	[smem:$0x3FAE] =	sst s4  }
0xd: {  	[smem:$0x3FAF] =	sst s5  }
0xe: {  	[smem:$0x3FB0] =	sst s6  }
0xf: {  	[smem:$0x3FB1] =	sst s7  }
0x10: {  	[smem:$0x3FB2] =	sst s8  }
0x11: {  	[smem:$0x3FB3] =	sst s9;
	s0 =	simm.s32 @!p0 $0x0  }
0x12: {  	s1 =	sld [smem:$0x3F99];
	s0 =	simm.s32 @p0 $0x1  }
0x13: {  	[smem:$0x3FB4] =	sst s0;
	s0 =	simm.s32 @!p1 $0x0  }
0x14: {  	s2 =	sld [smem:$0x3F98];
	s0 =	simm.s32 @p1 $0x1  }
0x15: {  	[smem:$0x3FB5] =	sst s0;
	s0 =	simm.s32 @!p2 $0x0  }
0x16: {  	s3 =	sld [smem:$0x3FDB];
	s0 =	simm.s32 @p2 $0x1  }
0x17: {  	s4 =	simm.s32 $0x1BF5;
	[smem:$0x3FB7] =	sst s0  }
0x18: {  	s0 =	sld [smem:$0x3F9A];
	_ =	swait.ge [sflag:s4], $0x0  }
0x19: {  	s7 =	sld [smem:$0x3F9B]  }
0x1a: {  	s8 =	sadd.s32 $0xFFFFE003, lr  }
0x1b: {  	s9 =	sadd.s32 $0xFFFFFEF7, lr;
	s5 =	simm.s32 $0xFFFFFFFF;
	p2 =	slt.u32 s8, $0xFFFFF086  }
0x1c: {  	p1 =	slt.u32 s9, $0xF7A;
	s5 =	simm.s32 @!p2 $0x0  }
0x1d: {  	s5 =	simm.s32 @p1 $0x1;
	p0 =	seq.s32 s7, s2  }
0x1e: {  	s7 =	smul.u32 @!p0 $0xF7A, s2;
	p2 =	seq.s32 @!p0 s5, $0x0  }
0x1f: {  	s9 =	smul.u32 $0xF7A, s1;
	s8 =	simm.s32 @!p0 $0x1BF5;
	p2 =	por !p2, p0  }
0x20: {  	[sflag:s8] =	ssyncset.s32 @!p0 $0xFFFFF086;
	s6 =	sadd.s32 @!p0 s3, s7;
	s7 =	simm.s32 @!p0 $0x108  }
0x21: {  	s3 =	sadd.s32 s3, s9;
	s6 =	sadd.s32 @!p0 $0x88, s6;
	s7 =	simm.s32 @p2 $0x1082  }
0x22: {  	[simem:s7], [sflag:s8] =	dma.local @!p0 [hbm:s6], $0xF7A  }
0x23: {  	s9 =	sor.u32 $0xD0000000, s2;
	s6 =	simm.s32 $0x108;
	_ =	swait.ge @!p0 [sflag:s8], $0x0  }
0x24: {  	s3 =	sadd.s32 $0x88, s3;
	s6 =	simm.s32 @!p1 $0x1082;
	[sflag:s4] =	ssyncset.s32 $0xFFFFF086  }
0x25: {  	[simem:s6], [sflag:s4] =	dma.local [hbm:s3], $0xF7A  }
0x26: {  	[smem:$0x3F9B] =	sst s1;
	(tag) =	ssettag s2;
	_ =	strace s9  }
0x27: {  	s1 =	sld [smem:$0x3FAB]  }
0x28: {  	s2 =	sld [smem:$0x3FAC]  }
0x29: {  	s4 =	sld [smem:$0x3FAE]  }
0x2a: {  	p0 =	seq.s32 s5, $0x0;
	s5 =	sld [smem:$0x3FAF]  }
0x2b: {  	s6 =	sld [smem:$0x3FB0]  }
0x2c: {  	s7 =	sld [smem:$0x3FB1]  }
0x2d: {  	s3 =	simm.s32 $0x108;
	s8 =	sld [smem:$0x3FB2]  }
0x2e: {  	s3 =	simm.s32 @!p0 $0x1082;
	s9 =	sld [smem:$0x3FB3]  }
0x2f: {  	lr =	sadd.s32 s0, s3;
	s0 =	sld [smem:$0x3FAA]  }
0x30: {  	s3 =	sld [smem:$0x3FAD]  }
0x31: {  	[smem:$0x3FB6] =	sst s10  }
0x32: {  	s10 =	sld [smem:$0x3FB4];
	_ =	sdelay $0x3  }
0x33: {  	p0 =	seq.s32 s10, $0x1;
	s10 =	sld [smem:$0x3FB6];
	_ =	sdelay $0x3  }
0x34: {  	[smem:$0x3FB6] =	sst s10  }
0x35: {  	s10 =	sld [smem:$0x3FB5];
	_ =	sdelay $0x3  }
0x36: {  	p1 =	seq.s32 s10, $0x1;
	s10 =	sld [smem:$0x3FB6];
	_ =	sdelay $0x3  }
0x37: {  	[smem:$0x3FB6] =	sst s10  }
0x38: {  	s10 =	sld [smem:$0x3FB7]  }
0x39: {  	_ = 	snop;
	(pc) =	sbr.ind lr, $3  }
0x3a: {  	_ = 	snop  }
0x3b: {  	_ = 	snop  }
0x3c: {  	p2 =	seq.s32 s10, $0x1;
	s10 =	sld [smem:$0x3FB6]  }
0x3d: {  	_ =	shalt  }
0x3e: {  	_ =	shalt  }
0x3f: {  	_ =	shalt  }
0x40: {  	_ =	shalt  }
0x41: {  	_ =	shalt  }
0x42: {  	_ =	shalt  }
0x43: {  	_ =	shalt  }
0x44: {  	_ =	shalt  }
0x45: {  	_ =	shalt  }
0x46: {  	_ =	shalt  }
0x47: {  	_ =	shalt  }
0x48: {  	_ =	shalt  }
0x49: {  	_ =	shalt  }
0x4a: {  	_ =	shalt  }
0x4b: {  	_ =	shalt  }
0x4c: {  	_ =	shalt  }
0x4d: {  	_ =	shalt  }
0x4e: {  	_ =	shalt  }
0x4f: {  	_ =	shalt  }
0x50: {  	_ =	shalt  }
0x51: {  	_ =	shalt  }
0x52: {  	_ =	shalt  }
0x53: {  	_ =	shalt  }
0x54: {  	_ =	shalt  }
0x55: {  	_ =	shalt  }
0x56: {  	_ =	shalt  }
0x57: {  	_ =	shalt  }
0x58: {  	_ =	shalt  }
0x59: {  	_ =	shalt  }
0x5a: {  	_ =	shalt  }
0x5b: {  	_ =	shalt  }
0x5c: {  	_ =	shalt  }
0x5d: {  	_ =	shalt  }
0x5e: {  	_ =	shalt  }
0x5f: {  	_ =	shalt  }
0x60: {  	_ =	shalt  }
0x61: {  	_ =	shalt  }
0x62: {  	_ =	shalt  }
0x63: {  	_ =	shalt  }
0x64: {  	_ =	shalt  }
0x65: {  	_ =	shalt  }
0x66: {  	_ =	shalt  }
0x67: {  	_ =	shalt  }
0x68: {  	_ =	shalt  }
0x69: {  	_ =	shalt  }
0x6a: {  	_ =	shalt  }
0x6b: {  	_ =	shalt  }
0x6c: {  	_ =	shalt  }
0x6d: {  	_ =	shalt  }
0x6e: {  	_ =	shalt  }
0x6f: {  	_ =	shalt  }
0x70: {  	_ =	shalt  }
0x71: {  	_ =	shalt  }
0x72: {  	_ =	shalt  }
0x73: {  	_ =	shalt  }
0x74: {  	_ =	shalt  }
0x75: {  	_ =	shalt  }
0x76: {  	_ =	shalt  }
0x77: {  	_ =	shalt  }
0x78: {  	_ =	shalt  }
0x79: {  	_ =	shalt  }
0x7a: {  	_ =	shalt  }
0x7b: {  	_ =	shalt  }
0x7c: {  	_ =	shalt  }
0x7d: {  	_ =	shalt  }
0x7e: {  	_ =	shalt  }
0x7f: {  	_ =	shalt  }
0x80: {  	_ =	shalt  }
0x81: {  	_ =	shalt  }
0x82: {  	_ =	shalt  }
0x83: {  	_ =	shalt  }
0x84: {  	_ =	shalt  }
0x85: {  	_ =	shalt  }
0x86: {  	_ =	shalt  }
0x87: {  	_ =	shalt  }
.Lfunc_end0:
.L_simem_size_0:
called_computation.1_lowered:
.L_overlay_start_0:
0x88: {  	s2 =	sld [smem:$0x3FD9]  }
0x89: {  	s3 =	sld [smem:$0x3FFE];
	_ =	sdelay $0x1  }
0x8a: {  	s1 =	srdreg.scid  }
0x8b: {  	s0 =	sand.u32 $0x1, s1  }
0x8c: {  	s16 =	sshll.u32 s0, $0xA;
	s2 =	sadd.s32 s3, s2  }
0x8d: {  	s2 =	sadd.s32 s2, s16  }
0x8e: {  	[smem:$0x3FC2] =	sst s2  }
0x8f: {  	_ = 	snop  }
0x90: {  	(tm) =	ssettm $0x1  }
0x91: {  	s17 =	sld [smem:$0x3FFB];
	_ =	sdelay $0x3  }
0x92: {  	_ =	strace s17  }
0x93: {  	s2 =	sld [smem:$0x3FFC];
	_ =	sdelay $0x3  }
0x94: {  	_ =	strace s2  }
0x95: {  	s2 =	sld [smem:$0x3FFD];
	_ =	sdelay $0x3  }
0x96: {  	_ =	strace s2  }
0x97: {  	_ =	strace $0x8FFFFFFF  }
0x98: {  	s18 =	sld [smem:$0x3FDB];
	_ =	sdelay $0x1  }
0x99: {  	s19 =	simm.s32 $_scs_section_size  }
0x9a: {  	s4 =	simm.s32 $_size__tile_overlayer_lowered;
	s5 =	simm.s32 $_tile_overlayer_lowered  }
0x9b: {  	s22 =	simm.s32 $0x1BFF;
	s21 =	sshll.u32 s5, $0x1;
	s2 =	sadd.s32 s19, s18  }
0x9c: {  	s6 =	simm.s32 $0x0;
	s20 =	sshll.u32 s4, $0x1;
	s4 =	sadd.s32 s21, s2  }
0x9d: {  	[timem:s6], [sflag:s22] =	dma.local [hbm:s4], s20  }
0x9e: {  	_ =	swait.ge [sflag:s22], s20  }
0x9f: {  	s3 =	ssub.s32 $0x0, s20;
	[sflag:s22] =	ssyncset.done $0x0  }
0xa0: {  	[sflag:s22] =	ssyncadd.s32 s3;
	_ =	sdelay $0x1  }
0xa1: {  	s23 =	simm.s32 $0x1B8B  }
0xa2: {  	_ =	swait.ge [sflag:s23], $0x1  }
0xa3: {  	[sflag:s23] =	ssyncset.done $0x0  }
0xa4: {  	s25 =	simm.s32 $0x1B8E;
	s24 =	sld [smem:$0x3FFE];
	[sflag:s23] =	ssyncadd.s32 $0xFFFFFFFF  }
0xa5: {  	s26 =	simm.s32 $execute0_lowered;
	[smem:$0x3FD2] =	sst s25  }
0xa6: {  	s4 =	sshll.u32 s26, $0x1;
	_ =	strace $0x80000049;
	[dreg:$0x1] =	wrdreg $0xFFFFFFFF  }
0xa7: {  	s28 =	simm.s32 $_size_execute0_lowered;
	s2 =	sadd.s32 s2, s4;
	[dreg:$0x0] =	wrdreg $0x0  }
0xa8: {  	s4 =	sshll.u32 s28, $0x1;
	[dreg:$0x2] =	wrdreg s2  }
0xa9: {  	[dreg:$0x3] =	wrdreg s4  }
0xaa: {  	[dreg:$0x4] =	wrdreg $0xC0  }
0xab: {  	_ =	task [dreg:s6], $0x5FFFF  }
0xac: {  	[dreg:$0x1] =	wrdreg $0xFFFFFFFF  }
0xad: {  	[dreg:$0x0] =	wrdreg $0x60  }
0xae: {  	[dreg:$0x2] =	wrdreg s24  }
0xaf: {  	[dreg:$0x3] =	wrdreg $0x9  }
0xb0: {  	_ =	task.clear_ibuf [dreg:s6], $0x4FFFF;
	_ =	strace $0x90000049  }
0xb1: {  	s29 =	simm.s32 $0x9;
	_ =	strace $0x8000004B  }
0xb2: {  	_ =	swait.ge [sflag:s29], $0x1  }
0xb3: {  	[sflag:s29] =	ssyncadd.s32 $0xFFFFFFFF  }
0xb4: {  	_ =	strace $0x9000004B  }
0xb5: {  	_ =	sfence  }
0xb6: {  	s30 =	sld [smem:$0x0];
	_ =	sdelay $0x2  }
0xb7: {  	s31 =	sshll.u32 s1, $0xD;
	s1 =	sshrl.u32 s1, $0x2  }
0xb8: {  	s3 =	sand.u32 $0x4000, s31;
	s1 =	sadd.s32 s1, s30  }
0xb9: {  	s0 =	sor.u32 s3, s0;
	s1 =	sshll.u32 s1, $0x11  }
0xba: {  	s0 =	sor.u32 s1, s0  }
0xbb: {  	s0 =	sadd.s32 $0x8F2B, s0  }
0xbc: {  	[sflag:s0] =	ssyncadd.remote.s32 $0x1  }
0xbd: {  	_ =	sfence.sel $0xFFFF  }
0xbe: {  	[dreg:$0x0] =	wrdreg $0xFFFFFFFF;
	(pc) =	sbr.abs _section_cstart, $3  }
0xbf: {  	[dreg:$0x1] =	wrdreg $0xFFFFFFFF  }
0xc0: {  	_ =	task.clear_ibuf [dreg:s6], $0x2FFFF;
	_ =	strace $0x9FFFFFFF  }
0xc1: {  	(tm) =	ssettm $0x7FFFFFFF  }
tec
execute0_lowered:
.L_overlay_start_1:
0x0: {  	(tag) =	ssettag $0x1  }
0x1: {  	s4 =	rddreg [dreg:$0x0]  }
0x2: {  	s0 =	rddreg [dreg:$0x1]  }
0x3: {  	s1 =	simm.s32 $0x0;
	s5 =	srdreg.scid;
	s2 =	stileid.u32  }
0x4: {  	s18 =	simm.s32 $0x2100;
	s19 =	simm.s32 $0xA100;
	s20 =	simm.s32 $0x1  }
0x5: {  	s21 =	simm.s32 $0x2;
	s22 =	simm.s32 $0x12100;
	s23 =	simm.s32 $0x0  }
0x6: {  	[smem:$0x7FF] =	sst s1;
	s3 =	sadd.s32 $0x12200, s4;
	s9 =	sadd.s32 $0x1E00, s4  }
0x7: {  	s10 =	sadd.s32 $0x2000, s4;
	s5 =	sand.u32 $0x1, s5;
	s11 =	sadd.s32 $0x2200, s4  }
0x8: {  	s6 =	sshll.u32 s2, $0x7;
	s12 =	sadd.s32 $0xA200, s4;
	s7 =	sshll.u32 s5, $0x6  }
0x9: {  	s13 =	sadd.s32 $0x92200, s4;
	s5 =	ssub.s32 $0x2, s5;
	s8 =	sor.u32 s7, s6  }
0xa: {  	_ =	strace $0x8000004A;
	s31 =	sshrl.u32 s5, $0x1;
	s6 =	sshrl.u32 s8, $0x3  }
0xb: {  	s14 =	ssub.s32 s5, s31;
	s7 =	sshll.u32 s8, $0x4;
	s15 =	sor.u32 $0x20, s8  }
0xc: {  	s8 =	sshll.u32 s8, $0x7;
	s4 =	sadd.s32 s9, s6;
	s5 =	sadd.s32 s10, s6  }
0xd: {  	s6 =	sadd.s32 s11, s7;
	s7 =	sadd.s32 s12, s7;
	s16 =	sshrl.u32 s15, $0x3  }
0xe: {  	s8 =	sadd.s32 s13, s8;
	s17 =	sshll.u32 s15, $0x4;
	s15 =	sshll.u32 s15, $0x7  }
0xf: {  	s14 =	smax.u32 s14, $0x1;
	s9 =	sadd.s32 s9, s16;
	s10 =	sadd.s32 s10, s16  }
0x10: {  	s11 =	sadd.s32 s11, s17;
	s12 =	sadd.s32 s12, s17;
	s13 =	sadd.s32 s13, s15  }
0x11: {  	s15 =	simm.s32 $0x3;
	s16 =	simm.s32 $0x80;
	s17 =	simm.s32 $0x20  }
.LBB2_1:
0x12: {  	[tilespmem:s1], [sflag:$0x3] =	stream.linear.gather [hbm4b:s4+s1], $0x20, $0x38;
	[tilespmem:$0x1A100] =	vst v63  }
0x13: {  	_ =	swait.ge [sflag:s15], $0x20  }
0x14: {  	[sflag:s15] =	ssyncset.done $0x0  }
0x15: {  	[sflag:s15] =	ssyncadd.s32 $0xFFFFFFE0  }
0x16: {  	[tilespmem:s16], [sflag:$0x3] =	stream.linear.gather [hbm4b:s5+s1], $0x20, $0x38;
	[tilespmem:$0x1A100] =	vst v63  }
0x17: {  	_ =	swait.ge [sflag:s15], $0x20  }
0x18: {  	[sflag:s15] =	ssyncset.done $0x0  }
0x19: {  	s25 =	simm.s32 $0x100;
	[sflag:s15] =	ssyncadd.s32 $0xFFFFFFE0  }
0x1a: {  	[tilespmem:s25], [sflag:$0x3] =	stream.linear.gather [hbm4b:s6+s1], $0x1000, $0x38;
	[tilespmem:$0x1A100] =	vst v63  }
0x1b: {  	_ =	swait.ge [sflag:s15], $0x1000  }
0x1c: {  	[sflag:s15] =	ssyncset.done $0x0  }
0x1d: {  	s26 =	simm.s32 $0x1100;
	[sflag:s15] =	ssyncadd.s32 $0xFFFFF000  }
0x1e: {  	[tilespmem:s26], [sflag:$0x3] =	stream.linear.gather [hbm4b:s7+s1], $0x1000, $0x38;
	[tilespmem:$0x1A100] =	vst v63  }
0x1f: {  	_ =	swait.ge [sflag:s15], $0x1000  }
0x20: {  	[sflag:s15] =	ssyncset.done $0x0  }
0x21: {  	[sflag:s15] =	ssyncadd.s32 $0xFFFFF000  }
0x22: {  	[tilespmem:s18], [sflag:$0x1] =	stream.indirect.gather [hbm4b:s3+s17], $0x400, s1, s17, $0xb8;
	[tilespmem:$0x1A100] =	vst v63  }
0x23: {  	_ = 	snop  }
0x24: {  	[tilespmem:s19], [sflag:$0x2] =	stream.indirect.gather [hbm4b:s3+s17], $0x400, s16, s17, $0xb8;
	[tilespmem:$0x1A100] =	vst v63  }
0x25: {  	_ =	swait.ge [sflag:s20], $0x8000  }
0x26: {  	[sflag:s20] =	ssyncset.done $0x0  }
0x27: {  	[sflag:s20] =	ssyncadd.s32 $0xFFFF8000  }
0x28: {  	_ =	swait.ge [sflag:s21], $0x8000  }
0x29: {  	[sflag:s21] =	ssyncset.done $0x0  }
0x2a: {  	s24 =	simm.s32 $0x0;
	[sflag:s21] =	ssyncadd.s32 $0xFFFF8000  }
0x2b: {  	v0 =	vld [tilespmem:s24+$0x2100]  }
0x2c: {  	v35 =	vld [tilespmem:s24+$0x2110]  }
0x2d: {  	v36 =	vld [tilespmem:s24+$0xA110]  }
0x2e: {  	v40 =	vld [tilespmem:s24+$0x2120]  }
0x2f: {  	v39 =	vld [tilespmem:s24+$0xA120]  }
0x30: {  	v43 =	vld [tilespmem:s24+$0x2130]  }
0x31: {  	v42 =	vld [tilespmem:s24+$0xA130]  }
0x32: {  	v46 =	vld [tilespmem:s24+$0x2140]  }
0x33: {  	v45 =	vld [tilespmem:s24+$0xA140]  }
0x34: {  	v48 =	vld [tilespmem:s24+$0x2150]  }
0x35: {  	v47 =	vld [tilespmem:s24+$0xA150]  }
0x36: {  	v50 =	vld [tilespmem:s24+$0x2160]  }
0x37: {  	v49 =	vld [tilespmem:s24+$0xA160]  }
0x38: {  	v52 =	vld [tilespmem:s24+$0x2170]  }
0x39: {  	v51 =	vld [tilespmem:s24+$0xA170]  }
0x3a: {  	v54 =	vld [tilespmem:s24+$0x2180]  }
0x3b: {  	v53 =	vld [tilespmem:s24+$0xA180]  }
0x3c: {  	v56 =	vld [tilespmem:s24+$0x2190]  }
0x3d: {  	v55 =	vld [tilespmem:s24+$0xA190]  }
0x3e: {  	v58 =	vld [tilespmem:s24+$0x21A0]  }
0x3f: {  	[tilespmem:$0x1FF60] =	vst v0;
	v0 =	vld [tilespmem:s24+$0x21E0]  }
0x40: {  	v57 =	vld [tilespmem:s24+$0xA1A0]  }
0x41: {  	v59 =	vld [tilespmem:s24+$0x21B0]  }
0x42: {  	v60 =	vld [tilespmem:s24+$0xA1B0]  }
0x43: {  	v62 =	vld [tilespmem:s24+$0x21C0]  }
0x44: {  	[tilespmem:$0x1FF70] =	vst v0;
	v0 =	vld [tilespmem:s24+$0xA1E0]  }
0x45: {  	v61 =	vld [tilespmem:s24+$0xA1C0]  }
0x46: {  	v1 =	vld [tilespmem:s24+$0x21D0]  }
0x47: {  	v63 =	vld [tilespmem:s24+$0xA1D0]  }
0x48: {  	v11 =	vld [tilespmem:s24+$0x2250]  }
0x49: {  	[tilespmem:$0x1FF80] =	vst v0;
	v0 =	vld [tilespmem:s24+$0x21F0]  }
0x4a: {  	v12 =	vld [tilespmem:s24+$0x2260]  }
0x4b: {  	v13 =	vld [tilespmem:s24+$0x2270]  }
0x4c: {  	v14 =	vld [tilespmem:s24+$0x2280]  }
0x4d: {  	v15 =	vld [tilespmem:s24+$0x2290]  }
0x4e: {  	[tilespmem:$0x1FF90] =	vst v0;
	v0 =	vld [tilespmem:s24+$0xA1F0]  }
0x4f: {  	v16 =	vld [tilespmem:s24+$0x22A0]  }
0x50: {  	v17 =	vld [tilespmem:s24+$0x22B0]  }
0x51: {  	v18 =	vld [tilespmem:s24+$0x22C0]  }
0x52: {  	v19 =	vld [tilespmem:s24+$0x22D0]  }
0x53: {  	[tilespmem:$0x1FFA0] =	vst v0;
	v0 =	vld [tilespmem:s24+$0x2200]  }
0x54: {  	v20 =	vld [tilespmem:s24+$0x22E0]  }
0x55: {  	v21 =	vld [tilespmem:s24+$0x22F0]  }
0x56: {  	v22 =	vld [tilespmem:s24+$0x2300]  }
0x57: {  	v23 =	vld [tilespmem:s24+$0x2310]  }
0x58: {  	[tilespmem:$0x1FFB0] =	vst v0;
	v0 =	vld [tilespmem:s24+$0x2210]  }
0x59: {  	v24 =	vld [tilespmem:s24+$0x2320]  }
0x5a: {  	v25 =	vld [tilespmem:s24+$0x2330]  }
0x5b: {  	v26 =	vld [tilespmem:s24+$0x2340]  }
0x5c: {  	v27 =	vld [tilespmem:s24+$0x2350]  }
0x5d: {  	[tilespmem:$0x1FFC0] =	vst v0;
	v0 =	vld [tilespmem:s24+$0x2220]  }
0x5e: {  	v28 =	vld [tilespmem:s24+$0x2360]  }
0x5f: {  	v29 =	vld [tilespmem:s24+$0x2370]  }
0x60: {  	v30 =	vld [tilespmem:s24+$0x2380]  }
0x61: {  	v31 =	vld [tilespmem:s24+$0x2390]  }
0x62: {  	[tilespmem:$0x1FFD0] =	vst v0;
	v0 =	vld [tilespmem:s24+$0x2230]  }
0x63: {  	v32 =	vld [tilespmem:s24+$0x23A0]  }
0x64: {  	v34 =	vld [tilespmem:s24+$0x23B0]  }
0x65: {  	v37 =	vld [tilespmem:s24+$0x23C0]  }
0x66: {  	v38 =	vld [tilespmem:s24+$0x23D0]  }
0x67: {  	[tilespmem:$0x1FFE0] =	vst v0;
	v0 =	vld [tilespmem:s24+$0x2240]  }
0x68: {  	v41 =	vld [tilespmem:s24+$0x23E0]  }
0x69: {  	v44 =	vld [tilespmem:s24+$0x23F0]  }
0x6a: {  	v4 =	vld [tilespmem:s24+$0x24C0]  }
0x6b: {  	v5 =	vld [tilespmem:s24+$0xA4C0]  }
0x6c: {  	s28 =	simm.s32 $0x1000;
	v10 =	vld [tilespmem:s25+$0x0];
	[tilespmem:$0x1FFF0] =	vst v0  }
.LBB2_2:
0x6d: {  	_ = 	snop  }
0x6e: {  	v33 =	vld [tilespmem:s26+$0x0]  }
0x6f: {  	v0 =	vld [tilespmem:s24+$0x2400]  }
0x70: {  	v2 =	vld [tilespmem:s24+$0x2410]  }
0x71: {  	v3 =	vld [tilespmem:s24+$0x2420];
	v62 =	vmul.f32 v62, v10;
	v1 =	vmul.f32 v1, v10  }
0x72: {  	v6 =	vld [tilespmem:s24+$0x2430];
	v4 =	vmul.f32 v4, v10;
	v59 =	vmul.f32 v59, v10  }
0x73: {  	v7 =	vld [tilespmem:s24+$0x2440];
	v56 =	vmul.f32 v56, v10;
	v52 =	vmul.f32 v52, v10  }
0x74: {  	v8 =	vld [tilespmem:s24+$0x2450];
	v5 =	vmul.f32 v5, v33;
	v61 =	vmul.f32 v61, v33  }
0x75: {  	v9 =	vld [tilespmem:s24+$0x2460];
	v63 =	vmul.f32 v63, v33;
	v60 =	vmul.f32 v60, v33  }
0x76: {  	v4 =	vadd.f32 v5, v4;
	v5 =	vmul.f32 v58, v10;
	v58 =	vadd.f32 v61, v62;
	v61 =	vld [tilespmem:s24+$0x2470]  }
0x77: {  	v50 =	vmul.f32 v50, v10;
	v46 =	vmul.f32 v46, v10;
	v59 =	vadd.f32 v60, v59;
	v60 =	vld [tilespmem:s24+$0x2480]  }
0x78: {  	v45 =	vmul.f32 v45, v33;
	v1 =	vadd.f32 v63, v1;
	v63 =	vmul.f32 v55, v33;
	v55 =	vld [tilespmem:s24+$0x24A0]  }
0x79: {  	v48 =	vmul.f32 v48, v10;
	v51 =	vmul.f32 v51, v33;
	v62 =	vld [tilespmem:s24+$0x24B0]  }
0x7a: {  	v43 =	vmul.f32 v43, v10;
	v40 =	vmul.f32 v40, v10;
	v45 =	vadd.f32 v45, v46;
	v46 =	vld [tilespmem:s24+$0xA490]  }
0x7b: {  	v35 =	vmul.f32 v35, v10;
	v57 =	vmul.f32 v57, v33;
	v51 =	vadd.f32 v51, v52;
	v52 =	vld [tilespmem:s24+$0xA450]  }
0x7c: {  	v34 =	vmul.f32 v34, v10;
	v53 =	vmul.f32 v53, v33;
	[tilespmem:s24+$0x121D0] =	vst v1;
	v1 =	vld [tilespmem:s24+$0x2490]  }
0x7d: {  	[tilespmem:s24+$0x124C0] =	vst v4;
	v4 =	vmul.f32 v54, v10;
	v5 =	vadd.f32 v57, v5;
	v54 =	vadd.f32 v63, v56;
	v63 =	vld [tilespmem:s24+$0xA4D0]  }
0x7e: {  	v47 =	vmul.f32 v47, v33;
	v39 =	vmul.f32 v39, v33;
	[tilespmem:s24+$0x121C0] =	vst v58;
	v57 =	vld [tilespmem:s24+$0xA470]  }
0x7f: {  	v42 =	vmul.f32 v42, v33;
	v36 =	vmul.f32 v36, v33;
	[tilespmem:s24+$0x121A0] =	vst v5;
	v5 =	vld [tilespmem:s24+$0x24D0]  }
0x80: {  	v9 =	vmul.f32 v9, v10;
	v8 =	vmul.f32 v8, v10;
	v39 =	vadd.f32 v39, v40;
	[tilespmem:s24+$0x12190] =	vst v54;
	v54 =	vld [tilespmem:s24+$0xA4A0]  }
0x81: {  	v7 =	vmul.f32 v7, v10;
	v6 =	vmul.f32 v6, v10;
	[tilespmem:s24+$0x121B0] =	vst v59;
	v4 =	vadd.f32 v53, v4;
	v53 =	vld [tilespmem:s24+$0xA440]  }
0x82: {  	[tilespmem:s24+$0x12120] =	vst v39;
	v58 =	vmul.f32 v62, v10;
	v62 =	vld [tilespmem:s24+$0xA460];
	v39 =	vmul.f32 v52, v33  }
0x83: {  	v47 =	vadd.f32 v47, v48;
	v46 =	vmul.f32 v46, v33;
	[tilespmem:s24+$0x12180] =	vst v4;
	v4 =	vld [tilespmem:s24+$0xA4B0];
	v59 =	vmul.f32 v63, v33  }
0x84: {  	v63 =	vmul.f32 v55, v10;
	v1 =	vmul.f32 v1, v10;
	v55 =	vld [tilespmem:s24+$0xA430];
	v8 =	vadd.f32 v39, v8  }
0x85: {  	v42 =	vadd.f32 v42, v43;
	[tilespmem:s24+$0x12170] =	vst v51;
	v40 =	vmul.f32 v57, v33;
	v57 =	vld [tilespmem:s24+$0xA400];
	v5 =	vmul.f32 v5, v10  }
0x86: {  	v35 =	vadd.f32 v36, v35;
	v48 =	vmul.f32 v54, v33;
	v1 =	vadd.f32 v46, v1;
	[tilespmem:s24+$0x12450] =	vst v8;
	v8 =	vld [tilespmem:s24+$0xA3B0]  }
0x87: {  	[tilespmem:s24+$0x12130] =	vst v42;
	v54 =	vmul.f32 v60, v10;
	v60 =	vld [tilespmem:s24+$0xA3D0];
	v36 =	vmul.f32 v62, v33;
	v5 =	vadd.f32 v59, v5  }
0x88: {  	v3 =	vmul.f32 v3, v10;
	v4 =	vmul.f32 v4, v33;
	[tilespmem:s24+$0x12490] =	vst v1;
	v1 =	vld [tilespmem:s24+$0xA3F0]  }
0x89: {  	v0 =	vmul.f32 v0, v10;
	v9 =	vadd.f32 v36, v9;
	v59 =	vmul.f32 v55, v33;
	[tilespmem:s24+$0x124D0] =	vst v5;
	v5 =	vld [tilespmem:s24+$0xA420]  }
0x8a: {  	v43 =	vld [tilespmem:s24+$0xA480];
	[tilespmem:s24+$0x12110] =	vst v35;
	v56 =	vmul.f32 v61, v10;
	v62 =	vmul.f32 v57, v33;
	v4 =	vadd.f32 v4, v58  }
0x8b: {  	v61 =	vmul.f32 v44, v10;
	v58 =	vld [tilespmem:s24+$0xA3E0];
	[tilespmem:s24+$0x12460] =	vst v9;
	v6 =	vadd.f32 v59, v6;
	v8 =	vmul.f32 v8, v33  }
0x8c: {  	v35 =	vmul.f32 v53, v33;
	v42 =	vadd.f32 v48, v63;
	v0 =	vadd.f32 v62, v0;
	[tilespmem:s24+$0x124B0] =	vst v4;
	v4 =	vld [tilespmem:s24+$0xA410]  }
0x8d: {  	v9 =	vld [tilespmem:s24+$0xA3C0];
	v63 =	vmul.f32 v60, v33;
	v1 =	vmul.f32 v1, v33;
	[tilespmem:s24+$0x12430] =	vst v6;
	v8 =	vadd.f32 v8, v34  }
0x8e: {  	v7 =	vadd.f32 v35, v7;
	v6 =	vmul.f32 v38, v10;
	[tilespmem:s24+$0x12400] =	vst v0;
	v0 =	vld [tilespmem:s24+$0xA360];
	v5 =	vmul.f32 v5, v33  }
0x8f: {  	v49 =	vmul.f32 v49, v33;
	v2 =	vmul.f32 v2, v10;
	v1 =	vadd.f32 v1, v61;
	[tilespmem:s24+$0x123B0] =	vst v8;
	v8 =	vld [tilespmem:s24+$0xA310]  }
0x90: {  	[tilespmem:s24+$0x12440] =	vst v7;
	v7 =	vmul.f32 v41, v10;
	v6 =	vadd.f32 v63, v6;
	v3 =	vadd.f32 v5, v3;
	v5 =	vld [tilespmem:s24+$0xA3A0]  }
0x91: {  	v49 =	vadd.f32 v49, v50;
	v36 =	vmul.f32 v58, v33;
	v4 =	vmul.f32 v4, v33;
	[tilespmem:s24+$0x123F0] =	vst v1;
	v1 =	vld [tilespmem:s24+$0xA350]  }
0x92: {  	v37 =	vmul.f32 v37, v10;
	v9 =	vmul.f32 v9, v33;
	[tilespmem:s24+$0x123D0] =	vst v6;
	v6 =	vld [tilespmem:s24+$0xA330]  }
0x93: {  	[tilespmem:s24+$0x12160] =	vst v49;
	v7 =	vadd.f32 v36, v7;
	v2 =	vadd.f32 v4, v2;
	v4 =	vld [tilespmem:s24+$0xA390]  }
0x94: {  	v28 =	vmul.f32 v28, v10;
	v9 =	vadd.f32 v9, v37;
	v0 =	vmul.f32 v0, v33;
	[tilespmem:s24+$0x12420] =	vst v3;
	v3 =	vld [tilespmem:s24+$0xA380]  }
0x95: {  	v23 =	vmul.f32 v23, v10;
	[tilespmem:s24+$0x123E0] =	vst v7;
	v7 =	vld [tilespmem:s24+$0xA340];
	v8 =	vmul.f32 v8, v33  }
0x96: {  	v32 =	vmul.f32 v32, v10;
	[tilespmem:s24+$0x123C0] =	vst v9;
	v9 =	vld [tilespmem:s24+$0xA320];
	v0 =	vadd.f32 v0, v28;
	v5 =	vmul.f32 v5, v33  }
0x97: {  	v27 =	vmul.f32 v27, v10;
	[tilespmem:s24+$0x12410] =	vst v2;
	v2 =	vld [tilespmem:s24+$0xA370];
	v1 =	vmul.f32 v1, v33;
	v8 =	vadd.f32 v8, v23  }
0x98: {  	v25 =	vmul.f32 v25, v10;
	v6 =	vmul.f32 v6, v33;
	[tilespmem:s24+$0x12360] =	vst v0;
	v0 =	vld [tilespmem:s24+$0xA2C0];
	v5 =	vadd.f32 v5, v32  }
0x99: {  	v31 =	vmul.f32 v31, v10;
	v4 =	vmul.f32 v4, v33;
	v1 =	vadd.f32 v1, v27;
	[tilespmem:s24+$0x12310] =	vst v8;
	v8 =	vld [tilespmem:s24+$0xA270]  }
0x9a: {  	v30 =	vmul.f32 v30, v10;
	v3 =	vmul.f32 v3, v33;
	v6 =	vadd.f32 v6, v25;
	[tilespmem:s24+$0x123A0] =	vst v5;
	v5 =	vld [tilespmem:s24+$0xA300]  }
0x9b: {  	v26 =	vmul.f32 v26, v10;
	v7 =	vmul.f32 v7, v33;
	v4 =	vadd.f32 v4, v31;
	[tilespmem:s24+$0x12350] =	vst v1;
	v1 =	vld [tilespmem:s24+$0xA2B0]  }
0x9c: {  	v24 =	vmul.f32 v24, v10;
	v9 =	vmul.f32 v9, v33;
	v3 =	vadd.f32 v3, v30;
	[tilespmem:s24+$0x12330] =	vst v6;
	v6 =	vld [tilespmem:s24+$0xA290]  }
0x9d: {  	v29 =	vmul.f32 v29, v10;
	v2 =	vmul.f32 v2, v33;
	v7 =	vadd.f32 v7, v26;
	[tilespmem:s24+$0x12390] =	vst v4;
	v4 =	vld [tilespmem:s24+$0xA2F0]  }
0x9e: {  	v18 =	vmul.f32 v18, v10;
	v9 =	vadd.f32 v9, v24;
	v0 =	vmul.f32 v0, v33;
	[tilespmem:s24+$0x12380] =	vst v3;
	v3 =	vld [tilespmem:s24+$0xA2E0]  }
0x9f: {  	v22 =	vmul.f32 v22, v10;
	v2 =	vadd.f32 v2, v29;
	[tilespmem:s24+$0x12340] =	vst v7;
	v7 =	vld [tilespmem:s24+$0xA2A0]  }
0xa0: {  	v13 =	vmul.f32 v13, v10;
	[tilespmem:s24+$0x12320] =	vst v9;
	v9 =	vld [tilespmem:s24+$0xA280];
	v0 =	vadd.f32 v0, v18;
	v8 =	vmul.f32 v8, v33  }
0xa1: {  	v21 =	vmul.f32 v21, v10;
	v17 =	vmul.f32 v17, v10;
	[tilespmem:s24+$0x12370] =	vst v2;
	v2 =	vld [tilespmem:s24+$0xA2D0]  }
0xa2: {  	v15 =	vmul.f32 v15, v10;
	v5 =	vmul.f32 v5, v33;
	[tilespmem:s24+$0x122C0] =	vst v0;
	v0 =	vld [tilespmem:s24+$0xA220];
	v8 =	vadd.f32 v8, v13  }
0xa3: {  	[tilespmem:s24+$0x12150] =	vst v47;
	v1 =	vmul.f32 v1, v33;
	v6 =	vmul.f32 v6, v33;
	v13 =	vld [tilespmem:$0x1FFB0]  }
0xa4: {  	v20 =	vmul.f32 v20, v10;
	v14 =	vmul.f32 v14, v10;
	v5 =	vadd.f32 v5, v22;
	[tilespmem:s24+$0x12270] =	vst v8;
	v8 =	vld [tilespmem:s24+$0xA4E0]  }
0xa5: {  	[tilespmem:s24+$0x12140] =	vst v45;
	v4 =	vmul.f32 v4, v33;
	v1 =	vadd.f32 v1, v17;
	v6 =	vadd.f32 v6, v15;
	v15 =	vld [tilespmem:$0x1FFA0]  }
0xa6: {  	v40 =	vadd.f32 v40, v56;
	v3 =	vmul.f32 v3, v33;
	v9 =	vmul.f32 v9, v33;
	[tilespmem:s24+$0x12300] =	vst v5;
	v5 =	vld [tilespmem:s24+$0xA260]  }
0xa7: {  	v19 =	vmul.f32 v19, v10;
	v4 =	vadd.f32 v4, v21;
	[tilespmem:s24+$0x122B0] =	vst v1;
	v1 =	vld [tilespmem:s24+$0xA210]  }
0xa8: {  	[tilespmem:s24+$0x12470] =	vst v40;
	v2 =	vmul.f32 v2, v33;
	v3 =	vadd.f32 v3, v20;
	v9 =	vadd.f32 v9, v14;
	v14 =	vld [tilespmem:$0x1FFF0]  }
0xa9: {  	v16 =	vmul.f32 v16, v10;
	v7 =	vmul.f32 v7, v33;
	[tilespmem:s24+$0x122F0] =	vst v4;
	v4 =	vld [tilespmem:s24+$0xA250]  }
0xaa: {  	v2 =	vadd.f32 v2, v19;
	[tilespmem:s24+$0x122E0] =	vst v3;
	v3 =	vld [tilespmem:s24+$0xA240]  }
0xab: {  	v12 =	vmul.f32 v12, v10;
	v7 =	vadd.f32 v7, v16;
	[tilespmem:s24+$0x12290] =	vst v6;
	v6 =	vld [tilespmem:$0x1FFE0]  }
0xac: {  	v43 =	vmul.f32 v43, v33;
	[tilespmem:s24+$0x122D0] =	vst v2;
	v2 =	vld [tilespmem:s24+$0xA230];
	v5 =	vmul.f32 v5, v33  }
0xad: {  	v11 =	vmul.f32 v11, v10;
	[tilespmem:s24+$0x122A0] =	vst v7;
	v7 =	vld [tilespmem:s24+$0xA200]  }
0xae: {  	v43 =	vadd.f32 v43, v54;
	[tilespmem:s24+$0x124A0] =	vst v42;
	v4 =	vmul.f32 v4, v33;
	v5 =	vadd.f32 v5, v12;
	v12 =	vld [tilespmem:$0x1FFD0]  }
0xaf: {  	[tilespmem:s24+$0x12280] =	vst v9;
	v9 =	vld [tilespmem:s24+$0x24E0];
	v14 =	vmul.f32 v14, v10;
	v3 =	vmul.f32 v3, v33  }
0xb0: {  	[tilespmem:s24+$0x12480] =	vst v43;
	v4 =	vadd.f32 v4, v11;
	v11 =	vld [tilespmem:$0x1FFC0]  }
0xb1: {  	v6 =	vmul.f32 v6, v10;
	v2 =	vmul.f32 v2, v33;
	v3 =	vadd.f32 v3, v14;
	[tilespmem:s24+$0x12260] =	vst v5;
	v5 =	vld [tilespmem:s24+$0x24F0]  }
0xb2: {  	v14 =	vld [tilespmem:$0x1FF90];
	[tilespmem:s24+$0x12250] =	vst v4  }
0xb3: {  	s29 =	sshra.s32 s28, $0x2;
	v0 =	vmul.f32 v0, v33;
	v2 =	vadd.f32 v2, v6;
	v4 =	vld [tilespmem:s24+$0xA4F0];
	[tilespmem:s24+$0x12240] =	vst v3;
	v12 =	vmul.f32 v12, v10  }
0xb4: {  	v3 =	vld [tilespmem:s29+$0x2100]  }
0xb5: {  	v1 =	vmul.f32 v1, v33;
	[tilespmem:s24+$0x12230] =	vst v2;
	v2 =	vld [tilespmem:$0x1FF80];
	v11 =	vmul.f32 v11, v10;
	v0 =	vadd.f32 v0, v12  }
0xb6: {  	v12 =	vld [tilespmem:$0x1FF70]  }
0xb7: {  	v35 =	vld [tilespmem:s29+$0x2110];
	v1 =	vadd.f32 v1, v11;
	[tilespmem:s24+$0x12220] =	vst v0  }
0xb8: {  	v13 =	vmul.f32 v13, v10;
	v15 =	vmul.f32 v15, v33;
	v36 =	vld [tilespmem:s29+$0xA110]  }
0xb9: {  	v7 =	vmul.f32 v7, v33;
	[tilespmem:s24+$0x12210] =	vst v1;
	v1 =	vmul.f32 v8, v33;
	v8 =	vld [tilespmem:$0x1FF60]  }
0xba: {  	v6 =	vld [tilespmem:s24+$0xA100];
	v14 =	vmul.f32 v14, v10;
	v2 =	vmul.f32 v2, v33  }
0xbb: {  	v7 =	vadd.f32 v7, v13  }
0xbc: {  	v0 =	vmul.f32 v9, v10;
	v9 =	vadd.f32 v15, v14;
	v12 =	vmul.f32 v12, v10  }
0xbd: {  	v5 =	vmul.f32 v5, v10;
	v4 =	vmul.f32 v4, v33;
	v40 =	vld [tilespmem:s29+$0x2120];
	[tilespmem:s24+$0x12200] =	vst v7  }
0xbe: {  	v39 =	vld [tilespmem:s29+$0xA120];
	[tilespmem:s24+$0x121F0] =	vst v9;
	v8 =	vmul.f32 v8, v10;
	v10 =	vadd.f32 v2, v12;
	v2 =	vmov v3  }
0xbf: {  	v6 =	vmul.f32 v6, v33;
	v0 =	vadd.f32 v1, v0;
	[tilespmem:$0x1FF60] =	vst v2  }
0xc0: {  	v1 =	vadd.f32 v4, v5;
	v43 =	vld [tilespmem:s29+$0x2130];
	[tilespmem:s24+$0x121E0] =	vst v10  }
0xc1: {  	v2 =	vadd.f32 v6, v8;
	v42 =	vld [tilespmem:s29+$0xA130];
	[tilespmem:s24+$0x124E0] =	vst v0  }
0xc2: {  	v46 =	vld [tilespmem:s29+$0x2140];
	[tilespmem:s24+$0x124F0] =	vst v1  }
0xc3: {  	v45 =	vld [tilespmem:s29+$0xA140];
	[tilespmem:s24+$0x12100] =	vst v2;
	s24 =	smov.u32 s29  }
0xc4: {  	v48 =	vld [tilespmem:s24+$0x2150]  }
0xc5: {  	v47 =	vld [tilespmem:s24+$0xA150]  }
0xc6: {  	v50 =	vld [tilespmem:s24+$0x2160]  }
0xc7: {  	v49 =	vld [tilespmem:s24+$0xA160]  }
0xc8: {  	v52 =	vld [tilespmem:s24+$0x2170]  }
0xc9: {  	v51 =	vld [tilespmem:s24+$0xA170]  }
0xca: {  	v54 =	vld [tilespmem:s24+$0x2180]  }
0xcb: {  	v53 =	vld [tilespmem:s24+$0xA180]  }
0xcc: {  	v56 =	vld [tilespmem:s24+$0x2190]  }
0xcd: {  	v55 =	vld [tilespmem:s24+$0xA190]  }
0xce: {  	v58 =	vld [tilespmem:s24+$0x21A0]  }
0xcf: {  	v0 =	vld [tilespmem:s24+$0x21E0]  }
0xd0: {  	v57 =	vld [tilespmem:s24+$0xA1A0]  }
0xd1: {  	v59 =	vld [tilespmem:s24+$0x21B0]  }
0xd2: {  	v60 =	vld [tilespmem:s24+$0xA1B0]  }
0xd3: {  	v62 =	vld [tilespmem:s24+$0x21C0]  }
0xd4: {  	[tilespmem:$0x1FF70] =	vst v0;
	v0 =	vld [tilespmem:s24+$0xA1E0]  }
0xd5: {  	v61 =	vld [tilespmem:s24+$0xA1C0]  }
0xd6: {  	v1 =	vld [tilespmem:s24+$0x21D0]  }
0xd7: {  	v63 =	vld [tilespmem:s24+$0xA1D0]  }
0xd8: {  	v11 =	vld [tilespmem:s24+$0x2250]  }
0xd9: {  	[tilespmem:$0x1FF80] =	vst v0;
	v0 =	vld [tilespmem:s24+$0x21F0]  }
0xda: {  	v12 =	vld [tilespmem:s24+$0x2260]  }
0xdb: {  	v13 =	vld [tilespmem:s24+$0x2270]  }
0xdc: {  	v14 =	vld [tilespmem:s24+$0x2280]  }
0xdd: {  	v15 =	vld [tilespmem:s24+$0x2290]  }
0xde: {  	[tilespmem:$0x1FF90] =	vst v0;
	v0 =	vld [tilespmem:s24+$0xA1F0]  }
0xdf: {  	v16 =	vld [tilespmem:s24+$0x22A0]  }
0xe0: {  	v17 =	vld [tilespmem:s24+$0x22B0]  }
0xe1: {  	v18 =	vld [tilespmem:s24+$0x22C0]  }
0xe2: {  	v19 =	vld [tilespmem:s24+$0x22D0]  }
0xe3: {  	[tilespmem:$0x1FFA0] =	vst v0;
	v0 =	vld [tilespmem:s24+$0x2200]  }
0xe4: {  	v20 =	vld [tilespmem:s24+$0x22E0]  }
0xe5: {  	v21 =	vld [tilespmem:s24+$0x22F0]  }
0xe6: {  	v22 =	vld [tilespmem:s24+$0x2300]  }
0xe7: {  	v23 =	vld [tilespmem:s24+$0x2310]  }
0xe8: {  	[tilespmem:$0x1FFB0] =	vst v0;
	v0 =	vld [tilespmem:s24+$0x2210]  }
0xe9: {  	v24 =	vld [tilespmem:s24+$0x2320]  }
0xea: {  	v25 =	vld [tilespmem:s24+$0x2330]  }
0xeb: {  	v26 =	vld [tilespmem:s24+$0x2340]  }
0xec: {  	v27 =	vld [tilespmem:s24+$0x2350]  }
0xed: {  	[tilespmem:$0x1FFC0] =	vst v0;
	v0 =	vld [tilespmem:s24+$0x2220]  }
0xee: {  	v28 =	vld [tilespmem:s24+$0x2360]  }
0xef: {  	v29 =	vld [tilespmem:s24+$0x2370]  }
0xf0: {  	v30 =	vld [tilespmem:s24+$0x2380]  }
0xf1: {  	v31 =	vld [tilespmem:s24+$0x2390]  }
0xf2: {  	[tilespmem:$0x1FFD0] =	vst v0;
	v0 =	vld [tilespmem:s24+$0x2230]  }
0xf3: {  	v32 =	vld [tilespmem:s24+$0x23A0]  }
0xf4: {  	v34 =	vld [tilespmem:s24+$0x23B0]  }
0xf5: {  	v37 =	vld [tilespmem:s24+$0x23C0]  }
0xf6: {  	v38 =	vld [tilespmem:s24+$0x23D0]  }
0xf7: {  	p0 =	sne.s32 s28, $0x1F000;
	[tilespmem:$0x1FFE0] =	vst v0;
	v0 =	vld [tilespmem:s24+$0x2240]  }
.Ltmp0:
0xf8: {  	v41 =	vld [tilespmem:s24+$0x23E0];
	(pc) =	sbr.rel @p0 .LBB2_2-.Ltmp0, $4  }
0xf9: {  	v44 =	vld [tilespmem:s24+$0x23F0]  }
0xfa: {  	v4 =	vld [tilespmem:s24+$0x24C0]  }
0xfb: {  	s25 =	sadd.s32 $0x80, s25;
	v5 =	vld [tilespmem:s24+$0xA4C0]  }
0xfc: {  	s28 =	sadd.s32 $0x1000, s28;
	s26 =	sadd.s32 $0x80, s26;
	v10 =	vld [tilespmem:s25+$0x0];
	[tilespmem:$0x1FFF0] =	vst v0  }
0xfd: {  	v33 =	vld [tilespmem:s26+$0x0];
	_ =	sdelay $0x4  }
0xfe: {  	v4 =	vmul.f32 v4, v10;
	v5 =	vmul.f32 v5, v33  }
0xff: {  	v1 =	vmul.f32 v1, v10;
	v9 =	vmul.f32 v63, v33  }
0x100: {  	v4 =	vadd.f32 v5, v4  }
0x101: {  	v61 =	vmul.f32 v61, v33;
	v1 =	vadd.f32 v9, v1;
	v9 =	vmul.f32 v62, v10  }
0x102: {  	[tilespmem:s24+$0x124C0] =	vst v4  }
0x103: {  	v0 =	vld [tilespmem:s24+$0x2400];
	v4 =	vadd.f32 v61, v9;
	[tilespmem:s24+$0x121D0] =	vst v1;
	v1 =	vmul.f32 v59, v10;
	v9 =	vmul.f32 v60, v33  }
0x104: {  	v2 =	vld [tilespmem:s24+$0x2410]  }
0x105: {  	v3 =	vld [tilespmem:s24+$0x2420];
	v1 =	vadd.f32 v9, v1;
	[tilespmem:s24+$0x121C0] =	vst v4;
	v4 =	vmul.f32 v58, v10;
	v9 =	vmul.f32 v57, v33  }
0x106: {  	v6 =	vld [tilespmem:s24+$0x2430]  }
0x107: {  	v7 =	vld [tilespmem:s24+$0x2440];
	v4 =	vadd.f32 v9, v4;
	[tilespmem:s24+$0x121B0] =	vst v1;
	v1 =	vmul.f32 v56, v10;
	v9 =	vmul.f32 v55, v33  }
0x108: {  	v8 =	vld [tilespmem:s24+$0x2450]  }
0x109: {  	v63 =	vld [tilespmem:s24+$0x2460];
	v1 =	vadd.f32 v9, v1;
	[tilespmem:s24+$0x121A0] =	vst v4;
	v4 =	vmul.f32 v54, v10;
	v9 =	vmul.f32 v53, v33  }
0x10a: {  	v60 =	vld [tilespmem:s24+$0x24D0]  }
0x10b: {  	v61 =	vld [tilespmem:s24+$0xA4D0];
	v4 =	vadd.f32 v9, v4;
	[tilespmem:s24+$0x12190] =	vst v1;
	v1 =	vmul.f32 v52, v10;
	v9 =	vmul.f32 v51, v33  }
0x10c: {  	v5 =	vld [tilespmem:s24+$0x2470]  }
0x10d: {  	v62 =	vld [tilespmem:s24+$0x2480];
	v1 =	vadd.f32 v9, v1;
	[tilespmem:s24+$0x12180] =	vst v4;
	v4 =	vmul.f32 v50, v10;
	v9 =	vmul.f32 v49, v33  }
0x10e: {  	v35 =	vmul.f32 v35, v10;
	v36 =	vmul.f32 v36, v33;
	v59 =	vld [tilespmem:s24+$0x2490]  }
0x10f: {  	v57 =	vld [tilespmem:s24+$0x24A0];
	v4 =	vadd.f32 v9, v4;
	[tilespmem:s24+$0x12170] =	vst v1;
	v1 =	vmul.f32 v48, v10;
	v9 =	vmul.f32 v47, v33  }
0x110: {  	v55 =	vld [tilespmem:s24+$0x24B0];
	v56 =	vmul.f32 v60, v10;
	v58 =	vmul.f32 v61, v33  }
0x111: {  	v54 =	vld [tilespmem:s24+$0xA490];
	v1 =	vadd.f32 v9, v1;
	[tilespmem:s24+$0x12160] =	vst v4;
	v4 =	vmul.f32 v46, v10;
	v9 =	vmul.f32 v45, v33  }
0x112: {  	v35 =	vadd.f32 v36, v35;
	v36 =	vadd.f32 v58, v56;
	v56 =	vld [tilespmem:s24+$0xA400]  }
0x113: {  	v42 =	vmul.f32 v42, v33;
	v52 =	vld [tilespmem:s24+$0xA4A0];
	v4 =	vadd.f32 v9, v4;
	v9 =	vmul.f32 v43, v10  }
0x114: {  	v40 =	vmul.f32 v40, v10;
	v49 =	vld [tilespmem:s24+$0xA4B0]  }
0x115: {  	v28 =	vmul.f32 v28, v10;
	v39 =	vmul.f32 v39, v33;
	v50 =	vld [tilespmem:s24+$0xA430];
	v9 =	vadd.f32 v42, v9  }
0x116: {  	v7 =	vmul.f32 v7, v10;
	v0 =	vmul.f32 v0, v10;
	[tilespmem:s24+$0x12140] =	vst v4;
	v4 =	vld [tilespmem:s24+$0xA470]  }
0x117: {  	v53 =	vmul.f32 v59, v10;
	v59 =	vmul.f32 v56, v33;
	[tilespmem:s24+$0x12130] =	vst v9;
	v9 =	vld [tilespmem:s24+$0xA460]  }
0x118: {  	v6 =	vmul.f32 v6, v10;
	v47 =	vmul.f32 v52, v33;
	v52 =	vld [tilespmem:s24+$0xA420]  }
0x119: {  	v3 =	vmul.f32 v3, v10;
	v0 =	vadd.f32 v59, v0;
	v48 =	vmul.f32 v49, v33;
	v49 =	vld [tilespmem:s24+$0xA440]  }
0x11a: {  	v2 =	vmul.f32 v2, v10;
	v5 =	vmul.f32 v5, v10;
	[tilespmem:s24+$0x12150] =	vst v1;
	v1 =	vld [tilespmem:s24+$0xA480]  }
0x11b: {  	v39 =	vadd.f32 v39, v40;
	v58 =	vmul.f32 v63, v10;
	[tilespmem:s24+$0x12400] =	vst v0;
	v0 =	vld [tilespmem:s24+$0xA360];
	v4 =	vmul.f32 v4, v33  }
0x11c: {  	v60 =	vld [tilespmem:s24+$0xA450];
	v51 =	vmul.f32 v57, v10;
	v9 =	vmul.f32 v9, v33  }
0x11d: {  	[tilespmem:s24+$0x12120] =	vst v39;
	v61 =	vmul.f32 v55, v10;
	v45 =	vmul.f32 v54, v33;
	v54 =	vld [tilespmem:s24+$0xA410];
	v4 =	vadd.f32 v4, v5  }
0x11e: {  	[tilespmem:s24+$0x124D0] =	vst v36;
	v55 =	vmul.f32 v62, v10;
	v36 =	vmul.f32 v52, v33;
	v9 =	vadd.f32 v9, v58  }
0x11f: {  	v57 =	vld [tilespmem:s24+$0xA3F0];
	v39 =	vmul.f32 v49, v33;
	v1 =	vmul.f32 v1, v33;
	[tilespmem:s24+$0x12470] =	vst v4  }
0x120: {  	v3 =	vadd.f32 v36, v3;
	v0 =	vmul.f32 v0, v33;
	v4 =	vld [tilespmem:s24+$0xA3D0];
	[tilespmem:s24+$0x12460] =	vst v9;
	v9 =	vmul.f32 v50, v33  }
0x121: {  	v7 =	vadd.f32 v39, v7;
	v5 =	vmul.f32 v8, v10;
	v8 =	vmul.f32 v60, v33  }
0x122: {  	[tilespmem:s24+$0x12420] =	vst v3;
	v3 =	vld [tilespmem:s24+$0xA380];
	v1 =	vadd.f32 v1, v55;
	v6 =	vadd.f32 v9, v6;
	v9 =	vmul.f32 v54, v33  }
0x123: {  	[tilespmem:s24+$0x12110] =	vst v35;
	v0 =	vadd.f32 v0, v28;
	v5 =	vadd.f32 v8, v5;
	v8 =	vld [tilespmem:s24+$0xA3C0]  }
0x124: {  	[tilespmem:s24+$0x12440] =	vst v7;
	v7 =	vld [tilespmem:s24+$0xA3A0];
	v60 =	vmul.f32 v57, v33;
	v2 =	vadd.f32 v9, v2;
	v9 =	vmul.f32 v44, v10  }
0x125: {  	v62 =	vmul.f32 v38, v10;
	[tilespmem:s24+$0x12480] =	vst v1;
	v1 =	vld [tilespmem:s24+$0xA3E0];
	v4 =	vmul.f32 v4, v33  }
0x126: {  	v32 =	vmul.f32 v32, v10;
	[tilespmem:s24+$0x12360] =	vst v0;
	v9 =	vadd.f32 v60, v9  }
0x127: {  	v30 =	vmul.f32 v30, v10;
	v3 =	vmul.f32 v3, v33;
	[tilespmem:s24+$0x12430] =	vst v6;
	v6 =	vld [tilespmem:s24+$0xA390];
	v4 =	vadd.f32 v4, v62  }
0x128: {  	v63 =	vmul.f32 v37, v10;
	v8 =	vmul.f32 v8, v33;
	[tilespmem:s24+$0x123F0] =	vst v9;
	v9 =	vld [tilespmem:s24+$0xA350]  }
0x129: {  	v35 =	vadd.f32 v48, v61;
	v7 =	vmul.f32 v7, v33;
	v3 =	vadd.f32 v3, v30;
	[tilespmem:s24+$0x123D0] =	vst v4;
	v4 =	vld [tilespmem:s24+$0xA330]  }
0x12a: {  	v61 =	vmul.f32 v41, v10;
	[tilespmem:s24+$0x12450] =	vst v5;
	v5 =	vld [tilespmem:s24+$0xA3B0];
	v1 =	vmul.f32 v1, v33;
	v8 =	vadd.f32 v8, v63  }
0x12b: {  	v0 =	vld [tilespmem:s24+$0xA2C0];
	v7 =	vadd.f32 v7, v32;
	[tilespmem:s24+$0x12380] =	vst v3  }
0x12c: {  	v31 =	vmul.f32 v31, v10;
	v1 =	vadd.f32 v1, v61;
	[tilespmem:s24+$0x123C0] =	vst v8;
	v8 =	vld [tilespmem:s24+$0xA320];
	v6 =	vmul.f32 v6, v33  }
0x12d: {  	v27 =	vmul.f32 v27, v10;
	[tilespmem:s24+$0x123A0] =	vst v7;
	v7 =	vld [tilespmem:s24+$0xA300];
	v9 =	vmul.f32 v9, v33  }
0x12e: {  	v25 =	vmul.f32 v25, v10;
	[tilespmem:s24+$0x123E0] =	vst v1;
	v1 =	vld [tilespmem:s24+$0xA340];
	v6 =	vadd.f32 v6, v31;
	v4 =	vmul.f32 v4, v33  }
0x12f: {  	v34 =	vmul.f32 v34, v10;
	v5 =	vmul.f32 v5, v33;
	[tilespmem:s24+$0x12410] =	vst v2;
	v2 =	vld [tilespmem:s24+$0xA370];
	v9 =	vadd.f32 v9, v27  }
0x130: {  	v18 =	vmul.f32 v18, v10;
	v0 =	vmul.f32 v0, v33;
	[tilespmem:s24+$0x12390] =	vst v6;
	v6 =	vld [tilespmem:s24+$0xA2F0];
	v4 =	vadd.f32 v4, v25  }
0x131: {  	v24 =	vmul.f32 v24, v10;
	v5 =	vadd.f32 v5, v34;
	v8 =	vmul.f32 v8, v33;
	[tilespmem:s24+$0x12350] =	vst v9;
	v9 =	vld [tilespmem:s24+$0xA2B0]  }
0x132: {  	v22 =	vmul.f32 v22, v10;
	v0 =	vadd.f32 v0, v18;
	v7 =	vmul.f32 v7, v33;
	[tilespmem:s24+$0x12330] =	vst v4;
	v4 =	vld [tilespmem:s24+$0xA290]  }
0x133: {  	v26 =	vmul.f32 v26, v10;
	[tilespmem:s24+$0x123B0] =	vst v5;
	v5 =	vld [tilespmem:s24+$0xA310];
	v1 =	vmul.f32 v1, v33;
	v8 =	vadd.f32 v8, v24  }
0x134: {  	v29 =	vmul.f32 v29, v10;
	v3 =	vld [tilespmem:s24+$0xA2E0];
	[tilespmem:s24+$0x122C0] =	vst v0;
	v2 =	vmul.f32 v2, v33;
	v7 =	vadd.f32 v7, v22  }
0x135: {  	v21 =	vmul.f32 v21, v10;
	v1 =	vadd.f32 v1, v26;
	[tilespmem:s24+$0x12320] =	vst v8;
	v8 =	vld [tilespmem:s24+$0xA280];
	v6 =	vmul.f32 v6, v33  }
0x136: {  	v17 =	vmul.f32 v17, v10;
	v2 =	vadd.f32 v2, v29;
	[tilespmem:s24+$0x12300] =	vst v7;
	v7 =	vld [tilespmem:s24+$0xA260];
	v9 =	vmul.f32 v9, v33  }
0x137: {  	v15 =	vmul.f32 v15, v10;
	[tilespmem:s24+$0x12340] =	vst v1;
	v1 =	vld [tilespmem:s24+$0xA2A0];
	v6 =	vadd.f32 v6, v21;
	v4 =	vmul.f32 v4, v33  }
0x138: {  	v23 =	vmul.f32 v23, v10;
	v5 =	vmul.f32 v5, v33;
	[tilespmem:s24+$0x12370] =	vst v2;
	v2 =	vld [tilespmem:s24+$0xA2D0];
	v9 =	vadd.f32 v9, v17  }
0x139: {  	v20 =	vmul.f32 v20, v10;
	v3 =	vmul.f32 v3, v33;
	[tilespmem:s24+$0x122F0] =	vst v6;
	v6 =	vld [tilespmem:s24+$0xA250];
	v4 =	vadd.f32 v4, v15  }
0x13a: {  	v5 =	vadd.f32 v5, v23;
	v8 =	vmul.f32 v8, v33;
	[tilespmem:s24+$0x122B0] =	vst v9;
	v9 =	vmul.f32 v14, v10  }
0x13b: {  	v3 =	vadd.f32 v3, v20;
	v7 =	vmul.f32 v7, v33;
	[tilespmem:s24+$0x12290] =	vst v4;
	v4 =	vmul.f32 v12, v10  }
0x13c: {  	v16 =	vmul.f32 v16, v10;
	[tilespmem:s24+$0x12310] =	vst v5;
	v5 =	vld [tilespmem:s24+$0xA270];
	v1 =	vmul.f32 v1, v33;
	v8 =	vadd.f32 v8, v9  }
0x13d: {  	v19 =	vmul.f32 v19, v10;
	v0 =	vld [tilespmem:s24+$0xA220];
	[tilespmem:s24+$0x122E0] =	vst v3;
	v2 =	vmul.f32 v2, v33;
	v4 =	vadd.f32 v7, v4  }
0x13e: {  	v3 =	vld [tilespmem:s24+$0xA240];
	v1 =	vadd.f32 v1, v16;
	v6 =	vmul.f32 v6, v33;
	[tilespmem:s24+$0x12280] =	vst v8;
	v8 =	vmul.f32 v11, v10  }
0x13f: {  	v2 =	vadd.f32 v2, v19;
	[tilespmem:s24+$0x12260] =	vst v4;
	v4 =	vld [tilespmem:$0x1FFF0]  }
0x140: {  	[tilespmem:s24+$0x122A0] =	vst v1;
	v1 =	vmul.f32 v13, v10;
	v13 =	vld [tilespmem:$0x1FFB0];
	v6 =	vadd.f32 v6, v8  }
0x141: {  	v5 =	vmul.f32 v5, v33;
	[tilespmem:s24+$0x122D0] =	vst v2;
	v2 =	vld [tilespmem:s24+$0xA230]  }
0x142: {  	[tilespmem:s24+$0x12250] =	vst v6;
	v6 =	vld [tilespmem:$0x1FFD0]  }
0x143: {  	v1 =	vadd.f32 v5, v1;
	v5 =	vld [tilespmem:s24+$0x24E0]  }
0x144: {  	v3 =	vmul.f32 v3, v33;
	v14 =	vld [tilespmem:s24+$0xA210];
	v4 =	vmul.f32 v4, v10  }
0x145: {  	v8 =	vld [tilespmem:$0x1FFE0]  }
0x146: {  	v11 =	vld [tilespmem:$0x1FFC0];
	v3 =	vadd.f32 v3, v4  }
0x147: {  	v0 =	vmul.f32 v0, v33;
	[tilespmem:s24+$0x12270] =	vst v1;
	v1 =	vld [tilespmem:s24+$0xA4E0];
	v6 =	vmul.f32 v6, v10  }
0x148: {  	[tilespmem:s24+$0x12240] =	vst v3;
	v3 =	vld [tilespmem:$0x1FF90]  }
0x149: {  	v0 =	vadd.f32 v0, v6;
	v6 =	vld [tilespmem:$0x1FFA0]  }
0x14a: {  	v9 =	vld [tilespmem:s24+$0xA200];
	v2 =	vmul.f32 v2, v33;
	v8 =	vmul.f32 v8, v10  }
0x14b: {  	v7 =	vld [tilespmem:s24+$0x24F0];
	v12 =	vmul.f32 v14, v33;
	v11 =	vmul.f32 v11, v10  }
0x14c: {  	v4 =	vld [tilespmem:s24+$0xA4F0];
	v2 =	vadd.f32 v2, v8  }
0x14d: {  	v46 =	vadd.f32 v47, v51;
	v11 =	vadd.f32 v12, v11;
	v12 =	vld [tilespmem:$0x1FF80]  }
0x14e: {  	[tilespmem:s24+$0x12230] =	vst v2;
	v2 =	vld [tilespmem:$0x1FF70];
	v3 =	vmul.f32 v3, v10;
	v6 =	vmul.f32 v6, v33  }
0x14f: {  	[tilespmem:s24+$0x124A0] =	vst v46;
	v13 =	vmul.f32 v13, v10;
	v9 =	vmul.f32 v9, v33;
	v8 =	vld [tilespmem:s24+$0xA100]  }
0x150: {  	v42 =	vadd.f32 v45, v53;
	[tilespmem:s24+$0x124B0] =	vst v35;
	v3 =	vadd.f32 v6, v3;
	v6 =	vld [tilespmem:$0x1FF60]  }
0x151: {  	v1 =	vmul.f32 v1, v33;
	v9 =	vadd.f32 v9, v13;
	[tilespmem:s24+$0x12220] =	vst v0;
	v0 =	vmul.f32 v5, v10  }
0x152: {  	[tilespmem:s24+$0x12490] =	vst v42;
	v4 =	vmul.f32 v4, v33;
	v5 =	vmul.f32 v7, v10  }
0x153: {  	[tilespmem:s24+$0x12200] =	vst v9;
	v12 =	vmul.f32 v12, v33;
	v0 =	vadd.f32 v1, v0;
	v2 =	vmul.f32 v2, v10  }
0x154: {  	[tilespmem:s24+$0x12210] =	vst v11;
	v1 =	vadd.f32 v4, v5  }
0x155: {  	v7 =	vmul.f32 v8, v33;
	[tilespmem:s24+$0x124E0] =	vst v0;
	v2 =	vadd.f32 v12, v2;
	v6 =	vmul.f32 v6, v10  }
0x156: {  	[tilespmem:s24+$0x124F0] =	vst v1  }
0x157: {  	[tilespmem:s24+$0x121E0] =	vst v2;
	v2 =	vadd.f32 v7, v6  }
0x158: {  	[tilespmem:s24+$0x121F0] =	vst v3  }
0x159: {  	s31 =	simm.s32 $0x0;
	[tilespmem:s24+$0x12100] =	vst v2  }
0x15a: {  	[hbm4b:s8+s31] =	stream.linear.scatter [tilespmem:s22], [sflag:$0x3], $0x8000, $0x38;
	[tilespmem:$0x1A100] =	vst v63  }
0x15b: {  	_ =	swait.ge [sflag:s15], $0x8000  }
0x15c: {  	[sflag:s15] =	ssyncset.done $0x0  }
0x15d: {  	[sflag:s15] =	ssyncadd.s32 $0xFFFF8000  }
0x15e: {  	[tilespmem:s31], [sflag:$0x3] =	stream.linear.gather [hbm4b:s9+s31], $0x20, $0x38;
	[tilespmem:$0x1A100] =	vst v63  }
0x15f: {  	_ =	swait.ge [sflag:s15], $0x20  }
0x160: {  	[sflag:s15] =	ssyncset.done $0x0  }
0x161: {  	[sflag:s15] =	ssyncadd.s32 $0xFFFFFFE0  }
0x162: {  	[tilespmem:s16], [sflag:$0x3] =	stream.linear.gather [hbm4b:s10+s31], $0x20, $0x38;
	[tilespmem:$0x1A100] =	vst v63  }
0x163: {  	_ =	swait.ge [sflag:s15], $0x20  }
0x164: {  	[sflag:s15] =	ssyncset.done $0x0  }
0x165: {  	s25 =	simm.s32 $0x100;
	[sflag:s15] =	ssyncadd.s32 $0xFFFFFFE0  }
0x166: {  	[tilespmem:s25], [sflag:$0x3] =	stream.linear.gather [hbm4b:s11+s31], $0x1000, $0x38;
	[tilespmem:$0x1A100] =	vst v63  }
0x167: {  	_ =	swait.ge [sflag:s15], $0x1000  }
0x168: {  	[sflag:s15] =	ssyncset.done $0x0  }
0x169: {  	s26 =	simm.s32 $0x1100;
	[sflag:s15] =	ssyncadd.s32 $0xFFFFF000  }
0x16a: {  	[tilespmem:s26], [sflag:$0x3] =	stream.linear.gather [hbm4b:s12+s31], $0x1000, $0x38;
	[tilespmem:$0x1A100] =	vst v63  }
0x16b: {  	_ =	swait.ge [sflag:s15], $0x1000  }
0x16c: {  	[sflag:s15] =	ssyncset.done $0x0  }
0x16d: {  	[sflag:s15] =	ssyncadd.s32 $0xFFFFF000  }
0x16e: {  	[tilespmem:s18], [sflag:$0x1] =	stream.indirect.gather [hbm4b:s3+s17], $0x400, s31, s17, $0xb8;
	[tilespmem:$0x1A100] =	vst v63  }
0x16f: {  	_ = 	snop  }
0x170: {  	[tilespmem:s19], [sflag:$0x2] =	stream.indirect.gather [hbm4b:s3+s17], $0x400, s16, s17, $0xb8;
	[tilespmem:$0x1A100] =	vst v63  }
0x171: {  	_ =	swait.ge [sflag:s20], $0x8000  }
0x172: {  	[sflag:s20] =	ssyncset.done $0x0  }
0x173: {  	[sflag:s20] =	ssyncadd.s32 $0xFFFF8000  }
0x174: {  	_ =	swait.ge [sflag:s21], $0x8000  }
0x175: {  	[sflag:s21] =	ssyncset.done $0x0  }
0x176: {  	s24 =	simm.s32 $0x0;
	[sflag:s21] =	ssyncadd.s32 $0xFFFF8000  }
0x177: {  	v0 =	vld [tilespmem:s24+$0x2100]  }
0x178: {  	v35 =	vld [tilespmem:s24+$0x2110]  }
0x179: {  	v36 =	vld [tilespmem:s24+$0xA110]  }
0x17a: {  	v40 =	vld [tilespmem:s24+$0x2120]  }
0x17b: {  	v39 =	vld [tilespmem:s24+$0xA120]  }
0x17c: {  	v43 =	vld [tilespmem:s24+$0x2130]  }
0x17d: {  	v42 =	vld [tilespmem:s24+$0xA130]  }
0x17e: {  	v46 =	vld [tilespmem:s24+$0x2140]  }
0x17f: {  	v45 =	vld [tilespmem:s24+$0xA140]  }
0x180: {  	v48 =	vld [tilespmem:s24+$0x2150]  }
0x181: {  	v47 =	vld [tilespmem:s24+$0xA150]  }
0x182: {  	v50 =	vld [tilespmem:s24+$0x2160]  }
0x183: {  	v49 =	vld [tilespmem:s24+$0xA160]  }
0x184: {  	v52 =	vld [tilespmem:s24+$0x2170]  }
0x185: {  	v51 =	vld [tilespmem:s24+$0xA170]  }
0x186: {  	v54 =	vld [tilespmem:s24+$0x2180]  }
0x187: {  	v53 =	vld [tilespmem:s24+$0xA180]  }
0x188: {  	v56 =	vld [tilespmem:s24+$0x2190]  }
0x189: {  	v55 =	vld [tilespmem:s24+$0xA190]  }
0x18a: {  	v58 =	vld [tilespmem:s24+$0x21A0]  }
0x18b: {  	[tilespmem:$0x1FEC0] =	vst v0;
	v0 =	vld [tilespmem:s24+$0x21E0]  }
0x18c: {  	v57 =	vld [tilespmem:s24+$0xA1A0]  }
0x18d: {  	v59 =	vld [tilespmem:s24+$0x21B0]  }
0x18e: {  	v60 =	vld [tilespmem:s24+$0xA1B0]  }
0x18f: {  	v62 =	vld [tilespmem:s24+$0x21C0]  }
0x190: {  	[tilespmem:$0x1FED0] =	vst v0;
	v0 =	vld [tilespmem:s24+$0xA1E0]  }
0x191: {  	v61 =	vld [tilespmem:s24+$0xA1C0]  }
0x192: {  	v1 =	vld [tilespmem:s24+$0x21D0]  }
0x193: {  	v63 =	vld [tilespmem:s24+$0xA1D0]  }
0x194: {  	v11 =	vld [tilespmem:s24+$0x2250]  }
0x195: {  	[tilespmem:$0x1FEE0] =	vst v0;
	v0 =	vld [tilespmem:s24+$0x21F0]  }
0x196: {  	v12 =	vld [tilespmem:s24+$0x2260]  }
0x197: {  	v13 =	vld [tilespmem:s24+$0x2270]  }
0x198: {  	v14 =	vld [tilespmem:s24+$0x2280]  }
0x199: {  	v15 =	vld [tilespmem:s24+$0x2290]  }
0x19a: {  	[tilespmem:$0x1FEF0] =	vst v0;
	v0 =	vld [tilespmem:s24+$0xA1F0]  }
0x19b: {  	v16 =	vld [tilespmem:s24+$0x22A0]  }
0x19c: {  	v17 =	vld [tilespmem:s24+$0x22B0]  }
0x19d: {  	v18 =	vld [tilespmem:s24+$0x22C0]  }
0x19e: {  	v19 =	vld [tilespmem:s24+$0x22D0]  }
0x19f: {  	[tilespmem:$0x1FF00] =	vst v0;
	v0 =	vld [tilespmem:s24+$0x2200]  }
0x1a0: {  	v20 =	vld [tilespmem:s24+$0x22E0]  }
0x1a1: {  	v21 =	vld [tilespmem:s24+$0x22F0]  }
0x1a2: {  	v22 =	vld [tilespmem:s24+$0x2300]  }
0x1a3: {  	v23 =	vld [tilespmem:s24+$0x2310]  }
0x1a4: {  	[tilespmem:$0x1FF10] =	vst v0;
	v0 =	vld [tilespmem:s24+$0x2210]  }
0x1a5: {  	v24 =	vld [tilespmem:s24+$0x2320]  }
0x1a6: {  	v25 =	vld [tilespmem:s24+$0x2330]  }
0x1a7: {  	v26 =	vld [tilespmem:s24+$0x2340]  }
0x1a8: {  	v27 =	vld [tilespmem:s24+$0x2350]  }
0x1a9: {  	[tilespmem:$0x1FF20] =	vst v0;
	v0 =	vld [tilespmem:s24+$0x2220]  }
0x1aa: {  	v28 =	vld [tilespmem:s24+$0x2360]  }
0x1ab: {  	v29 =	vld [tilespmem:s24+$0x2370]  }
0x1ac: {  	v30 =	vld [tilespmem:s24+$0x2380]  }
0x1ad: {  	v31 =	vld [tilespmem:s24+$0x2390]  }
0x1ae: {  	[tilespmem:$0x1FF30] =	vst v0;
	v0 =	vld [tilespmem:s24+$0x2230]  }
0x1af: {  	v32 =	vld [tilespmem:s24+$0x23A0]  }
0x1b0: {  	v34 =	vld [tilespmem:s24+$0x23B0]  }
0x1b1: {  	v37 =	vld [tilespmem:s24+$0x23C0]  }
0x1b2: {  	v38 =	vld [tilespmem:s24+$0x23D0]  }
0x1b3: {  	[tilespmem:$0x1FF40] =	vst v0;
	v0 =	vld [tilespmem:s24+$0x2240]  }
0x1b4: {  	v41 =	vld [tilespmem:s24+$0x23E0]  }
0x1b5: {  	v44 =	vld [tilespmem:s24+$0x23F0]  }
0x1b6: {  	v4 =	vld [tilespmem:s24+$0x24C0]  }
0x1b7: {  	v5 =	vld [tilespmem:s24+$0xA4C0]  }
0x1b8: {  	s28 =	simm.s32 $0x1000;
	v10 =	vld [tilespmem:s25+$0x0];
	[tilespmem:$0x1FF50] =	vst v0  }
.LBB2_4:
0x1b9: {  	_ = 	snop  }
0x1ba: {  	v33 =	vld [tilespmem:s26+$0x0]  }
0x1bb: {  	v0 =	vld [tilespmem:s24+$0x2400]  }
0x1bc: {  	v2 =	vld [tilespmem:s24+$0x2410]  }
0x1bd: {  	v3 =	vld [tilespmem:s24+$0x2420];
	v62 =	vmul.f32 v62, v10;
	v1 =	vmul.f32 v1, v10  }
0x1be: {  	v6 =	vld [tilespmem:s24+$0x2430];
	v4 =	vmul.f32 v4, v10;
	v59 =	vmul.f32 v59, v10  }
0x1bf: {  	v7 =	vld [tilespmem:s24+$0x2440];
	v56 =	vmul.f32 v56, v10;
	v52 =	vmul.f32 v52, v10  }
0x1c0: {  	v8 =	vld [tilespmem:s24+$0x2450];
	v5 =	vmul.f32 v5, v33;
	v61 =	vmul.f32 v61, v33  }
0x1c1: {  	v9 =	vld [tilespmem:s24+$0x2460];
	v63 =	vmul.f32 v63, v33;
	v60 =	vmul.f32 v60, v33  }
0x1c2: {  	v4 =	vadd.f32 v5, v4;
	v5 =	vmul.f32 v58, v10;
	v58 =	vadd.f32 v61, v62;
	v61 =	vld [tilespmem:s24+$0x2470]  }
0x1c3: {  	v50 =	vmul.f32 v50, v10;
	v46 =	vmul.f32 v46, v10;
	v59 =	vadd.f32 v60, v59;
	v60 =	vld [tilespmem:s24+$0x2480]  }
0x1c4: {  	v45 =	vmul.f32 v45, v33;
	v1 =	vadd.f32 v63, v1;
	v63 =	vmul.f32 v55, v33;
	v55 =	vld [tilespmem:s24+$0x24A0]  }
0x1c5: {  	v48 =	vmul.f32 v48, v10;
	v51 =	vmul.f32 v51, v33;
	v62 =	vld [tilespmem:s24+$0x24B0]  }
0x1c6: {  	v43 =	vmul.f32 v43, v10;
	v40 =	vmul.f32 v40, v10;
	v45 =	vadd.f32 v45, v46;
	v46 =	vld [tilespmem:s24+$0xA490]  }
0x1c7: {  	v35 =	vmul.f32 v35, v10;
	v57 =	vmul.f32 v57, v33;
	v51 =	vadd.f32 v51, v52;
	v52 =	vld [tilespmem:s24+$0xA450]  }
0x1c8: {  	v34 =	vmul.f32 v34, v10;
	v53 =	vmul.f32 v53, v33;
	[tilespmem:s24+$0x121D0] =	vst v1;
	v1 =	vld [tilespmem:s24+$0x2490]  }
0x1c9: {  	[tilespmem:s24+$0x124C0] =	vst v4;
	v4 =	vmul.f32 v54, v10;
	v5 =	vadd.f32 v57, v5;
	v54 =	vadd.f32 v63, v56;
	v63 =	vld [tilespmem:s24+$0xA4D0]  }
0x1ca: {  	v47 =	vmul.f32 v47, v33;
	v39 =	vmul.f32 v39, v33;
	[tilespmem:s24+$0x121C0] =	vst v58;
	v57 =	vld [tilespmem:s24+$0xA470]  }
0x1cb: {  	v42 =	vmul.f32 v42, v33;
	v36 =	vmul.f32 v36, v33;
	[tilespmem:s24+$0x121A0] =	vst v5;
	v5 =	vld [tilespmem:s24+$0x24D0]  }
0x1cc: {  	v9 =	vmul.f32 v9, v10;
	v8 =	vmul.f32 v8, v10;
	v39 =	vadd.f32 v39, v40;
	[tilespmem:s24+$0x12190] =	vst v54;
	v54 =	vld [tilespmem:s24+$0xA4A0]  }
0x1cd: {  	v7 =	vmul.f32 v7, v10;
	v6 =	vmul.f32 v6, v10;
	[tilespmem:s24+$0x121B0] =	vst v59;
	v4 =	vadd.f32 v53, v4;
	v53 =	vld [tilespmem:s24+$0xA440]  }
0x1ce: {  	[tilespmem:s24+$0x12120] =	vst v39;
	v58 =	vmul.f32 v62, v10;
	v62 =	vld [tilespmem:s24+$0xA460];
	v39 =	vmul.f32 v52, v33  }
0x1cf: {  	v47 =	vadd.f32 v47, v48;
	v46 =	vmul.f32 v46, v33;
	[tilespmem:s24+$0x12180] =	vst v4;
	v4 =	vld [tilespmem:s24+$0xA4B0];
	v59 =	vmul.f32 v63, v33  }
0x1d0: {  	v63 =	vmul.f32 v55, v10;
	v1 =	vmul.f32 v1, v10;
	v55 =	vld [tilespmem:s24+$0xA430];
	v8 =	vadd.f32 v39, v8  }
0x1d1: {  	v42 =	vadd.f32 v42, v43;
	[tilespmem:s24+$0x12170] =	vst v51;
	v40 =	vmul.f32 v57, v33;
	v57 =	vld [tilespmem:s24+$0xA400];
	v5 =	vmul.f32 v5, v10  }
0x1d2: {  	v35 =	vadd.f32 v36, v35;
	v48 =	vmul.f32 v54, v33;
	v1 =	vadd.f32 v46, v1;
	[tilespmem:s24+$0x12450] =	vst v8;
	v8 =	vld [tilespmem:s24+$0xA3B0]  }
0x1d3: {  	[tilespmem:s24+$0x12130] =	vst v42;
	v54 =	vmul.f32 v60, v10;
	v60 =	vld [tilespmem:s24+$0xA3D0];
	v36 =	vmul.f32 v62, v33;
	v5 =	vadd.f32 v59, v5  }
0x1d4: {  	v3 =	vmul.f32 v3, v10;
	v4 =	vmul.f32 v4, v33;
	[tilespmem:s24+$0x12490] =	vst v1;
	v1 =	vld [tilespmem:s24+$0xA3F0]  }
0x1d5: {  	v0 =	vmul.f32 v0, v10;
	v9 =	vadd.f32 v36, v9;
	v59 =	vmul.f32 v55, v33;
	[tilespmem:s24+$0x124D0] =	vst v5;
	v5 =	vld [tilespmem:s24+$0xA420]  }
0x1d6: {  	v43 =	vld [tilespmem:s24+$0xA480];
	[tilespmem:s24+$0x12110] =	vst v35;
	v56 =	vmul.f32 v61, v10;
	v62 =	vmul.f32 v57, v33;
	v4 =	vadd.f32 v4, v58  }
0x1d7: {  	v61 =	vmul.f32 v44, v10;
	v58 =	vld [tilespmem:s24+$0xA3E0];
	[tilespmem:s24+$0x12460] =	vst v9;
	v6 =	vadd.f32 v59, v6;
	v8 =	vmul.f32 v8, v33  }
0x1d8: {  	v35 =	vmul.f32 v53, v33;
	v42 =	vadd.f32 v48, v63;
	v0 =	vadd.f32 v62, v0;
	[tilespmem:s24+$0x124B0] =	vst v4;
	v4 =	vld [tilespmem:s24+$0xA410]  }
0x1d9: {  	v9 =	vld [tilespmem:s24+$0xA3C0];
	v63 =	vmul.f32 v60, v33;
	v1 =	vmul.f32 v1, v33;
	[tilespmem:s24+$0x12430] =	vst v6;
	v8 =	vadd.f32 v8, v34  }
0x1da: {  	v7 =	vadd.f32 v35, v7;
	v6 =	vmul.f32 v38, v10;
	[tilespmem:s24+$0x12400] =	vst v0;
	v0 =	vld [tilespmem:s24+$0xA360];
	v5 =	vmul.f32 v5, v33  }
0x1db: {  	v49 =	vmul.f32 v49, v33;
	v2 =	vmul.f32 v2, v10;
	v1 =	vadd.f32 v1, v61;
	[tilespmem:s24+$0x123B0] =	vst v8;
	v8 =	vld [tilespmem:s24+$0xA310]  }
0x1dc: {  	[tilespmem:s24+$0x12440] =	vst v7;
	v7 =	vmul.f32 v41, v10;
	v6 =	vadd.f32 v63, v6;
	v3 =	vadd.f32 v5, v3;
	v5 =	vld [tilespmem:s24+$0xA3A0]  }
0x1dd: {  	v49 =	vadd.f32 v49, v50;
	v36 =	vmul.f32 v58, v33;
	v4 =	vmul.f32 v4, v33;
	[tilespmem:s24+$0x123F0] =	vst v1;
	v1 =	vld [tilespmem:s24+$0xA350]  }
0x1de: {  	v37 =	vmul.f32 v37, v10;
	v9 =	vmul.f32 v9, v33;
	[tilespmem:s24+$0x123D0] =	vst v6;
	v6 =	vld [tilespmem:s24+$0xA330]  }
0x1df: {  	[tilespmem:s24+$0x12160] =	vst v49;
	v7 =	vadd.f32 v36, v7;
	v2 =	vadd.f32 v4, v2;
	v4 =	vld [tilespmem:s24+$0xA390]  }
0x1e0: {  	v28 =	vmul.f32 v28, v10;
	v9 =	vadd.f32 v9, v37;
	v0 =	vmul.f32 v0, v33;
	[tilespmem:s24+$0x12420] =	vst v3;
	v3 =	vld [tilespmem:s24+$0xA380]  }
0x1e1: {  	v23 =	vmul.f32 v23, v10;
	[tilespmem:s24+$0x123E0] =	vst v7;
	v7 =	vld [tilespmem:s24+$0xA340];
	v8 =	vmul.f32 v8, v33  }
0x1e2: {  	v32 =	vmul.f32 v32, v10;
	[tilespmem:s24+$0x123C0] =	vst v9;
	v9 =	vld [tilespmem:s24+$0xA320];
	v0 =	vadd.f32 v0, v28;
	v5 =	vmul.f32 v5, v33  }
0x1e3: {  	v27 =	vmul.f32 v27, v10;
	[tilespmem:s24+$0x12410] =	vst v2;
	v2 =	vld [tilespmem:s24+$0xA370];
	v1 =	vmul.f32 v1, v33;
	v8 =	vadd.f32 v8, v23  }
0x1e4: {  	v25 =	vmul.f32 v25, v10;
	v6 =	vmul.f32 v6, v33;
	[tilespmem:s24+$0x12360] =	vst v0;
	v0 =	vld [tilespmem:s24+$0xA2C0];
	v5 =	vadd.f32 v5, v32  }
0x1e5: {  	v31 =	vmul.f32 v31, v10;
	v4 =	vmul.f32 v4, v33;
	v1 =	vadd.f32 v1, v27;
	[tilespmem:s24+$0x12310] =	vst v8;
	v8 =	vld [tilespmem:s24+$0xA270]  }
0x1e6: {  	v30 =	vmul.f32 v30, v10;
	v3 =	vmul.f32 v3, v33;
	v6 =	vadd.f32 v6, v25;
	[tilespmem:s24+$0x123A0] =	vst v5;
	v5 =	vld [tilespmem:s24+$0xA300]  }
0x1e7: {  	v26 =	vmul.f32 v26, v10;
	v7 =	vmul.f32 v7, v33;
	v4 =	vadd.f32 v4, v31;
	[tilespmem:s24+$0x12350] =	vst v1;
	v1 =	vld [tilespmem:s24+$0xA2B0]  }
0x1e8: {  	v24 =	vmul.f32 v24, v10;
	v9 =	vmul.f32 v9, v33;
	v3 =	vadd.f32 v3, v30;
	[tilespmem:s24+$0x12330] =	vst v6;
	v6 =	vld [tilespmem:s24+$0xA290]  }
0x1e9: {  	v29 =	vmul.f32 v29, v10;
	v2 =	vmul.f32 v2, v33;
	v7 =	vadd.f32 v7, v26;
	[tilespmem:s24+$0x12390] =	vst v4;
	v4 =	vld [tilespmem:s24+$0xA2F0]  }
0x1ea: {  	v18 =	vmul.f32 v18, v10;
	v9 =	vadd.f32 v9, v24;
	v0 =	vmul.f32 v0, v33;
	[tilespmem:s24+$0x12380] =	vst v3;
	v3 =	vld [tilespmem:s24+$0xA2E0]  }
0x1eb: {  	v22 =	vmul.f32 v22, v10;
	v2 =	vadd.f32 v2, v29;
	[tilespmem:s24+$0x12340] =	vst v7;
	v7 =	vld [tilespmem:s24+$0xA2A0]  }
0x1ec: {  	v13 =	vmul.f32 v13, v10;
	[tilespmem:s24+$0x12320] =	vst v9;
	v9 =	vld [tilespmem:s24+$0xA280];
	v0 =	vadd.f32 v0, v18;
	v8 =	vmul.f32 v8, v33  }
0x1ed: {  	v21 =	vmul.f32 v21, v10;
	v17 =	vmul.f32 v17, v10;
	[tilespmem:s24+$0x12370] =	vst v2;
	v2 =	vld [tilespmem:s24+$0xA2D0]  }
0x1ee: {  	v15 =	vmul.f32 v15, v10;
	v5 =	vmul.f32 v5, v33;
	[tilespmem:s24+$0x122C0] =	vst v0;
	v0 =	vld [tilespmem:s24+$0xA220];
	v8 =	vadd.f32 v8, v13  }
0x1ef: {  	[tilespmem:s24+$0x12150] =	vst v47;
	v1 =	vmul.f32 v1, v33;
	v6 =	vmul.f32 v6, v33;
	v13 =	vld [tilespmem:$0x1FF10]  }
0x1f0: {  	v20 =	vmul.f32 v20, v10;
	v14 =	vmul.f32 v14, v10;
	v5 =	vadd.f32 v5, v22;
	[tilespmem:s24+$0x12270] =	vst v8;
	v8 =	vld [tilespmem:s24+$0xA4E0]  }
0x1f1: {  	[tilespmem:s24+$0x12140] =	vst v45;
	v4 =	vmul.f32 v4, v33;
	v1 =	vadd.f32 v1, v17;
	v6 =	vadd.f32 v6, v15;
	v15 =	vld [tilespmem:$0x1FF00]  }
0x1f2: {  	v40 =	vadd.f32 v40, v56;
	v3 =	vmul.f32 v3, v33;
	v9 =	vmul.f32 v9, v33;
	[tilespmem:s24+$0x12300] =	vst v5;
	v5 =	vld [tilespmem:s24+$0xA260]  }
0x1f3: {  	v19 =	vmul.f32 v19, v10;
	v4 =	vadd.f32 v4, v21;
	[tilespmem:s24+$0x122B0] =	vst v1;
	v1 =	vld [tilespmem:s24+$0xA210]  }
0x1f4: {  	[tilespmem:s24+$0x12470] =	vst v40;
	v2 =	vmul.f32 v2, v33;
	v3 =	vadd.f32 v3, v20;
	v9 =	vadd.f32 v9, v14;
	v14 =	vld [tilespmem:$0x1FF50]  }
0x1f5: {  	v16 =	vmul.f32 v16, v10;
	v7 =	vmul.f32 v7, v33;
	[tilespmem:s24+$0x122F0] =	vst v4;
	v4 =	vld [tilespmem:s24+$0xA250]  }
0x1f6: {  	v2 =	vadd.f32 v2, v19;
	[tilespmem:s24+$0x122E0] =	vst v3;
	v3 =	vld [tilespmem:s24+$0xA240]  }
0x1f7: {  	v12 =	vmul.f32 v12, v10;
	v7 =	vadd.f32 v7, v16;
	[tilespmem:s24+$0x12290] =	vst v6;
	v6 =	vld [tilespmem:$0x1FF40]  }
0x1f8: {  	v43 =	vmul.f32 v43, v33;
	[tilespmem:s24+$0x122D0] =	vst v2;
	v2 =	vld [tilespmem:s24+$0xA230];
	v5 =	vmul.f32 v5, v33  }
0x1f9: {  	v11 =	vmul.f32 v11, v10;
	[tilespmem:s24+$0x122A0] =	vst v7;
	v7 =	vld [tilespmem:s24+$0xA200]  }
0x1fa: {  	v43 =	vadd.f32 v43, v54;
	[tilespmem:s24+$0x124A0] =	vst v42;
	v4 =	vmul.f32 v4, v33;
	v5 =	vadd.f32 v5, v12;
	v12 =	vld [tilespmem:$0x1FF30]  }
0x1fb: {  	[tilespmem:s24+$0x12280] =	vst v9;
	v9 =	vld [tilespmem:s24+$0x24E0];
	v14 =	vmul.f32 v14, v10;
	v3 =	vmul.f32 v3, v33  }
0x1fc: {  	[tilespmem:s24+$0x12480] =	vst v43;
	v4 =	vadd.f32 v4, v11;
	v11 =	vld [tilespmem:$0x1FF20]  }
0x1fd: {  	v6 =	vmul.f32 v6, v10;
	v2 =	vmul.f32 v2, v33;
	v3 =	vadd.f32 v3, v14;
	[tilespmem:s24+$0x12260] =	vst v5;
	v5 =	vld [tilespmem:s24+$0x24F0]  }
0x1fe: {  	v14 =	vld [tilespmem:$0x1FEF0];
	[tilespmem:s24+$0x12250] =	vst v4  }
0x1ff: {  	s29 =	sshra.s32 s28, $0x2;
	v0 =	vmul.f32 v0, v33;
	v2 =	vadd.f32 v2, v6;
	v4 =	vld [tilespmem:s24+$0xA4F0];
	[tilespmem:s24+$0x12240] =	vst v3;
	v12 =	vmul.f32 v12, v10  }
0x200: {  	v3 =	vld [tilespmem:s29+$0x2100]  }
0x201: {  	v1 =	vmul.f32 v1, v33;
	[tilespmem:s24+$0x12230] =	vst v2;
	v2 =	vld [tilespmem:$0x1FEE0];
	v11 =	vmul.f32 v11, v10;
	v0 =	vadd.f32 v0, v12  }
0x202: {  	v12 =	vld [tilespmem:$0x1FED0]  }
0x203: {  	v35 =	vld [tilespmem:s29+$0x2110];
	v1 =	vadd.f32 v1, v11;
	[tilespmem:s24+$0x12220] =	vst v0  }
0x204: {  	v13 =	vmul.f32 v13, v10;
	v15 =	vmul.f32 v15, v33;
	v36 =	vld [tilespmem:s29+$0xA110]  }
0x205: {  	v7 =	vmul.f32 v7, v33;
	[tilespmem:s24+$0x12210] =	vst v1;
	v1 =	vmul.f32 v8, v33;
	v8 =	vld [tilespmem:$0x1FEC0]  }
0x206: {  	v6 =	vld [tilespmem:s24+$0xA100];
	v14 =	vmul.f32 v14, v10;
	v2 =	vmul.f32 v2, v33  }
0x207: {  	v7 =	vadd.f32 v7, v13  }
0x208: {  	v0 =	vmul.f32 v9, v10;
	v9 =	vadd.f32 v15, v14;
	v12 =	vmul.f32 v12, v10  }
0x209: {  	v5 =	vmul.f32 v5, v10;
	v4 =	vmul.f32 v4, v33;
	v40 =	vld [tilespmem:s29+$0x2120];
	[tilespmem:s24+$0x12200] =	vst v7  }
0x20a: {  	v39 =	vld [tilespmem:s29+$0xA120];
	[tilespmem:s24+$0x121F0] =	vst v9;
	v8 =	vmul.f32 v8, v10;
	v10 =	vadd.f32 v2, v12;
	v2 =	vmov v3  }
0x20b: {  	v6 =	vmul.f32 v6, v33;
	v0 =	vadd.f32 v1, v0;
	[tilespmem:$0x1FEC0] =	vst v2  }
0x20c: {  	v1 =	vadd.f32 v4, v5;
	v43 =	vld [tilespmem:s29+$0x2130];
	[tilespmem:s24+$0x121E0] =	vst v10  }
0x20d: {  	v2 =	vadd.f32 v6, v8;
	v42 =	vld [tilespmem:s29+$0xA130];
	[tilespmem:s24+$0x124E0] =	vst v0  }
0x20e: {  	v46 =	vld [tilespmem:s29+$0x2140];
	[tilespmem:s24+$0x124F0] =	vst v1  }
0x20f: {  	v45 =	vld [tilespmem:s29+$0xA140];
	[tilespmem:s24+$0x12100] =	vst v2;
	s24 =	smov.u32 s29  }
0x210: {  	v48 =	vld [tilespmem:s24+$0x2150]  }
0x211: {  	v47 =	vld [tilespmem:s24+$0xA150]  }
0x212: {  	v50 =	vld [tilespmem:s24+$0x2160]  }
0x213: {  	v49 =	vld [tilespmem:s24+$0xA160]  }
0x214: {  	v52 =	vld [tilespmem:s24+$0x2170]  }
0x215: {  	v51 =	vld [tilespmem:s24+$0xA170]  }
0x216: {  	v54 =	vld [tilespmem:s24+$0x2180]  }
0x217: {  	v53 =	vld [tilespmem:s24+$0xA180]  }
0x218: {  	v56 =	vld [tilespmem:s24+$0x2190]  }
0x219: {  	v55 =	vld [tilespmem:s24+$0xA190]  }
0x21a: {  	v58 =	vld [tilespmem:s24+$0x21A0]  }
0x21b: {  	v0 =	vld [tilespmem:s24+$0x21E0]  }
0x21c: {  	v57 =	vld [tilespmem:s24+$0xA1A0]  }
0x21d: {  	v59 =	vld [tilespmem:s24+$0x21B0]  }
0x21e: {  	v60 =	vld [tilespmem:s24+$0xA1B0]  }
0x21f: {  	v62 =	vld [tilespmem:s24+$0x21C0]  }
0x220: {  	[tilespmem:$0x1FED0] =	vst v0;
	v0 =	vld [tilespmem:s24+$0xA1E0]  }
0x221: {  	v61 =	vld [tilespmem:s24+$0xA1C0]  }
0x222: {  	v1 =	vld [tilespmem:s24+$0x21D0]  }
0x223: {  	v63 =	vld [tilespmem:s24+$0xA1D0]  }
0x224: {  	v11 =	vld [tilespmem:s24+$0x2250]  }
0x225: {  	[tilespmem:$0x1FEE0] =	vst v0;
	v0 =	vld [tilespmem:s24+$0x21F0]  }
0x226: {  	v12 =	vld [tilespmem:s24+$0x2260]  }
0x227: {  	v13 =	vld [tilespmem:s24+$0x2270]  }
0x228: {  	v14 =	vld [tilespmem:s24+$0x2280]  }
0x229: {  	v15 =	vld [tilespmem:s24+$0x2290]  }
0x22a: {  	[tilespmem:$0x1FEF0] =	vst v0;
	v0 =	vld [tilespmem:s24+$0xA1F0]  }
0x22b: {  	v16 =	vld [tilespmem:s24+$0x22A0]  }
0x22c: {  	v17 =	vld [tilespmem:s24+$0x22B0]  }
0x22d: {  	v18 =	vld [tilespmem:s24+$0x22C0]  }
0x22e: {  	v19 =	vld [tilespmem:s24+$0x22D0]  }
0x22f: {  	[tilespmem:$0x1FF00] =	vst v0;
	v0 =	vld [tilespmem:s24+$0x2200]  }
0x230: {  	v20 =	vld [tilespmem:s24+$0x22E0]  }
0x231: {  	v21 =	vld [tilespmem:s24+$0x22F0]  }
0x232: {  	v22 =	vld [tilespmem:s24+$0x2300]  }
0x233: {  	v23 =	vld [tilespmem:s24+$0x2310]  }
0x234: {  	[tilespmem:$0x1FF10] =	vst v0;
	v0 =	vld [tilespmem:s24+$0x2210]  }
0x235: {  	v24 =	vld [tilespmem:s24+$0x2320]  }
0x236: {  	v25 =	vld [tilespmem:s24+$0x2330]  }
0x237: {  	v26 =	vld [tilespmem:s24+$0x2340]  }
0x238: {  	v27 =	vld [tilespmem:s24+$0x2350]  }
0x239: {  	[tilespmem:$0x1FF20] =	vst v0;
	v0 =	vld [tilespmem:s24+$0x2220]  }
0x23a: {  	v28 =	vld [tilespmem:s24+$0x2360]  }
0x23b: {  	v29 =	vld [tilespmem:s24+$0x2370]  }
0x23c: {  	v30 =	vld [tilespmem:s24+$0x2380]  }
0x23d: {  	v31 =	vld [tilespmem:s24+$0x2390]  }
0x23e: {  	[tilespmem:$0x1FF30] =	vst v0;
	v0 =	vld [tilespmem:s24+$0x2230]  }
0x23f: {  	v32 =	vld [tilespmem:s24+$0x23A0]  }
0x240: {  	v34 =	vld [tilespmem:s24+$0x23B0]  }
0x241: {  	v37 =	vld [tilespmem:s24+$0x23C0]  }
0x242: {  	v38 =	vld [tilespmem:s24+$0x23D0]  }
0x243: {  	p0 =	sne.s32 s28, $0x1F000;
	[tilespmem:$0x1FF40] =	vst v0;
	v0 =	vld [tilespmem:s24+$0x2240]  }
.Ltmp1:
0x244: {  	v41 =	vld [tilespmem:s24+$0x23E0];
	(pc) =	sbr.rel @p0 .LBB2_4-.Ltmp1, $4  }
0x245: {  	v44 =	vld [tilespmem:s24+$0x23F0]  }
0x246: {  	v4 =	vld [tilespmem:s24+$0x24C0]  }
0x247: {  	s25 =	sadd.s32 $0x80, s25;
	v5 =	vld [tilespmem:s24+$0xA4C0]  }
0x248: {  	s28 =	sadd.s32 $0x1000, s28;
	s26 =	sadd.s32 $0x80, s26;
	v10 =	vld [tilespmem:s25+$0x0];
	[tilespmem:$0x1FF50] =	vst v0  }
0x249: {  	v33 =	vld [tilespmem:s26+$0x0];
	_ =	sdelay $0x1  }
0x24a: {  	v0 =	vld [tilespmem:s24+$0x2400]  }
0x24b: {  	v2 =	vld [tilespmem:s24+$0x2410]  }
0x24c: {  	v3 =	vld [tilespmem:s24+$0x2420]  }
0x24d: {  	v6 =	vld [tilespmem:s24+$0x2430];
	v4 =	vmul.f32 v4, v10;
	v5 =	vmul.f32 v5, v33  }
0x24e: {  	v7 =	vld [tilespmem:s24+$0x2440];
	v1 =	vmul.f32 v1, v10;
	v9 =	vmul.f32 v63, v33  }
0x24f: {  	v8 =	vld [tilespmem:s24+$0x2450];
	v4 =	vadd.f32 v5, v4  }
0x250: {  	v63 =	vld [tilespmem:s24+$0x2460];
	v61 =	vmul.f32 v61, v33;
	v1 =	vadd.f32 v9, v1;
	v9 =	vmul.f32 v62, v10  }
0x251: {  	v40 =	vmul.f32 v40, v10;
	v39 =	vmul.f32 v39, v33;
	v5 =	vld [tilespmem:s24+$0x2470];
	[tilespmem:s24+$0x124C0] =	vst v4  }
0x252: {  	v62 =	vld [tilespmem:s24+$0x2480];
	v4 =	vadd.f32 v61, v9;
	[tilespmem:s24+$0x121D0] =	vst v1;
	v1 =	vmul.f32 v59, v10;
	v61 =	vmul.f32 v60, v33  }
0x253: {  	v39 =	vadd.f32 v39, v40;
	v40 =	vld [tilespmem:s24+$0xA450]  }
0x254: {  	v59 =	vld [tilespmem:s24+$0x2490];
	v60 =	vmul.f32 v58, v10;
	v1 =	vadd.f32 v61, v1;
	v61 =	vmul.f32 v57, v33  }
0x255: {  	v58 =	vmul.f32 v53, v33;
	v53 =	vld [tilespmem:s24+$0x24D0]  }
0x256: {  	[tilespmem:s24+$0x121C0] =	vst v4;
	v57 =	vld [tilespmem:s24+$0x24A0];
	v4 =	vadd.f32 v61, v60;
	v60 =	vmul.f32 v56, v10  }
0x257: {  	v61 =	vmul.f32 v55, v33;
	v55 =	vld [tilespmem:s24+$0x24B0];
	v56 =	vmul.f32 v54, v10  }
0x258: {  	v54 =	vmul.f32 v50, v10;
	v50 =	vmul.f32 v45, v33;
	v45 =	vld [tilespmem:s24+$0xA490]  }
0x259: {  	[tilespmem:s24+$0x121B0] =	vst v1;
	v1 =	vadd.f32 v61, v60;
	v61 =	vmul.f32 v51, v33;
	v51 =	vld [tilespmem:s24+$0xA4D0]  }
0x25a: {  	[tilespmem:s24+$0x121A0] =	vst v4;
	v4 =	vadd.f32 v58, v56;
	v58 =	vld [tilespmem:s24+$0xA4B0]  }
0x25b: {  	v60 =	vmul.f32 v52, v10;
	v52 =	vmul.f32 v43, v10;
	v43 =	vld [tilespmem:s24+$0xA430]  }
0x25c: {  	v42 =	vmul.f32 v42, v33;
	v56 =	vmul.f32 v49, v33;
	v49 =	vld [tilespmem:s24+$0xA420]  }
0x25d: {  	[tilespmem:s24+$0x12190] =	vst v1;
	v1 =	vadd.f32 v61, v60;
	v61 =	vmul.f32 v47, v33;
	v47 =	vld [tilespmem:s24+$0xA4A0]  }
0x25e: {  	v60 =	vmul.f32 v48, v10;
	v9 =	vadd.f32 v42, v52;
	v52 =	vmul.f32 v62, v10;
	v62 =	vld [tilespmem:s24+$0xA3B0]  }
0x25f: {  	[tilespmem:s24+$0x12180] =	vst v4;
	v48 =	vmul.f32 v46, v10;
	v46 =	vmul.f32 v44, v10;
	v44 =	vld [tilespmem:s24+$0xA4E0]  }
0x260: {  	[tilespmem:s24+$0x12130] =	vst v9;
	v9 =	vld [tilespmem:s24+$0xA460]  }
0x261: {  	v4 =	vadd.f32 v56, v54;
	[tilespmem:s24+$0x12170] =	vst v1;
	v1 =	vadd.f32 v61, v60;
	v60 =	vld [tilespmem:s24+$0xA440]  }
0x262: {  	v61 =	vmul.f32 v57, v10;
	v57 =	vmul.f32 v40, v33;
	v40 =	vld [tilespmem:s24+$0xA390]  }
0x263: {  	v35 =	vmul.f32 v35, v10;
	[tilespmem:s24+$0x12160] =	vst v4;
	v4 =	vadd.f32 v50, v48;
	v54 =	vmul.f32 v51, v33;
	v51 =	vld [tilespmem:s24+$0xA410]  }
0x264: {  	v45 =	vmul.f32 v45, v33;
	v50 =	vmul.f32 v59, v10;
	[tilespmem:s24+$0x12150] =	vst v1;
	v1 =	vld [tilespmem:s24+$0xA480]  }
0x265: {  	v36 =	vmul.f32 v36, v33;
	v8 =	vmul.f32 v8, v10;
	[tilespmem:s24+$0x12140] =	vst v4;
	v4 =	vld [tilespmem:s24+$0xA470]  }
0x266: {  	v53 =	vmul.f32 v53, v10;
	v45 =	vadd.f32 v45, v50;
	v50 =	vld [tilespmem:s24+$0xA360]  }
0x267: {  	v35 =	vadd.f32 v36, v35;
	v8 =	vadd.f32 v57, v8;
	v57 =	vld [tilespmem:s24+$0xA310]  }
0x268: {  	[tilespmem:s24+$0x12120] =	vst v39;
	v56 =	vmul.f32 v55, v10;
	v58 =	vmul.f32 v58, v33;
	v36 =	vadd.f32 v54, v53;
	v53 =	vld [tilespmem:s24+$0xA400]  }
0x269: {  	v3 =	vmul.f32 v3, v10;
	[tilespmem:s24+$0x12110] =	vst v35;
	v54 =	vld [tilespmem:s24+$0xA3F0]  }
0x26a: {  	v55 =	vmul.f32 v63, v10;
	v63 =	vmul.f32 v49, v33;
	v35 =	vadd.f32 v58, v56;
	v56 =	vld [tilespmem:s24+$0xA3E0];
	[tilespmem:s24+$0x12490] =	vst v45  }
0x26b: {  	v48 =	vmul.f32 v47, v33;
	v58 =	vld [tilespmem:s24+$0xA3D0];
	[tilespmem:s24+$0x12450] =	vst v8  }
0x26c: {  	v34 =	vmul.f32 v34, v10;
	v3 =	vadd.f32 v63, v3;
	v63 =	vld [tilespmem:s24+$0xA2B0];
	v8 =	vmul.f32 v62, v33;
	[tilespmem:s24+$0x124D0] =	vst v36  }
0x26d: {  	v7 =	vmul.f32 v7, v10;
	v62 =	vld [tilespmem:s24+$0xA2C0];
	v42 =	vadd.f32 v48, v61;
	[tilespmem:s24+$0x124B0] =	vst v35;
	v59 =	vmul.f32 v60, v33  }
0x26e: {  	v6 =	vmul.f32 v6, v10;
	v45 =	vld [tilespmem:$0x1FF50];
	v61 =	vmul.f32 v43, v33;
	[tilespmem:s24+$0x12420] =	vst v3;
	v8 =	vadd.f32 v8, v34  }
0x26f: {  	v2 =	vmul.f32 v2, v10;
	v60 =	vld [tilespmem:s24+$0xA3C0];
	v39 =	vmul.f32 v51, v33;
	[tilespmem:s24+$0x124A0] =	vst v42;
	v7 =	vadd.f32 v59, v7  }
0x270: {  	v36 =	vld [tilespmem:s24+$0xA3A0];
	v1 =	vmul.f32 v1, v33;
	v6 =	vadd.f32 v61, v6;
	[tilespmem:s24+$0x123B0] =	vst v8  }
0x271: {  	v5 =	vmul.f32 v5, v10;
	v43 =	vld [tilespmem:s24+$0xA380];
	v4 =	vmul.f32 v4, v33;
	v2 =	vadd.f32 v39, v2;
	[tilespmem:s24+$0x12440] =	vst v7  }
0x272: {  	v9 =	vmul.f32 v9, v33;
	v48 =	vld [tilespmem:s24+$0xA370];
	v1 =	vadd.f32 v1, v52;
	[tilespmem:s24+$0x12430] =	vst v6  }
0x273: {  	v0 =	vmul.f32 v0, v10;
	v35 =	vld [tilespmem:s24+$0xA230];
	v42 =	vmul.f32 v53, v33;
	v4 =	vadd.f32 v4, v5;
	[tilespmem:s24+$0x12410] =	vst v2  }
0x274: {  	v23 =	vmul.f32 v23, v10;
	v34 =	vld [tilespmem:s24+$0xA240];
	v47 =	vmul.f32 v54, v33;
	v5 =	vadd.f32 v9, v55;
	[tilespmem:s24+$0x12480] =	vst v1  }
0x275: {  	v51 =	vmul.f32 v38, v10;
	v38 =	vld [tilespmem:s24+$0xA210];
	v8 =	vmul.f32 v57, v33;
	v0 =	vadd.f32 v42, v0;
	[tilespmem:s24+$0x12470] =	vst v4  }
0x276: {  	v31 =	vmul.f32 v31, v10;
	v59 =	vld [tilespmem:s24+$0xA2F0];
	v6 =	vmul.f32 v40, v33;
	v9 =	vadd.f32 v47, v46;
	[tilespmem:s24+$0x12460] =	vst v5  }
0x277: {  	v32 =	vmul.f32 v32, v10;
	v61 =	vld [tilespmem:s24+$0xA2D0];
	v7 =	vmul.f32 v36, v33;
	v8 =	vadd.f32 v8, v23;
	[tilespmem:s24+$0x12400] =	vst v0  }
0x278: {  	v30 =	vmul.f32 v30, v10;
	v54 =	vld [tilespmem:s24+$0xA340];
	v3 =	vmul.f32 v43, v33;
	v6 =	vadd.f32 v6, v31;
	[tilespmem:s24+$0x123F0] =	vst v9  }
0x279: {  	v29 =	vmul.f32 v29, v10;
	v57 =	vld [tilespmem:$0x1FF00];
	v2 =	vmul.f32 v48, v33;
	v7 =	vadd.f32 v7, v32;
	[tilespmem:s24+$0x12310] =	vst v8  }
0x27a: {  	v49 =	vmul.f32 v41, v10;
	v52 =	vld [tilespmem:s24+$0xA350];
	v1 =	vmul.f32 v56, v33;
	v3 =	vadd.f32 v3, v30;
	[tilespmem:s24+$0x12390] =	vst v6  }
0x27b: {  	v55 =	vld [tilespmem:s24+$0xA330];
	v4 =	vmul.f32 v58, v33;
	v2 =	vadd.f32 v2, v29;
	[tilespmem:s24+$0x123A0] =	vst v7  }
0x27c: {  	v53 =	vmul.f32 v37, v10;
	v40 =	vld [tilespmem:s24+$0xA200];
	v5 =	vmul.f32 v60, v33;
	v1 =	vadd.f32 v1, v49;
	[tilespmem:s24+$0x12380] =	vst v3  }
0x27d: {  	v28 =	vmul.f32 v28, v10;
	v36 =	vld [tilespmem:s24+$0xA220];
	v0 =	vmul.f32 v50, v33;
	v4 =	vadd.f32 v4, v51;
	[tilespmem:s24+$0x12370] =	vst v2  }
0x27e: {  	v21 =	vmul.f32 v21, v10;
	v56 =	vld [tilespmem:s24+$0xA320];
	v5 =	vadd.f32 v5, v53;
	v6 =	vmul.f32 v59, v33;
	[tilespmem:s24+$0x123E0] =	vst v1  }
0x27f: {  	v27 =	vmul.f32 v27, v10;
	v58 =	vld [tilespmem:s24+$0xA300];
	v0 =	vadd.f32 v0, v28;
	v9 =	vmul.f32 v52, v33;
	[tilespmem:s24+$0x123D0] =	vst v4  }
0x280: {  	v19 =	vmul.f32 v19, v10;
	v60 =	vld [tilespmem:s24+$0xA2E0];
	v2 =	vmul.f32 v61, v33;
	[tilespmem:s24+$0x123C0] =	vst v5;
	v6 =	vadd.f32 v6, v21  }
0x281: {  	v26 =	vmul.f32 v26, v10;
	v42 =	vld [tilespmem:s24+$0x24E0];
	v1 =	vmul.f32 v54, v33;
	v9 =	vadd.f32 v9, v27;
	[tilespmem:s24+$0x12360] =	vst v0  }
0x282: {  	v25 =	vmul.f32 v25, v10;
	v32 =	vld [tilespmem:s24+$0xA250];
	v4 =	vmul.f32 v55, v33;
	v2 =	vadd.f32 v2, v19;
	[tilespmem:s24+$0x122F0] =	vst v6  }
0x283: {  	v24 =	vmul.f32 v24, v10;
	v50 =	vld [tilespmem:$0x1FF20];
	v5 =	vmul.f32 v56, v33;
	v1 =	vadd.f32 v1, v26;
	[tilespmem:s24+$0x12350] =	vst v9  }
0x284: {  	v22 =	vmul.f32 v22, v10;
	v47 =	vld [tilespmem:$0x1FF40];
	v7 =	vmul.f32 v58, v33;
	v4 =	vadd.f32 v4, v25;
	[tilespmem:s24+$0x122D0] =	vst v2  }
0x285: {  	v20 =	vmul.f32 v20, v10;
	v28 =	vld [tilespmem:s24+$0xA290];
	v3 =	vmul.f32 v60, v33;
	v5 =	vadd.f32 v5, v24;
	[tilespmem:s24+$0x12340] =	vst v1  }
0x286: {  	v18 =	vmul.f32 v18, v10;
	v29 =	vld [tilespmem:s24+$0xA280];
	v0 =	vmul.f32 v62, v33;
	v7 =	vadd.f32 v7, v22;
	[tilespmem:s24+$0x12330] =	vst v4  }
0x287: {  	v43 =	vmul.f32 v11, v10;
	v27 =	vld [tilespmem:s24+$0xA2A0];
	v6 =	vmul.f32 v32, v33;
	v3 =	vadd.f32 v3, v20;
	[tilespmem:s24+$0x12320] =	vst v5  }
0x288: {  	v31 =	vld [tilespmem:s24+$0xA260];
	v51 =	vmul.f32 v38, v33;
	v11 =	vmul.f32 v50, v10;
	v0 =	vadd.f32 v0, v18;
	[tilespmem:s24+$0x12300] =	vst v7  }
0x289: {  	v17 =	vmul.f32 v17, v10;
	v30 =	vld [tilespmem:s24+$0xA270];
	v9 =	vmul.f32 v63, v33;
	v6 =	vadd.f32 v6, v43;
	[tilespmem:s24+$0x122E0] =	vst v3  }
0x28a: {  	v15 =	vmul.f32 v15, v10;
	v52 =	vld [tilespmem:s24+$0xA100];
	v4 =	vmul.f32 v28, v33;
	v55 =	vadd.f32 v51, v11;
	[tilespmem:s24+$0x122C0] =	vst v0  }
0x28b: {  	v37 =	vmul.f32 v14, v10;
	v61 =	vld [tilespmem:$0x1FEC0];
	v9 =	vadd.f32 v9, v17;
	v5 =	vmul.f32 v29, v33;
	[tilespmem:s24+$0x12250] =	vst v6  }
0x28c: {  	v16 =	vmul.f32 v16, v10;
	v46 =	vld [tilespmem:s24+$0x24F0];
	v1 =	vmul.f32 v27, v33;
	v4 =	vadd.f32 v4, v15;
	[tilespmem:s24+$0x12210] =	vst v55  }
0x28d: {  	v41 =	vmul.f32 v12, v10;
	v48 =	vld [tilespmem:$0x1FF30];
	v7 =	vmul.f32 v31, v33;
	[tilespmem:s24+$0x122B0] =	vst v9;
	v5 =	vadd.f32 v5, v37  }
0x28e: {  	v56 =	vld [tilespmem:$0x1FEF0];
	v2 =	vmul.f32 v35, v33;
	v6 =	vmul.f32 v47, v10;
	v1 =	vadd.f32 v1, v16;
	[tilespmem:s24+$0x12290] =	vst v4  }
0x28f: {  	v39 =	vmul.f32 v13, v10;
	v49 =	vld [tilespmem:s24+$0xA4F0];
	v8 =	vmul.f32 v30, v33;
	v4 =	vadd.f32 v7, v41;
	[tilespmem:s24+$0x12280] =	vst v5  }
0x290: {  	v53 =	vld [tilespmem:$0x1FF10];
	v2 =	vadd.f32 v2, v6;
	v7 =	vmul.f32 v61, v10;
	v6 =	vmul.f32 v52, v33;
	[tilespmem:s24+$0x122A0] =	vst v1  }
0x291: {  	v59 =	vld [tilespmem:$0x1FEE0];
	v3 =	vmul.f32 v34, v33;
	v1 =	vadd.f32 v8, v39;
	[tilespmem:s24+$0x12260] =	vst v4;
	v4 =	vmul.f32 v45, v10  }
0x292: {  	v58 =	vld [tilespmem:$0x1FED0];
	v0 =	vmul.f32 v36, v33;
	v8 =	vmul.f32 v48, v10;
	[tilespmem:s24+$0x12230] =	vst v2;
	v63 =	vadd.f32 v6, v7  }
0x293: {  	v11 =	vmul.f32 v57, v33;
	v2 =	vmul.f32 v56, v10;
	[tilespmem:s24+$0x12270] =	vst v1;
	v3 =	vadd.f32 v3, v4  }
0x294: {  	v5 =	vmul.f32 v42, v10;
	v0 =	vadd.f32 v0, v8;
	v1 =	vmul.f32 v44, v33;
	[tilespmem:s24+$0x12100] =	vst v63  }
0x295: {  	v60 =	vmul.f32 v46, v10;
	v2 =	vadd.f32 v11, v2;
	v4 =	vmul.f32 v49, v33;
	[tilespmem:s24+$0x12240] =	vst v3  }
0x296: {  	v54 =	vmul.f32 v40, v33;
	v3 =	vmul.f32 v53, v10;
	[tilespmem:s24+$0x12220] =	vst v0;
	v1 =	vadd.f32 v1, v5  }
0x297: {  	v8 =	vmul.f32 v59, v33;
	v0 =	vmul.f32 v58, v10;
	[tilespmem:s24+$0x121F0] =	vst v2;
	v62 =	vadd.f32 v4, v60  }
0x298: {  	v3 =	vadd.f32 v54, v3;
	[tilespmem:s24+$0x124E0] =	vst v1  }
0x299: {  	s23 =	sadd.s32 $0x1, s23;
	v0 =	vadd.f32 v8, v0;
	[tilespmem:s24+$0x124F0] =	vst v62  }
0x29a: {  	p0 =	sne.s32 s23, s14;
	[tilespmem:s24+$0x12200] =	vst v3  }
.Ltmp2:
0x29b: {  	[tilespmem:s24+$0x121E0] =	vst v0;
	(pc) =	sbr.rel @p0 .LBB2_1-.Ltmp2, $4  }
0x29c: {  	[hbm4b:s13+s1] =	stream.linear.scatter [tilespmem:s22], [sflag:$0x3], $0x8000, $0x38;
	[tilespmem:$0x1A100] =	vst v63  }
0x29d: {  	_ =	swait.ge [sflag:s15], $0x8000  }
0x29e: {  	[sflag:s15] =	ssyncset.done $0x0  }
0x29f: {  	[sflag:s15] =	ssyncadd.s32 $0xFFFF8000  }
0x2a0: {  	_ =	sfence.sel $0x180000  }
0x2a1: {  	[bflag:$0x0] =	sbarrier.arrive $0xFFFF  }
0x2a2: {  	p0 =	sne.s32 s2, $0x0;
	_ =	strace $0x9000004A  }
0x2a3: {  	s0 =	sadd.s32 @!p0 $0x100000, s0;
	[bflag:$0x2] =	sbarrier.arrive $0xFFFF  }
0x2a4: {  	[sflag:s0] =	ssyncadd.tile.s32 @!p0 $0x1;
	_ =	shalt  }
.Lfunc_end2:
_tile_overlayer_lowered:
.L_overlay_start_2:
0x2a5: {  	(tag) =	ssettag $0x2  }
0x2a6: {  	s0 =	rddreg [dreg:$0x0];
	s2 =	stileid.u32  }
0x2a7: {  	s1 =	rddreg [dreg:$0x1];
	p0 =	sne.s32 s2, $0x0  }
0x2a8: {  	s3 =	rddreg [dreg:$0x2];
	[bflag:$0x3] =	sbarrier.arrive $0xFFFF;
	s2 =	simm.s32 @!p0 $0x1C03  }
0x2a9: {  	[timem:s3], [sflag:s2] =	dma.local @!p0 [hbm:s0], s1  }
0x2aa: {  	s0 =	simm.s32 @!p0 $0x3  }
0x2ab: {  	_ =	swait.ge @!p0 [sflag:s0], s1  }
0x2ac: {  	s1 =	ssub.s32 @!p0 $0x0, s1;
	[sflag:s0] =	ssyncset.done @!p0 $0x0  }
0x2ad: {  	[sflag:s0] =	ssyncadd.s32 @!p0 s1  }
0x2ae: {  	[bflag:$0x3] =	sbarrier.arrive $0xFFFF  }
0x2af: {  	_ =	shalt  }

// kernel: kernel.7.cloned.1.call-start
scs
__scs_entry_jumppad:
0x0: {  	(pc) =	sbr.rel $0x88, $3  }
0x1: {  	(tag) =	ssettag $0x0;
	lr =	simm.s32 $0x1  }
0x2: {  	[smem:$0x3F9B] =	sst lr;
	_ =	strace $0xD0000000  }
0x3: {  	_ = 	snop  }
0x4: {  	_ = 	snop  }
0x5: {  	_ = 	snop  }
0x6: {  	_ = 	snop  }
0x7: {  	_ = 	snop  }
__scs_overlays_trampoline_lowered:
0x8: {  	[smem:$0x3FAA] =	sst s0  }
0x9: {  	[smem:$0x3FAB] =	sst s1  }
0xa: {  	[smem:$0x3FAC] =	sst s2  }
0xb: {  	[smem:$0x3FAD] =	sst s3  }
0xc: {  	[smem:$0x3FAE] =	sst s4  }
0xd: {  	[smem:$0x3FAF] =	sst s5  }
0xe: {  	[smem:$0x3FB0] =	sst s6  }
0xf: {  	[smem:$0x3FB1] =	sst s7  }
0x10: {  	[smem:$0x3FB2] =	sst s8  }
0x11: {  	[smem:$0x3FB3] =	sst s9;
	s0 =	simm.s32 @!p0 $0x0  }
0x12: {  	s1 =	sld [smem:$0x3F99];
	s0 =	simm.s32 @p0 $0x1  }
0x13: {  	[smem:$0x3FB4] =	sst s0;
	s0 =	simm.s32 @!p1 $0x0  }
0x14: {  	s2 =	sld [smem:$0x3F98];
	s0 =	simm.s32 @p1 $0x1  }
0x15: {  	[smem:$0x3FB5] =	sst s0;
	s0 =	simm.s32 @!p2 $0x0  }
0x16: {  	s3 =	sld [smem:$0x3FDB];
	s0 =	simm.s32 @p2 $0x1  }
0x17: {  	s4 =	simm.s32 $0x1BF5;
	[smem:$0x3FB7] =	sst s0  }
0x18: {  	s0 =	sld [smem:$0x3F9A];
	_ =	swait.ge [sflag:s4], $0x0  }
0x19: {  	s7 =	sld [smem:$0x3F9B]  }
0x1a: {  	s8 =	sadd.s32 $0xFFFFE003, lr  }
0x1b: {  	s9 =	sadd.s32 $0xFFFFFEF7, lr;
	s5 =	simm.s32 $0xFFFFFFFF;
	p2 =	slt.u32 s8, $0xFFFFF086  }
0x1c: {  	p1 =	slt.u32 s9, $0xF7A;
	s5 =	simm.s32 @!p2 $0x0  }
0x1d: {  	s5 =	simm.s32 @p1 $0x1;
	p0 =	seq.s32 s7, s2  }
0x1e: {  	s7 =	smul.u32 @!p0 $0xF7A, s2;
	p2 =	seq.s32 @!p0 s5, $0x0  }
0x1f: {  	s9 =	smul.u32 $0xF7A, s1;
	s8 =	simm.s32 @!p0 $0x1BF5;
	p2 =	por !p2, p0  }
0x20: {  	[sflag:s8] =	ssyncset.s32 @!p0 $0xFFFFF086;
	s6 =	sadd.s32 @!p0 s3, s7;
	s7 =	simm.s32 @!p0 $0x108  }
0x21: {  	s3 =	sadd.s32 s3, s9;
	s6 =	sadd.s32 @!p0 $0x88, s6;
	s7 =	simm.s32 @p2 $0x1082  }
0x22: {  	[simem:s7], [sflag:s8] =	dma.local @!p0 [hbm:s6], $0xF7A  }
0x23: {  	s9 =	sor.u32 $0xD0000000, s2;
	s6 =	simm.s32 $0x108;
	_ =	swait.ge @!p0 [sflag:s8], $0x0  }
0x24: {  	s3 =	sadd.s32 $0x88, s3;
	s6 =	simm.s32 @!p1 $0x1082;
	[sflag:s4] =	ssyncset.s32 $0xFFFFF086  }
0x25: {  	[simem:s6], [sflag:s4] =	dma.local [hbm:s3], $0xF7A  }
0x26: {  	[smem:$0x3F9B] =	sst s1;
	(tag) =	ssettag s2;
	_ =	strace s9  }
0x27: {  	s1 =	sld [smem:$0x3FAB]  }
0x28: {  	s2 =	sld [smem:$0x3FAC]  }
0x29: {  	s4 =	sld [smem:$0x3FAE]  }
0x2a: {  	p0 =	seq.s32 s5, $0x0;
	s5 =	sld [smem:$0x3FAF]  }
0x2b: {  	s6 =	sld [smem:$0x3FB0]  }
0x2c: {  	s7 =	sld [smem:$0x3FB1]  }
0x2d: {  	s3 =	simm.s32 $0x108;
	s8 =	sld [smem:$0x3FB2]  }
0x2e: {  	s3 =	simm.s32 @!p0 $0x1082;
	s9 =	sld [smem:$0x3FB3]  }
0x2f: {  	lr =	sadd.s32 s0, s3;
	s0 =	sld [smem:$0x3FAA]  }
0x30: {  	s3 =	sld [smem:$0x3FAD]  }
0x31: {  	[smem:$0x3FB6] =	sst s10  }
0x32: {  	s10 =	sld [smem:$0x3FB4];
	_ =	sdelay $0x3  }
0x33: {  	p0 =	seq.s32 s10, $0x1;
	s10 =	sld [smem:$0x3FB6];
	_ =	sdelay $0x3  }
0x34: {  	[smem:$0x3FB6] =	sst s10  }
0x35: {  	s10 =	sld [smem:$0x3FB5];
	_ =	sdelay $0x3  }
0x36: {  	p1 =	seq.s32 s10, $0x1;
	s10 =	sld [smem:$0x3FB6];
	_ =	sdelay $0x3  }
0x37: {  	[smem:$0x3FB6] =	sst s10  }
0x38: {  	s10 =	sld [smem:$0x3FB7]  }
0x39: {  	_ = 	snop;
	(pc) =	sbr.ind lr, $3  }
0x3a: {  	_ = 	snop  }
0x3b: {  	_ = 	snop  }
0x3c: {  	p2 =	seq.s32 s10, $0x1;
	s10 =	sld [smem:$0x3FB6]  }
0x3d: {  	_ =	shalt  }
0x3e: {  	_ =	shalt  }
0x3f: {  	_ =	shalt  }
0x40: {  	_ =	shalt  }
0x41: {  	_ =	shalt  }
0x42: {  	_ =	shalt  }
0x43: {  	_ =	shalt  }
0x44: {  	_ =	shalt  }
0x45: {  	_ =	shalt  }
0x46: {  	_ =	shalt  }
0x47: {  	_ =	shalt  }
0x48: {  	_ =	shalt  }
0x49: {  	_ =	shalt  }
0x4a: {  	_ =	shalt  }
0x4b: {  	_ =	shalt  }
0x4c: {  	_ =	shalt  }
0x4d: {  	_ =	shalt  }
0x4e: {  	_ =	shalt  }
0x4f: {  	_ =	shalt  }
0x50: {  	_ =	shalt  }
0x51: {  	_ =	shalt  }
0x52: {  	_ =	shalt  }
0x53: {  	_ =	shalt  }
0x54: {  	_ =	shalt  }
0x55: {  	_ =	shalt  }
0x56: {  	_ =	shalt  }
0x57: {  	_ =	shalt  }
0x58: {  	_ =	shalt  }
0x59: {  	_ =	shalt  }
0x5a: {  	_ =	shalt  }
0x5b: {  	_ =	shalt  }
0x5c: {  	_ =	shalt  }
0x5d: {  	_ =	shalt  }
0x5e: {  	_ =	shalt  }
0x5f: {  	_ =	shalt  }
0x60: {  	_ =	shalt  }
0x61: {  	_ =	shalt  }
0x62: {  	_ =	shalt  }
0x63: {  	_ =	shalt  }
0x64: {  	_ =	shalt  }
0x65: {  	_ =	shalt  }
0x66: {  	_ =	shalt  }
0x67: {  	_ =	shalt  }
0x68: {  	_ =	shalt  }
0x69: {  	_ =	shalt  }
0x6a: {  	_ =	shalt  }
0x6b: {  	_ =	shalt  }
0x6c: {  	_ =	shalt  }
0x6d: {  	_ =	shalt  }
0x6e: {  	_ =	shalt  }
0x6f: {  	_ =	shalt  }
0x70: {  	_ =	shalt  }
0x71: {  	_ =	shalt  }
0x72: {  	_ =	shalt  }
0x73: {  	_ =	shalt  }
0x74: {  	_ =	shalt  }
0x75: {  	_ =	shalt  }
0x76: {  	_ =	shalt  }
0x77: {  	_ =	shalt  }
0x78: {  	_ =	shalt  }
0x79: {  	_ =	shalt  }
0x7a: {  	_ =	shalt  }
0x7b: {  	_ =	shalt  }
0x7c: {  	_ =	shalt  }
0x7d: {  	_ =	shalt  }
0x7e: {  	_ =	shalt  }
0x7f: {  	_ =	shalt  }
0x80: {  	_ =	shalt  }
0x81: {  	_ =	shalt  }
0x82: {  	_ =	shalt  }
0x83: {  	_ =	shalt  }
0x84: {  	_ =	shalt  }
0x85: {  	_ =	shalt  }
0x86: {  	_ =	shalt  }
0x87: {  	_ =	shalt  }
.Lfunc_end0:
.L_simem_size_0:
called_computation_lowered:
.L_overlay_start_0:
0x88: {  	s2 =	sld [smem:$0x3FD9]  }
0x89: {  	s3 =	sld [smem:$0x3FFE];
	_ =	sdelay $0x1  }
0x8a: {  	s1 =	srdreg.scid  }
0x8b: {  	s0 =	sand.u32 $0x1, s1  }
0x8c: {  	s14 =	sshll.u32 s0, $0xA;
	s2 =	sadd.s32 s3, s2  }
0x8d: {  	s2 =	sadd.s32 s2, s14  }
0x8e: {  	[smem:$0x3FC2] =	sst s2  }
0x8f: {  	_ = 	snop  }
0x90: {  	s2 =	sld [smem:$0x3FD0];
	_ =	sdelay $0x2  }
0x91: {  	s15 =	simm.s32 $0xA;
	s4 =	simm.s32 $0x10  }
0x92: {  	[smem:s4], [sflag:s15] =	dma.local [hbm:s2], $0x1  }
0x93: {  	_ =	swait.eq [sflag:s15], $0x1  }
0x94: {  	[sflag:s15] =	ssyncset.done $0x0  }
0x95: {  	[sflag:s15] =	ssyncadd.s32 $0xFFFFFFFF  }
0x96: {  	s16 =	sld [smem:$0x10];
	(tm) =	ssettm $0x1  }
0x97: {  	s17 =	sld [smem:$0x3FFB];
	_ =	sdelay $0x3  }
0x98: {  	_ =	strace s17  }
0x99: {  	s3 =	sld [smem:$0x3FFC];
	_ =	sdelay $0x3  }
0x9a: {  	_ =	strace s3  }
0x9b: {  	s3 =	sld [smem:$0x3FFD];
	_ =	sdelay $0x3  }
0x9c: {  	_ =	strace s3  }
0x9d: {  	_ =	strace $0x8FFFFFFF  }
0x9e: {  	s18 =	sld [smem:$0x3FDB];
	_ =	sdelay $0x1  }
0x9f: {  	s19 =	simm.s32 $_scs_section_size  }
0xa0: {  	s5 =	simm.s32 $_size__tile_overlayer_lowered;
	s6 =	simm.s32 $_tile_overlayer_lowered  }
0xa1: {  	s22 =	simm.s32 $0x1BFF;
	s21 =	sshll.u32 s6, $0x1;
	s3 =	sadd.s32 s19, s18  }
0xa2: {  	s7 =	simm.s32 $0x0;
	s20 =	sshll.u32 s5, $0x1;
	s5 =	sadd.s32 s21, s3  }
0xa3: {  	[timem:s7], [sflag:s22] =	dma.local [hbm:s5], s20  }
0xa4: {  	_ =	swait.ge [sflag:s22], s20  }
0xa5: {  	s4 =	ssub.s32 $0x0, s20;
	[sflag:s22] =	ssyncset.done $0x0  }
0xa6: {  	[sflag:s22] =	ssyncadd.s32 s4;
	_ =	sdelay $0x1  }
0xa7: {  	s23 =	simm.s32 $0x1B8B  }
0xa8: {  	_ =	swait.ge [sflag:s23], $0x1  }
0xa9: {  	[sflag:s23] =	ssyncset.done $0x0  }
0xaa: {  	s25 =	simm.s32 $0x1B8E;
	s24 =	sld [smem:$0x3FFE];
	[sflag:s23] =	ssyncadd.s32 $0xFFFFFFFF  }
0xab: {  	s26 =	simm.s32 $execute0_lowered;
	[smem:$0x3FD2] =	sst s25  }
0xac: {  	s5 =	sshll.u32 s26, $0x1;
	_ =	strace $0x80000046;
	[dreg:$0x1] =	wrdreg $0xFFFFFFFF  }
0xad: {  	s28 =	simm.s32 $_size_execute0_lowered;
	s3 =	sadd.s32 s3, s5;
	[dreg:$0x0] =	wrdreg $0x0  }
0xae: {  	s5 =	sshll.u32 s28, $0x1;
	[dreg:$0x2] =	wrdreg s3  }
0xaf: {  	[dreg:$0x3] =	wrdreg s5  }
0xb0: {  	[dreg:$0x4] =	wrdreg $0xC0  }
0xb1: {  	_ =	task [dreg:s7], $0x5FFFF  }
0xb2: {  	[dreg:$0x1] =	wrdreg $0xFFFFFFFF  }
0xb3: {  	[dreg:$0x0] =	wrdreg $0x60  }
0xb4: {  	[dreg:$0x2] =	wrdreg s16  }
0xb5: {  	[dreg:$0x3] =	wrdreg s24  }
0xb6: {  	[dreg:$0x4] =	wrdreg $0x9  }
0xb7: {  	_ =	task.clear_ibuf [dreg:s7], $0x5FFFF;
	_ =	strace $0x90000046  }
0xb8: {  	s29 =	simm.s32 $0x9;
	_ =	strace $0x80000048  }
0xb9: {  	_ =	swait.ge [sflag:s29], $0x1  }
0xba: {  	[sflag:s29] =	ssyncadd.s32 $0xFFFFFFFF  }
0xbb: {  	_ =	strace $0x90000048  }
0xbc: {  	_ =	sfence  }
0xbd: {  	s30 =	sld [smem:$0x0];
	_ =	sdelay $0x2  }
0xbe: {  	s31 =	sshll.u32 s1, $0xD;
	s1 =	sshrl.u32 s1, $0x2  }
0xbf: {  	s3 =	sand.u32 $0x4000, s31;
	s1 =	sadd.s32 s1, s30  }
0xc0: {  	s0 =	sor.u32 s3, s0;
	s1 =	sshll.u32 s1, $0x11  }
0xc1: {  	s0 =	sor.u32 s1, s0  }
0xc2: {  	s0 =	sadd.s32 $0x8F2B, s0  }
0xc3: {  	[sflag:s0] =	ssyncadd.remote.s32 $0x1  }
0xc4: {  	_ =	sfence.sel $0xFFFF  }
0xc5: {  	[dreg:$0x0] =	wrdreg $0xFFFFFFFF;
	(pc) =	sbr.abs _section_cstart, $3  }
0xc6: {  	[dreg:$0x1] =	wrdreg $0xFFFFFFFF  }
0xc7: {  	_ =	task.clear_ibuf [dreg:s7], $0x2FFFF;
	_ =	strace $0x9FFFFFFF  }
0xc8: {  	(tm) =	ssettm $0x7FFFFFFF  }
0xc9: {  	_ =	shalt  }
tec
execute0_lowered:
.L_overlay_start_1:
0x0: {  	(tag) =	ssettag $0x1  }
0x1: {  	s1 =	srdreg.scid  }
0x2: {  	s0 =	stileid.u32;
	s11 =	sand.u32 $0x1, s1  }
0x3: {  	s7 =	rddreg [dreg:$0x0];
	s31 =	sshll.u32 s0, $0x7;
	s2 =	sshll.u32 s11, $0x6  }
0x4: {  	s10 =	rddreg [dreg:$0x1];
	s8 =	sor.u32 s2, s31  }
0x5: {  	s1 =	rddreg [dreg:$0x2];
	s2 =	simm.s32 $0x0;
	s3 =	sshrl.u32 s8, $0x3  }
0x6: {  	[smem:$0x7FF] =	sst s2;
	s5 =	sadd.s32 s3, s10  }
0x7: {  	_ =	strace $0x80000047;
	s3 =	simm.s32 $0x2;
	s4 =	sadd.s32 $0x1E00, s5  }
0x8: {  	[tilespmem:s2], [sflag:$0x2] =	stream.linear.gather [hbm4b:s4+s2], $0x40, $0x38;
	[tilespmem:$0x10100] =	vst v63  }
0x9: {  	_ =	swait.ge [sflag:s3], $0x40  }
0xa: {  	[sflag:s3] =	ssyncset.done $0x0  }
0xb: {  	s6 =	simm.s32 $0x80;
	s5 =	sadd.s32 $0x2000, s5;
	[sflag:s3] =	ssyncadd.s32 $0xFFFFFFC0  }
0xc: {  	[tilespmem:s6], [sflag:$0x2] =	stream.linear.gather [hbm4b:s5+s2], $0x40, $0x38;
	[tilespmem:$0x10100] =	vst v63  }
0xd: {  	s9 =	simm.s32 $0x1;
	_ =	swait.ge [sflag:s3], $0x40  }
0xe: {  	s12 =	ssub.s32 $0x2, s11;
	s8 =	sshll.u32 s8, $0x7;
	[sflag:s3] =	ssyncset.done $0x0  }
0xf: {  	s7 =	sadd.s32 s7, s8;
	s8 =	simm.s32 $0x100;
	[sflag:s3] =	ssyncadd.s32 $0xFFFFFFC0  }
0x10: {  	[tilespmem:s8], [sflag:$0x1] =	stream.linear.gather [hbm4b:s7+s2], $0x10000, $0x38;
	[tilespmem:$0x10100] =	vst v63  }
0x11: {  	s13 =	sshrl.u32 s12, $0x1;
	_ =	swait.ge [sflag:s9], $0x10000  }
0x12: {  	s11 =	simm.s32 $0x40;
	s12 =	ssub.s32 s12, s13;
	[sflag:s9] =	ssyncset.done $0x0  }
0x13: {  	s10 =	sadd.s32 $0x12200, s10;
	s12 =	smax.u32 s12, $0x1;
	[sflag:s9] =	ssyncadd.s32 $0xFFFF0000  }
0x14: {  	[hbm4b:s10+s11] =	stream.indirect.scatter [tilespmem:s8], [sflag:$0x2], $0x400, s2, s11, $0xb8;
	[tilespmem:$0x10100] =	vst v63  }
0x15: {  	p0 =	sne.s32 s12, $0x1;
	_ =	swait.ge [sflag:s3], $0x10000  }
.Ltmp0:
0x16: {  	[sflag:s3] =	ssyncset.done $0x0;
	(pc) =	sbr.rel @!p0 .LBB2_2-.Ltmp0, $4  }
0x17: {  	[sflag:s3] =	ssyncadd.s32 $0xFFFF0000  }
0x18: {  	[hbm4b:s10+s11] =	stream.indirect.scatter [tilespmem:s8], [sflag:$0x2], $0x400, s6, s11, $0xb8;
	[tilespmem:$0x10100] =	vst v63  }
0x19: {  	_ =	swait.ge [sflag:s3], $0x10000  }
0x1a: {  	s12 =	sadd.s32 $0xFFFFFFFF, s12;
	[sflag:s3] =	ssyncset.done $0x0  }
.LBB2_1:
0x1b: {  	p0 =	sne.s32 s12, $0x1;
	s12 =	sadd.s32 $0xFFFFFFFF, s12;
	[sflag:s3] =	ssyncadd.s32 $0xFFFF0000  }
0x1c: {  	[tilespmem:s2], [sflag:$0x2] =	stream.linear.gather [hbm4b:s4+s2], $0x40, $0x38;
	[tilespmem:$0x10100] =	vst v63  }
0x1d: {  	_ =	swait.ge [sflag:s3], $0x40  }
0x1e: {  	[sflag:s3] =	ssyncset.done $0x0  }
0x1f: {  	[sflag:s3] =	ssyncadd.s32 $0xFFFFFFC0  }
0x20: {  	[tilespmem:s6], [sflag:$0x2] =	stream.linear.gather [hbm4b:s5+s2], $0x40, $0x38;
	[tilespmem:$0x10100] =	vst v63  }
0x21: {  	_ =	swait.ge [sflag:s3], $0x40  }
0x22: {  	[sflag:s3] =	ssyncset.done $0x0  }
0x23: {  	[sflag:s3] =	ssyncadd.s32 $0xFFFFFFC0  }
0x24: {  	[tilespmem:s8], [sflag:$0x1] =	stream.linear.gather [hbm4b:s7+s2], $0x10000, $0x38;
	[tilespmem:$0x10100] =	vst v63  }
0x25: {  	_ =	swait.ge [sflag:s9], $0x10000  }
0x26: {  	[sflag:s9] =	ssyncset.done $0x0  }
0x27: {  	[sflag:s9] =	ssyncadd.s32 $0xFFFF0000  }
0x28: {  	[hbm4b:s10+s11] =	stream.indirect.scatter [tilespmem:s8], [sflag:$0x2], $0x400, s2, s11, $0xb8;
	[tilespmem:$0x10100] =	vst v63  }
0x29: {  	_ =	swait.ge [sflag:s3], $0x10000  }
.Ltmp1:
0x2a: {  	[sflag:s3] =	ssyncset.done $0x0;
	(pc) =	sbr.rel @p0 .LBB2_1-.Ltmp1, $4  }
0x2b: {  	[sflag:s3] =	ssyncadd.s32 $0xFFFF0000  }
0x2c: {  	[hbm4b:s10+s11] =	stream.indirect.scatter [tilespmem:s8], [sflag:$0x2], $0x400, s6, s11, $0xb8;
	[tilespmem:$0x10100] =	vst v63  }
0x2d: {  	_ =	swait.ge [sflag:s3], $0x10000  }
0x2e: {  	[sflag:s3] =	ssyncset.done $0x0  }
.LBB2_2:
0x2f: {  	[sflag:s3] =	ssyncadd.s32 $0xFFFF0000  }
0x30: {  	_ =	sfence.sel $0x180000  }
0x31: {  	[bflag:$0x0] =	sbarrier.arrive $0xFFFF  }
0x32: {  	p0 =	sne.s32 s0, $0x0;
	_ =	strace $0x90000047  }
0x33: {  	s0 =	sadd.s32 @!p0 $0x100000, s1;
	[bflag:$0x2] =	sbarrier.arrive $0xFFFF  }
0x34: {  	[sflag:s0] =	ssyncadd.tile.s32 @!p0 $0x1;
	_ =	shalt  }
.Lfunc_end2:
_tile_overlayer_lowered:
.L_overlay_start_2:
0x35: {  	(tag) =	ssettag $0x2  }
0x36: {  	s0 =	rddreg [dreg:$0x0];
	s2 =	stileid.u32  }
0x37: {  	s1 =	rddreg [dreg:$0x1];
	p0 =	sne.s32 s2, $0x0  }
0x38: {  	s3 =	rddreg [dreg:$0x2];
	[bflag:$0x3] =	sbarrier.arrive $0xFFFF;
	s2 =	simm.s32 @!p0 $0x1C02  }
0x39: {  	[timem:s3], [sflag:s2] =	dma.local @!p0 [hbm:s0], s1  }
0x3a: {  	s0 =	simm.s32 @!p0 $0x2  }
0x3b: {  	_ =	swait.ge @!p0 [sflag:s0], s1  }
0x3c: {  	s1 =	ssub.s32 @!p0 $0x0, s1;
	[sflag:s0] =	ssyncset.done @!p0 $0x0  }
0x3d: {  	[sflag:s0] =	ssyncadd.s32 @!p0 s1  }
0x3e: {  	[bflag:$0x3] =	sbarrier.arrive $0xFFFF  }
0x3f: {  	_ =	shalt  }

</sc_bundles>
